<compile_context>
chip_gen: v7x
topology: tpu7x:2x2x1
jax: 0.10.2.dev20260603
libtpu: 0.0.44.dev20260713+nightly
codegen_flags: <defaults>
</compile_context>

<pallas_src>
import jax
import jax.numpy as jnp
from jax import lax
from jax.experimental import pallas as pl
from jax.experimental.pallas import tpu as pltpu
from jax.experimental.pallas import tpu_sc as plsc

_NC = 2
_NS = 16
_LN = 16
_C = 128

_BN = 1000
_BE = 2528


def _mesh():
    return plsc.VectorSubcoreMesh(core_axis_name="c", subcore_axis_name="s",
                                  num_cores=_NC, num_subcores=_NS)


def _edge_pass(hh, srcp, dstp, wexp, zeros, n, ch):
    nps = (n // _NS) // 8 * 8
    tail = n - _NS * nps

    def body(hh_ref, src_ref, dst_ref, wx_ref, z_ref, out_ref,
             sidx_v, didx_v, w_v, rows_v, acc_sh, gsem):
        c = lax.axis_index("c")
        s = lax.axis_index("s")
        wid = c * _NS + s

        pltpu.sync_copy(z_ref.at[pl.ds(s * nps, nps)],
                        acc_sh.at[pl.ds(s * nps, nps)])
        if tail:
            @pl.when(s == _NS - 1)
            def _():
                pltpu.sync_copy(z_ref.at[pl.ds(_NS * nps, tail)],
                                acc_sh.at[pl.ds(_NS * nps, tail)])
        plsc.subcore_barrier()

        def chunk(j, carry):
            off = (wid * ch + j) * _C
            pltpu.sync_copy(src_ref.at[pl.ds(off, _C)], sidx_v)
            pltpu.sync_copy(dst_ref.at[pl.ds(off, _C)], didx_v)
            pltpu.sync_copy(wx_ref.at[pl.ds(off, _C)], w_v)
            pltpu.async_copy(hh_ref.at[sidx_v], rows_v, gsem).wait()

            def edge(e, cc):
                ws = w_v[e, pl.ds(0, _LN)]
                for k in range(8):
                    sl = rows_v[e, pl.ds(k * _LN, _LN)]
                    rows_v[e, pl.ds(k * _LN, _LN)] = sl * ws
                return cc

            lax.fori_loop(0, _C, edge, 0)
            pltpu.sync_copy(rows_v, acc_sh.at[didx_v], add=True)
            return carry

        lax.fori_loop(0, ch, chunk, 0)
        plsc.subcore_barrier()

        pltpu.sync_copy(acc_sh.at[pl.ds(s * nps, nps)],
                        out_ref.at[c, pl.ds(s * nps, nps)])
        if tail:
            @pl.when(s == _NS - 1)
            def _():
                pltpu.sync_copy(acc_sh.at[pl.ds(_NS * nps, tail)],
                                out_ref.at[c, pl.ds(_NS * nps, tail)])

    f = pl.kernel(
        body,
        out_type=jax.ShapeDtypeStruct((_NC, n, 128), jnp.float32),
        mesh=_mesh(),
        scratch_types=[
            pltpu.VMEM((_C,), jnp.int32),
            pltpu.VMEM((_C,), jnp.int32),
            pltpu.VMEM((_C, _LN), jnp.float32),
            pltpu.VMEM((_C, 128), jnp.float32),
            pltpu.VMEM_SHARED((n, 128), jnp.float32),
            pltpu.SemaphoreType.DMA,
        ],
    )
    return f(hh, srcp, dstp, wexp, zeros)


def _edge_attn(g, nrm, srcp, dstp, epad, ch):
    def body(g_ref, nrm_ref, src_ref, dst_ref, pb_ref, den_ref,
             sidx_v, didx_v, rows1_v, rows2_v, ns_v, nd_v, pbuf_v, den_v,
             sem1, sem2, sem3, sem4):
        c = lax.axis_index("c")
        s = lax.axis_index("s")
        wid = c * _NS + s

        def chunk(j, carry):
            off = (wid * ch + j) * _C
            pltpu.sync_copy(src_ref.at[pl.ds(off, _C)], sidx_v)
            pltpu.sync_copy(dst_ref.at[pl.ds(off, _C)], didx_v)
            cp1 = pltpu.async_copy(g_ref.at[sidx_v], rows1_v, sem1)
            cp2 = pltpu.async_copy(g_ref.at[didx_v], rows2_v, sem2)
            cp3 = pltpu.async_copy(nrm_ref.at[sidx_v], ns_v, sem3)
            cp4 = pltpu.async_copy(nrm_ref.at[didx_v], nd_v, sem4)
            cp1.wait()
            cp2.wait()
            cp3.wait()
            cp4.wait()

            def edge(e, cc):
                acc = rows1_v[e, pl.ds(0, _LN)] * rows2_v[e, pl.ds(0, _LN)]
                for k in range(1, 8):
                    acc = acc + (rows1_v[e, pl.ds(k * _LN, _LN)] *
                                 rows2_v[e, pl.ds(k * _LN, _LN)])
                pbuf_v[e, pl.ds(0, _LN)] = acc
                return cc

            lax.fori_loop(0, _C, edge, 0)

            for gi in range(8):
                sl = pl.ds(gi * _LN, _LN)
                den_v[sl] = jnp.maximum(ns_v[sl] * nd_v[sl],
                                        jnp.float32(1e-8))

            pltpu.sync_copy(pbuf_v, pb_ref.at[pl.ds(off, _C)])
            pltpu.sync_copy(den_v, den_ref.at[pl.ds(off, _C)])
            return carry

        lax.fori_loop(0, ch, chunk, 0)

    f = pl.kernel(
        body,
        out_type=[jax.ShapeDtypeStruct((epad, _LN), jnp.float32),
                  jax.ShapeDtypeStruct((epad,), jnp.float32)],
        mesh=_mesh(),
        scratch_types=[
            pltpu.VMEM((_C,), jnp.int32),
            pltpu.VMEM((_C,), jnp.int32),
            pltpu.VMEM((_C, 128), jnp.float32),
            pltpu.VMEM((_C, 128), jnp.float32),
            pltpu.VMEM((_C,), jnp.float32),
            pltpu.VMEM((_C,), jnp.float32),
            pltpu.VMEM((_C, _LN), jnp.float32),
            pltpu.VMEM((_C,), jnp.float32),
            pltpu.SemaphoreType.DMA,
            pltpu.SemaphoreType.DMA,
            pltpu.SemaphoreType.DMA,
            pltpu.SemaphoreType.DMA,
        ],
    )
    return f(g, nrm, srcp, dstp)


def _row_spec():
    return pl.BlockSpec((_BN, 128), lambda i: (i, 0))


def _full_spec(shape):
    nd = len(shape)
    return pl.BlockSpec(shape, lambda i: (0,) * nd)


def _tc_call(body, grid, in_specs, out_specs, out_shapes):
    return pl.pallas_call(
        body,
        grid=(grid,),
        in_specs=in_specs,
        out_specs=out_specs,
        out_shape=out_shapes,
    )


def _k_proj(x_ref, w_ref, b_ref, o_ref):
    o_ref[...] = (jnp.dot(x_ref[...], w_ref[...],
                          preferred_element_type=jnp.float32) + b_ref[...])


def _k_start(h_ref, w_ref, b_ref, t_ref, hid_ref, hh_ref):
    h = h_ref[...]
    hid_ref[...] = h * t_ref[...]
    hh_ref[...] = (jnp.dot(h, w_ref[...],
                           preferred_element_type=jnp.float32) + b_ref[...])


def _k_step(p_ref, hid_ref, w_ref, b_ref, t_ref, hido_ref, hh_ref):
    cur = jnp.maximum(p_ref[0] + p_ref[1], 0.0)
    hido_ref[...] = hid_ref[...] + cur * t_ref[...]
    hh_ref[...] = (jnp.dot(cur, w_ref[...],
                           preferred_element_type=jnp.float32) + b_ref[...])


def _k_fin(p_ref, hid_ref, t_ref, o_ref):
    cur = jnp.maximum(p_ref[0] + p_ref[1], 0.0)
    o_ref[...] = hid_ref[...] + cur * t_ref[...]


def _k_fe(h_ref, w1_ref, b1_ref, w2_ref, b2_ref, g_ref, n_ref):
    z = (jnp.dot(h_ref[...], w1_ref[...],
                 preferred_element_type=jnp.float32) + b1_ref[...])
    z = jnp.where(z > 0, z, jnp.exp(z) - 1.0)
    g = (jnp.dot(z, w2_ref[...],
                 preferred_element_type=jnp.float32) + b2_ref[...])
    g_ref[...] = g
    n_ref[...] = jnp.sqrt(jnp.sum(g * g, axis=1, keepdims=True))


def _group_mats():
    k = lax.broadcasted_iota(jnp.int32, (128, 8), 0)
    j = lax.broadcasted_iota(jnp.int32, (128, 8), 1)
    s = jnp.where(k // _LN == j, 1.0, 0.0).astype(jnp.float32)
    return s, s.T


def _k_expand(w8_ref, o_ref):
    _, st = _group_mats()
    o_ref[...] = jnp.dot(w8_ref[...], st, preferred_element_type=jnp.float32)


def _k_attn_fin(pb_ref, den8_ref, w8_ref, o_ref):
    s, st = _group_mats()
    num8 = jnp.dot(pb_ref[...], s, preferred_element_type=jnp.float32)
    wa8 = w8_ref[...] * num8 / den8_ref[...]
    o_ref[...] = jnp.dot(wa8, st, preferred_element_type=jnp.float32)


def kernel(x, edge_index, edge_weight, W_in, b_in, convW, convB, temp,
           feW1, feB1, feW2, feB2, W_out, b_out):
    n, d = x.shape
    e = edge_index.shape[1]
    nl = convW.shape[0]

    ch = -(-e // (_NC * _NS * _C))
    epad = _NC * _NS * ch * _C
    pad = epad - e
    eg = epad // 8

    src = jnp.concatenate([edge_index[0], jnp.zeros((pad,), jnp.int32)])
    dst = jnp.concatenate([edge_index[1], jnp.zeros((pad,), jnp.int32)])
    wp = jnp.concatenate([edge_weight, jnp.zeros((pad,), jnp.float32)])
    zeros = jnp.zeros((n, d), jnp.float32)

    tb = temp[:, None] * jnp.ones((1, d), jnp.float32)
    b2 = lambda b: b.reshape(1, d)

    row = _row_spec()
    wsp = _full_spec((d, d))
    bsp = _full_spec((1, d))
    psp = pl.BlockSpec((_NC, _BN, d), lambda i: (0, i, 0))
    nsp = pl.BlockSpec((_BN, 1), lambda i: (i, 0))
    erow = pl.BlockSpec((_BE, 128), lambda i: (i, 0))
    erow8 = pl.BlockSpec((_BE, 8), lambda i: (i, 0))
    sh = jax.ShapeDtypeStruct((n, d), jnp.float32)
    she = jax.ShapeDtypeStruct((eg, 128), jnp.float32)

    gn = n // _BN
    ge = eg // _BE

    h = _tc_call(_k_proj, gn, [row, wsp, bsp], row, sh)(x, W_in.T, b2(b_in))

    wexp1 = _tc_call(_k_expand, ge, [erow8], erow, she)(
        wp.reshape(eg, 8)).reshape(epad, _LN)

    def gpr(wexp):
        hid, hh = _tc_call(_k_start, gn, [row, wsp, bsp, bsp], [row, row],
                           [sh, sh])(h, convW[0].T, b2(convB[0]), tb[0:1])
        for i in range(nl):
            p = _edge_pass(hh, src, dst, wexp, zeros, n, ch)
            if i + 1 < nl:
                hid, hh = _tc_call(
                    _k_step, gn, [psp, row, wsp, bsp, bsp], [row, row],
                    [sh, sh])(p, hid, convW[i + 1].T, b2(convB[i + 1]),
                              tb[i + 1:i + 2])
            else:
                hid = _tc_call(_k_fin, gn, [psp, row, bsp], row, sh)(
                    p, hid, tb[i + 1:i + 2])
        return hid

    h_gnn = gpr(wexp1)

    g, nrm = _tc_call(_k_fe, gn, [row, wsp, bsp, wsp, bsp], [row, nsp],
                      [sh, jax.ShapeDtypeStruct((n, 1), jnp.float32)])(
        h_gnn, feW1.T, b2(feB1), feW2.T, b2(feB2))

    pbuf, den = _edge_attn(g, nrm.reshape(n), src, dst, epad, ch)

    wexp2 = _tc_call(_k_attn_fin, ge, [erow, erow8, erow8], erow, she)(
        pbuf.reshape(eg, 128), den.reshape(eg, 8),
        wp.reshape(eg, 8)).reshape(epad, _LN)

    h_gnn2 = gpr(wexp2)

    out = _tc_call(_k_proj, gn, [row, wsp, bsp], row, sh)(
        h_gnn2, W_out.T, b2(b_out))
    return out

# --- scband reference (transcript-rebuilt; emitter-appended) ---
"""Pipeline reference for scband-gpr-att-28192165331243 (READ-ONLY COPY).

The authoritative reference and input builder live on the scoring server;
editing this copy changes nothing except your own understanding.
"""

import jax, jax.numpy as jnp
import numpy as np

N = 10000
E = 320000
D = 128
L = 4


def setup_inputs(seed: int = 0) -> dict:
    key = jax.random.key(seed)
    ks = jax.random.split(key, 16)
    s = 1.0 / np.sqrt(D)
    x = jax.random.normal(ks[0], (N, D), dtype=jnp.float32)
    edge_index = jax.random.randint(ks[1], (2, E), 0, N, dtype=jnp.int32)
    edge_weight = jax.random.uniform(ks[2], (E,), dtype=jnp.float32)
    W_in = jax.random.normal(ks[3], (D, D), dtype=jnp.float32) * s
    b_in = jnp.zeros((D,), dtype=jnp.float32)
    convW = jax.random.normal(ks[4], (L, D, D), dtype=jnp.float32) * s
    convB = jnp.zeros((L, D), dtype=jnp.float32)
    alpha = 0.1
    temp_np = alpha * (1 - alpha) ** np.arange(L + 1)
    temp_np[-1] = (1 - alpha) ** L
    temp = jnp.asarray(temp_np, dtype=jnp.float32)
    feW1 = jax.random.normal(ks[5], (D, D), dtype=jnp.float32) * s
    feB1 = jnp.zeros((D,), dtype=jnp.float32)
    feW2 = jax.random.normal(ks[6], (D, D), dtype=jnp.float32) * s
    feB2 = jnp.zeros((D,), dtype=jnp.float32)
    W_out = jax.random.normal(ks[7], (D, D), dtype=jnp.float32) * s
    b_out = jnp.zeros((D,), dtype=jnp.float32)
    return {"x": x, "edge_index": edge_index, "edge_weight": edge_weight,
            "W_in": W_in, "b_in": b_in, "convW": convW, "convB": convB,
            "temp": temp, "feW1": feW1, "feB1": feB1, "feW2": feW2,
            "feB2": feB2, "W_out": W_out, "b_out": b_out}


def reference(x, edge_index, edge_weight, W_in, b_in, convW, convB, temp,
              feW1, feB1, feW2, feB2, W_out, b_out):
    src = edge_index[0]
    dst = edge_index[1]
    n = x.shape[0]

    def gpr(h, w):
        # GPR_sparse.forward in eval mode (dropouts are identity)
        hidden = h * temp[0]
        cur = h
        for i in range(convW.shape[0]):
            hh = cur @ convW[i].T + convB[i]              # GCNConv linear
            m = jnp.take(hh, src, axis=0) * w[:, None]     # u_mul_e
            cur = jax.ops.segment_sum(m, dst, num_segments=n)  # sum to dst
            cur = jax.nn.relu(cur)
            hidden = hidden + cur * temp[i + 1]
        return hidden

    def fe(z):
        # ExtractorMLP.feature_extractor in eval mode (dropout identity)
        return jax.nn.elu(z @ feW1.T + feB1) @ feW2.T + feB2

    h = x @ W_in.T + b_in
    h_gnn = gpr(h, edge_weight)
    f1 = fe(jnp.take(h_gnn, src, axis=0))
    f2 = fe(jnp.take(h_gnn, dst, axis=0))
    num = jnp.sum(f1 * f2, axis=1)
    den = jnp.maximum(jnp.linalg.norm(f1, axis=1) * jnp.linalg.norm(f2, axis=1), 1e-8)
    attn = num / den
    h_gnn2 = gpr(h, edge_weight * attn)
    return h_gnn2 @ W_out.T + b_out

if __name__ == "__main__":
    import jax
    _d = setup_inputs()
    print(jax.jit(kernel)(*tuple(_d.values())))

</pallas_src>

<mosaic_0001>
#map = affine_map<(d0, d1) -> (0, 0)>
#map1 = affine_map<(d0, d1) -> (0)>
#map2 = affine_map<(d0, d1) -> (0, 0, 0)>
module attributes {stable_mosaic.version = 14 : i64} {
  func.func @body(%arg0: i32, %arg1: i32, %arg2: memref<10000x128xf32, #tpu.memory_space<hbm>>, %arg3: memref<323584xi32, #tpu.memory_space<hbm>>, %arg4: memref<323584xi32, #tpu.memory_space<hbm>>, %arg5: memref<323584x16xf32, #tpu.memory_space<hbm>>, %arg6: memref<10000x128xf32, #tpu.memory_space<hbm>>, %arg7: memref<2x10000x128xf32, #tpu.memory_space<hbm>>, %arg8: memref<128xi32, #tpu.memory_space<vmem>>, %arg9: memref<128xi32, #tpu.memory_space<vmem>>, %arg10: memref<128x16xf32, #tpu.memory_space<vmem>>, %arg11: memref<128x128xf32, #tpu.memory_space<vmem>>, %arg12: memref<10000x128xf32, #tpu.memory_space<vmem_shared>>, %arg13: memref<!tpu.dma_semaphore, #tpu.memory_space<semaphore_mem>>) attributes {dimension_semantics = [#tpu.dimension_semantics<core_parallel>, #tpu.dimension_semantics<subcore_parallel>], iteration_bounds = array<i64: 2, 16>, scalar_prefetch = 0 : i64, scratch_operands = 6 : i64, tpu.core_type = #tpu.core_type<sc_vector_subcore>, window_params = [{transform_indices = #map}, {transform_indices = #map1}, {transform_indices = #map1}, {transform_indices = #map}, {transform_indices = #map}, {transform_indices = #map2}]} {
    %mul3A = arith.constant 16 : i32
    %mul3A_0 = arith.muli %arg0, %mul3A : i32
    %add3A = arith.addi %mul3A_0, %arg1 : i32
    %mul3A_1 = arith.constant 624 : i32
    %mul3A_2 = arith.muli %arg1, %mul3A_1 : i32
    %mul3A_3 = arith.constant 624 : i32
    %mul3A_4 = arith.muli %arg1, %mul3A_3 : i32
    "tpu.region"() ({
      %run_scoped3A = tpu.sem_alloc : memref<!tpu.dma_semaphore, #tpu.memory_space<semaphore_mem>>
      %dma_start3A = arith.constant 0 : i32
      %dma_start3A_22 = tpu.memref_slice %arg12[%mul3A_4, %dma_start3A] : memref<10000x128xf32, #tpu.memory_space<vmem_shared>> -> memref<624x128xf32, #tpu.memory_space<vmem_shared>>
      %dma_start3A_23 = arith.constant 0 : i32
      %dma_start3A_24 = tpu.memref_slice %arg6[%mul3A_2, %dma_start3A_23] : memref<10000x128xf32, #tpu.memory_space<hbm>> -> memref<624x128xf32, #tpu.memory_space<hbm>>
      tpu.enqueue_dma source(%dma_start3A_24 : memref<624x128xf32, #tpu.memory_space<hbm>>) target(%dma_start3A_22 : memref<624x128xf32, #tpu.memory_space<vmem_shared>>) target_semaphore(%run_scoped3A : memref<!tpu.dma_semaphore, #tpu.memory_space<semaphore_mem>>)
      %dma_wait3A = arith.constant 0 : i32
      %dma_wait3A_25 = tpu.memref_slice %arg12[%mul3A_4, %dma_wait3A] : memref<10000x128xf32, #tpu.memory_space<vmem_shared>> -> memref<624x128xf32, #tpu.memory_space<vmem_shared>>
      %dma_wait3A_26 = arith.constant 0 : i32
      %dma_wait3A_27 = tpu.memref_slice %arg6[%mul3A_2, %dma_wait3A_26] : memref<10000x128xf32, #tpu.memory_space<hbm>> -> memref<624x128xf32, #tpu.memory_space<hbm>>
      tpu.wait_dma2 semaphore(%run_scoped3A : memref<!tpu.dma_semaphore, #tpu.memory_space<semaphore_mem>>) src(%dma_wait3A_27 : memref<624x128xf32, #tpu.memory_space<hbm>>) dst(%dma_wait3A_25 : memref<624x128xf32, #tpu.memory_space<vmem_shared>>)
      tpu.yield
    }) : () -> ()
    %eq3A = arith.constant 15 : i32
    %eq3A_5 = arith.cmpi eq, %arg1, %eq3A : i32
    %convert_element_type3A = arith.extui %eq3A_5 : i1 to i32
    %cond3A = arith.constant 0 : i32
    %cond3A_6 = arith.cmpi ne, %convert_element_type3A, %cond3A : i32
    scf.if %cond3A_6 {
      "tpu.region"() ({
        %run_scoped3A = tpu.sem_alloc : memref<!tpu.dma_semaphore, #tpu.memory_space<semaphore_mem>>
        %dma_start3A = arith.constant 9984 : i32
        %dma_start3A_22 = arith.constant 0 : i32
        %dma_start3A_23 = tpu.memref_slice %arg12[%dma_start3A, %dma_start3A_22] : memref<10000x128xf32, #tpu.memory_space<vmem_shared>> -> memref<16x128xf32, #tpu.memory_space<vmem_shared>>
        %dma_start3A_24 = arith.constant 9984 : i32
        %dma_start3A_25 = arith.constant 0 : i32
        %dma_start3A_26 = tpu.memref_slice %arg6[%dma_start3A_24, %dma_start3A_25] : memref<10000x128xf32, #tpu.memory_space<hbm>> -> memref<16x128xf32, #tpu.memory_space<hbm>>
        tpu.enqueue_dma source(%dma_start3A_26 : memref<16x128xf32, #tpu.memory_space<hbm>>) target(%dma_start3A_23 : memref<16x128xf32, #tpu.memory_space<vmem_shared>>) target_semaphore(%run_scoped3A : memref<!tpu.dma_semaphore, #tpu.memory_space<semaphore_mem>>)
        %dma_wait3A = arith.constant 9984 : i32
        %dma_wait3A_27 = arith.constant 0 : i32
        %dma_wait3A_28 = tpu.memref_slice %arg12[%dma_wait3A, %dma_wait3A_27] : memref<10000x128xf32, #tpu.memory_space<vmem_shared>> -> memref<16x128xf32, #tpu.memory_space<vmem_shared>>
        %dma_wait3A_29 = arith.constant 9984 : i32
        %dma_wait3A_30 = arith.constant 0 : i32
        %dma_wait3A_31 = tpu.memref_slice %arg6[%dma_wait3A_29, %dma_wait3A_30] : memref<10000x128xf32, #tpu.memory_space<hbm>> -> memref<16x128xf32, #tpu.memory_space<hbm>>
        tpu.wait_dma2 semaphore(%run_scoped3A : memref<!tpu.dma_semaphore, #tpu.memory_space<semaphore_mem>>) src(%dma_wait3A_31 : memref<16x128xf32, #tpu.memory_space<hbm>>) dst(%dma_wait3A_28 : memref<16x128xf32, #tpu.memory_space<vmem_shared>>)
        tpu.yield
      }) : () -> ()
    } else {
    }
    %barrier3A = arith.constant 0 : index
    tpu.barrier barrier_id(%barrier3A)
    %scan3A = arith.constant 0 : i32
    %scan3A_7 = arith.constant 0 : i32
    %scan3A_8 = arith.constant 79 : i32
    %scan3A_9 = arith.addi %scan3A_7, %scan3A_8 : i32
    %scan3A_10 = arith.constant 1 : i32
    scf.for %scan3A_22 = %scan3A_7 to %scan3A_9 step %scan3A_10  : i32 {
      %mul3A_23 = arith.constant 79 : i32
      %mul3A_24 = arith.muli %add3A, %mul3A_23 : i32
      %add3A_25 = arith.addi %mul3A_24, %scan3A_22 : i32
      %mul3A_26 = arith.constant 128 : i32
      %mul3A_27 = arith.muli %add3A_25, %mul3A_26 : i32
      "tpu.region"() ({
        %run_scoped3A = tpu.sem_alloc : memref<!tpu.dma_semaphore, #tpu.memory_space<semaphore_mem>>
        %dma_start3A_38 = tpu.memref_slice %arg3[%mul3A_27] : memref<323584xi32, #tpu.memory_space<hbm>> -> memref<128xi32, #tpu.memory_space<hbm>>
        %dma_start3A_39 = tpu.memref_slice %arg3[%mul3A_27] : memref<323584xi32, #tpu.memory_space<hbm>> -> memref<128xi32, #tpu.memory_space<hbm>>
        tpu.enqueue_dma source(%dma_start3A_39 : memref<128xi32, #tpu.memory_space<hbm>>) target(%arg8 : memref<128xi32, #tpu.memory_space<vmem>>) target_semaphore(%run_scoped3A : memref<!tpu.dma_semaphore, #tpu.memory_space<semaphore_mem>>)
        %dma_wait3A_40 = tpu.memref_slice %arg3[%mul3A_27] : memref<323584xi32, #tpu.memory_space<hbm>> -> memref<128xi32, #tpu.memory_space<hbm>>
        %dma_wait3A_41 = tpu.memref_slice %arg3[%mul3A_27] : memref<323584xi32, #tpu.memory_space<hbm>> -> memref<128xi32, #tpu.memory_space<hbm>>
        tpu.wait_dma2 semaphore(%run_scoped3A : memref<!tpu.dma_semaphore, #tpu.memory_space<semaphore_mem>>) src(%dma_wait3A_41 : memref<128xi32, #tpu.memory_space<hbm>>) dst(%arg8 : memref<128xi32, #tpu.memory_space<vmem>>)
        tpu.yield
      }) : () -> ()
      "tpu.region"() ({
        %run_scoped3A = tpu.sem_alloc : memref<!tpu.dma_semaphore, #tpu.memory_space<semaphore_mem>>
        %dma_start3A_38 = tpu.memref_slice %arg4[%mul3A_27] : memref<323584xi32, #tpu.memory_space<hbm>> -> memref<128xi32, #tpu.memory_space<hbm>>
        %dma_start3A_39 = tpu.memref_slice %arg4[%mul3A_27] : memref<323584xi32, #tpu.memory_space<hbm>> -> memref<128xi32, #tpu.memory_space<hbm>>
        tpu.enqueue_dma source(%dma_start3A_39 : memref<128xi32, #tpu.memory_space<hbm>>) target(%arg9 : memref<128xi32, #tpu.memory_space<vmem>>) target_semaphore(%run_scoped3A : memref<!tpu.dma_semaphore, #tpu.memory_space<semaphore_mem>>)
        %dma_wait3A_40 = tpu.memref_slice %arg4[%mul3A_27] : memref<323584xi32, #tpu.memory_space<hbm>> -> memref<128xi32, #tpu.memory_space<hbm>>
        %dma_wait3A_41 = tpu.memref_slice %arg4[%mul3A_27] : memref<323584xi32, #tpu.memory_space<hbm>> -> memref<128xi32, #tpu.memory_space<hbm>>
        tpu.wait_dma2 semaphore(%run_scoped3A : memref<!tpu.dma_semaphore, #tpu.memory_space<semaphore_mem>>) src(%dma_wait3A_41 : memref<128xi32, #tpu.memory_space<hbm>>) dst(%arg9 : memref<128xi32, #tpu.memory_space<vmem>>)
        tpu.yield
      }) : () -> ()
      "tpu.region"() ({
        %run_scoped3A = tpu.sem_alloc : memref<!tpu.dma_semaphore, #tpu.memory_space<semaphore_mem>>
        %dma_start3A_38 = arith.constant 0 : i32
        %dma_start3A_39 = tpu.memref_slice %arg5[%mul3A_27, %dma_start3A_38] : memref<323584x16xf32, #tpu.memory_space<hbm>> -> memref<128x16xf32, #tpu.memory_space<hbm>>
        %dma_start3A_40 = arith.constant 0 : i32
        %dma_start3A_41 = tpu.memref_slice %arg5[%mul3A_27, %dma_start3A_40] : memref<323584x16xf32, #tpu.memory_space<hbm>> -> memref<128x16xf32, #tpu.memory_space<hbm>>
        tpu.enqueue_dma source(%dma_start3A_41 : memref<128x16xf32, #tpu.memory_space<hbm>>) target(%arg10 : memref<128x16xf32, #tpu.memory_space<vmem>>) target_semaphore(%run_scoped3A : memref<!tpu.dma_semaphore, #tpu.memory_space<semaphore_mem>>)
        %dma_wait3A_42 = arith.constant 0 : i32
        %dma_wait3A_43 = tpu.memref_slice %arg5[%mul3A_27, %dma_wait3A_42] : memref<323584x16xf32, #tpu.memory_space<hbm>> -> memref<128x16xf32, #tpu.memory_space<hbm>>
        %dma_wait3A_44 = arith.constant 0 : i32
        %dma_wait3A_45 = tpu.memref_slice %arg5[%mul3A_27, %dma_wait3A_44] : memref<323584x16xf32, #tpu.memory_space<hbm>> -> memref<128x16xf32, #tpu.memory_space<hbm>>
        tpu.wait_dma2 semaphore(%run_scoped3A : memref<!tpu.dma_semaphore, #tpu.memory_space<semaphore_mem>>) src(%dma_wait3A_45 : memref<128x16xf32, #tpu.memory_space<hbm>>) dst(%arg10 : memref<128x16xf32, #tpu.memory_space<vmem>>)
        tpu.yield
      }) : () -> ()
      %dma_start3A = arith.constant 0 : i32
      %dma_start3A_28 = arith.constant 0 : i32
      %dma_start3A_29 = tpu.memref_slice %arg2[%dma_start3A, %dma_start3A_28] : memref<10000x128xf32, #tpu.memory_space<hbm>> -> memref<10000x128xf32, #tpu.memory_space<hbm>>
      tpu.enqueue_indirect_dma source(%dma_start3A_29 : memref<10000x128xf32, #tpu.memory_space<hbm>>) target(%arg11 : memref<128x128xf32, #tpu.memory_space<vmem>>) offsets(%arg8 : memref<128xi32, #tpu.memory_space<vmem>>) semaphore(%arg13 : memref<!tpu.dma_semaphore, #tpu.memory_space<semaphore_mem>>)
      %dma_wait3A = arith.constant 0 : i32
      %dma_wait3A_30 = arith.constant 0 : i32
      %dma_wait3A_31 = tpu.memref_slice %arg2[%dma_wait3A, %dma_wait3A_30] : memref<10000x128xf32, #tpu.memory_space<hbm>> -> memref<10000x128xf32, #tpu.memory_space<hbm>>
      tpu.wait_indirect_dma semaphore(%arg13 : memref<!tpu.dma_semaphore, #tpu.memory_space<semaphore_mem>>) src(%dma_wait3A_31 : memref<10000x128xf32, #tpu.memory_space<hbm>>) dst(%arg11 : memref<128x128xf32, #tpu.memory_space<vmem>>)
      %scan3A_32 = arith.constant 0 : i32
      %scan3A_33 = arith.constant 0 : i32
      %scan3A_34 = arith.constant 128 : i32
      %scan3A_35 = arith.addi %scan3A_33, %scan3A_34 : i32
      %scan3A_36 = arith.constant 1 : i32
      scf.for %scan3A_38 = %scan3A_33 to %scan3A_35 step %scan3A_36  : i32 {
        %get3A = arith.index_cast %scan3A_38 : i32 to index
        %get3A_39 = arith.constant 0 : index
        %get3A_40 = tpu.vector_load %arg10[%get3A, %get3A_39] {strides = array<i32>} : memref<128x16xf32, #tpu.memory_space<vmem>>, vector<1x16xf32>,
        %get3A_41 = vector.shape_cast %get3A_40 : vector<1x16xf32> to vector<16xf32>
        %get3A_42 = arith.index_cast %scan3A_38 : i32 to index
        %get3A_43 = arith.constant 0 : index
        %get3A_44 = tpu.vector_load %arg11[%get3A_42, %get3A_43] {strides = array<i32>} : memref<128x128xf32, #tpu.memory_space<vmem>>, vector<1x16xf32>,
        %get3A_45 = vector.shape_cast %get3A_44 : vector<1x16xf32> to vector<16xf32>
        %mul3A_46 = arith.mulf %get3A_45, %get3A_41 : vector<16xf32>
        %swap3A = arith.index_cast %scan3A_38 : i32 to index
        %swap3A_47 = arith.constant 0 : index
        %swap3A_48 = tpu.vector_load %arg11[%swap3A, %swap3A_47] {strides = array<i32>} : memref<128x128xf32, #tpu.memory_space<vmem>>, vector<1x16xf32>,
        %swap3A_49 = vector.shape_cast %swap3A_48 : vector<1x16xf32> to vector<16xf32>
        %swap3A_50 = vector.shape_cast %mul3A_46 : vector<16xf32> to vector<1x16xf32>
        tpu.vector_store %arg11[%swap3A, %swap3A_47], %swap3A_50 {strides = array<i32>} : memref<128x128xf32, #tpu.memory_space<vmem>>, vector<1x16xf32>,
        %get3A_51 = arith.index_cast %scan3A_38 : i32 to index
        %get3A_52 = arith.constant 16 : index
        %get3A_53 = tpu.vector_load %arg11[%get3A_51, %get3A_52] {strides = array<i32>} : memref<128x128xf32, #tpu.memory_space<vmem>>, vector<1x16xf32>,
        %get3A_54 = vector.shape_cast %get3A_53 : vector<1x16xf32> to vector<16xf32>
        %mul3A_55 = arith.mulf %get3A_54, %get3A_41 : vector<16xf32>
        %swap3A_56 = arith.index_cast %scan3A_38 : i32 to index
        %swap3A_57 = arith.constant 16 : index
        %swap3A_58 = tpu.vector_load %arg11[%swap3A_56, %swap3A_57] {strides = array<i32>} : memref<128x128xf32, #tpu.memory_space<vmem>>, vector<1x16xf32>,
        %swap3A_59 = vector.shape_cast %swap3A_58 : vector<1x16xf32> to vector<16xf32>
        %swap3A_60 = vector.shape_cast %mul3A_55 : vector<16xf32> to vector<1x16xf32>
        tpu.vector_store %arg11[%swap3A_56, %swap3A_57], %swap3A_60 {strides = array<i32>} : memref<128x128xf32, #tpu.memory_space<vmem>>, vector<1x16xf32>,
        %get3A_61 = arith.index_cast %scan3A_38 : i32 to index
        %get3A_62 = arith.constant 32 : index
        %get3A_63 = tpu.vector_load %arg11[%get3A_61, %get3A_62] {strides = array<i32>} : memref<128x128xf32, #tpu.memory_space<vmem>>, vector<1x16xf32>,
        %get3A_64 = vector.shape_cast %get3A_63 : vector<1x16xf32> to vector<16xf32>
        %mul3A_65 = arith.mulf %get3A_64, %get3A_41 : vector<16xf32>
        %swap3A_66 = arith.index_cast %scan3A_38 : i32 to index
        %swap3A_67 = arith.constant 32 : index
        %swap3A_68 = tpu.vector_load %arg11[%swap3A_66, %swap3A_67] {strides = array<i32>} : memref<128x128xf32, #tpu.memory_space<vmem>>, vector<1x16xf32>,
        %swap3A_69 = vector.shape_cast %swap3A_68 : vector<1x16xf32> to vector<16xf32>
        %swap3A_70 = vector.shape_cast %mul3A_65 : vector<16xf32> to vector<1x16xf32>
        tpu.vector_store %arg11[%swap3A_66, %swap3A_67], %swap3A_70 {strides = array<i32>} : memref<128x128xf32, #tpu.memory_space<vmem>>, vector<1x16xf32>,
        %get3A_71 = arith.index_cast %scan3A_38 : i32 to index
        %get3A_72 = arith.constant 48 : index
        %get3A_73 = tpu.vector_load %arg11[%get3A_71, %get3A_72] {strides = array<i32>} : memref<128x128xf32, #tpu.memory_space<vmem>>, vector<1x16xf32>,
        %get3A_74 = vector.shape_cast %get3A_73 : vector<1x16xf32> to vector<16xf32>
        %mul3A_75 = arith.mulf %get3A_74, %get3A_41 : vector<16xf32>
        %swap3A_76 = arith.index_cast %scan3A_38 : i32 to index
        %swap3A_77 = arith.constant 48 : index
        %swap3A_78 = tpu.vector_load %arg11[%swap3A_76, %swap3A_77] {strides = array<i32>} : memref<128x128xf32, #tpu.memory_space<vmem>>, vector<1x16xf32>,
        %swap3A_79 = vector.shape_cast %swap3A_78 : vector<1x16xf32> to vector<16xf32>
        %swap3A_80 = vector.shape_cast %mul3A_75 : vector<16xf32> to vector<1x16xf32>
        tpu.vector_store %arg11[%swap3A_76, %swap3A_77], %swap3A_80 {strides = array<i32>} : memref<128x128xf32, #tpu.memory_space<vmem>>, vector<1x16xf32>,
        %get3A_81 = arith.index_cast %scan3A_38 : i32 to index
        %get3A_82 = arith.constant 64 : index
        %get3A_83 = tpu.vector_load %arg11[%get3A_81, %get3A_82] {strides = array<i32>} : memref<128x128xf32, #tpu.memory_space<vmem>>, vector<1x16xf32>,
        %get3A_84 = vector.shape_cast %get3A_83 : vector<1x16xf32> to vector<16xf32>
        %mul3A_85 = arith.mulf %get3A_84, %get3A_41 : vector<16xf32>
        %swap3A_86 = arith.index_cast %scan3A_38 : i32 to index
        %swap3A_87 = arith.constant 64 : index
        %swap3A_88 = tpu.vector_load %arg11[%swap3A_86, %swap3A_87] {strides = array<i32>} : memref<128x128xf32, #tpu.memory_space<vmem>>, vector<1x16xf32>,
        %swap3A_89 = vector.shape_cast %swap3A_88 : vector<1x16xf32> to vector<16xf32>
        %swap3A_90 = vector.shape_cast %mul3A_85 : vector<16xf32> to vector<1x16xf32>
        tpu.vector_store %arg11[%swap3A_86, %swap3A_87], %swap3A_90 {strides = array<i32>} : memref<128x128xf32, #tpu.memory_space<vmem>>, vector<1x16xf32>,
        %get3A_91 = arith.index_cast %scan3A_38 : i32 to index
        %get3A_92 = arith.constant 80 : index
        %get3A_93 = tpu.vector_load %arg11[%get3A_91, %get3A_92] {strides = array<i32>} : memref<128x128xf32, #tpu.memory_space<vmem>>, vector<1x16xf32>,
        %get3A_94 = vector.shape_cast %get3A_93 : vector<1x16xf32> to vector<16xf32>
        %mul3A_95 = arith.mulf %get3A_94, %get3A_41 : vector<16xf32>
        %swap3A_96 = arith.index_cast %scan3A_38 : i32 to index
        %swap3A_97 = arith.constant 80 : index
        %swap3A_98 = tpu.vector_load %arg11[%swap3A_96, %swap3A_97] {strides = array<i32>} : memref<128x128xf32, #tpu.memory_space<vmem>>, vector<1x16xf32>,
        %swap3A_99 = vector.shape_cast %swap3A_98 : vector<1x16xf32> to vector<16xf32>
        %swap3A_100 = vector.shape_cast %mul3A_95 : vector<16xf32> to vector<1x16xf32>
        tpu.vector_store %arg11[%swap3A_96, %swap3A_97], %swap3A_100 {strides = array<i32>} : memref<128x128xf32, #tpu.memory_space<vmem>>, vector<1x16xf32>,
        %get3A_101 = arith.index_cast %scan3A_38 : i32 to index
        %get3A_102 = arith.constant 96 : index
        %get3A_103 = tpu.vector_load %arg11[%get3A_101, %get3A_102] {strides = array<i32>} : memref<128x128xf32, #tpu.memory_space<vmem>>, vector<1x16xf32>,
        %get3A_104 = vector.shape_cast %get3A_103 : vector<1x16xf32> to vector<16xf32>
        %mul3A_105 = arith.mulf %get3A_104, %get3A_41 : vector<16xf32>
        %swap3A_106 = arith.index_cast %scan3A_38 : i32 to index
        %swap3A_107 = arith.constant 96 : index
        %swap3A_108 = tpu.vector_load %arg11[%swap3A_106, %swap3A_107] {strides = array<i32>} : memref<128x128xf32, #tpu.memory_space<vmem>>, vector<1x16xf32>,
        %swap3A_109 = vector.shape_cast %swap3A_108 : vector<1x16xf32> to vector<16xf32>
        %swap3A_110 = vector.shape_cast %mul3A_105 : vector<16xf32> to vector<1x16xf32>
        tpu.vector_store %arg11[%swap3A_106, %swap3A_107], %swap3A_110 {strides = array<i32>} : memref<128x128xf32, #tpu.memory_space<vmem>>, vector<1x16xf32>,
        %get3A_111 = arith.index_cast %scan3A_38 : i32 to index
        %get3A_112 = arith.constant 112 : index
        %get3A_113 = tpu.vector_load %arg11[%get3A_111, %get3A_112] {strides = array<i32>} : memref<128x128xf32, #tpu.memory_space<vmem>>, vector<1x16xf32>,
        %get3A_114 = vector.shape_cast %get3A_113 : vector<1x16xf32> to vector<16xf32>
        %mul3A_115 = arith.mulf %get3A_114, %get3A_41 : vector<16xf32>
        %swap3A_116 = arith.index_cast %scan3A_38 : i32 to index
        %swap3A_117 = arith.constant 112 : index
        %swap3A_118 = tpu.vector_load %arg11[%swap3A_116, %swap3A_117] {strides = array<i32>} : memref<128x128xf32, #tpu.memory_space<vmem>>, vector<1x16xf32>,
        %swap3A_119 = vector.shape_cast %swap3A_118 : vector<1x16xf32> to vector<16xf32>
        %swap3A_120 = vector.shape_cast %mul3A_115 : vector<16xf32> to vector<1x16xf32>
        tpu.vector_store %arg11[%swap3A_116, %swap3A_117], %swap3A_120 {strides = array<i32>} : memref<128x128xf32, #tpu.memory_space<vmem>>, vector<1x16xf32>,
      }
      %scan3A_37 = arith.constant 128 : i32
      "tpu.region"() ({
        %run_scoped3A = tpu.sem_alloc : memref<!tpu.dma_semaphore, #tpu.memory_space<semaphore_mem>>
        %dma_start3A_38 = arith.constant 0 : i32
        %dma_start3A_39 = arith.constant 0 : i32
        %dma_start3A_40 = tpu.memref_slice %arg12[%dma_start3A_38, %dma_start3A_39] : memref<10000x128xf32, #tpu.memory_space<vmem_shared>> -> memref<10000x128xf32, #tpu.memory_space<vmem_shared>>
        tpu.enqueue_indirect_dma source(%arg11 : memref<128x128xf32, #tpu.memory_space<vmem>>) target(%dma_start3A_40 : memref<10000x128xf32, #tpu.memory_space<vmem_shared>>) offsets(%arg9 : memref<128xi32, #tpu.memory_space<vmem>>) semaphore(%run_scoped3A : memref<!tpu.dma_semaphore, #tpu.memory_space<semaphore_mem>>) {add = true}
        %dma_wait3A_41 = arith.constant 0 : i32
        %dma_wait3A_42 = arith.constant 0 : i32
        %dma_wait3A_43 = tpu.memref_slice %arg12[%dma_wait3A_41, %dma_wait3A_42] : memref<10000x128xf32, #tpu.memory_space<vmem_shared>> -> memref<10000x128xf32, #tpu.memory_space<vmem_shared>>
        tpu.wait_indirect_dma semaphore(%run_scoped3A : memref<!tpu.dma_semaphore, #tpu.memory_space<semaphore_mem>>) src(%arg11 : memref<128x128xf32, #tpu.memory_space<vmem>>) dst(%dma_wait3A_43 : memref<10000x128xf32, #tpu.memory_space<vmem_shared>>)
        tpu.yield
      }) : () -> ()
    }
    %scan3A_11 = arith.constant 79 : i32
    %barrier3A_12 = arith.constant 0 : index
    tpu.barrier barrier_id(%barrier3A_12)
    %mul3A_13 = arith.constant 624 : i32
    %mul3A_14 = arith.muli %arg1, %mul3A_13 : i32
    %mul3A_15 = arith.constant 624 : i32
    %mul3A_16 = arith.muli %arg1, %mul3A_15 : i32
    "tpu.region"() ({
      %run_scoped3A = tpu.sem_alloc : memref<!tpu.dma_semaphore, #tpu.memory_space<semaphore_mem>>
      %dma_start3A = arith.constant 0 : i32
      %dma_start3A_22 = tpu.memref_slice %arg7[%arg0, %mul3A_16, %dma_start3A] : memref<2x10000x128xf32, #tpu.memory_space<hbm>> -> memref<1x624x128xf32, #tpu.memory_space<hbm>>
      %dma_start3A_23 = tpu.memref_squeeze %dma_start3A_22 : memref<1x624x128xf32, #tpu.memory_space<hbm>> -> memref<624x128xf32, #tpu.memory_space<hbm>>
      %dma_start3A_24 = arith.constant 0 : i32
      %dma_start3A_25 = tpu.memref_slice %arg12[%mul3A_14, %dma_start3A_24] : memref<10000x128xf32, #tpu.memory_space<vmem_shared>> -> memref<624x128xf32, #tpu.memory_space<vmem_shared>>
      tpu.enqueue_dma source(%dma_start3A_25 : memref<624x128xf32, #tpu.memory_space<vmem_shared>>) target(%dma_start3A_23 : memref<624x128xf32, #tpu.memory_space<hbm>>) target_semaphore(%run_scoped3A : memref<!tpu.dma_semaphore, #tpu.memory_space<semaphore_mem>>)
      %dma_wait3A = arith.constant 0 : i32
      %dma_wait3A_26 = tpu.memref_slice %arg7[%arg0, %mul3A_16, %dma_wait3A] : memref<2x10000x128xf32, #tpu.memory_space<hbm>> -> memref<1x624x128xf32, #tpu.memory_space<hbm>>
      %dma_wait3A_27 = tpu.memref_squeeze %dma_wait3A_26 : memref<1x624x128xf32, #tpu.memory_space<hbm>> -> memref<624x128xf32, #tpu.memory_space<hbm>>
      %dma_wait3A_28 = arith.constant 0 : i32
      %dma_wait3A_29 = tpu.memref_slice %arg12[%mul3A_14, %dma_wait3A_28] : memref<10000x128xf32, #tpu.memory_space<vmem_shared>> -> memref<624x128xf32, #tpu.memory_space<vmem_shared>>
      tpu.wait_dma2 semaphore(%run_scoped3A : memref<!tpu.dma_semaphore, #tpu.memory_space<semaphore_mem>>) src(%dma_wait3A_29 : memref<624x128xf32, #tpu.memory_space<vmem_shared>>) dst(%dma_wait3A_27 : memref<624x128xf32, #tpu.memory_space<hbm>>)
      tpu.yield
    }) : () -> ()
    %eq3A_17 = arith.constant 15 : i32
    %eq3A_18 = arith.cmpi eq, %arg1, %eq3A_17 : i32
    %convert_element_type3A_19 = arith.extui %eq3A_18 : i1 to i32
    %cond3A_20 = arith.constant 0 : i32
    %cond3A_21 = arith.cmpi ne, %convert_element_type3A_19, %cond3A_20 : i32
    scf.if %cond3A_21 {
      "tpu.region"() ({
        %run_scoped3A = tpu.sem_alloc : memref<!tpu.dma_semaphore, #tpu.memory_space<semaphore_mem>>
        %dma_start3A = arith.constant 9984 : i32
        %dma_start3A_22 = arith.constant 0 : i32
        %dma_start3A_23 = tpu.memref_slice %arg7[%arg0, %dma_start3A, %dma_start3A_22] : memref<2x10000x128xf32, #tpu.memory_space<hbm>> -> memref<1x16x128xf32, #tpu.memory_space<hbm>>
        %dma_start3A_24 = tpu.memref_squeeze %dma_start3A_23 : memref<1x16x128xf32, #tpu.memory_space<hbm>> -> memref<16x128xf32, #tpu.memory_space<hbm>>
        %dma_start3A_25 = arith.constant 9984 : i32
        %dma_start3A_26 = arith.constant 0 : i32
        %dma_start3A_27 = tpu.memref_slice %arg12[%dma_start3A_25, %dma_start3A_26] : memref<10000x128xf32, #tpu.memory_space<vmem_shared>> -> memref<16x128xf32, #tpu.memory_space<vmem_shared>>
        tpu.enqueue_dma source(%dma_start3A_27 : memref<16x128xf32, #tpu.memory_space<vmem_shared>>) target(%dma_start3A_24 : memref<16x128xf32, #tpu.memory_space<hbm>>) target_semaphore(%run_scoped3A : memref<!tpu.dma_semaphore, #tpu.memory_space<semaphore_mem>>)
        %dma_wait3A = arith.constant 9984 : i32
        %dma_wait3A_28 = arith.constant 0 : i32
        %dma_wait3A_29 = tpu.memref_slice %arg7[%arg0, %dma_wait3A, %dma_wait3A_28] : memref<2x10000x128xf32, #tpu.memory_space<hbm>> -> memref<1x16x128xf32, #tpu.memory_space<hbm>>
        %dma_wait3A_30 = tpu.memref_squeeze %dma_wait3A_29 : memref<1x16x128xf32, #tpu.memory_space<hbm>> -> memref<16x128xf32, #tpu.memory_space<hbm>>
        %dma_wait3A_31 = arith.constant 9984 : i32
        %dma_wait3A_32 = arith.constant 0 : i32
        %dma_wait3A_33 = tpu.memref_slice %arg12[%dma_wait3A_31, %dma_wait3A_32] : memref<10000x128xf32, #tpu.memory_space<vmem_shared>> -> memref<16x128xf32, #tpu.memory_space<vmem_shared>>
        tpu.wait_dma2 semaphore(%run_scoped3A : memref<!tpu.dma_semaphore, #tpu.memory_space<semaphore_mem>>) src(%dma_wait3A_33 : memref<16x128xf32, #tpu.memory_space<vmem_shared>>) dst(%dma_wait3A_30 : memref<16x128xf32, #tpu.memory_space<hbm>>)
        tpu.yield
      }) : () -> ()
    } else {
    }
    return
  }
}

#map = affine_map<(d0, d1) -> (0, 0)>
#map1 = affine_map<(d0, d1) -> (0)>
#map2 = affine_map<(d0, d1) -> (0, 0, 0)>
module attributes {stable_mosaic.version = 14 : i64} {
  func.func @body(%arg0: i32, %arg1: i32, %arg2: memref<10000x128xf32, #tpu.memory_space<hbm>>, %arg3: memref<323584xi32, #tpu.memory_space<hbm>>, %arg4: memref<323584xi32, #tpu.memory_space<hbm>>, %arg5: memref<323584x16xf32, #tpu.memory_space<hbm>>, %arg6: memref<10000x128xf32, #tpu.memory_space<hbm>>, %arg7: memref<2x10000x128xf32, #tpu.memory_space<hbm>>, %arg8: memref<128xi32, #tpu.memory_space<vmem>>, %arg9: memref<128xi32, #tpu.memory_space<vmem>>, %arg10: memref<128x16xf32, #tpu.memory_space<vmem>>, %arg11: memref<128x128xf32, #tpu.memory_space<vmem>>, %arg12: memref<10000x128xf32, #tpu.memory_space<vmem_shared>>, %arg13: memref<!tpu.dma_semaphore, #tpu.memory_space<semaphore_mem>>) attributes {dimension_semantics = [#tpu.dimension_semantics<core_parallel>, #tpu.dimension_semantics<subcore_parallel>], iteration_bounds = array<i64: 2, 16>, scalar_prefetch = 0 : i64, scratch_operands = 6 : i64, tpu.core_type = #tpu.core_type<sc_vector_subcore>, window_params = [{transform_indices = #map}, {transform_indices = #map1}, {transform_indices = #map1}, {transform_indices = #map}, {transform_indices = #map}, {transform_indices = #map2}]} {
    %mul3A = arith.constant 16 : i32
    %mul3A_0 = arith.muli %arg0, %mul3A : i32
    %add3A = arith.addi %mul3A_0, %arg1 : i32
    %mul3A_1 = arith.constant 624 : i32
    %mul3A_2 = arith.muli %arg1, %mul3A_1 : i32
    %mul3A_3 = arith.constant 624 : i32
    %mul3A_4 = arith.muli %arg1, %mul3A_3 : i32
    "tpu.region"() ({
      %run_scoped3A = tpu.sem_alloc : memref<!tpu.dma_semaphore, #tpu.memory_space<semaphore_mem>>
      %dma_start3A = arith.constant 0 : i32
      %dma_start3A_22 = tpu.memref_slice %arg12[%mul3A_4, %dma_start3A] : memref<10000x128xf32, #tpu.memory_space<vmem_shared>> -> memref<624x128xf32, #tpu.memory_space<vmem_shared>>
      %dma_start3A_23 = arith.constant 0 : i32
      %dma_start3A_24 = tpu.memref_slice %arg6[%mul3A_2, %dma_start3A_23] : memref<10000x128xf32, #tpu.memory_space<hbm>> -> memref<624x128xf32, #tpu.memory_space<hbm>>
      tpu.enqueue_dma source(%dma_start3A_24 : memref<624x128xf32, #tpu.memory_space<hbm>>) target(%dma_start3A_22 : memref<624x128xf32, #tpu.memory_space<vmem_shared>>) target_semaphore(%run_scoped3A : memref<!tpu.dma_semaphore, #tpu.memory_space<semaphore_mem>>)
      %dma_wait3A = arith.constant 0 : i32
      %dma_wait3A_25 = tpu.memref_slice %arg12[%mul3A_4, %dma_wait3A] : memref<10000x128xf32, #tpu.memory_space<vmem_shared>> -> memref<624x128xf32, #tpu.memory_space<vmem_shared>>
      %dma_wait3A_26 = arith.constant 0 : i32
      %dma_wait3A_27 = tpu.memref_slice %arg6[%mul3A_2, %dma_wait3A_26] : memref<10000x128xf32, #tpu.memory_space<hbm>> -> memref<624x128xf32, #tpu.memory_space<hbm>>
      tpu.wait_dma2 semaphore(%run_scoped3A : memref<!tpu.dma_semaphore, #tpu.memory_space<semaphore_mem>>) src(%dma_wait3A_27 : memref<624x128xf32, #tpu.memory_space<hbm>>) dst(%dma_wait3A_25 : memref<624x128xf32, #tpu.memory_space<vmem_shared>>)
      tpu.yield
    }) : () -> ()
    %eq3A = arith.constant 15 : i32
    %eq3A_5 = arith.cmpi eq, %arg1, %eq3A : i32
    %convert_element_type3A = arith.extui %eq3A_5 : i1 to i32
    %cond3A = arith.constant 0 : i32
    %cond3A_6 = arith.cmpi ne, %convert_element_type3A, %cond3A : i32
    scf.if %cond3A_6 {
      "tpu.region"() ({
        %run_scoped3A = tpu.sem_alloc : memref<!tpu.dma_semaphore, #tpu.memory_space<semaphore_mem>>
        %dma_start3A = arith.constant 9984 : i32
        %dma_start3A_22 = arith.constant 0 : i32
        %dma_start3A_23 = tpu.memref_slice %arg12[%dma_start3A, %dma_start3A_22] : memref<10000x128xf32, #tpu.memory_space<vmem_shared>> -> memref<16x128xf32, #tpu.memory_space<vmem_shared>>
        %dma_start3A_24 = arith.constant 9984 : i32
        %dma_start3A_25 = arith.constant 0 : i32
        %dma_start3A_26 = tpu.memref_slice %arg6[%dma_start3A_24, %dma_start3A_25] : memref<10000x128xf32, #tpu.memory_space<hbm>> -> memref<16x128xf32, #tpu.memory_space<hbm>>
        tpu.enqueue_dma source(%dma_start3A_26 : memref<16x128xf32, #tpu.memory_space<hbm>>) target(%dma_start3A_23 : memref<16x128xf32, #tpu.memory_space<vmem_shared>>) target_semaphore(%run_scoped3A : memref<!tpu.dma_semaphore, #tpu.memory_space<semaphore_mem>>)
        %dma_wait3A = arith.constant 9984 : i32
        %dma_wait3A_27 = arith.constant 0 : i32
        %dma_wait3A_28 = tpu.memref_slice %arg12[%dma_wait3A, %dma_wait3A_27] : memref<10000x128xf32, #tpu.memory_space<vmem_shared>> -> memref<16x128xf32, #tpu.memory_space<vmem_shared>>
        %dma_wait3A_29 = arith.constant 9984 : i32
        %dma_wait3A_30 = arith.constant 0 : i32
        %dma_wait3A_31 = tpu.memref_slice %arg6[%dma_wait3A_29, %dma_wait3A_30] : memref<10000x128xf32, #tpu.memory_space<hbm>> -> memref<16x128xf32, #tpu.memory_space<hbm>>
        tpu.wait_dma2 semaphore(%run_scoped3A : memref<!tpu.dma_semaphore, #tpu.memory_space<semaphore_mem>>) src(%dma_wait3A_31 : memref<16x128xf32, #tpu.memory_space<hbm>>) dst(%dma_wait3A_28 : memref<16x128xf32, #tpu.memory_space<vmem_shared>>)
        tpu.yield
      }) : () -> ()
    } else {
    }
    %barrier3A = arith.constant 0 : index
    tpu.barrier barrier_id(%barrier3A)
    %scan3A = arith.constant 0 : i32
    %scan3A_7 = arith.constant 0 : i32
    %scan3A_8 = arith.constant 79 : i32
    %scan3A_9 = arith.addi %scan3A_7, %scan3A_8 : i32
    %scan3A_10 = arith.constant 1 : i32
    scf.for %scan3A_22 = %scan3A_7 to %scan3A_9 step %scan3A_10  : i32 {
      %mul3A_23 = arith.constant 79 : i32
      %mul3A_24 = arith.muli %add3A, %mul3A_23 : i32
      %add3A_25 = arith.addi %mul3A_24, %scan3A_22 : i32
      %mul3A_26 = arith.constant 128 : i32
      %mul3A_27 = arith.muli %add3A_25, %mul3A_26 : i32
      "tpu.region"() ({
        %run_scoped3A = tpu.sem_alloc : memref<!tpu.dma_semaphore, #tpu.memory_space<semaphore_mem>>
        %dma_start3A_38 = tpu.memref_slice %arg3[%mul3A_27] : memref<323584xi32, #tpu.memory_space<hbm>> -> memref<128xi32, #tpu.memory_space<hbm>>
        %dma_start3A_39 = tpu.memref_slice %arg3[%mul3A_27] : memref<323584xi32, #tpu.memory_space<hbm>> -> memref<128xi32, #tpu.memory_space<hbm>>
        tpu.enqueue_dma source(%dma_start3A_39 : memref<128xi32, #tpu.memory_space<hbm>>) target(%arg8 : memref<128xi32, #tpu.memory_space<vmem>>) target_semaphore(%run_scoped3A : memref<!tpu.dma_semaphore, #tpu.memory_space<semaphore_mem>>)
        %dma_wait3A_40 = tpu.memref_slice %arg3[%mul3A_27] : memref<323584xi32, #tpu.memory_space<hbm>> -> memref<128xi32, #tpu.memory_space<hbm>>
        %dma_wait3A_41 = tpu.memref_slice %arg3[%mul3A_27] : memref<323584xi32, #tpu.memory_space<hbm>> -> memref<128xi32, #tpu.memory_space<hbm>>
        tpu.wait_dma2 semaphore(%run_scoped3A : memref<!tpu.dma_semaphore, #tpu.memory_space<semaphore_mem>>) src(%dma_wait3A_41 : memref<128xi32, #tpu.memory_space<hbm>>) dst(%arg8 : memref<128xi32, #tpu.memory_space<vmem>>)
        tpu.yield
      }) : () -> ()
      "tpu.region"() ({
        %run_scoped3A = tpu.sem_alloc : memref<!tpu.dma_semaphore, #tpu.memory_space<semaphore_mem>>
        %dma_start3A_38 = tpu.memref_slice %arg4[%mul3A_27] : memref<323584xi32, #tpu.memory_space<hbm>> -> memref<128xi32, #tpu.memory_space<hbm>>
        %dma_start3A_39 = tpu.memref_slice %arg4[%mul3A_27] : memref<323584xi32, #tpu.memory_space<hbm>> -> memref<128xi32, #tpu.memory_space<hbm>>
        tpu.enqueue_dma source(%dma_start3A_39 : memref<128xi32, #tpu.memory_space<hbm>>) target(%arg9 : memref<128xi32, #tpu.memory_space<vmem>>) target_semaphore(%run_scoped3A : memref<!tpu.dma_semaphore, #tpu.memory_space<semaphore_mem>>)
        %dma_wait3A_40 = tpu.memref_slice %arg4[%mul3A_27] : memref<323584xi32, #tpu.memory_space<hbm>> -> memref<128xi32, #tpu.memory_space<hbm>>
        %dma_wait3A_41 = tpu.memref_slice %arg4[%mul3A_27] : memref<323584xi32, #tpu.memory_space<hbm>> -> memref<128xi32, #tpu.memory_space<hbm>>
        tpu.wait_dma2 semaphore(%run_scoped3A : memref<!tpu.dma_semaphore, #tpu.memory_space<semaphore_mem>>) src(%dma_wait3A_41 : memref<128xi32, #tpu.memory_space<hbm>>) dst(%arg9 : memref<128xi32, #tpu.memory_space<vmem>>)
        tpu.yield
      }) : () -> ()
      "tpu.region"() ({
        %run_scoped3A = tpu.sem_alloc : memref<!tpu.dma_semaphore, #tpu.memory_space<semaphore_mem>>
        %dma_start3A_38 = arith.constant 0 : i32
        %dma_start3A_39 = tpu.memref_slice %arg5[%mul3A_27, %dma_start3A_38] : memref<323584x16xf32, #tpu.memory_space<hbm>> -> memref<128x16xf32, #tpu.memory_space<hbm>>
        %dma_start3A_40 = arith.constant 0 : i32
        %dma_start3A_41 = tpu.memref_slice %arg5[%mul3A_27, %dma_start3A_40] : memref<323584x16xf32, #tpu.memory_space<hbm>> -> memref<128x16xf32, #tpu.memory_space<hbm>>
        tpu.enqueue_dma source(%dma_start3A_41 : memref<128x16xf32, #tpu.memory_space<hbm>>) target(%arg10 : memref<128x16xf32, #tpu.memory_space<vmem>>) target_semaphore(%run_scoped3A : memref<!tpu.dma_semaphore, #tpu.memory_space<semaphore_mem>>)
        %dma_wait3A_42 = arith.constant 0 : i32
        %dma_wait3A_43 = tpu.memref_slice %arg5[%mul3A_27, %dma_wait3A_42] : memref<323584x16xf32, #tpu.memory_space<hbm>> -> memref<128x16xf32, #tpu.memory_space<hbm>>
        %dma_wait3A_44 = arith.constant 0 : i32
        %dma_wait3A_45 = tpu.memref_slice %arg5[%mul3A_27, %dma_wait3A_44] : memref<323584x16xf32, #tpu.memory_space<hbm>> -> memref<128x16xf32, #tpu.memory_space<hbm>>
        tpu.wait_dma2 semaphore(%run_scoped3A : memref<!tpu.dma_semaphore, #tpu.memory_space<semaphore_mem>>) src(%dma_wait3A_45 : memref<128x16xf32, #tpu.memory_space<hbm>>) dst(%arg10 : memref<128x16xf32, #tpu.memory_space<vmem>>)
        tpu.yield
      }) : () -> ()
      %dma_start3A = arith.constant 0 : i32
      %dma_start3A_28 = arith.constant 0 : i32
      %dma_start3A_29 = tpu.memref_slice %arg2[%dma_start3A, %dma_start3A_28] : memref<10000x128xf32, #tpu.memory_space<hbm>> -> memref<10000x128xf32, #tpu.memory_space<hbm>>
      tpu.enqueue_indirect_dma source(%dma_start3A_29 : memref<10000x128xf32, #tpu.memory_space<hbm>>) target(%arg11 : memref<128x128xf32, #tpu.memory_space<vmem>>) offsets(%arg8 : memref<128xi32, #tpu.memory_space<vmem>>) semaphore(%arg13 : memref<!tpu.dma_semaphore, #tpu.memory_space<semaphore_mem>>)
      %dma_wait3A = arith.constant 0 : i32
      %dma_wait3A_30 = arith.constant 0 : i32
      %dma_wait3A_31 = tpu.memref_slice %arg2[%dma_wait3A, %dma_wait3A_30] : memref<10000x128xf32, #tpu.memory_space<hbm>> -> memref<10000x128xf32, #tpu.memory_space<hbm>>
      tpu.wait_indirect_dma semaphore(%arg13 : memref<!tpu.dma_semaphore, #tpu.memory_space<semaphore_mem>>) src(%dma_wait3A_31 : memref<10000x128xf32, #tpu.memory_space<hbm>>) dst(%arg11 : memref<128x128xf32, #tpu.memory_space<vmem>>)
      %scan3A_32 = arith.constant 0 : i32
      %scan3A_33 = arith.constant 0 : i32
      %scan3A_34 = arith.constant 128 : i32
      %scan3A_35 = arith.addi %scan3A_33, %scan3A_34 : i32
      %scan3A_36 = arith.constant 1 : i32
      scf.for %scan3A_38 = %scan3A_33 to %scan3A_35 step %scan3A_36  : i32 {
        %get3A = arith.index_cast %scan3A_38 : i32 to index
        %get3A_39 = arith.constant 0 : index
        %get3A_40 = tpu.vector_load %arg10[%get3A, %get3A_39] {strides = array<i32>} : memref<128x16xf32, #tpu.memory_space<vmem>>, vector<1x16xf32>,
        %get3A_41 = vector.shape_cast %get3A_40 : vector<1x16xf32> to vector<16xf32>
        %get3A_42 = arith.index_cast %scan3A_38 : i32 to index
        %get3A_43 = arith.constant 0 : index
        %get3A_44 = tpu.vector_load %arg11[%get3A_42, %get3A_43] {strides = array<i32>} : memref<128x128xf32, #tpu.memory_space<vmem>>, vector<1x16xf32>,
        %get3A_45 = vector.shape_cast %get3A_44 : vector<1x16xf32> to vector<16xf32>
        %mul3A_46 = arith.mulf %get3A_45, %get3A_41 : vector<16xf32>
        %swap3A = arith.index_cast %scan3A_38 : i32 to index
        %swap3A_47 = arith.constant 0 : index
        %swap3A_48 = tpu.vector_load %arg11[%swap3A, %swap3A_47] {strides = array<i32>} : memref<128x128xf32, #tpu.memory_space<vmem>>, vector<1x16xf32>,
        %swap3A_49 = vector.shape_cast %swap3A_48 : vector<1x16xf32> to vector<16xf32>
        %swap3A_50 = vector.shape_cast %mul3A_46 : vector<16xf32> to vector<1x16xf32>
        tpu.vector_store %arg11[%swap3A, %swap3A_47], %swap3A_50 {strides = array<i32>} : memref<128x128xf32, #tpu.memory_space<vmem>>, vector<1x16xf32>,
        %get3A_51 = arith.index_cast %scan3A_38 : i32 to index
        %get3A_52 = arith.constant 16 : index
        %get3A_53 = tpu.vector_load %arg11[%get3A_51, %get3A_52] {strides = array<i32>} : memref<128x128xf32, #tpu.memory_space<vmem>>, vector<1x16xf32>,
        %get3A_54 = vector.shape_cast %get3A_53 : vector<1x16xf32> to vector<16xf32>
        %mul3A_55 = arith.mulf %get3A_54, %get3A_41 : vector<16xf32>
        %swap3A_56 = arith.index_cast %scan3A_38 : i32 to index
        %swap3A_57 = arith.constant 16 : index
        %swap3A_58 = tpu.vector_load %arg11[%swap3A_56, %swap3A_57] {strides = array<i32>} : memref<128x128xf32, #tpu.memory_space<vmem>>, vector<1x16xf32>,
        %swap3A_59 = vector.shape_cast %swap3A_58 : vector<1x16xf32> to vector<16xf32>
        %swap3A_60 = vector.shape_cast %mul3A_55 : vector<16xf32> to vector<1x16xf32>
        tpu.vector_store %arg11[%swap3A_56, %swap3A_57], %swap3A_60 {strides = array<i32>} : memref<128x128xf32, #tpu.memory_space<vmem>>, vector<1x16xf32>,
        %get3A_61 = arith.index_cast %scan3A_38 : i32 to index
        %get3A_62 = arith.constant 32 : index
        %get3A_63 = tpu.vector_load %arg11[%get3A_61, %get3A_62] {strides = array<i32>} : memref<128x128xf32, #tpu.memory_space<vmem>>, vector<1x16xf32>,
        %get3A_64 = vector.shape_cast %get3A_63 : vector<1x16xf32> to vector<16xf32>
        %mul3A_65 = arith.mulf %get3A_64, %get3A_41 : vector<16xf32>
        %swap3A_66 = arith.index_cast %scan3A_38 : i32 to index
        %swap3A_67 = arith.constant 32 : index
        %swap3A_68 = tpu.vector_load %arg11[%swap3A_66, %swap3A_67] {strides = array<i32>} : memref<128x128xf32, #tpu.memory_space<vmem>>, vector<1x16xf32>,
        %swap3A_69 = vector.shape_cast %swap3A_68 : vector<1x16xf32> to vector<16xf32>
        %swap3A_70 = vector.shape_cast %mul3A_65 : vector<16xf32> to vector<1x16xf32>
        tpu.vector_store %arg11[%swap3A_66, %swap3A_67], %swap3A_70 {strides = array<i32>} : memref<128x128xf32, #tpu.memory_space<vmem>>, vector<1x16xf32>,
        %get3A_71 = arith.index_cast %scan3A_38 : i32 to index
        %get3A_72 = arith.constant 48 : index
        %get3A_73 = tpu.vector_load %arg11[%get3A_71, %get3A_72] {strides = array<i32>} : memref<128x128xf32, #tpu.memory_space<vmem>>, vector<1x16xf32>,
        %get3A_74 = vector.shape_cast %get3A_73 : vector<1x16xf32> to vector<16xf32>
        %mul3A_75 = arith.mulf %get3A_74, %get3A_41 : vector<16xf32>
        %swap3A_76 = arith.index_cast %scan3A_38 : i32 to index
        %swap3A_77 = arith.constant 48 : index
        %swap3A_78 = tpu.vector_load %arg11[%swap3A_76, %swap3A_77] {strides = array<i32>} : memref<128x128xf32, #tpu.memory_space<vmem>>, vector<1x16xf32>,
        %swap3A_79 = vector.shape_cast %swap3A_78 : vector<1x16xf32> to vector<16xf32>
        %swap3A_80 = vector.shape_cast %mul3A_75 : vector<16xf32> to vector<1x16xf32>
        tpu.vector_store %arg11[%swap3A_76, %swap3A_77], %swap3A_80 {strides = array<i32>} : memref<128x128xf32, #tpu.memory_space<vmem>>, vector<1x16xf32>,
        %get3A_81 = arith.index_cast %scan3A_38 : i32 to index
        %get3A_82 = arith.constant 64 : index
        %get3A_83 = tpu.vector_load %arg11[%get3A_81, %get3A_82] {strides = array<i32>} : memref<128x128xf32, #tpu.memory_space<vmem>>, vector<1x16xf32>,
        %get3A_84 = vector.shape_cast %get3A_83 : vector<1x16xf32> to vector<16xf32>
        %mul3A_85 = arith.mulf %get3A_84, %get3A_41 : vector<16xf32>
        %swap3A_86 = arith.index_cast %scan3A_38 : i32 to index
        %swap3A_87 = arith.constant 64 : index
        %swap3A_88 = tpu.vector_load %arg11[%swap3A_86, %swap3A_87] {strides = array<i32>} : memref<128x128xf32, #tpu.memory_space<vmem>>, vector<1x16xf32>,
        %swap3A_89 = vector.shape_cast %swap3A_88 : vector<1x16xf32> to vector<16xf32>
        %swap3A_90 = vector.shape_cast %mul3A_85 : vector<16xf32> to vector<1x16xf32>
        tpu.vector_store %arg11[%swap3A_86, %swap3A_87], %swap3A_90 {strides = array<i32>} : memref<128x128xf32, #tpu.memory_space<vmem>>, vector<1x16xf32>,
        %get3A_91 = arith.index_cast %scan3A_38 : i32 to index
        %get3A_92 = arith.constant 80 : index
        %get3A_93 = tpu.vector_load %arg11[%get3A_91, %get3A_92] {strides = array<i32>} : memref<128x128xf32, #tpu.memory_space<vmem>>, vector<1x16xf32>,
        %get3A_94 = vector.shape_cast %get3A_93 : vector<1x16xf32> to vector<16xf32>
        %mul3A_95 = arith.mulf %get3A_94, %get3A_41 : vector<16xf32>
        %swap3A_96 = arith.index_cast %scan3A_38 : i32 to index
        %swap3A_97 = arith.constant 80 : index
        %swap3A_98 = tpu.vector_load %arg11[%swap3A_96, %swap3A_97] {strides = array<i32>} : memref<128x128xf32, #tpu.memory_space<vmem>>, vector<1x16xf32>,
        %swap3A_99 = vector.shape_cast %swap3A_98 : vector<1x16xf32> to vector<16xf32>
        %swap3A_100 = vector.shape_cast %mul3A_95 : vector<16xf32> to vector<1x16xf32>
        tpu.vector_store %arg11[%swap3A_96, %swap3A_97], %swap3A_100 {strides = array<i32>} : memref<128x128xf32, #tpu.memory_space<vmem>>, vector<1x16xf32>,
        %get3A_101 = arith.index_cast %scan3A_38 : i32 to index
        %get3A_102 = arith.constant 96 : index
        %get3A_103 = tpu.vector_load %arg11[%get3A_101, %get3A_102] {strides = array<i32>} : memref<128x128xf32, #tpu.memory_space<vmem>>, vector<1x16xf32>,
        %get3A_104 = vector.shape_cast %get3A_103 : vector<1x16xf32> to vector<16xf32>
        %mul3A_105 = arith.mulf %get3A_104, %get3A_41 : vector<16xf32>
        %swap3A_106 = arith.index_cast %scan3A_38 : i32 to index
        %swap3A_107 = arith.constant 96 : index
        %swap3A_108 = tpu.vector_load %arg11[%swap3A_106, %swap3A_107] {strides = array<i32>} : memref<128x128xf32, #tpu.memory_space<vmem>>, vector<1x16xf32>,
        %swap3A_109 = vector.shape_cast %swap3A_108 : vector<1x16xf32> to vector<16xf32>
        %swap3A_110 = vector.shape_cast %mul3A_105 : vector<16xf32> to vector<1x16xf32>
        tpu.vector_store %arg11[%swap3A_106, %swap3A_107], %swap3A_110 {strides = array<i32>} : memref<128x128xf32, #tpu.memory_space<vmem>>, vector<1x16xf32>,
        %get3A_111 = arith.index_cast %scan3A_38 : i32 to index
        %get3A_112 = arith.constant 112 : index
        %get3A_113 = tpu.vector_load %arg11[%get3A_111, %get3A_112] {strides = array<i32>} : memref<128x128xf32, #tpu.memory_space<vmem>>, vector<1x16xf32>,
        %get3A_114 = vector.shape_cast %get3A_113 : vector<1x16xf32> to vector<16xf32>
        %mul3A_115 = arith.mulf %get3A_114, %get3A_41 : vector<16xf32>
        %swap3A_116 = arith.index_cast %scan3A_38 : i32 to index
        %swap3A_117 = arith.constant 112 : index
        %swap3A_118 = tpu.vector_load %arg11[%swap3A_116, %swap3A_117] {strides = array<i32>} : memref<128x128xf32, #tpu.memory_space<vmem>>, vector<1x16xf32>,
        %swap3A_119 = vector.shape_cast %swap3A_118 : vector<1x16xf32> to vector<16xf32>
        %swap3A_120 = vector.shape_cast %mul3A_115 : vector<16xf32> to vector<1x16xf32>
        tpu.vector_store %arg11[%swap3A_116, %swap3A_117], %swap3A_120 {strides = array<i32>} : memref<128x128xf32, #tpu.memory_space<vmem>>, vector<1x16xf32>,
      }
      %scan3A_37 = arith.constant 128 : i32
      "tpu.region"() ({
        %run_scoped3A = tpu.sem_alloc : memref<!tpu.dma_semaphore, #tpu.memory_space<semaphore_mem>>
        %dma_start3A_38 = arith.constant 0 : i32
        %dma_start3A_39 = arith.constant 0 : i32
        %dma_start3A_40 = tpu.memref_slice %arg12[%dma_start3A_38, %dma_start3A_39] : memref<10000x128xf32, #tpu.memory_space<vmem_shared>> -> memref<10000x128xf32, #tpu.memory_space<vmem_shared>>
        tpu.enqueue_indirect_dma source(%arg11 : memref<128x128xf32, #tpu.memory_space<vmem>>) target(%dma_start3A_40 : memref<10000x128xf32, #tpu.memory_space<vmem_shared>>) offsets(%arg9 : memref<128xi32, #tpu.memory_space<vmem>>) semaphore(%run_scoped3A : memref<!tpu.dma_semaphore, #tpu.memory_space<semaphore_mem>>) {add = true}
        %dma_wait3A_41 = arith.constant 0 : i32
        %dma_wait3A_42 = arith.constant 0 : i32
        %dma_wait3A_43 = tpu.memref_slice %arg12[%dma_wait3A_41, %dma_wait3A_42] : memref<10000x128xf32, #tpu.memory_space<vmem_shared>> -> memref<10000x128xf32, #tpu.memory_space<vmem_shared>>
        tpu.wait_indirect_dma semaphore(%run_scoped3A : memref<!tpu.dma_semaphore, #tpu.memory_space<semaphore_mem>>) src(%arg11 : memref<128x128xf32, #tpu.memory_space<vmem>>) dst(%dma_wait3A_43 : memref<10000x128xf32, #tpu.memory_space<vmem_shared>>)
        tpu.yield
      }) : () -> ()
    }
    %scan3A_11 = arith.constant 79 : i32
    %barrier3A_12 = arith.constant 0 : index
    tpu.barrier barrier_id(%barrier3A_12)
    %mul3A_13 = arith.constant 624 : i32
    %mul3A_14 = arith.muli %arg1, %mul3A_13 : i32
    %mul3A_15 = arith.constant 624 : i32
    %mul3A_16 = arith.muli %arg1, %mul3A_15 : i32
    "tpu.region"() ({
      %run_scoped3A = tpu.sem_alloc : memref<!tpu.dma_semaphore, #tpu.memory_space<semaphore_mem>>
      %dma_start3A = arith.constant 0 : i32
      %dma_start3A_22 = tpu.memref_slice %arg7[%arg0, %mul3A_16, %dma_start3A] : memref<2x10000x128xf32, #tpu.memory_space<hbm>> -> memref<1x624x128xf32, #tpu.memory_space<hbm>>
      %dma_start3A_23 = tpu.memref_squeeze %dma_start3A_22 : memref<1x624x128xf32, #tpu.memory_space<hbm>> -> memref<624x128xf32, #tpu.memory_space<hbm>>
      %dma_start3A_24 = arith.constant 0 : i32
      %dma_start3A_25 = tpu.memref_slice %arg12[%mul3A_14, %dma_start3A_24] : memref<10000x128xf32, #tpu.memory_space<vmem_shared>> -> memref<624x128xf32, #tpu.memory_space<vmem_shared>>
      tpu.enqueue_dma source(%dma_start3A_25 : memref<624x128xf32, #tpu.memory_space<vmem_shared>>) target(%dma_start3A_23 : memref<624x128xf32, #tpu.memory_space<hbm>>) target_semaphore(%run_scoped3A : memref<!tpu.dma_semaphore, #tpu.memory_space<semaphore_mem>>)
      %dma_wait3A = arith.constant 0 : i32
      %dma_wait3A_26 = tpu.memref_slice %arg7[%arg0, %mul3A_16, %dma_wait3A] : memref<2x10000x128xf32, #tpu.memory_space<hbm>> -> memref<1x624x128xf32, #tpu.memory_space<hbm>>
      %dma_wait3A_27 = tpu.memref_squeeze %dma_wait3A_26 : memref<1x624x128xf32, #tpu.memory_space<hbm>> -> memref<624x128xf32, #tpu.memory_space<hbm>>
      %dma_wait3A_28 = arith.constant 0 : i32
      %dma_wait3A_29 = tpu.memref_slice %arg12[%mul3A_14, %dma_wait3A_28] : memref<10000x128xf32, #tpu.memory_space<vmem_shared>> -> memref<624x128xf32, #tpu.memory_space<vmem_shared>>
      tpu.wait_dma2 semaphore(%run_scoped3A : memref<!tpu.dma_semaphore, #tpu.memory_space<semaphore_mem>>) src(%dma_wait3A_29 : memref<624x128xf32, #tpu.memory_space<vmem_shared>>) dst(%dma_wait3A_27 : memref<624x128xf32, #tpu.memory_space<hbm>>)
      tpu.yield
    }) : () -> ()
    %eq3A_17 = arith.constant 15 : i32
    %eq3A_18 = arith.cmpi eq, %arg1, %eq3A_17 : i32
    %convert_element_type3A_19 = arith.extui %eq3A_18 : i1 to i32
    %cond3A_20 = arith.constant 0 : i32
    %cond3A_21 = arith.cmpi ne, %convert_element_type3A_19, %cond3A_20 : i32
    scf.if %cond3A_21 {
      "tpu.region"() ({
        %run_scoped3A = tpu.sem_alloc : memref<!tpu.dma_semaphore, #tpu.memory_space<semaphore_mem>>
        %dma_start3A = arith.constant 9984 : i32
        %dma_start3A_22 = arith.constant 0 : i32
        %dma_start3A_23 = tpu.memref_slice %arg7[%arg0, %dma_start3A, %dma_start3A_22] : memref<2x10000x128xf32, #tpu.memory_space<hbm>> -> memref<1x16x128xf32, #tpu.memory_space<hbm>>
        %dma_start3A_24 = tpu.memref_squeeze %dma_start3A_23 : memref<1x16x128xf32, #tpu.memory_space<hbm>> -> memref<16x128xf32, #tpu.memory_space<hbm>>
        %dma_start3A_25 = arith.constant 9984 : i32
        %dma_start3A_26 = arith.constant 0 : i32
        %dma_start3A_27 = tpu.memref_slice %arg12[%dma_start3A_25, %dma_start3A_26] : memref<10000x128xf32, #tpu.memory_space<vmem_shared>> -> memref<16x128xf32, #tpu.memory_space<vmem_shared>>
        tpu.enqueue_dma source(%dma_start3A_27 : memref<16x128xf32, #tpu.memory_space<vmem_shared>>) target(%dma_start3A_24 : memref<16x128xf32, #tpu.memory_space<hbm>>) target_semaphore(%run_scoped3A : memref<!tpu.dma_semaphore, #tpu.memory_space<semaphore_mem>>)
        %dma_wait3A = arith.constant 9984 : i32
        %dma_wait3A_28 = arith.constant 0 : i32
        %dma_wait3A_29 = tpu.memref_slice %arg7[%arg0, %dma_wait3A, %dma_wait3A_28] : memref<2x10000x128xf32, #tpu.memory_space<hbm>> -> memref<1x16x128xf32, #tpu.memory_space<hbm>>
        %dma_wait3A_30 = tpu.memref_squeeze %dma_wait3A_29 : memref<1x16x128xf32, #tpu.memory_space<hbm>> -> memref<16x128xf32, #tpu.memory_space<hbm>>
        %dma_wait3A_31 = arith.constant 9984 : i32
        %dma_wait3A_32 = arith.constant 0 : i32
        %dma_wait3A_33 = tpu.memref_slice %arg12[%dma_wait3A_31, %dma_wait3A_32] : memref<10000x128xf32, #tpu.memory_space<vmem_shared>> -> memref<16x128xf32, #tpu.memory_space<vmem_shared>>
        tpu.wait_dma2 semaphore(%run_scoped3A : memref<!tpu.dma_semaphore, #tpu.memory_space<semaphore_mem>>) src(%dma_wait3A_33 : memref<16x128xf32, #tpu.memory_space<vmem_shared>>) dst(%dma_wait3A_30 : memref<16x128xf32, #tpu.memory_space<hbm>>)
        tpu.yield
      }) : () -> ()
    } else {
    }
    return
  }
}

#map = affine_map<(d0, d1) -> (0, 0)>
#map1 = affine_map<(d0, d1) -> (0)>
#map2 = affine_map<(d0, d1) -> (0, 0, 0)>
module attributes {stable_mosaic.version = 14 : i64} {
  func.func @body(%arg0: i32, %arg1: i32, %arg2: memref<10000x128xf32, #tpu.memory_space<hbm>>, %arg3: memref<323584xi32, #tpu.memory_space<hbm>>, %arg4: memref<323584xi32, #tpu.memory_space<hbm>>, %arg5: memref<323584x16xf32, #tpu.memory_space<hbm>>, %arg6: memref<10000x128xf32, #tpu.memory_space<hbm>>, %arg7: memref<2x10000x128xf32, #tpu.memory_space<hbm>>, %arg8: memref<128xi32, #tpu.memory_space<vmem>>, %arg9: memref<128xi32, #tpu.memory_space<vmem>>, %arg10: memref<128x16xf32, #tpu.memory_space<vmem>>, %arg11: memref<128x128xf32, #tpu.memory_space<vmem>>, %arg12: memref<10000x128xf32, #tpu.memory_space<vmem_shared>>, %arg13: memref<!tpu.dma_semaphore, #tpu.memory_space<semaphore_mem>>) attributes {dimension_semantics = [#tpu.dimension_semantics<core_parallel>, #tpu.dimension_semantics<subcore_parallel>], iteration_bounds = array<i64: 2, 16>, scalar_prefetch = 0 : i64, scratch_operands = 6 : i64, tpu.core_type = #tpu.core_type<sc_vector_subcore>, window_params = [{transform_indices = #map}, {transform_indices = #map1}, {transform_indices = #map1}, {transform_indices = #map}, {transform_indices = #map}, {transform_indices = #map2}]} {
    %mul3A = arith.constant 16 : i32
    %mul3A_0 = arith.muli %arg0, %mul3A : i32
    %add3A = arith.addi %mul3A_0, %arg1 : i32
    %mul3A_1 = arith.constant 624 : i32
    %mul3A_2 = arith.muli %arg1, %mul3A_1 : i32
    %mul3A_3 = arith.constant 624 : i32
    %mul3A_4 = arith.muli %arg1, %mul3A_3 : i32
    "tpu.region"() ({
      %run_scoped3A = tpu.sem_alloc : memref<!tpu.dma_semaphore, #tpu.memory_space<semaphore_mem>>
      %dma_start3A = arith.constant 0 : i32
      %dma_start3A_22 = tpu.memref_slice %arg12[%mul3A_4, %dma_start3A] : memref<10000x128xf32, #tpu.memory_space<vmem_shared>> -> memref<624x128xf32, #tpu.memory_space<vmem_shared>>
      %dma_start3A_23 = arith.constant 0 : i32
      %dma_start3A_24 = tpu.memref_slice %arg6[%mul3A_2, %dma_start3A_23] : memref<10000x128xf32, #tpu.memory_space<hbm>> -> memref<624x128xf32, #tpu.memory_space<hbm>>
      tpu.enqueue_dma source(%dma_start3A_24 : memref<624x128xf32, #tpu.memory_space<hbm>>) target(%dma_start3A_22 : memref<624x128xf32, #tpu.memory_space<vmem_shared>>) target_semaphore(%run_scoped3A : memref<!tpu.dma_semaphore, #tpu.memory_space<semaphore_mem>>)
      %dma_wait3A = arith.constant 0 : i32
      %dma_wait3A_25 = tpu.memref_slice %arg12[%mul3A_4, %dma_wait3A] : memref<10000x128xf32, #tpu.memory_space<vmem_shared>> -> memref<624x128xf32, #tpu.memory_space<vmem_shared>>
      %dma_wait3A_26 = arith.constant 0 : i32
      %dma_wait3A_27 = tpu.memref_slice %arg6[%mul3A_2, %dma_wait3A_26] : memref<10000x128xf32, #tpu.memory_space<hbm>> -> memref<624x128xf32, #tpu.memory_space<hbm>>
      tpu.wait_dma2 semaphore(%run_scoped3A : memref<!tpu.dma_semaphore, #tpu.memory_space<semaphore_mem>>) src(%dma_wait3A_27 : memref<624x128xf32, #tpu.memory_space<hbm>>) dst(%dma_wait3A_25 : memref<624x128xf32, #tpu.memory_space<vmem_shared>>)
      tpu.yield
    }) : () -> ()
    %eq3A = arith.constant 15 : i32
    %eq3A_5 = arith.cmpi eq, %arg1, %eq3A : i32
    %convert_element_type3A = arith.extui %eq3A_5 : i1 to i32
    %cond3A = arith.constant 0 : i32
    %cond3A_6 = arith.cmpi ne, %convert_element_type3A, %cond3A : i32
    scf.if %cond3A_6 {
      "tpu.region"() ({
        %run_scoped3A = tpu.sem_alloc : memref<!tpu.dma_semaphore, #tpu.memory_space<semaphore_mem>>
        %dma_start3A = arith.constant 9984 : i32
        %dma_start3A_22 = arith.constant 0 : i32
        %dma_start3A_23 = tpu.memref_slice %arg12[%dma_start3A, %dma_start3A_22] : memref<10000x128xf32, #tpu.memory_space<vmem_shared>> -> memref<16x128xf32, #tpu.memory_space<vmem_shared>>
        %dma_start3A_24 = arith.constant 9984 : i32
        %dma_start3A_25 = arith.constant 0 : i32
        %dma_start3A_26 = tpu.memref_slice %arg6[%dma_start3A_24, %dma_start3A_25] : memref<10000x128xf32, #tpu.memory_space<hbm>> -> memref<16x128xf32, #tpu.memory_space<hbm>>
        tpu.enqueue_dma source(%dma_start3A_26 : memref<16x128xf32, #tpu.memory_space<hbm>>) target(%dma_start3A_23 : memref<16x128xf32, #tpu.memory_space<vmem_shared>>) target_semaphore(%run_scoped3A : memref<!tpu.dma_semaphore, #tpu.memory_space<semaphore_mem>>)
        %dma_wait3A = arith.constant 9984 : i32
        %dma_wait3A_27 = arith.constant 0 : i32
        %dma_wait3A_28 = tpu.memref_slice %arg12[%dma_wait3A, %dma_wait3A_27] : memref<10000x128xf32, #tpu.memory_space<vmem_shared>> -> memref<16x128xf32, #tpu.memory_space<vmem_shared>>
        %dma_wait3A_29 = arith.constant 9984 : i32
        %dma_wait3A_30 = arith.constant 0 : i32
        %dma_wait3A_31 = tpu.memref_slice %arg6[%dma_wait3A_29, %dma_wait3A_30] : memref<10000x128xf32, #tpu.memory_space<hbm>> -> memref<16x128xf32, #tpu.memory_space<hbm>>
        tpu.wait_dma2 semaphore(%run_scoped3A : memref<!tpu.dma_semaphore, #tpu.memory_space<semaphore_mem>>) src(%dma_wait3A_31 : memref<16x128xf32, #tpu.memory_space<hbm>>) dst(%dma_wait3A_28 : memref<16x128xf32, #tpu.memory_space<vmem_shared>>)
        tpu.yield
      }) : () -> ()
    } else {
    }
    %barrier3A = arith.constant 0 : index
    tpu.barrier barrier_id(%barrier3A)
    %scan3A = arith.constant 0 : i32
    %scan3A_7 = arith.constant 0 : i32
    %scan3A_8 = arith.constant 79 : i32
    %scan3A_9 = arith.addi %scan3A_7, %scan3A_8 : i32
    %scan3A_10 = arith.constant 1 : i32
    scf.for %scan3A_22 = %scan3A_7 to %scan3A_9 step %scan3A_10  : i32 {
      %mul3A_23 = arith.constant 79 : i32
      %mul3A_24 = arith.muli %add3A, %mul3A_23 : i32
      %add3A_25 = arith.addi %mul3A_24, %scan3A_22 : i32
      %mul3A_26 = arith.constant 128 : i32
      %mul3A_27 = arith.muli %add3A_25, %mul3A_26 : i32
      "tpu.region"() ({
        %run_scoped3A = tpu.sem_alloc : memref<!tpu.dma_semaphore, #tpu.memory_space<semaphore_mem>>
        %dma_start3A_38 = tpu.memref_slice %arg3[%mul3A_27] : memref<323584xi32, #tpu.memory_space<hbm>> -> memref<128xi32, #tpu.memory_space<hbm>>
        %dma_start3A_39 = tpu.memref_slice %arg3[%mul3A_27] : memref<323584xi32, #tpu.memory_space<hbm>> -> memref<128xi32, #tpu.memory_space<hbm>>
        tpu.enqueue_dma source(%dma_start3A_39 : memref<128xi32, #tpu.memory_space<hbm>>) target(%arg8 : memref<128xi32, #tpu.memory_space<vmem>>) target_semaphore(%run_scoped3A : memref<!tpu.dma_semaphore, #tpu.memory_space<semaphore_mem>>)
        %dma_wait3A_40 = tpu.memref_slice %arg3[%mul3A_27] : memref<323584xi32, #tpu.memory_space<hbm>> -> memref<128xi32, #tpu.memory_space<hbm>>
        %dma_wait3A_41 = tpu.memref_slice %arg3[%mul3A_27] : memref<323584xi32, #tpu.memory_space<hbm>> -> memref<128xi32, #tpu.memory_space<hbm>>
        tpu.wait_dma2 semaphore(%run_scoped3A : memref<!tpu.dma_semaphore, #tpu.memory_space<semaphore_mem>>) src(%dma_wait3A_41 : memref<128xi32, #tpu.memory_space<hbm>>) dst(%arg8 : memref<128xi32, #tpu.memory_space<vmem>>)
        tpu.yield
      }) : () -> ()
      "tpu.region"() ({
        %run_scoped3A = tpu.sem_alloc : memref<!tpu.dma_semaphore, #tpu.memory_space<semaphore_mem>>
        %dma_start3A_38 = tpu.memref_slice %arg4[%mul3A_27] : memref<323584xi32, #tpu.memory_space<hbm>> -> memref<128xi32, #tpu.memory_space<hbm>>
        %dma_start3A_39 = tpu.memref_slice %arg4[%mul3A_27] : memref<323584xi32, #tpu.memory_space<hbm>> -> memref<128xi32, #tpu.memory_space<hbm>>
        tpu.enqueue_dma source(%dma_start3A_39 : memref<128xi32, #tpu.memory_space<hbm>>) target(%arg9 : memref<128xi32, #tpu.memory_space<vmem>>) target_semaphore(%run_scoped3A : memref<!tpu.dma_semaphore, #tpu.memory_space<semaphore_mem>>)
        %dma_wait3A_40 = tpu.memref_slice %arg4[%mul3A_27] : memref<323584xi32, #tpu.memory_space<hbm>> -> memref<128xi32, #tpu.memory_space<hbm>>
        %dma_wait3A_41 = tpu.memref_slice %arg4[%mul3A_27] : memref<323584xi32, #tpu.memory_space<hbm>> -> memref<128xi32, #tpu.memory_space<hbm>>
        tpu.wait_dma2 semaphore(%run_scoped3A : memref<!tpu.dma_semaphore, #tpu.memory_space<semaphore_mem>>) src(%dma_wait3A_41 : memref<128xi32, #tpu.memory_space<hbm>>) dst(%arg9 : memref<128xi32, #tpu.memory_space<vmem>>)
        tpu.yield
      }) : () -> ()
      "tpu.region"() ({
        %run_scoped3A = tpu.sem_alloc : memref<!tpu.dma_semaphore, #tpu.memory_space<semaphore_mem>>
        %dma_start3A_38 = arith.constant 0 : i32
        %dma_start3A_39 = tpu.memref_slice %arg5[%mul3A_27, %dma_start3A_38] : memref<323584x16xf32, #tpu.memory_space<hbm>> -> memref<128x16xf32, #tpu.memory_space<hbm>>
        %dma_start3A_40 = arith.constant 0 : i32
        %dma_start3A_41 = tpu.memref_slice %arg5[%mul3A_27, %dma_start3A_40] : memref<323584x16xf32, #tpu.memory_space<hbm>> -> memref<128x16xf32, #tpu.memory_space<hbm>>
        tpu.enqueue_dma source(%dma_start3A_41 : memref<128x16xf32, #tpu.memory_space<hbm>>) target(%arg10 : memref<128x16xf32, #tpu.memory_space<vmem>>) target_semaphore(%run_scoped3A : memref<!tpu.dma_semaphore, #tpu.memory_space<semaphore_mem>>)
        %dma_wait3A_42 = arith.constant 0 : i32
        %dma_wait3A_43 = tpu.memref_slice %arg5[%mul3A_27, %dma_wait3A_42] : memref<323584x16xf32, #tpu.memory_space<hbm>> -> memref<128x16xf32, #tpu.memory_space<hbm>>
        %dma_wait3A_44 = arith.constant 0 : i32
        %dma_wait3A_45 = tpu.memref_slice %arg5[%mul3A_27, %dma_wait3A_44] : memref<323584x16xf32, #tpu.memory_space<hbm>> -> memref<128x16xf32, #tpu.memory_space<hbm>>
        tpu.wait_dma2 semaphore(%run_scoped3A : memref<!tpu.dma_semaphore, #tpu.memory_space<semaphore_mem>>) src(%dma_wait3A_45 : memref<128x16xf32, #tpu.memory_space<hbm>>) dst(%arg10 : memref<128x16xf32, #tpu.memory_space<vmem>>)
        tpu.yield
      }) : () -> ()
      %dma_start3A = arith.constant 0 : i32
      %dma_start3A_28 = arith.constant 0 : i32
      %dma_start3A_29 = tpu.memref_slice %arg2[%dma_start3A, %dma_start3A_28] : memref<10000x128xf32, #tpu.memory_space<hbm>> -> memref<10000x128xf32, #tpu.memory_space<hbm>>
      tpu.enqueue_indirect_dma source(%dma_start3A_29 : memref<10000x128xf32, #tpu.memory_space<hbm>>) target(%arg11 : memref<128x128xf32, #tpu.memory_space<vmem>>) offsets(%arg8 : memref<128xi32, #tpu.memory_space<vmem>>) semaphore(%arg13 : memref<!tpu.dma_semaphore, #tpu.memory_space<semaphore_mem>>)
      %dma_wait3A = arith.constant 0 : i32
      %dma_wait3A_30 = arith.constant 0 : i32
      %dma_wait3A_31 = tpu.memref_slice %arg2[%dma_wait3A, %dma_wait3A_30] : memref<10000x128xf32, #tpu.memory_space<hbm>> -> memref<10000x128xf32, #tpu.memory_space<hbm>>
      tpu.wait_indirect_dma semaphore(%arg13 : memref<!tpu.dma_semaphore, #tpu.memory_space<semaphore_mem>>) src(%dma_wait3A_31 : memref<10000x128xf32, #tpu.memory_space<hbm>>) dst(%arg11 : memref<128x128xf32, #tpu.memory_space<vmem>>)
      %scan3A_32 = arith.constant 0 : i32
      %scan3A_33 = arith.constant 0 : i32
      %scan3A_34 = arith.constant 128 : i32
      %scan3A_35 = arith.addi %scan3A_33, %scan3A_34 : i32
      %scan3A_36 = arith.constant 1 : i32
      scf.for %scan3A_38 = %scan3A_33 to %scan3A_35 step %scan3A_36  : i32 {
        %get3A = arith.index_cast %scan3A_38 : i32 to index
        %get3A_39 = arith.constant 0 : index
        %get3A_40 = tpu.vector_load %arg10[%get3A, %get3A_39] {strides = array<i32>} : memref<128x16xf32, #tpu.memory_space<vmem>>, vector<1x16xf32>,
        %get3A_41 = vector.shape_cast %get3A_40 : vector<1x16xf32> to vector<16xf32>
        %get3A_42 = arith.index_cast %scan3A_38 : i32 to index
        %get3A_43 = arith.constant 0 : index
        %get3A_44 = tpu.vector_load %arg11[%get3A_42, %get3A_43] {strides = array<i32>} : memref<128x128xf32, #tpu.memory_space<vmem>>, vector<1x16xf32>,
        %get3A_45 = vector.shape_cast %get3A_44 : vector<1x16xf32> to vector<16xf32>
        %mul3A_46 = arith.mulf %get3A_45, %get3A_41 : vector<16xf32>
        %swap3A = arith.index_cast %scan3A_38 : i32 to index
        %swap3A_47 = arith.constant 0 : index
        %swap3A_48 = tpu.vector_load %arg11[%swap3A, %swap3A_47] {strides = array<i32>} : memref<128x128xf32, #tpu.memory_space<vmem>>, vector<1x16xf32>,
        %swap3A_49 = vector.shape_cast %swap3A_48 : vector<1x16xf32> to vector<16xf32>
        %swap3A_50 = vector.shape_cast %mul3A_46 : vector<16xf32> to vector<1x16xf32>
        tpu.vector_store %arg11[%swap3A, %swap3A_47], %swap3A_50 {strides = array<i32>} : memref<128x128xf32, #tpu.memory_space<vmem>>, vector<1x16xf32>,
        %get3A_51 = arith.index_cast %scan3A_38 : i32 to index
        %get3A_52 = arith.constant 16 : index
        %get3A_53 = tpu.vector_load %arg11[%get3A_51, %get3A_52] {strides = array<i32>} : memref<128x128xf32, #tpu.memory_space<vmem>>, vector<1x16xf32>,
        %get3A_54 = vector.shape_cast %get3A_53 : vector<1x16xf32> to vector<16xf32>
        %mul3A_55 = arith.mulf %get3A_54, %get3A_41 : vector<16xf32>
        %swap3A_56 = arith.index_cast %scan3A_38 : i32 to index
        %swap3A_57 = arith.constant 16 : index
        %swap3A_58 = tpu.vector_load %arg11[%swap3A_56, %swap3A_57] {strides = array<i32>} : memref<128x128xf32, #tpu.memory_space<vmem>>, vector<1x16xf32>,
        %swap3A_59 = vector.shape_cast %swap3A_58 : vector<1x16xf32> to vector<16xf32>
        %swap3A_60 = vector.shape_cast %mul3A_55 : vector<16xf32> to vector<1x16xf32>
        tpu.vector_store %arg11[%swap3A_56, %swap3A_57], %swap3A_60 {strides = array<i32>} : memref<128x128xf32, #tpu.memory_space<vmem>>, vector<1x16xf32>,
        %get3A_61 = arith.index_cast %scan3A_38 : i32 to index
        %get3A_62 = arith.constant 32 : index
        %get3A_63 = tpu.vector_load %arg11[%get3A_61, %get3A_62] {strides = array<i32>} : memref<128x128xf32, #tpu.memory_space<vmem>>, vector<1x16xf32>,
        %get3A_64 = vector.shape_cast %get3A_63 : vector<1x16xf32> to vector<16xf32>
        %mul3A_65 = arith.mulf %get3A_64, %get3A_41 : vector<16xf32>
        %swap3A_66 = arith.index_cast %scan3A_38 : i32 to index
        %swap3A_67 = arith.constant 32 : index
        %swap3A_68 = tpu.vector_load %arg11[%swap3A_66, %swap3A_67] {strides = array<i32>} : memref<128x128xf32, #tpu.memory_space<vmem>>, vector<1x16xf32>,
        %swap3A_69 = vector.shape_cast %swap3A_68 : vector<1x16xf32> to vector<16xf32>
        %swap3A_70 = vector.shape_cast %mul3A_65 : vector<16xf32> to vector<1x16xf32>
        tpu.vector_store %arg11[%swap3A_66, %swap3A_67], %swap3A_70 {strides = array<i32>} : memref<128x128xf32, #tpu.memory_space<vmem>>, vector<1x16xf32>,
        %get3A_71 = arith.index_cast %scan3A_38 : i32 to index
        %get3A_72 = arith.constant 48 : index
        %get3A_73 = tpu.vector_load %arg11[%get3A_71, %get3A_72] {strides = array<i32>} : memref<128x128xf32, #tpu.memory_space<vmem>>, vector<1x16xf32>,
        %get3A_74 = vector.shape_cast %get3A_73 : vector<1x16xf32> to vector<16xf32>
        %mul3A_75 = arith.mulf %get3A_74, %get3A_41 : vector<16xf32>
        %swap3A_76 = arith.index_cast %scan3A_38 : i32 to index
        %swap3A_77 = arith.constant 48 : index
        %swap3A_78 = tpu.vector_load %arg11[%swap3A_76, %swap3A_77] {strides = array<i32>} : memref<128x128xf32, #tpu.memory_space<vmem>>, vector<1x16xf32>,
        %swap3A_79 = vector.shape_cast %swap3A_78 : vector<1x16xf32> to vector<16xf32>
        %swap3A_80 = vector.shape_cast %mul3A_75 : vector<16xf32> to vector<1x16xf32>
        tpu.vector_store %arg11[%swap3A_76, %swap3A_77], %swap3A_80 {strides = array<i32>} : memref<128x128xf32, #tpu.memory_space<vmem>>, vector<1x16xf32>,
        %get3A_81 = arith.index_cast %scan3A_38 : i32 to index
        %get3A_82 = arith.constant 64 : index
        %get3A_83 = tpu.vector_load %arg11[%get3A_81, %get3A_82] {strides = array<i32>} : memref<128x128xf32, #tpu.memory_space<vmem>>, vector<1x16xf32>,
        %get3A_84 = vector.shape_cast %get3A_83 : vector<1x16xf32> to vector<16xf32>
        %mul3A_85 = arith.mulf %get3A_84, %get3A_41 : vector<16xf32>
        %swap3A_86 = arith.index_cast %scan3A_38 : i32 to index
        %swap3A_87 = arith.constant 64 : index
        %swap3A_88 = tpu.vector_load %arg11[%swap3A_86, %swap3A_87] {strides = array<i32>} : memref<128x128xf32, #tpu.memory_space<vmem>>, vector<1x16xf32>,
        %swap3A_89 = vector.shape_cast %swap3A_88 : vector<1x16xf32> to vector<16xf32>
        %swap3A_90 = vector.shape_cast %mul3A_85 : vector<16xf32> to vector<1x16xf32>
        tpu.vector_store %arg11[%swap3A_86, %swap3A_87], %swap3A_90 {strides = array<i32>} : memref<128x128xf32, #tpu.memory_space<vmem>>, vector<1x16xf32>,
        %get3A_91 = arith.index_cast %scan3A_38 : i32 to index
        %get3A_92 = arith.constant 80 : index
        %get3A_93 = tpu.vector_load %arg11[%get3A_91, %get3A_92] {strides = array<i32>} : memref<128x128xf32, #tpu.memory_space<vmem>>, vector<1x16xf32>,
        %get3A_94 = vector.shape_cast %get3A_93 : vector<1x16xf32> to vector<16xf32>
        %mul3A_95 = arith.mulf %get3A_94, %get3A_41 : vector<16xf32>
        %swap3A_96 = arith.index_cast %scan3A_38 : i32 to index
        %swap3A_97 = arith.constant 80 : index
        %swap3A_98 = tpu.vector_load %arg11[%swap3A_96, %swap3A_97] {strides = array<i32>} : memref<128x128xf32, #tpu.memory_space<vmem>>, vector<1x16xf32>,
        %swap3A_99 = vector.shape_cast %swap3A_98 : vector<1x16xf32> to vector<16xf32>
        %swap3A_100 = vector.shape_cast %mul3A_95 : vector<16xf32> to vector<1x16xf32>
        tpu.vector_store %arg11[%swap3A_96, %swap3A_97], %swap3A_100 {strides = array<i32>} : memref<128x128xf32, #tpu.memory_space<vmem>>, vector<1x16xf32>,
        %get3A_101 = arith.index_cast %scan3A_38 : i32 to index
        %get3A_102 = arith.constant 96 : index
        %get3A_103 = tpu.vector_load %arg11[%get3A_101, %get3A_102] {strides = array<i32>} : memref<128x128xf32, #tpu.memory_space<vmem>>, vector<1x16xf32>,
        %get3A_104 = vector.shape_cast %get3A_103 : vector<1x16xf32> to vector<16xf32>
        %mul3A_105 = arith.mulf %get3A_104, %get3A_41 : vector<16xf32>
        %swap3A_106 = arith.index_cast %scan3A_38 : i32 to index
        %swap3A_107 = arith.constant 96 : index
        %swap3A_108 = tpu.vector_load %arg11[%swap3A_106, %swap3A_107] {strides = array<i32>} : memref<128x128xf32, #tpu.memory_space<vmem>>, vector<1x16xf32>,
        %swap3A_109 = vector.shape_cast %swap3A_108 : vector<1x16xf32> to vector<16xf32>
        %swap3A_110 = vector.shape_cast %mul3A_105 : vector<16xf32> to vector<1x16xf32>
        tpu.vector_store %arg11[%swap3A_106, %swap3A_107], %swap3A_110 {strides = array<i32>} : memref<128x128xf32, #tpu.memory_space<vmem>>, vector<1x16xf32>,
        %get3A_111 = arith.index_cast %scan3A_38 : i32 to index
        %get3A_112 = arith.constant 112 : index
        %get3A_113 = tpu.vector_load %arg11[%get3A_111, %get3A_112] {strides = array<i32>} : memref<128x128xf32, #tpu.memory_space<vmem>>, vector<1x16xf32>,
        %get3A_114 = vector.shape_cast %get3A_113 : vector<1x16xf32> to vector<16xf32>
        %mul3A_115 = arith.mulf %get3A_114, %get3A_41 : vector<16xf32>
        %swap3A_116 = arith.index_cast %scan3A_38 : i32 to index
        %swap3A_117 = arith.constant 112 : index
        %swap3A_118 = tpu.vector_load %arg11[%swap3A_116, %swap3A_117] {strides = array<i32>} : memref<128x128xf32, #tpu.memory_space<vmem>>, vector<1x16xf32>,
        %swap3A_119 = vector.shape_cast %swap3A_118 : vector<1x16xf32> to vector<16xf32>
        %swap3A_120 = vector.shape_cast %mul3A_115 : vector<16xf32> to vector<1x16xf32>
        tpu.vector_store %arg11[%swap3A_116, %swap3A_117], %swap3A_120 {strides = array<i32>} : memref<128x128xf32, #tpu.memory_space<vmem>>, vector<1x16xf32>,
      }
      %scan3A_37 = arith.constant 128 : i32
      "tpu.region"() ({
        %run_scoped3A = tpu.sem_alloc : memref<!tpu.dma_semaphore, #tpu.memory_space<semaphore_mem>>
        %dma_start3A_38 = arith.constant 0 : i32
        %dma_start3A_39 = arith.constant 0 : i32
        %dma_start3A_40 = tpu.memref_slice %arg12[%dma_start3A_38, %dma_start3A_39] : memref<10000x128xf32, #tpu.memory_space<vmem_shared>> -> memref<10000x128xf32, #tpu.memory_space<vmem_shared>>
        tpu.enqueue_indirect_dma source(%arg11 : memref<128x128xf32, #tpu.memory_space<vmem>>) target(%dma_start3A_40 : memref<10000x128xf32, #tpu.memory_space<vmem_shared>>) offsets(%arg9 : memref<128xi32, #tpu.memory_space<vmem>>) semaphore(%run_scoped3A : memref<!tpu.dma_semaphore, #tpu.memory_space<semaphore_mem>>) {add = true}
        %dma_wait3A_41 = arith.constant 0 : i32
        %dma_wait3A_42 = arith.constant 0 : i32
        %dma_wait3A_43 = tpu.memref_slice %arg12[%dma_wait3A_41, %dma_wait3A_42] : memref<10000x128xf32, #tpu.memory_space<vmem_shared>> -> memref<10000x128xf32, #tpu.memory_space<vmem_shared>>
        tpu.wait_indirect_dma semaphore(%run_scoped3A : memref<!tpu.dma_semaphore, #tpu.memory_space<semaphore_mem>>) src(%arg11 : memref<128x128xf32, #tpu.memory_space<vmem>>) dst(%dma_wait3A_43 : memref<10000x128xf32, #tpu.memory_space<vmem_shared>>)
        tpu.yield
      }) : () -> ()
    }
    %scan3A_11 = arith.constant 79 : i32
    %barrier3A_12 = arith.constant 0 : index
    tpu.barrier barrier_id(%barrier3A_12)
    %mul3A_13 = arith.constant 624 : i32
    %mul3A_14 = arith.muli %arg1, %mul3A_13 : i32
    %mul3A_15 = arith.constant 624 : i32
    %mul3A_16 = arith.muli %arg1, %mul3A_15 : i32
    "tpu.region"() ({
      %run_scoped3A = tpu.sem_alloc : memref<!tpu.dma_semaphore, #tpu.memory_space<semaphore_mem>>
      %dma_start3A = arith.constant 0 : i32
      %dma_start3A_22 = tpu.memref_slice %arg7[%arg0, %mul3A_16, %dma_start3A] : memref<2x10000x128xf32, #tpu.memory_space<hbm>> -> memref<1x624x128xf32, #tpu.memory_space<hbm>>
      %dma_start3A_23 = tpu.memref_squeeze %dma_start3A_22 : memref<1x624x128xf32, #tpu.memory_space<hbm>> -> memref<624x128xf32, #tpu.memory_space<hbm>>
      %dma_start3A_24 = arith.constant 0 : i32
      %dma_start3A_25 = tpu.memref_slice %arg12[%mul3A_14, %dma_start3A_24] : memref<10000x128xf32, #tpu.memory_space<vmem_shared>> -> memref<624x128xf32, #tpu.memory_space<vmem_shared>>
      tpu.enqueue_dma source(%dma_start3A_25 : memref<624x128xf32, #tpu.memory_space<vmem_shared>>) target(%dma_start3A_23 : memref<624x128xf32, #tpu.memory_space<hbm>>) target_semaphore(%run_scoped3A : memref<!tpu.dma_semaphore, #tpu.memory_space<semaphore_mem>>)
      %dma_wait3A = arith.constant 0 : i32
      %dma_wait3A_26 = tpu.memref_slice %arg7[%arg0, %mul3A_16, %dma_wait3A] : memref<2x10000x128xf32, #tpu.memory_space<hbm>> -> memref<1x624x128xf32, #tpu.memory_space<hbm>>
      %dma_wait3A_27 = tpu.memref_squeeze %dma_wait3A_26 : memref<1x624x128xf32, #tpu.memory_space<hbm>> -> memref<624x128xf32, #tpu.memory_space<hbm>>
      %dma_wait3A_28 = arith.constant 0 : i32
      %dma_wait3A_29 = tpu.memref_slice %arg12[%mul3A_14, %dma_wait3A_28] : memref<10000x128xf32, #tpu.memory_space<vmem_shared>> -> memref<624x128xf32, #tpu.memory_space<vmem_shared>>
      tpu.wait_dma2 semaphore(%run_scoped3A : memref<!tpu.dma_semaphore, #tpu.memory_space<semaphore_mem>>) src(%dma_wait3A_29 : memref<624x128xf32, #tpu.memory_space<vmem_shared>>) dst(%dma_wait3A_27 : memref<624x128xf32, #tpu.memory_space<hbm>>)
      tpu.yield
    }) : () -> ()
    %eq3A_17 = arith.constant 15 : i32
    %eq3A_18 = arith.cmpi eq, %arg1, %eq3A_17 : i32
    %convert_element_type3A_19 = arith.extui %eq3A_18 : i1 to i32
    %cond3A_20 = arith.constant 0 : i32
    %cond3A_21 = arith.cmpi ne, %convert_element_type3A_19, %cond3A_20 : i32
    scf.if %cond3A_21 {
      "tpu.region"() ({
        %run_scoped3A = tpu.sem_alloc : memref<!tpu.dma_semaphore, #tpu.memory_space<semaphore_mem>>
        %dma_start3A = arith.constant 9984 : i32
        %dma_start3A_22 = arith.constant 0 : i32
        %dma_start3A_23 = tpu.memref_slice %arg7[%arg0, %dma_start3A, %dma_start3A_22] : memref<2x10000x128xf32, #tpu.memory_space<hbm>> -> memref<1x16x128xf32, #tpu.memory_space<hbm>>
        %dma_start3A_24 = tpu.memref_squeeze %dma_start3A_23 : memref<1x16x128xf32, #tpu.memory_space<hbm>> -> memref<16x128xf32, #tpu.memory_space<hbm>>
        %dma_start3A_25 = arith.constant 9984 : i32
        %dma_start3A_26 = arith.constant 0 : i32
        %dma_start3A_27 = tpu.memref_slice %arg12[%dma_start3A_25, %dma_start3A_26] : memref<10000x128xf32, #tpu.memory_space<vmem_shared>> -> memref<16x128xf32, #tpu.memory_space<vmem_shared>>
        tpu.enqueue_dma source(%dma_start3A_27 : memref<16x128xf32, #tpu.memory_space<vmem_shared>>) target(%dma_start3A_24 : memref<16x128xf32, #tpu.memory_space<hbm>>) target_semaphore(%run_scoped3A : memref<!tpu.dma_semaphore, #tpu.memory_space<semaphore_mem>>)
        %dma_wait3A = arith.constant 9984 : i32
        %dma_wait3A_28 = arith.constant 0 : i32
        %dma_wait3A_29 = tpu.memref_slice %arg7[%arg0, %dma_wait3A, %dma_wait3A_28] : memref<2x10000x128xf32, #tpu.memory_space<hbm>> -> memref<1x16x128xf32, #tpu.memory_space<hbm>>
        %dma_wait3A_30 = tpu.memref_squeeze %dma_wait3A_29 : memref<1x16x128xf32, #tpu.memory_space<hbm>> -> memref<16x128xf32, #tpu.memory_space<hbm>>
        %dma_wait3A_31 = arith.constant 9984 : i32
        %dma_wait3A_32 = arith.constant 0 : i32
        %dma_wait3A_33 = tpu.memref_slice %arg12[%dma_wait3A_31, %dma_wait3A_32] : memref<10000x128xf32, #tpu.memory_space<vmem_shared>> -> memref<16x128xf32, #tpu.memory_space<vmem_shared>>
        tpu.wait_dma2 semaphore(%run_scoped3A : memref<!tpu.dma_semaphore, #tpu.memory_space<semaphore_mem>>) src(%dma_wait3A_33 : memref<16x128xf32, #tpu.memory_space<vmem_shared>>) dst(%dma_wait3A_30 : memref<16x128xf32, #tpu.memory_space<hbm>>)
        tpu.yield
      }) : () -> ()
    } else {
    }
    return
  }
}

#map = affine_map<(d0, d1) -> (0, 0)>
#map1 = affine_map<(d0, d1) -> (0)>
#map2 = affine_map<(d0, d1) -> (0, 0, 0)>
module attributes {stable_mosaic.version = 14 : i64} {
  func.func @body(%arg0: i32, %arg1: i32, %arg2: memref<10000x128xf32, #tpu.memory_space<hbm>>, %arg3: memref<323584xi32, #tpu.memory_space<hbm>>, %arg4: memref<323584xi32, #tpu.memory_space<hbm>>, %arg5: memref<323584x16xf32, #tpu.memory_space<hbm>>, %arg6: memref<10000x128xf32, #tpu.memory_space<hbm>>, %arg7: memref<2x10000x128xf32, #tpu.memory_space<hbm>>, %arg8: memref<128xi32, #tpu.memory_space<vmem>>, %arg9: memref<128xi32, #tpu.memory_space<vmem>>, %arg10: memref<128x16xf32, #tpu.memory_space<vmem>>, %arg11: memref<128x128xf32, #tpu.memory_space<vmem>>, %arg12: memref<10000x128xf32, #tpu.memory_space<vmem_shared>>, %arg13: memref<!tpu.dma_semaphore, #tpu.memory_space<semaphore_mem>>) attributes {dimension_semantics = [#tpu.dimension_semantics<core_parallel>, #tpu.dimension_semantics<subcore_parallel>], iteration_bounds = array<i64: 2, 16>, scalar_prefetch = 0 : i64, scratch_operands = 6 : i64, tpu.core_type = #tpu.core_type<sc_vector_subcore>, window_params = [{transform_indices = #map}, {transform_indices = #map1}, {transform_indices = #map1}, {transform_indices = #map}, {transform_indices = #map}, {transform_indices = #map2}]} {
    %mul3A = arith.constant 16 : i32
    %mul3A_0 = arith.muli %arg0, %mul3A : i32
    %add3A = arith.addi %mul3A_0, %arg1 : i32
    %mul3A_1 = arith.constant 624 : i32
    %mul3A_2 = arith.muli %arg1, %mul3A_1 : i32
    %mul3A_3 = arith.constant 624 : i32
    %mul3A_4 = arith.muli %arg1, %mul3A_3 : i32
    "tpu.region"() ({
      %run_scoped3A = tpu.sem_alloc : memref<!tpu.dma_semaphore, #tpu.memory_space<semaphore_mem>>
      %dma_start3A = arith.constant 0 : i32
      %dma_start3A_22 = tpu.memref_slice %arg12[%mul3A_4, %dma_start3A] : memref<10000x128xf32, #tpu.memory_space<vmem_shared>> -> memref<624x128xf32, #tpu.memory_space<vmem_shared>>
      %dma_start3A_23 = arith.constant 0 : i32
      %dma_start3A_24 = tpu.memref_slice %arg6[%mul3A_2, %dma_start3A_23] : memref<10000x128xf32, #tpu.memory_space<hbm>> -> memref<624x128xf32, #tpu.memory_space<hbm>>
      tpu.enqueue_dma source(%dma_start3A_24 : memref<624x128xf32, #tpu.memory_space<hbm>>) target(%dma_start3A_22 : memref<624x128xf32, #tpu.memory_space<vmem_shared>>) target_semaphore(%run_scoped3A : memref<!tpu.dma_semaphore, #tpu.memory_space<semaphore_mem>>)
      %dma_wait3A = arith.constant 0 : i32
      %dma_wait3A_25 = tpu.memref_slice %arg12[%mul3A_4, %dma_wait3A] : memref<10000x128xf32, #tpu.memory_space<vmem_shared>> -> memref<624x128xf32, #tpu.memory_space<vmem_shared>>
      %dma_wait3A_26 = arith.constant 0 : i32
      %dma_wait3A_27 = tpu.memref_slice %arg6[%mul3A_2, %dma_wait3A_26] : memref<10000x128xf32, #tpu.memory_space<hbm>> -> memref<624x128xf32, #tpu.memory_space<hbm>>
      tpu.wait_dma2 semaphore(%run_scoped3A : memref<!tpu.dma_semaphore, #tpu.memory_space<semaphore_mem>>) src(%dma_wait3A_27 : memref<624x128xf32, #tpu.memory_space<hbm>>) dst(%dma_wait3A_25 : memref<624x128xf32, #tpu.memory_space<vmem_shared>>)
      tpu.yield
    }) : () -> ()
    %eq3A = arith.constant 15 : i32
    %eq3A_5 = arith.cmpi eq, %arg1, %eq3A : i32
    %convert_element_type3A = arith.extui %eq3A_5 : i1 to i32
    %cond3A = arith.constant 0 : i32
    %cond3A_6 = arith.cmpi ne, %convert_element_type3A, %cond3A : i32
    scf.if %cond3A_6 {
      "tpu.region"() ({
        %run_scoped3A = tpu.sem_alloc : memref<!tpu.dma_semaphore, #tpu.memory_space<semaphore_mem>>
        %dma_start3A = arith.constant 9984 : i32
        %dma_start3A_22 = arith.constant 0 : i32
        %dma_start3A_23 = tpu.memref_slice %arg12[%dma_start3A, %dma_start3A_22] : memref<10000x128xf32, #tpu.memory_space<vmem_shared>> -> memref<16x128xf32, #tpu.memory_space<vmem_shared>>
        %dma_start3A_24 = arith.constant 9984 : i32
        %dma_start3A_25 = arith.constant 0 : i32
        %dma_start3A_26 = tpu.memref_slice %arg6[%dma_start3A_24, %dma_start3A_25] : memref<10000x128xf32, #tpu.memory_space<hbm>> -> memref<16x128xf32, #tpu.memory_space<hbm>>
        tpu.enqueue_dma source(%dma_start3A_26 : memref<16x128xf32, #tpu.memory_space<hbm>>) target(%dma_start3A_23 : memref<16x128xf32, #tpu.memory_space<vmem_shared>>) target_semaphore(%run_scoped3A : memref<!tpu.dma_semaphore, #tpu.memory_space<semaphore_mem>>)
        %dma_wait3A = arith.constant 9984 : i32
        %dma_wait3A_27 = arith.constant 0 : i32
        %dma_wait3A_28 = tpu.memref_slice %arg12[%dma_wait3A, %dma_wait3A_27] : memref<10000x128xf32, #tpu.memory_space<vmem_shared>> -> memref<16x128xf32, #tpu.memory_space<vmem_shared>>
        %dma_wait3A_29 = arith.constant 9984 : i32
        %dma_wait3A_30 = arith.constant 0 : i32
        %dma_wait3A_31 = tpu.memref_slice %arg6[%dma_wait3A_29, %dma_wait3A_30] : memref<10000x128xf32, #tpu.memory_space<hbm>> -> memref<16x128xf32, #tpu.memory_space<hbm>>
        tpu.wait_dma2 semaphore(%run_scoped3A : memref<!tpu.dma_semaphore, #tpu.memory_space<semaphore_mem>>) src(%dma_wait3A_31 : memref<16x128xf32, #tpu.memory_space<hbm>>) dst(%dma_wait3A_28 : memref<16x128xf32, #tpu.memory_space<vmem_shared>>)
        tpu.yield
      }) : () -> ()
    } else {
    }
    %barrier3A = arith.constant 0 : index
    tpu.barrier barrier_id(%barrier3A)
    %scan3A = arith.constant 0 : i32
    %scan3A_7 = arith.constant 0 : i32
    %scan3A_8 = arith.constant 79 : i32
    %scan3A_9 = arith.addi %scan3A_7, %scan3A_8 : i32
    %scan3A_10 = arith.constant 1 : i32
    scf.for %scan3A_22 = %scan3A_7 to %scan3A_9 step %scan3A_10  : i32 {
      %mul3A_23 = arith.constant 79 : i32
      %mul3A_24 = arith.muli %add3A, %mul3A_23 : i32
      %add3A_25 = arith.addi %mul3A_24, %scan3A_22 : i32
      %mul3A_26 = arith.constant 128 : i32
      %mul3A_27 = arith.muli %add3A_25, %mul3A_26 : i32
      "tpu.region"() ({
        %run_scoped3A = tpu.sem_alloc : memref<!tpu.dma_semaphore, #tpu.memory_space<semaphore_mem>>
        %dma_start3A_38 = tpu.memref_slice %arg3[%mul3A_27] : memref<323584xi32, #tpu.memory_space<hbm>> -> memref<128xi32, #tpu.memory_space<hbm>>
        %dma_start3A_39 = tpu.memref_slice %arg3[%mul3A_27] : memref<323584xi32, #tpu.memory_space<hbm>> -> memref<128xi32, #tpu.memory_space<hbm>>
        tpu.enqueue_dma source(%dma_start3A_39 : memref<128xi32, #tpu.memory_space<hbm>>) target(%arg8 : memref<128xi32, #tpu.memory_space<vmem>>) target_semaphore(%run_scoped3A : memref<!tpu.dma_semaphore, #tpu.memory_space<semaphore_mem>>)
        %dma_wait3A_40 = tpu.memref_slice %arg3[%mul3A_27] : memref<323584xi32, #tpu.memory_space<hbm>> -> memref<128xi32, #tpu.memory_space<hbm>>
        %dma_wait3A_41 = tpu.memref_slice %arg3[%mul3A_27] : memref<323584xi32, #tpu.memory_space<hbm>> -> memref<128xi32, #tpu.memory_space<hbm>>
        tpu.wait_dma2 semaphore(%run_scoped3A : memref<!tpu.dma_semaphore, #tpu.memory_space<semaphore_mem>>) src(%dma_wait3A_41 : memref<128xi32, #tpu.memory_space<hbm>>) dst(%arg8 : memref<128xi32, #tpu.memory_space<vmem>>)
        tpu.yield
      }) : () -> ()
      "tpu.region"() ({
        %run_scoped3A = tpu.sem_alloc : memref<!tpu.dma_semaphore, #tpu.memory_space<semaphore_mem>>
        %dma_start3A_38 = tpu.memref_slice %arg4[%mul3A_27] : memref<323584xi32, #tpu.memory_space<hbm>> -> memref<128xi32, #tpu.memory_space<hbm>>
        %dma_start3A_39 = tpu.memref_slice %arg4[%mul3A_27] : memref<323584xi32, #tpu.memory_space<hbm>> -> memref<128xi32, #tpu.memory_space<hbm>>
        tpu.enqueue_dma source(%dma_start3A_39 : memref<128xi32, #tpu.memory_space<hbm>>) target(%arg9 : memref<128xi32, #tpu.memory_space<vmem>>) target_semaphore(%run_scoped3A : memref<!tpu.dma_semaphore, #tpu.memory_space<semaphore_mem>>)
        %dma_wait3A_40 = tpu.memref_slice %arg4[%mul3A_27] : memref<323584xi32, #tpu.memory_space<hbm>> -> memref<128xi32, #tpu.memory_space<hbm>>
        %dma_wait3A_41 = tpu.memref_slice %arg4[%mul3A_27] : memref<323584xi32, #tpu.memory_space<hbm>> -> memref<128xi32, #tpu.memory_space<hbm>>
        tpu.wait_dma2 semaphore(%run_scoped3A : memref<!tpu.dma_semaphore, #tpu.memory_space<semaphore_mem>>) src(%dma_wait3A_41 : memref<128xi32, #tpu.memory_space<hbm>>) dst(%arg9 : memref<128xi32, #tpu.memory_space<vmem>>)
        tpu.yield
      }) : () -> ()
      "tpu.region"() ({
        %run_scoped3A = tpu.sem_alloc : memref<!tpu.dma_semaphore, #tpu.memory_space<semaphore_mem>>
        %dma_start3A_38 = arith.constant 0 : i32
        %dma_start3A_39 = tpu.memref_slice %arg5[%mul3A_27, %dma_start3A_38] : memref<323584x16xf32, #tpu.memory_space<hbm>> -> memref<128x16xf32, #tpu.memory_space<hbm>>
        %dma_start3A_40 = arith.constant 0 : i32
        %dma_start3A_41 = tpu.memref_slice %arg5[%mul3A_27, %dma_start3A_40] : memref<323584x16xf32, #tpu.memory_space<hbm>> -> memref<128x16xf32, #tpu.memory_space<hbm>>
        tpu.enqueue_dma source(%dma_start3A_41 : memref<128x16xf32, #tpu.memory_space<hbm>>) target(%arg10 : memref<128x16xf32, #tpu.memory_space<vmem>>) target_semaphore(%run_scoped3A : memref<!tpu.dma_semaphore, #tpu.memory_space<semaphore_mem>>)
        %dma_wait3A_42 = arith.constant 0 : i32
        %dma_wait3A_43 = tpu.memref_slice %arg5[%mul3A_27, %dma_wait3A_42] : memref<323584x16xf32, #tpu.memory_space<hbm>> -> memref<128x16xf32, #tpu.memory_space<hbm>>
        %dma_wait3A_44 = arith.constant 0 : i32
        %dma_wait3A_45 = tpu.memref_slice %arg5[%mul3A_27, %dma_wait3A_44] : memref<323584x16xf32, #tpu.memory_space<hbm>> -> memref<128x16xf32, #tpu.memory_space<hbm>>
        tpu.wait_dma2 semaphore(%run_scoped3A : memref<!tpu.dma_semaphore, #tpu.memory_space<semaphore_mem>>) src(%dma_wait3A_45 : memref<128x16xf32, #tpu.memory_space<hbm>>) dst(%arg10 : memref<128x16xf32, #tpu.memory_space<vmem>>)
        tpu.yield
      }) : () -> ()
      %dma_start3A = arith.constant 0 : i32
      %dma_start3A_28 = arith.constant 0 : i32
      %dma_start3A_29 = tpu.memref_slice %arg2[%dma_start3A, %dma_start3A_28] : memref<10000x128xf32, #tpu.memory_space<hbm>> -> memref<10000x128xf32, #tpu.memory_space<hbm>>
      tpu.enqueue_indirect_dma source(%dma_start3A_29 : memref<10000x128xf32, #tpu.memory_space<hbm>>) target(%arg11 : memref<128x128xf32, #tpu.memory_space<vmem>>) offsets(%arg8 : memref<128xi32, #tpu.memory_space<vmem>>) semaphore(%arg13 : memref<!tpu.dma_semaphore, #tpu.memory_space<semaphore_mem>>)
      %dma_wait3A = arith.constant 0 : i32
      %dma_wait3A_30 = arith.constant 0 : i32
      %dma_wait3A_31 = tpu.memref_slice %arg2[%dma_wait3A, %dma_wait3A_30] : memref<10000x128xf32, #tpu.memory_space<hbm>> -> memref<10000x128xf32, #tpu.memory_space<hbm>>
      tpu.wait_indirect_dma semaphore(%arg13 : memref<!tpu.dma_semaphore, #tpu.memory_space<semaphore_mem>>) src(%dma_wait3A_31 : memref<10000x128xf32, #tpu.memory_space<hbm>>) dst(%arg11 : memref<128x128xf32, #tpu.memory_space<vmem>>)
      %scan3A_32 = arith.constant 0 : i32
      %scan3A_33 = arith.constant 0 : i32
      %scan3A_34 = arith.constant 128 : i32
      %scan3A_35 = arith.addi %scan3A_33, %scan3A_34 : i32
      %scan3A_36 = arith.constant 1 : i32
      scf.for %scan3A_38 = %scan3A_33 to %scan3A_35 step %scan3A_36  : i32 {
        %get3A = arith.index_cast %scan3A_38 : i32 to index
        %get3A_39 = arith.constant 0 : index
        %get3A_40 = tpu.vector_load %arg10[%get3A, %get3A_39] {strides = array<i32>} : memref<128x16xf32, #tpu.memory_space<vmem>>, vector<1x16xf32>,
        %get3A_41 = vector.shape_cast %get3A_40 : vector<1x16xf32> to vector<16xf32>
        %get3A_42 = arith.index_cast %scan3A_38 : i32 to index
        %get3A_43 = arith.constant 0 : index
        %get3A_44 = tpu.vector_load %arg11[%get3A_42, %get3A_43] {strides = array<i32>} : memref<128x128xf32, #tpu.memory_space<vmem>>, vector<1x16xf32>,
        %get3A_45 = vector.shape_cast %get3A_44 : vector<1x16xf32> to vector<16xf32>
        %mul3A_46 = arith.mulf %get3A_45, %get3A_41 : vector<16xf32>
        %swap3A = arith.index_cast %scan3A_38 : i32 to index
        %swap3A_47 = arith.constant 0 : index
        %swap3A_48 = tpu.vector_load %arg11[%swap3A, %swap3A_47] {strides = array<i32>} : memref<128x128xf32, #tpu.memory_space<vmem>>, vector<1x16xf32>,
        %swap3A_49 = vector.shape_cast %swap3A_48 : vector<1x16xf32> to vector<16xf32>
        %swap3A_50 = vector.shape_cast %mul3A_46 : vector<16xf32> to vector<1x16xf32>
        tpu.vector_store %arg11[%swap3A, %swap3A_47], %swap3A_50 {strides = array<i32>} : memref<128x128xf32, #tpu.memory_space<vmem>>, vector<1x16xf32>,
        %get3A_51 = arith.index_cast %scan3A_38 : i32 to index
        %get3A_52 = arith.constant 16 : index
        %get3A_53 = tpu.vector_load %arg11[%get3A_51, %get3A_52] {strides = array<i32>} : memref<128x128xf32, #tpu.memory_space<vmem>>, vector<1x16xf32>,
        %get3A_54 = vector.shape_cast %get3A_53 : vector<1x16xf32> to vector<16xf32>
        %mul3A_55 = arith.mulf %get3A_54, %get3A_41 : vector<16xf32>
        %swap3A_56 = arith.index_cast %scan3A_38 : i32 to index
        %swap3A_57 = arith.constant 16 : index
        %swap3A_58 = tpu.vector_load %arg11[%swap3A_56, %swap3A_57] {strides = array<i32>} : memref<128x128xf32, #tpu.memory_space<vmem>>, vector<1x16xf32>,
        %swap3A_59 = vector.shape_cast %swap3A_58 : vector<1x16xf32> to vector<16xf32>
        %swap3A_60 = vector.shape_cast %mul3A_55 : vector<16xf32> to vector<1x16xf32>
        tpu.vector_store %arg11[%swap3A_56, %swap3A_57], %swap3A_60 {strides = array<i32>} : memref<128x128xf32, #tpu.memory_space<vmem>>, vector<1x16xf32>,
        %get3A_61 = arith.index_cast %scan3A_38 : i32 to index
        %get3A_62 = arith.constant 32 : index
        %get3A_63 = tpu.vector_load %arg11[%get3A_61, %get3A_62] {strides = array<i32>} : memref<128x128xf32, #tpu.memory_space<vmem>>, vector<1x16xf32>,
        %get3A_64 = vector.shape_cast %get3A_63 : vector<1x16xf32> to vector<16xf32>
        %mul3A_65 = arith.mulf %get3A_64, %get3A_41 : vector<16xf32>
        %swap3A_66 = arith.index_cast %scan3A_38 : i32 to index
        %swap3A_67 = arith.constant 32 : index
        %swap3A_68 = tpu.vector_load %arg11[%swap3A_66, %swap3A_67] {strides = array<i32>} : memref<128x128xf32, #tpu.memory_space<vmem>>, vector<1x16xf32>,
        %swap3A_69 = vector.shape_cast %swap3A_68 : vector<1x16xf32> to vector<16xf32>
        %swap3A_70 = vector.shape_cast %mul3A_65 : vector<16xf32> to vector<1x16xf32>
        tpu.vector_store %arg11[%swap3A_66, %swap3A_67], %swap3A_70 {strides = array<i32>} : memref<128x128xf32, #tpu.memory_space<vmem>>, vector<1x16xf32>,
        %get3A_71 = arith.index_cast %scan3A_38 : i32 to index
        %get3A_72 = arith.constant 48 : index
        %get3A_73 = tpu.vector_load %arg11[%get3A_71, %get3A_72] {strides = array<i32>} : memref<128x128xf32, #tpu.memory_space<vmem>>, vector<1x16xf32>,
        %get3A_74 = vector.shape_cast %get3A_73 : vector<1x16xf32> to vector<16xf32>
        %mul3A_75 = arith.mulf %get3A_74, %get3A_41 : vector<16xf32>
        %swap3A_76 = arith.index_cast %scan3A_38 : i32 to index
        %swap3A_77 = arith.constant 48 : index
        %swap3A_78 = tpu.vector_load %arg11[%swap3A_76, %swap3A_77] {strides = array<i32>} : memref<128x128xf32, #tpu.memory_space<vmem>>, vector<1x16xf32>,
        %swap3A_79 = vector.shape_cast %swap3A_78 : vector<1x16xf32> to vector<16xf32>
        %swap3A_80 = vector.shape_cast %mul3A_75 : vector<16xf32> to vector<1x16xf32>
        tpu.vector_store %arg11[%swap3A_76, %swap3A_77], %swap3A_80 {strides = array<i32>} : memref<128x128xf32, #tpu.memory_space<vmem>>, vector<1x16xf32>,
        %get3A_81 = arith.index_cast %scan3A_38 : i32 to index
        %get3A_82 = arith.constant 64 : index
        %get3A_83 = tpu.vector_load %arg11[%get3A_81, %get3A_82] {strides = array<i32>} : memref<128x128xf32, #tpu.memory_space<vmem>>, vector<1x16xf32>,
        %get3A_84 = vector.shape_cast %get3A_83 : vector<1x16xf32> to vector<16xf32>
        %mul3A_85 = arith.mulf %get3A_84, %get3A_41 : vector<16xf32>
        %swap3A_86 = arith.index_cast %scan3A_38 : i32 to index
        %swap3A_87 = arith.constant 64 : index
        %swap3A_88 = tpu.vector_load %arg11[%swap3A_86, %swap3A_87] {strides = array<i32>} : memref<128x128xf32, #tpu.memory_space<vmem>>, vector<1x16xf32>,
        %swap3A_89 = vector.shape_cast %swap3A_88 : vector<1x16xf32> to vector<16xf32>
        %swap3A_90 = vector.shape_cast %mul3A_85 : vector<16xf32> to vector<1x16xf32>
        tpu.vector_store %arg11[%swap3A_86, %swap3A_87], %swap3A_90 {strides = array<i32>} : memref<128x128xf32, #tpu.memory_space<vmem>>, vector<1x16xf32>,
        %get3A_91 = arith.index_cast %scan3A_38 : i32 to index
        %get3A_92 = arith.constant 80 : index
        %get3A_93 = tpu.vector_load %arg11[%get3A_91, %get3A_92] {strides = array<i32>} : memref<128x128xf32, #tpu.memory_space<vmem>>, vector<1x16xf32>,
        %get3A_94 = vector.shape_cast %get3A_93 : vector<1x16xf32> to vector<16xf32>
        %mul3A_95 = arith.mulf %get3A_94, %get3A_41 : vector<16xf32>
        %swap3A_96 = arith.index_cast %scan3A_38 : i32 to index
        %swap3A_97 = arith.constant 80 : index
        %swap3A_98 = tpu.vector_load %arg11[%swap3A_96, %swap3A_97] {strides = array<i32>} : memref<128x128xf32, #tpu.memory_space<vmem>>, vector<1x16xf32>,
        %swap3A_99 = vector.shape_cast %swap3A_98 : vector<1x16xf32> to vector<16xf32>
        %swap3A_100 = vector.shape_cast %mul3A_95 : vector<16xf32> to vector<1x16xf32>
        tpu.vector_store %arg11[%swap3A_96, %swap3A_97], %swap3A_100 {strides = array<i32>} : memref<128x128xf32, #tpu.memory_space<vmem>>, vector<1x16xf32>,
        %get3A_101 = arith.index_cast %scan3A_38 : i32 to index
        %get3A_102 = arith.constant 96 : index
        %get3A_103 = tpu.vector_load %arg11[%get3A_101, %get3A_102] {strides = array<i32>} : memref<128x128xf32, #tpu.memory_space<vmem>>, vector<1x16xf32>,
        %get3A_104 = vector.shape_cast %get3A_103 : vector<1x16xf32> to vector<16xf32>
        %mul3A_105 = arith.mulf %get3A_104, %get3A_41 : vector<16xf32>
        %swap3A_106 = arith.index_cast %scan3A_38 : i32 to index
        %swap3A_107 = arith.constant 96 : index
        %swap3A_108 = tpu.vector_load %arg11[%swap3A_106, %swap3A_107] {strides = array<i32>} : memref<128x128xf32, #tpu.memory_space<vmem>>, vector<1x16xf32>,
        %swap3A_109 = vector.shape_cast %swap3A_108 : vector<1x16xf32> to vector<16xf32>
        %swap3A_110 = vector.shape_cast %mul3A_105 : vector<16xf32> to vector<1x16xf32>
        tpu.vector_store %arg11[%swap3A_106, %swap3A_107], %swap3A_110 {strides = array<i32>} : memref<128x128xf32, #tpu.memory_space<vmem>>, vector<1x16xf32>,
        %get3A_111 = arith.index_cast %scan3A_38 : i32 to index
        %get3A_112 = arith.constant 112 : index
        %get3A_113 = tpu.vector_load %arg11[%get3A_111, %get3A_112] {strides = array<i32>} : memref<128x128xf32, #tpu.memory_space<vmem>>, vector<1x16xf32>,
        %get3A_114 = vector.shape_cast %get3A_113 : vector<1x16xf32> to vector<16xf32>
        %mul3A_115 = arith.mulf %get3A_114, %get3A_41 : vector<16xf32>
        %swap3A_116 = arith.index_cast %scan3A_38 : i32 to index
        %swap3A_117 = arith.constant 112 : index
        %swap3A_118 = tpu.vector_load %arg11[%swap3A_116, %swap3A_117] {strides = array<i32>} : memref<128x128xf32, #tpu.memory_space<vmem>>, vector<1x16xf32>,
        %swap3A_119 = vector.shape_cast %swap3A_118 : vector<1x16xf32> to vector<16xf32>
        %swap3A_120 = vector.shape_cast %mul3A_115 : vector<16xf32> to vector<1x16xf32>
        tpu.vector_store %arg11[%swap3A_116, %swap3A_117], %swap3A_120 {strides = array<i32>} : memref<128x128xf32, #tpu.memory_space<vmem>>, vector<1x16xf32>,
      }
      %scan3A_37 = arith.constant 128 : i32
      "tpu.region"() ({
        %run_scoped3A = tpu.sem_alloc : memref<!tpu.dma_semaphore, #tpu.memory_space<semaphore_mem>>
        %dma_start3A_38 = arith.constant 0 : i32
        %dma_start3A_39 = arith.constant 0 : i32
        %dma_start3A_40 = tpu.memref_slice %arg12[%dma_start3A_38, %dma_start3A_39] : memref<10000x128xf32, #tpu.memory_space<vmem_shared>> -> memref<10000x128xf32, #tpu.memory_space<vmem_shared>>
        tpu.enqueue_indirect_dma source(%arg11 : memref<128x128xf32, #tpu.memory_space<vmem>>) target(%dma_start3A_40 : memref<10000x128xf32, #tpu.memory_space<vmem_shared>>) offsets(%arg9 : memref<128xi32, #tpu.memory_space<vmem>>) semaphore(%run_scoped3A : memref<!tpu.dma_semaphore, #tpu.memory_space<semaphore_mem>>) {add = true}
        %dma_wait3A_41 = arith.constant 0 : i32
        %dma_wait3A_42 = arith.constant 0 : i32
        %dma_wait3A_43 = tpu.memref_slice %arg12[%dma_wait3A_41, %dma_wait3A_42] : memref<10000x128xf32, #tpu.memory_space<vmem_shared>> -> memref<10000x128xf32, #tpu.memory_space<vmem_shared>>
        tpu.wait_indirect_dma semaphore(%run_scoped3A : memref<!tpu.dma_semaphore, #tpu.memory_space<semaphore_mem>>) src(%arg11 : memref<128x128xf32, #tpu.memory_space<vmem>>) dst(%dma_wait3A_43 : memref<10000x128xf32, #tpu.memory_space<vmem_shared>>)
        tpu.yield
      }) : () -> ()
    }
    %scan3A_11 = arith.constant 79 : i32
    %barrier3A_12 = arith.constant 0 : index
    tpu.barrier barrier_id(%barrier3A_12)
    %mul3A_13 = arith.constant 624 : i32
    %mul3A_14 = arith.muli %arg1, %mul3A_13 : i32
    %mul3A_15 = arith.constant 624 : i32
    %mul3A_16 = arith.muli %arg1, %mul3A_15 : i32
    "tpu.region"() ({
      %run_scoped3A = tpu.sem_alloc : memref<!tpu.dma_semaphore, #tpu.memory_space<semaphore_mem>>
      %dma_start3A = arith.constant 0 : i32
      %dma_start3A_22 = tpu.memref_slice %arg7[%arg0, %mul3A_16, %dma_start3A] : memref<2x10000x128xf32, #tpu.memory_space<hbm>> -> memref<1x624x128xf32, #tpu.memory_space<hbm>>
      %dma_start3A_23 = tpu.memref_squeeze %dma_start3A_22 : memref<1x624x128xf32, #tpu.memory_space<hbm>> -> memref<624x128xf32, #tpu.memory_space<hbm>>
      %dma_start3A_24 = arith.constant 0 : i32
      %dma_start3A_25 = tpu.memref_slice %arg12[%mul3A_14, %dma_start3A_24] : memref<10000x128xf32, #tpu.memory_space<vmem_shared>> -> memref<624x128xf32, #tpu.memory_space<vmem_shared>>
      tpu.enqueue_dma source(%dma_start3A_25 : memref<624x128xf32, #tpu.memory_space<vmem_shared>>) target(%dma_start3A_23 : memref<624x128xf32, #tpu.memory_space<hbm>>) target_semaphore(%run_scoped3A : memref<!tpu.dma_semaphore, #tpu.memory_space<semaphore_mem>>)
      %dma_wait3A = arith.constant 0 : i32
      %dma_wait3A_26 = tpu.memref_slice %arg7[%arg0, %mul3A_16, %dma_wait3A] : memref<2x10000x128xf32, #tpu.memory_space<hbm>> -> memref<1x624x128xf32, #tpu.memory_space<hbm>>
      %dma_wait3A_27 = tpu.memref_squeeze %dma_wait3A_26 : memref<1x624x128xf32, #tpu.memory_space<hbm>> -> memref<624x128xf32, #tpu.memory_space<hbm>>
      %dma_wait3A_28 = arith.constant 0 : i32
      %dma_wait3A_29 = tpu.memref_slice %arg12[%mul3A_14, %dma_wait3A_28] : memref<10000x128xf32, #tpu.memory_space<vmem_shared>> -> memref<624x128xf32, #tpu.memory_space<vmem_shared>>
      tpu.wait_dma2 semaphore(%run_scoped3A : memref<!tpu.dma_semaphore, #tpu.memory_space<semaphore_mem>>) src(%dma_wait3A_29 : memref<624x128xf32, #tpu.memory_space<vmem_shared>>) dst(%dma_wait3A_27 : memref<624x128xf32, #tpu.memory_space<hbm>>)
      tpu.yield
    }) : () -> ()
    %eq3A_17 = arith.constant 15 : i32
    %eq3A_18 = arith.cmpi eq, %arg1, %eq3A_17 : i32
    %convert_element_type3A_19 = arith.extui %eq3A_18 : i1 to i32
    %cond3A_20 = arith.constant 0 : i32
    %cond3A_21 = arith.cmpi ne, %convert_element_type3A_19, %cond3A_20 : i32
    scf.if %cond3A_21 {
      "tpu.region"() ({
        %run_scoped3A = tpu.sem_alloc : memref<!tpu.dma_semaphore, #tpu.memory_space<semaphore_mem>>
        %dma_start3A = arith.constant 9984 : i32
        %dma_start3A_22 = arith.constant 0 : i32
        %dma_start3A_23 = tpu.memref_slice %arg7[%arg0, %dma_start3A, %dma_start3A_22] : memref<2x10000x128xf32, #tpu.memory_space<hbm>> -> memref<1x16x128xf32, #tpu.memory_space<hbm>>
        %dma_start3A_24 = tpu.memref_squeeze %dma_start3A_23 : memref<1x16x128xf32, #tpu.memory_space<hbm>> -> memref<16x128xf32, #tpu.memory_space<hbm>>
        %dma_start3A_25 = arith.constant 9984 : i32
        %dma_start3A_26 = arith.constant 0 : i32
        %dma_start3A_27 = tpu.memref_slice %arg12[%dma_start3A_25, %dma_start3A_26] : memref<10000x128xf32, #tpu.memory_space<vmem_shared>> -> memref<16x128xf32, #tpu.memory_space<vmem_shared>>
        tpu.enqueue_dma source(%dma_start3A_27 : memref<16x128xf32, #tpu.memory_space<vmem_shared>>) target(%dma_start3A_24 : memref<16x128xf32, #tpu.memory_space<hbm>>) target_semaphore(%run_scoped3A : memref<!tpu.dma_semaphore, #tpu.memory_space<semaphore_mem>>)
        %dma_wait3A = arith.constant 9984 : i32
        %dma_wait3A_28 = arith.constant 0 : i32
        %dma_wait3A_29 = tpu.memref_slice %arg7[%arg0, %dma_wait3A, %dma_wait3A_28] : memref<2x10000x128xf32, #tpu.memory_space<hbm>> -> memref<1x16x128xf32, #tpu.memory_space<hbm>>
        %dma_wait3A_30 = tpu.memref_squeeze %dma_wait3A_29 : memref<1x16x128xf32, #tpu.memory_space<hbm>> -> memref<16x128xf32, #tpu.memory_space<hbm>>
        %dma_wait3A_31 = arith.constant 9984 : i32
        %dma_wait3A_32 = arith.constant 0 : i32
        %dma_wait3A_33 = tpu.memref_slice %arg12[%dma_wait3A_31, %dma_wait3A_32] : memref<10000x128xf32, #tpu.memory_space<vmem_shared>> -> memref<16x128xf32, #tpu.memory_space<vmem_shared>>
        tpu.wait_dma2 semaphore(%run_scoped3A : memref<!tpu.dma_semaphore, #tpu.memory_space<semaphore_mem>>) src(%dma_wait3A_33 : memref<16x128xf32, #tpu.memory_space<vmem_shared>>) dst(%dma_wait3A_30 : memref<16x128xf32, #tpu.memory_space<hbm>>)
        tpu.yield
      }) : () -> ()
    } else {
    }
    return
  }
}

#map = affine_map<(d0, d1) -> (0, 0)>
#map1 = affine_map<(d0, d1) -> (0)>
module attributes {stable_mosaic.version = 14 : i64} {
  func.func @body(%arg0: i32, %arg1: i32, %arg2: memref<10000x128xf32, #tpu.memory_space<hbm>>, %arg3: memref<10000xf32, #tpu.memory_space<hbm>>, %arg4: memref<323584xi32, #tpu.memory_space<hbm>>, %arg5: memref<323584xi32, #tpu.memory_space<hbm>>, %arg6: memref<323584x16xf32, #tpu.memory_space<hbm>>, %arg7: memref<323584xf32, #tpu.memory_space<hbm>>, %arg8: memref<128xi32, #tpu.memory_space<vmem>>, %arg9: memref<128xi32, #tpu.memory_space<vmem>>, %arg10: memref<128x128xf32, #tpu.memory_space<vmem>>, %arg11: memref<128x128xf32, #tpu.memory_space<vmem>>, %arg12: memref<128xf32, #tpu.memory_space<vmem>>, %arg13: memref<128xf32, #tpu.memory_space<vmem>>, %arg14: memref<128x16xf32, #tpu.memory_space<vmem>>, %arg15: memref<128xf32, #tpu.memory_space<vmem>>, %arg16: memref<!tpu.dma_semaphore, #tpu.memory_space<semaphore_mem>>, %arg17: memref<!tpu.dma_semaphore, #tpu.memory_space<semaphore_mem>>, %arg18: memref<!tpu.dma_semaphore, #tpu.memory_space<semaphore_mem>>, %arg19: memref<!tpu.dma_semaphore, #tpu.memory_space<semaphore_mem>>) attributes {dimension_semantics = [#tpu.dimension_semantics<core_parallel>, #tpu.dimension_semantics<subcore_parallel>], iteration_bounds = array<i64: 2, 16>, scalar_prefetch = 0 : i64, scratch_operands = 12 : i64, tpu.core_type = #tpu.core_type<sc_vector_subcore>, window_params = [{transform_indices = #map}, {transform_indices = #map1}, {transform_indices = #map1}, {transform_indices = #map1}, {transform_indices = #map}, {transform_indices = #map1}]} {
    %mul3A = arith.constant 16 : i32
    %mul3A_0 = arith.muli %arg0, %mul3A : i32
    %add3A = arith.addi %mul3A_0, %arg1 : i32
    %scan3A = arith.constant 0 : i32
    %scan3A_1 = arith.constant 0 : i32
    %scan3A_2 = arith.constant 79 : i32
    %scan3A_3 = arith.addi %scan3A_1, %scan3A_2 : i32
    %scan3A_4 = arith.constant 1 : i32
    scf.for %scan3A_6 = %scan3A_1 to %scan3A_3 step %scan3A_4  : i32 {
      %mul3A_7 = arith.constant 79 : i32
      %mul3A_8 = arith.muli %add3A, %mul3A_7 : i32
      %add3A_9 = arith.addi %mul3A_8, %scan3A_6 : i32
      %mul3A_10 = arith.constant 128 : i32
      %mul3A_11 = arith.muli %add3A_9, %mul3A_10 : i32
      "tpu.region"() ({
        %run_scoped3A = tpu.sem_alloc : memref<!tpu.dma_semaphore, #tpu.memory_space<semaphore_mem>>
        %dma_start3A_145 = tpu.memref_slice %arg4[%mul3A_11] : memref<323584xi32, #tpu.memory_space<hbm>> -> memref<128xi32, #tpu.memory_space<hbm>>
        %dma_start3A_146 = tpu.memref_slice %arg4[%mul3A_11] : memref<323584xi32, #tpu.memory_space<hbm>> -> memref<128xi32, #tpu.memory_space<hbm>>
        tpu.enqueue_dma source(%dma_start3A_146 : memref<128xi32, #tpu.memory_space<hbm>>) target(%arg8 : memref<128xi32, #tpu.memory_space<vmem>>) target_semaphore(%run_scoped3A : memref<!tpu.dma_semaphore, #tpu.memory_space<semaphore_mem>>)
        %dma_wait3A_147 = tpu.memref_slice %arg4[%mul3A_11] : memref<323584xi32, #tpu.memory_space<hbm>> -> memref<128xi32, #tpu.memory_space<hbm>>
        %dma_wait3A_148 = tpu.memref_slice %arg4[%mul3A_11] : memref<323584xi32, #tpu.memory_space<hbm>> -> memref<128xi32, #tpu.memory_space<hbm>>
        tpu.wait_dma2 semaphore(%run_scoped3A : memref<!tpu.dma_semaphore, #tpu.memory_space<semaphore_mem>>) src(%dma_wait3A_148 : memref<128xi32, #tpu.memory_space<hbm>>) dst(%arg8 : memref<128xi32, #tpu.memory_space<vmem>>)
        tpu.yield
      }) : () -> ()
      "tpu.region"() ({
        %run_scoped3A = tpu.sem_alloc : memref<!tpu.dma_semaphore, #tpu.memory_space<semaphore_mem>>
        %dma_start3A_145 = tpu.memref_slice %arg5[%mul3A_11] : memref<323584xi32, #tpu.memory_space<hbm>> -> memref<128xi32, #tpu.memory_space<hbm>>
        %dma_start3A_146 = tpu.memref_slice %arg5[%mul3A_11] : memref<323584xi32, #tpu.memory_space<hbm>> -> memref<128xi32, #tpu.memory_space<hbm>>
        tpu.enqueue_dma source(%dma_start3A_146 : memref<128xi32, #tpu.memory_space<hbm>>) target(%arg9 : memref<128xi32, #tpu.memory_space<vmem>>) target_semaphore(%run_scoped3A : memref<!tpu.dma_semaphore, #tpu.memory_space<semaphore_mem>>)
        %dma_wait3A_147 = tpu.memref_slice %arg5[%mul3A_11] : memref<323584xi32, #tpu.memory_space<hbm>> -> memref<128xi32, #tpu.memory_space<hbm>>
        %dma_wait3A_148 = tpu.memref_slice %arg5[%mul3A_11] : memref<323584xi32, #tpu.memory_space<hbm>> -> memref<128xi32, #tpu.memory_space<hbm>>
        tpu.wait_dma2 semaphore(%run_scoped3A : memref<!tpu.dma_semaphore, #tpu.memory_space<semaphore_mem>>) src(%dma_wait3A_148 : memref<128xi32, #tpu.memory_space<hbm>>) dst(%arg9 : memref<128xi32, #tpu.memory_space<vmem>>)
        tpu.yield
      }) : () -> ()
      %dma_start3A = arith.constant 0 : i32
      %dma_start3A_12 = arith.constant 0 : i32
      %dma_start3A_13 = tpu.memref_slice %arg2[%dma_start3A, %dma_start3A_12] : memref<10000x128xf32, #tpu.memory_space<hbm>> -> memref<10000x128xf32, #tpu.memory_space<hbm>>
      tpu.enqueue_indirect_dma source(%dma_start3A_13 : memref<10000x128xf32, #tpu.memory_space<hbm>>) target(%arg10 : memref<128x128xf32, #tpu.memory_space<vmem>>) offsets(%arg8 : memref<128xi32, #tpu.memory_space<vmem>>) semaphore(%arg16 : memref<!tpu.dma_semaphore, #tpu.memory_space<semaphore_mem>>)
      %dma_start3A_14 = arith.constant 0 : i32
      %dma_start3A_15 = arith.constant 0 : i32
      %dma_start3A_16 = tpu.memref_slice %arg2[%dma_start3A_14, %dma_start3A_15] : memref<10000x128xf32, #tpu.memory_space<hbm>> -> memref<10000x128xf32, #tpu.memory_space<hbm>>
      tpu.enqueue_indirect_dma source(%dma_start3A_16 : memref<10000x128xf32, #tpu.memory_space<hbm>>) target(%arg11 : memref<128x128xf32, #tpu.memory_space<vmem>>) offsets(%arg9 : memref<128xi32, #tpu.memory_space<vmem>>) semaphore(%arg17 : memref<!tpu.dma_semaphore, #tpu.memory_space<semaphore_mem>>)
      %dma_start3A_17 = arith.constant 0 : i32
      %dma_start3A_18 = tpu.memref_slice %arg3[%dma_start3A_17] : memref<10000xf32, #tpu.memory_space<hbm>> -> memref<10000xf32, #tpu.memory_space<hbm>>
      tpu.enqueue_indirect_dma source(%dma_start3A_18 : memref<10000xf32, #tpu.memory_space<hbm>>) target(%arg12 : memref<128xf32, #tpu.memory_space<vmem>>) offsets(%arg8 : memref<128xi32, #tpu.memory_space<vmem>>) semaphore(%arg18 : memref<!tpu.dma_semaphore, #tpu.memory_space<semaphore_mem>>)
      %dma_start3A_19 = arith.constant 0 : i32
      %dma_start3A_20 = tpu.memref_slice %arg3[%dma_start3A_19] : memref<10000xf32, #tpu.memory_space<hbm>> -> memref<10000xf32, #tpu.memory_space<hbm>>
      tpu.enqueue_indirect_dma source(%dma_start3A_20 : memref<10000xf32, #tpu.memory_space<hbm>>) target(%arg13 : memref<128xf32, #tpu.memory_space<vmem>>) offsets(%arg9 : memref<128xi32, #tpu.memory_space<vmem>>) semaphore(%arg19 : memref<!tpu.dma_semaphore, #tpu.memory_space<semaphore_mem>>)
      %dma_wait3A = arith.constant 0 : i32
      %dma_wait3A_21 = arith.constant 0 : i32
      %dma_wait3A_22 = tpu.memref_slice %arg2[%dma_wait3A, %dma_wait3A_21] : memref<10000x128xf32, #tpu.memory_space<hbm>> -> memref<10000x128xf32, #tpu.memory_space<hbm>>
      tpu.wait_indirect_dma semaphore(%arg16 : memref<!tpu.dma_semaphore, #tpu.memory_space<semaphore_mem>>) src(%dma_wait3A_22 : memref<10000x128xf32, #tpu.memory_space<hbm>>) dst(%arg10 : memref<128x128xf32, #tpu.memory_space<vmem>>)
      %dma_wait3A_23 = arith.constant 0 : i32
      %dma_wait3A_24 = arith.constant 0 : i32
      %dma_wait3A_25 = tpu.memref_slice %arg2[%dma_wait3A_23, %dma_wait3A_24] : memref<10000x128xf32, #tpu.memory_space<hbm>> -> memref<10000x128xf32, #tpu.memory_space<hbm>>
      tpu.wait_indirect_dma semaphore(%arg17 : memref<!tpu.dma_semaphore, #tpu.memory_space<semaphore_mem>>) src(%dma_wait3A_25 : memref<10000x128xf32, #tpu.memory_space<hbm>>) dst(%arg11 : memref<128x128xf32, #tpu.memory_space<vmem>>)
      %dma_wait3A_26 = arith.constant 0 : i32
      %dma_wait3A_27 = tpu.memref_slice %arg3[%dma_wait3A_26] : memref<10000xf32, #tpu.memory_space<hbm>> -> memref<10000xf32, #tpu.memory_space<hbm>>
      tpu.wait_indirect_dma semaphore(%arg18 : memref<!tpu.dma_semaphore, #tpu.memory_space<semaphore_mem>>) src(%dma_wait3A_27 : memref<10000xf32, #tpu.memory_space<hbm>>) dst(%arg12 : memref<128xf32, #tpu.memory_space<vmem>>)
      %dma_wait3A_28 = arith.constant 0 : i32
      %dma_wait3A_29 = tpu.memref_slice %arg3[%dma_wait3A_28] : memref<10000xf32, #tpu.memory_space<hbm>> -> memref<10000xf32, #tpu.memory_space<hbm>>
      tpu.wait_indirect_dma semaphore(%arg19 : memref<!tpu.dma_semaphore, #tpu.memory_space<semaphore_mem>>) src(%dma_wait3A_29 : memref<10000xf32, #tpu.memory_space<hbm>>) dst(%arg13 : memref<128xf32, #tpu.memory_space<vmem>>)
      %scan3A_30 = arith.constant 0 : i32
      %scan3A_31 = arith.constant 0 : i32
      %scan3A_32 = arith.constant 128 : i32
      %scan3A_33 = arith.addi %scan3A_31, %scan3A_32 : i32
      %scan3A_34 = arith.constant 1 : i32
      scf.for %scan3A_145 = %scan3A_31 to %scan3A_33 step %scan3A_34  : i32 {
        %get3A_146 = arith.index_cast %scan3A_145 : i32 to index
        %get3A_147 = arith.constant 0 : index
        %get3A_148 = tpu.vector_load %arg10[%get3A_146, %get3A_147] {strides = array<i32>} : memref<128x128xf32, #tpu.memory_space<vmem>>, vector<1x16xf32>,
        %get3A_149 = vector.shape_cast %get3A_148 : vector<1x16xf32> to vector<16xf32>
        %get3A_150 = arith.index_cast %scan3A_145 : i32 to index
        %get3A_151 = arith.constant 0 : index
        %get3A_152 = tpu.vector_load %arg11[%get3A_150, %get3A_151] {strides = array<i32>} : memref<128x128xf32, #tpu.memory_space<vmem>>, vector<1x16xf32>,
        %get3A_153 = vector.shape_cast %get3A_152 : vector<1x16xf32> to vector<16xf32>
        %mul3A_154 = arith.mulf %get3A_149, %get3A_153 : vector<16xf32>
        %get3A_155 = arith.index_cast %scan3A_145 : i32 to index
        %get3A_156 = arith.constant 16 : index
        %get3A_157 = tpu.vector_load %arg10[%get3A_155, %get3A_156] {strides = array<i32>} : memref<128x128xf32, #tpu.memory_space<vmem>>, vector<1x16xf32>,
        %get3A_158 = vector.shape_cast %get3A_157 : vector<1x16xf32> to vector<16xf32>
        %get3A_159 = arith.index_cast %scan3A_145 : i32 to index
        %get3A_160 = arith.constant 16 : index
        %get3A_161 = tpu.vector_load %arg11[%get3A_159, %get3A_160] {strides = array<i32>} : memref<128x128xf32, #tpu.memory_space<vmem>>, vector<1x16xf32>,
        %get3A_162 = vector.shape_cast %get3A_161 : vector<1x16xf32> to vector<16xf32>
        %mul3A_163 = arith.mulf %get3A_158, %get3A_162 : vector<16xf32>
        %add3A_164 = arith.addf %mul3A_154, %mul3A_163 : vector<16xf32>
        %get3A_165 = arith.index_cast %scan3A_145 : i32 to index
        %get3A_166 = arith.constant 32 : index
        %get3A_167 = tpu.vector_load %arg10[%get3A_165, %get3A_166] {strides = array<i32>} : memref<128x128xf32, #tpu.memory_space<vmem>>, vector<1x16xf32>,
        %get3A_168 = vector.shape_cast %get3A_167 : vector<1x16xf32> to vector<16xf32>
        %get3A_169 = arith.index_cast %scan3A_145 : i32 to index
        %get3A_170 = arith.constant 32 : index
        %get3A_171 = tpu.vector_load %arg11[%get3A_169, %get3A_170] {strides = array<i32>} : memref<128x128xf32, #tpu.memory_space<vmem>>, vector<1x16xf32>,
        %get3A_172 = vector.shape_cast %get3A_171 : vector<1x16xf32> to vector<16xf32>
        %mul3A_173 = arith.mulf %get3A_168, %get3A_172 : vector<16xf32>
        %add3A_174 = arith.addf %add3A_164, %mul3A_173 : vector<16xf32>
        %get3A_175 = arith.index_cast %scan3A_145 : i32 to index
        %get3A_176 = arith.constant 48 : index
        %get3A_177 = tpu.vector_load %arg10[%get3A_175, %get3A_176] {strides = array<i32>} : memref<128x128xf32, #tpu.memory_space<vmem>>, vector<1x16xf32>,
        %get3A_178 = vector.shape_cast %get3A_177 : vector<1x16xf32> to vector<16xf32>
        %get3A_179 = arith.index_cast %scan3A_145 : i32 to index
        %get3A_180 = arith.constant 48 : index
        %get3A_181 = tpu.vector_load %arg11[%get3A_179, %get3A_180] {strides = array<i32>} : memref<128x128xf32, #tpu.memory_space<vmem>>, vector<1x16xf32>,
        %get3A_182 = vector.shape_cast %get3A_181 : vector<1x16xf32> to vector<16xf32>
        %mul3A_183 = arith.mulf %get3A_178, %get3A_182 : vector<16xf32>
        %add3A_184 = arith.addf %add3A_174, %mul3A_183 : vector<16xf32>
        %get3A_185 = arith.index_cast %scan3A_145 : i32 to index
        %get3A_186 = arith.constant 64 : index
        %get3A_187 = tpu.vector_load %arg10[%get3A_185, %get3A_186] {strides = array<i32>} : memref<128x128xf32, #tpu.memory_space<vmem>>, vector<1x16xf32>,
        %get3A_188 = vector.shape_cast %get3A_187 : vector<1x16xf32> to vector<16xf32>
        %get3A_189 = arith.index_cast %scan3A_145 : i32 to index
        %get3A_190 = arith.constant 64 : index
        %get3A_191 = tpu.vector_load %arg11[%get3A_189, %get3A_190] {strides = array<i32>} : memref<128x128xf32, #tpu.memory_space<vmem>>, vector<1x16xf32>,
        %get3A_192 = vector.shape_cast %get3A_191 : vector<1x16xf32> to vector<16xf32>
        %mul3A_193 = arith.mulf %get3A_188, %get3A_192 : vector<16xf32>
        %add3A_194 = arith.addf %add3A_184, %mul3A_193 : vector<16xf32>
        %get3A_195 = arith.index_cast %scan3A_145 : i32 to index
        %get3A_196 = arith.constant 80 : index
        %get3A_197 = tpu.vector_load %arg10[%get3A_195, %get3A_196] {strides = array<i32>} : memref<128x128xf32, #tpu.memory_space<vmem>>, vector<1x16xf32>,
        %get3A_198 = vector.shape_cast %get3A_197 : vector<1x16xf32> to vector<16xf32>
        %get3A_199 = arith.index_cast %scan3A_145 : i32 to index
        %get3A_200 = arith.constant 80 : index
        %get3A_201 = tpu.vector_load %arg11[%get3A_199, %get3A_200] {strides = array<i32>} : memref<128x128xf32, #tpu.memory_space<vmem>>, vector<1x16xf32>,
        %get3A_202 = vector.shape_cast %get3A_201 : vector<1x16xf32> to vector<16xf32>
        %mul3A_203 = arith.mulf %get3A_198, %get3A_202 : vector<16xf32>
        %add3A_204 = arith.addf %add3A_194, %mul3A_203 : vector<16xf32>
        %get3A_205 = arith.index_cast %scan3A_145 : i32 to index
        %get3A_206 = arith.constant 96 : index
        %get3A_207 = tpu.vector_load %arg10[%get3A_205, %get3A_206] {strides = array<i32>} : memref<128x128xf32, #tpu.memory_space<vmem>>, vector<1x16xf32>,
        %get3A_208 = vector.shape_cast %get3A_207 : vector<1x16xf32> to vector<16xf32>
        %get3A_209 = arith.index_cast %scan3A_145 : i32 to index
        %get3A_210 = arith.constant 96 : index
        %get3A_211 = tpu.vector_load %arg11[%get3A_209, %get3A_210] {strides = array<i32>} : memref<128x128xf32, #tpu.memory_space<vmem>>, vector<1x16xf32>,
        %get3A_212 = vector.shape_cast %get3A_211 : vector<1x16xf32> to vector<16xf32>
        %mul3A_213 = arith.mulf %get3A_208, %get3A_212 : vector<16xf32>
        %add3A_214 = arith.addf %add3A_204, %mul3A_213 : vector<16xf32>
        %get3A_215 = arith.index_cast %scan3A_145 : i32 to index
        %get3A_216 = arith.constant 112 : index
        %get3A_217 = tpu.vector_load %arg10[%get3A_215, %get3A_216] {strides = array<i32>} : memref<128x128xf32, #tpu.memory_space<vmem>>, vector<1x16xf32>,
        %get3A_218 = vector.shape_cast %get3A_217 : vector<1x16xf32> to vector<16xf32>
        %get3A_219 = arith.index_cast %scan3A_145 : i32 to index
        %get3A_220 = arith.constant 112 : index
        %get3A_221 = tpu.vector_load %arg11[%get3A_219, %get3A_220] {strides = array<i32>} : memref<128x128xf32, #tpu.memory_space<vmem>>, vector<1x16xf32>,
        %get3A_222 = vector.shape_cast %get3A_221 : vector<1x16xf32> to vector<16xf32>
        %mul3A_223 = arith.mulf %get3A_218, %get3A_222 : vector<16xf32>
        %add3A_224 = arith.addf %add3A_214, %mul3A_223 : vector<16xf32>
        %swap3A_225 = arith.index_cast %scan3A_145 : i32 to index
        %swap3A_226 = arith.constant 0 : index
        %swap3A_227 = tpu.vector_load %arg14[%swap3A_225, %swap3A_226] {strides = array<i32>} : memref<128x16xf32, #tpu.memory_space<vmem>>, vector<1x16xf32>,
        %swap3A_228 = vector.shape_cast %swap3A_227 : vector<1x16xf32> to vector<16xf32>
        %swap3A_229 = vector.shape_cast %add3A_224 : vector<16xf32> to vector<1x16xf32>
        tpu.vector_store %arg14[%swap3A_225, %swap3A_226], %swap3A_229 {strides = array<i32>} : memref<128x16xf32, #tpu.memory_space<vmem>>, vector<1x16xf32>,
      }
      %scan3A_35 = arith.constant 128 : i32
      %get3A = arith.constant 0 : index
      %get3A_36 = tpu.vector_load %arg12[%get3A] {strides = array<i32>} : memref<128xf32, #tpu.memory_space<vmem>>, vector<16xf32>,
      %get3A_37 = vector.shape_cast %get3A_36 : vector<16xf32> to vector<16xf32>
      %get3A_38 = arith.constant 0 : index
      %get3A_39 = tpu.vector_load %arg13[%get3A_38] {strides = array<i32>} : memref<128xf32, #tpu.memory_space<vmem>>, vector<16xf32>,
      %get3A_40 = vector.shape_cast %get3A_39 : vector<16xf32> to vector<16xf32>
      %mul3A_41 = arith.mulf %get3A_37, %get3A_40 : vector<16xf32>
      %max3A = arith.constant 9.99999993E-9 : f32
      %max3A_42 = vector.broadcast %max3A : f32 to vector<16xf32>
      %max3A_43 = arith.maximumf %mul3A_41, %max3A_42 : vector<16xf32>
      %swap3A = arith.constant 0 : index
      %swap3A_44 = tpu.vector_load %arg15[%swap3A] {strides = array<i32>} : memref<128xf32, #tpu.memory_space<vmem>>, vector<16xf32>,
      %swap3A_45 = vector.shape_cast %swap3A_44 : vector<16xf32> to vector<16xf32>
      %swap3A_46 = vector.shape_cast %max3A_43 : vector<16xf32> to vector<16xf32>
      tpu.vector_store %arg15[%swap3A], %swap3A_46 {strides = array<i32>} : memref<128xf32, #tpu.memory_space<vmem>>, vector<16xf32>,
      %get3A_47 = arith.constant 16 : index
      %get3A_48 = tpu.vector_load %arg12[%get3A_47] {strides = array<i32>} : memref<128xf32, #tpu.memory_space<vmem>>, vector<16xf32>,
      %get3A_49 = vector.shape_cast %get3A_48 : vector<16xf32> to vector<16xf32>
      %get3A_50 = arith.constant 16 : index
      %get3A_51 = tpu.vector_load %arg13[%get3A_50] {strides = array<i32>} : memref<128xf32, #tpu.memory_space<vmem>>, vector<16xf32>,
      %get3A_52 = vector.shape_cast %get3A_51 : vector<16xf32> to vector<16xf32>
      %mul3A_53 = arith.mulf %get3A_49, %get3A_52 : vector<16xf32>
      %max3A_54 = arith.constant 9.99999993E-9 : f32
      %max3A_55 = vector.broadcast %max3A_54 : f32 to vector<16xf32>
      %max3A_56 = arith.maximumf %mul3A_53, %max3A_55 : vector<16xf32>
      %swap3A_57 = arith.constant 16 : index
      %swap3A_58 = tpu.vector_load %arg15[%swap3A_57] {strides = array<i32>} : memref<128xf32, #tpu.memory_space<vmem>>, vector<16xf32>,
      %swap3A_59 = vector.shape_cast %swap3A_58 : vector<16xf32> to vector<16xf32>
      %swap3A_60 = vector.shape_cast %max3A_56 : vector<16xf32> to vector<16xf32>
      tpu.vector_store %arg15[%swap3A_57], %swap3A_60 {strides = array<i32>} : memref<128xf32, #tpu.memory_space<vmem>>, vector<16xf32>,
      %get3A_61 = arith.constant 32 : index
      %get3A_62 = tpu.vector_load %arg12[%get3A_61] {strides = array<i32>} : memref<128xf32, #tpu.memory_space<vmem>>, vector<16xf32>,
      %get3A_63 = vector.shape_cast %get3A_62 : vector<16xf32> to vector<16xf32>
      %get3A_64 = arith.constant 32 : index
      %get3A_65 = tpu.vector_load %arg13[%get3A_64] {strides = array<i32>} : memref<128xf32, #tpu.memory_space<vmem>>, vector<16xf32>,
      %get3A_66 = vector.shape_cast %get3A_65 : vector<16xf32> to vector<16xf32>
      %mul3A_67 = arith.mulf %get3A_63, %get3A_66 : vector<16xf32>
      %max3A_68 = arith.constant 9.99999993E-9 : f32
      %max3A_69 = vector.broadcast %max3A_68 : f32 to vector<16xf32>
      %max3A_70 = arith.maximumf %mul3A_67, %max3A_69 : vector<16xf32>
      %swap3A_71 = arith.constant 32 : index
      %swap3A_72 = tpu.vector_load %arg15[%swap3A_71] {strides = array<i32>} : memref<128xf32, #tpu.memory_space<vmem>>, vector<16xf32>,
      %swap3A_73 = vector.shape_cast %swap3A_72 : vector<16xf32> to vector<16xf32>
      %swap3A_74 = vector.shape_cast %max3A_70 : vector<16xf32> to vector<16xf32>
      tpu.vector_store %arg15[%swap3A_71], %swap3A_74 {strides = array<i32>} : memref<128xf32, #tpu.memory_space<vmem>>, vector<16xf32>,
      %get3A_75 = arith.constant 48 : index
      %get3A_76 = tpu.vector_load %arg12[%get3A_75] {strides = array<i32>} : memref<128xf32, #tpu.memory_space<vmem>>, vector<16xf32>,
      %get3A_77 = vector.shape_cast %get3A_76 : vector<16xf32> to vector<16xf32>
      %get3A_78 = arith.constant 48 : index
      %get3A_79 = tpu.vector_load %arg13[%get3A_78] {strides = array<i32>} : memref<128xf32, #tpu.memory_space<vmem>>, vector<16xf32>,
      %get3A_80 = vector.shape_cast %get3A_79 : vector<16xf32> to vector<16xf32>
      %mul3A_81 = arith.mulf %get3A_77, %get3A_80 : vector<16xf32>
      %max3A_82 = arith.constant 9.99999993E-9 : f32
      %max3A_83 = vector.broadcast %max3A_82 : f32 to vector<16xf32>
      %max3A_84 = arith.maximumf %mul3A_81, %max3A_83 : vector<16xf32>
      %swap3A_85 = arith.constant 48 : index
      %swap3A_86 = tpu.vector_load %arg15[%swap3A_85] {strides = array<i32>} : memref<128xf32, #tpu.memory_space<vmem>>, vector<16xf32>,
      %swap3A_87 = vector.shape_cast %swap3A_86 : vector<16xf32> to vector<16xf32>
      %swap3A_88 = vector.shape_cast %max3A_84 : vector<16xf32> to vector<16xf32>
      tpu.vector_store %arg15[%swap3A_85], %swap3A_88 {strides = array<i32>} : memref<128xf32, #tpu.memory_space<vmem>>, vector<16xf32>,
      %get3A_89 = arith.constant 64 : index
      %get3A_90 = tpu.vector_load %arg12[%get3A_89] {strides = array<i32>} : memref<128xf32, #tpu.memory_space<vmem>>, vector<16xf32>,
      %get3A_91 = vector.shape_cast %get3A_90 : vector<16xf32> to vector<16xf32>
      %get3A_92 = arith.constant 64 : index
      %get3A_93 = tpu.vector_load %arg13[%get3A_92] {strides = array<i32>} : memref<128xf32, #tpu.memory_space<vmem>>, vector<16xf32>,
      %get3A_94 = vector.shape_cast %get3A_93 : vector<16xf32> to vector<16xf32>
      %mul3A_95 = arith.mulf %get3A_91, %get3A_94 : vector<16xf32>
      %max3A_96 = arith.constant 9.99999993E-9 : f32
      %max3A_97 = vector.broadcast %max3A_96 : f32 to vector<16xf32>
      %max3A_98 = arith.maximumf %mul3A_95, %max3A_97 : vector<16xf32>
      %swap3A_99 = arith.constant 64 : index
      %swap3A_100 = tpu.vector_load %arg15[%swap3A_99] {strides = array<i32>} : memref<128xf32, #tpu.memory_space<vmem>>, vector<16xf32>,
      %swap3A_101 = vector.shape_cast %swap3A_100 : vector<16xf32> to vector<16xf32>
      %swap3A_102 = vector.shape_cast %max3A_98 : vector<16xf32> to vector<16xf32>
      tpu.vector_store %arg15[%swap3A_99], %swap3A_102 {strides = array<i32>} : memref<128xf32, #tpu.memory_space<vmem>>, vector<16xf32>,
      %get3A_103 = arith.constant 80 : index
      %get3A_104 = tpu.vector_load %arg12[%get3A_103] {strides = array<i32>} : memref<128xf32, #tpu.memory_space<vmem>>, vector<16xf32>,
      %get3A_105 = vector.shape_cast %get3A_104 : vector<16xf32> to vector<16xf32>
      %get3A_106 = arith.constant 80 : index
      %get3A_107 = tpu.vector_load %arg13[%get3A_106] {strides = array<i32>} : memref<128xf32, #tpu.memory_space<vmem>>, vector<16xf32>,
      %get3A_108 = vector.shape_cast %get3A_107 : vector<16xf32> to vector<16xf32>
      %mul3A_109 = arith.mulf %get3A_105, %get3A_108 : vector<16xf32>
      %max3A_110 = arith.constant 9.99999993E-9 : f32
      %max3A_111 = vector.broadcast %max3A_110 : f32 to vector<16xf32>
      %max3A_112 = arith.maximumf %mul3A_109, %max3A_111 : vector<16xf32>
      %swap3A_113 = arith.constant 80 : index
      %swap3A_114 = tpu.vector_load %arg15[%swap3A_113] {strides = array<i32>} : memref<128xf32, #tpu.memory_space<vmem>>, vector<16xf32>,
      %swap3A_115 = vector.shape_cast %swap3A_114 : vector<16xf32> to vector<16xf32>
      %swap3A_116 = vector.shape_cast %max3A_112 : vector<16xf32> to vector<16xf32>
      tpu.vector_store %arg15[%swap3A_113], %swap3A_116 {strides = array<i32>} : memref<128xf32, #tpu.memory_space<vmem>>, vector<16xf32>,
      %get3A_117 = arith.constant 96 : index
      %get3A_118 = tpu.vector_load %arg12[%get3A_117] {strides = array<i32>} : memref<128xf32, #tpu.memory_space<vmem>>, vector<16xf32>,
      %get3A_119 = vector.shape_cast %get3A_118 : vector<16xf32> to vector<16xf32>
      %get3A_120 = arith.constant 96 : index
      %get3A_121 = tpu.vector_load %arg13[%get3A_120] {strides = array<i32>} : memref<128xf32, #tpu.memory_space<vmem>>, vector<16xf32>,
      %get3A_122 = vector.shape_cast %get3A_121 : vector<16xf32> to vector<16xf32>
      %mul3A_123 = arith.mulf %get3A_119, %get3A_122 : vector<16xf32>
      %max3A_124 = arith.constant 9.99999993E-9 : f32
      %max3A_125 = vector.broadcast %max3A_124 : f32 to vector<16xf32>
      %max3A_126 = arith.maximumf %mul3A_123, %max3A_125 : vector<16xf32>
      %swap3A_127 = arith.constant 96 : index
      %swap3A_128 = tpu.vector_load %arg15[%swap3A_127] {strides = array<i32>} : memref<128xf32, #tpu.memory_space<vmem>>, vector<16xf32>,
      %swap3A_129 = vector.shape_cast %swap3A_128 : vector<16xf32> to vector<16xf32>
      %swap3A_130 = vector.shape_cast %max3A_126 : vector<16xf32> to vector<16xf32>
      tpu.vector_store %arg15[%swap3A_127], %swap3A_130 {strides = array<i32>} : memref<128xf32, #tpu.memory_space<vmem>>, vector<16xf32>,
      %get3A_131 = arith.constant 112 : index
      %get3A_132 = tpu.vector_load %arg12[%get3A_131] {strides = array<i32>} : memref<128xf32, #tpu.memory_space<vmem>>, vector<16xf32>,
      %get3A_133 = vector.shape_cast %get3A_132 : vector<16xf32> to vector<16xf32>
      %get3A_134 = arith.constant 112 : index
      %get3A_135 = tpu.vector_load %arg13[%get3A_134] {strides = array<i32>} : memref<128xf32, #tpu.memory_space<vmem>>, vector<16xf32>,
      %get3A_136 = vector.shape_cast %get3A_135 : vector<16xf32> to vector<16xf32>
      %mul3A_137 = arith.mulf %get3A_133, %get3A_136 : vector<16xf32>
      %max3A_138 = arith.constant 9.99999993E-9 : f32
      %max3A_139 = vector.broadcast %max3A_138 : f32 to vector<16xf32>
      %max3A_140 = arith.maximumf %mul3A_137, %max3A_139 : vector<16xf32>
      %swap3A_141 = arith.constant 112 : index
      %swap3A_142 = tpu.vector_load %arg15[%swap3A_141] {strides = array<i32>} : memref<128xf32, #tpu.memory_space<vmem>>, vector<16xf32>,
      %swap3A_143 = vector.shape_cast %swap3A_142 : vector<16xf32> to vector<16xf32>
      %swap3A_144 = vector.shape_cast %max3A_140 : vector<16xf32> to vector<16xf32>
      tpu.vector_store %arg15[%swap3A_141], %swap3A_144 {strides = array<i32>} : memref<128xf32, #tpu.memory_space<vmem>>, vector<16xf32>,
      "tpu.region"() ({
        %run_scoped3A = tpu.sem_alloc : memref<!tpu.dma_semaphore, #tpu.memory_space<semaphore_mem>>
        %dma_start3A_145 = arith.constant 0 : i32
        %dma_start3A_146 = tpu.memref_slice %arg6[%mul3A_11, %dma_start3A_145] : memref<323584x16xf32, #tpu.memory_space<hbm>> -> memref<128x16xf32, #tpu.memory_space<hbm>>
        %dma_start3A_147 = arith.constant 0 : i32
        %dma_start3A_148 = tpu.memref_slice %arg6[%mul3A_11, %dma_start3A_147] : memref<323584x16xf32, #tpu.memory_space<hbm>> -> memref<128x16xf32, #tpu.memory_space<hbm>>
        tpu.enqueue_dma source(%arg14 : memref<128x16xf32, #tpu.memory_space<vmem>>) target(%dma_start3A_148 : memref<128x16xf32, #tpu.memory_space<hbm>>) target_semaphore(%run_scoped3A : memref<!tpu.dma_semaphore, #tpu.memory_space<semaphore_mem>>)
        %dma_wait3A_149 = arith.constant 0 : i32
        %dma_wait3A_150 = tpu.memref_slice %arg6[%mul3A_11, %dma_wait3A_149] : memref<323584x16xf32, #tpu.memory_space<hbm>> -> memref<128x16xf32, #tpu.memory_space<hbm>>
        %dma_wait3A_151 = arith.constant 0 : i32
        %dma_wait3A_152 = tpu.memref_slice %arg6[%mul3A_11, %dma_wait3A_151] : memref<323584x16xf32, #tpu.memory_space<hbm>> -> memref<128x16xf32, #tpu.memory_space<hbm>>
        tpu.wait_dma2 semaphore(%run_scoped3A : memref<!tpu.dma_semaphore, #tpu.memory_space<semaphore_mem>>) src(%arg14 : memref<128x16xf32, #tpu.memory_space<vmem>>) dst(%dma_wait3A_152 : memref<128x16xf32, #tpu.memory_space<hbm>>)
        tpu.yield
      }) : () -> ()
      "tpu.region"() ({
        %run_scoped3A = tpu.sem_alloc : memref<!tpu.dma_semaphore, #tpu.memory_space<semaphore_mem>>
        %dma_start3A_145 = tpu.memref_slice %arg7[%mul3A_11] : memref<323584xf32, #tpu.memory_space<hbm>> -> memref<128xf32, #tpu.memory_space<hbm>>
        %dma_start3A_146 = tpu.memref_slice %arg7[%mul3A_11] : memref<323584xf32, #tpu.memory_space<hbm>> -> memref<128xf32, #tpu.memory_space<hbm>>
        tpu.enqueue_dma source(%arg15 : memref<128xf32, #tpu.memory_space<vmem>>) target(%dma_start3A_146 : memref<128xf32, #tpu.memory_space<hbm>>) target_semaphore(%run_scoped3A : memref<!tpu.dma_semaphore, #tpu.memory_space<semaphore_mem>>)
        %dma_wait3A_147 = tpu.memref_slice %arg7[%mul3A_11] : memref<323584xf32, #tpu.memory_space<hbm>> -> memref<128xf32, #tpu.memory_space<hbm>>
        %dma_wait3A_148 = tpu.memref_slice %arg7[%mul3A_11] : memref<323584xf32, #tpu.memory_space<hbm>> -> memref<128xf32, #tpu.memory_space<hbm>>
        tpu.wait_dma2 semaphore(%run_scoped3A : memref<!tpu.dma_semaphore, #tpu.memory_space<semaphore_mem>>) src(%arg15 : memref<128xf32, #tpu.memory_space<vmem>>) dst(%dma_wait3A_148 : memref<128xf32, #tpu.memory_space<hbm>>)
        tpu.yield
      }) : () -> ()
    }
    %scan3A_5 = arith.constant 79 : i32
    return
  }
}

#map = affine_map<(d0, d1) -> (0, 0)>
#map1 = affine_map<(d0, d1) -> (0)>
#map2 = affine_map<(d0, d1) -> (0, 0, 0)>
module attributes {stable_mosaic.version = 14 : i64} {
  func.func @body(%arg0: i32, %arg1: i32, %arg2: memref<10000x128xf32, #tpu.memory_space<hbm>>, %arg3: memref<323584xi32, #tpu.memory_space<hbm>>, %arg4: memref<323584xi32, #tpu.memory_space<hbm>>, %arg5: memref<323584x16xf32, #tpu.memory_space<hbm>>, %arg6: memref<10000x128xf32, #tpu.memory_space<hbm>>, %arg7: memref<2x10000x128xf32, #tpu.memory_space<hbm>>, %arg8: memref<128xi32, #tpu.memory_space<vmem>>, %arg9: memref<128xi32, #tpu.memory_space<vmem>>, %arg10: memref<128x16xf32, #tpu.memory_space<vmem>>, %arg11: memref<128x128xf32, #tpu.memory_space<vmem>>, %arg12: memref<10000x128xf32, #tpu.memory_space<vmem_shared>>, %arg13: memref<!tpu.dma_semaphore, #tpu.memory_space<semaphore_mem>>) attributes {dimension_semantics = [#tpu.dimension_semantics<core_parallel>, #tpu.dimension_semantics<subcore_parallel>], iteration_bounds = array<i64: 2, 16>, scalar_prefetch = 0 : i64, scratch_operands = 6 : i64, tpu.core_type = #tpu.core_type<sc_vector_subcore>, window_params = [{transform_indices = #map}, {transform_indices = #map1}, {transform_indices = #map1}, {transform_indices = #map}, {transform_indices = #map}, {transform_indices = #map2}]} {
    %mul3A = arith.constant 16 : i32
    %mul3A_0 = arith.muli %arg0, %mul3A : i32
    %add3A = arith.addi %mul3A_0, %arg1 : i32
    %mul3A_1 = arith.constant 624 : i32
    %mul3A_2 = arith.muli %arg1, %mul3A_1 : i32
    %mul3A_3 = arith.constant 624 : i32
    %mul3A_4 = arith.muli %arg1, %mul3A_3 : i32
    "tpu.region"() ({
      %run_scoped3A = tpu.sem_alloc : memref<!tpu.dma_semaphore, #tpu.memory_space<semaphore_mem>>
      %dma_start3A = arith.constant 0 : i32
      %dma_start3A_22 = tpu.memref_slice %arg12[%mul3A_4, %dma_start3A] : memref<10000x128xf32, #tpu.memory_space<vmem_shared>> -> memref<624x128xf32, #tpu.memory_space<vmem_shared>>
      %dma_start3A_23 = arith.constant 0 : i32
      %dma_start3A_24 = tpu.memref_slice %arg6[%mul3A_2, %dma_start3A_23] : memref<10000x128xf32, #tpu.memory_space<hbm>> -> memref<624x128xf32, #tpu.memory_space<hbm>>
      tpu.enqueue_dma source(%dma_start3A_24 : memref<624x128xf32, #tpu.memory_space<hbm>>) target(%dma_start3A_22 : memref<624x128xf32, #tpu.memory_space<vmem_shared>>) target_semaphore(%run_scoped3A : memref<!tpu.dma_semaphore, #tpu.memory_space<semaphore_mem>>)
      %dma_wait3A = arith.constant 0 : i32
      %dma_wait3A_25 = tpu.memref_slice %arg12[%mul3A_4, %dma_wait3A] : memref<10000x128xf32, #tpu.memory_space<vmem_shared>> -> memref<624x128xf32, #tpu.memory_space<vmem_shared>>
      %dma_wait3A_26 = arith.constant 0 : i32
      %dma_wait3A_27 = tpu.memref_slice %arg6[%mul3A_2, %dma_wait3A_26] : memref<10000x128xf32, #tpu.memory_space<hbm>> -> memref<624x128xf32, #tpu.memory_space<hbm>>
      tpu.wait_dma2 semaphore(%run_scoped3A : memref<!tpu.dma_semaphore, #tpu.memory_space<semaphore_mem>>) src(%dma_wait3A_27 : memref<624x128xf32, #tpu.memory_space<hbm>>) dst(%dma_wait3A_25 : memref<624x128xf32, #tpu.memory_space<vmem_shared>>)
      tpu.yield
    }) : () -> ()
    %eq3A = arith.constant 15 : i32
    %eq3A_5 = arith.cmpi eq, %arg1, %eq3A : i32
    %convert_element_type3A = arith.extui %eq3A_5 : i1 to i32
    %cond3A = arith.constant 0 : i32
    %cond3A_6 = arith.cmpi ne, %convert_element_type3A, %cond3A : i32
    scf.if %cond3A_6 {
      "tpu.region"() ({
        %run_scoped3A = tpu.sem_alloc : memref<!tpu.dma_semaphore, #tpu.memory_space<semaphore_mem>>
        %dma_start3A = arith.constant 9984 : i32
        %dma_start3A_22 = arith.constant 0 : i32
        %dma_start3A_23 = tpu.memref_slice %arg12[%dma_start3A, %dma_start3A_22] : memref<10000x128xf32, #tpu.memory_space<vmem_shared>> -> memref<16x128xf32, #tpu.memory_space<vmem_shared>>
        %dma_start3A_24 = arith.constant 9984 : i32
        %dma_start3A_25 = arith.constant 0 : i32
        %dma_start3A_26 = tpu.memref_slice %arg6[%dma_start3A_24, %dma_start3A_25] : memref<10000x128xf32, #tpu.memory_space<hbm>> -> memref<16x128xf32, #tpu.memory_space<hbm>>
        tpu.enqueue_dma source(%dma_start3A_26 : memref<16x128xf32, #tpu.memory_space<hbm>>) target(%dma_start3A_23 : memref<16x128xf32, #tpu.memory_space<vmem_shared>>) target_semaphore(%run_scoped3A : memref<!tpu.dma_semaphore, #tpu.memory_space<semaphore_mem>>)
        %dma_wait3A = arith.constant 9984 : i32
        %dma_wait3A_27 = arith.constant 0 : i32
        %dma_wait3A_28 = tpu.memref_slice %arg12[%dma_wait3A, %dma_wait3A_27] : memref<10000x128xf32, #tpu.memory_space<vmem_shared>> -> memref<16x128xf32, #tpu.memory_space<vmem_shared>>
        %dma_wait3A_29 = arith.constant 9984 : i32
        %dma_wait3A_30 = arith.constant 0 : i32
        %dma_wait3A_31 = tpu.memref_slice %arg6[%dma_wait3A_29, %dma_wait3A_30] : memref<10000x128xf32, #tpu.memory_space<hbm>> -> memref<16x128xf32, #tpu.memory_space<hbm>>
        tpu.wait_dma2 semaphore(%run_scoped3A : memref<!tpu.dma_semaphore, #tpu.memory_space<semaphore_mem>>) src(%dma_wait3A_31 : memref<16x128xf32, #tpu.memory_space<hbm>>) dst(%dma_wait3A_28 : memref<16x128xf32, #tpu.memory_space<vmem_shared>>)
        tpu.yield
      }) : () -> ()
    } else {
    }
    %barrier3A = arith.constant 0 : index
    tpu.barrier barrier_id(%barrier3A)
    %scan3A = arith.constant 0 : i32
    %scan3A_7 = arith.constant 0 : i32
    %scan3A_8 = arith.constant 79 : i32
    %scan3A_9 = arith.addi %scan3A_7, %scan3A_8 : i32
    %scan3A_10 = arith.constant 1 : i32
    scf.for %scan3A_22 = %scan3A_7 to %scan3A_9 step %scan3A_10  : i32 {
      %mul3A_23 = arith.constant 79 : i32
      %mul3A_24 = arith.muli %add3A, %mul3A_23 : i32
      %add3A_25 = arith.addi %mul3A_24, %scan3A_22 : i32
      %mul3A_26 = arith.constant 128 : i32
      %mul3A_27 = arith.muli %add3A_25, %mul3A_26 : i32
      "tpu.region"() ({
        %run_scoped3A = tpu.sem_alloc : memref<!tpu.dma_semaphore, #tpu.memory_space<semaphore_mem>>
        %dma_start3A_38 = tpu.memref_slice %arg3[%mul3A_27] : memref<323584xi32, #tpu.memory_space<hbm>> -> memref<128xi32, #tpu.memory_space<hbm>>
        %dma_start3A_39 = tpu.memref_slice %arg3[%mul3A_27] : memref<323584xi32, #tpu.memory_space<hbm>> -> memref<128xi32, #tpu.memory_space<hbm>>
        tpu.enqueue_dma source(%dma_start3A_39 : memref<128xi32, #tpu.memory_space<hbm>>) target(%arg8 : memref<128xi32, #tpu.memory_space<vmem>>) target_semaphore(%run_scoped3A : memref<!tpu.dma_semaphore, #tpu.memory_space<semaphore_mem>>)
        %dma_wait3A_40 = tpu.memref_slice %arg3[%mul3A_27] : memref<323584xi32, #tpu.memory_space<hbm>> -> memref<128xi32, #tpu.memory_space<hbm>>
        %dma_wait3A_41 = tpu.memref_slice %arg3[%mul3A_27] : memref<323584xi32, #tpu.memory_space<hbm>> -> memref<128xi32, #tpu.memory_space<hbm>>
        tpu.wait_dma2 semaphore(%run_scoped3A : memref<!tpu.dma_semaphore, #tpu.memory_space<semaphore_mem>>) src(%dma_wait3A_41 : memref<128xi32, #tpu.memory_space<hbm>>) dst(%arg8 : memref<128xi32, #tpu.memory_space<vmem>>)
        tpu.yield
      }) : () -> ()
      "tpu.region"() ({
        %run_scoped3A = tpu.sem_alloc : memref<!tpu.dma_semaphore, #tpu.memory_space<semaphore_mem>>
        %dma_start3A_38 = tpu.memref_slice %arg4[%mul3A_27] : memref<323584xi32, #tpu.memory_space<hbm>> -> memref<128xi32, #tpu.memory_space<hbm>>
        %dma_start3A_39 = tpu.memref_slice %arg4[%mul3A_27] : memref<323584xi32, #tpu.memory_space<hbm>> -> memref<128xi32, #tpu.memory_space<hbm>>
        tpu.enqueue_dma source(%dma_start3A_39 : memref<128xi32, #tpu.memory_space<hbm>>) target(%arg9 : memref<128xi32, #tpu.memory_space<vmem>>) target_semaphore(%run_scoped3A : memref<!tpu.dma_semaphore, #tpu.memory_space<semaphore_mem>>)
        %dma_wait3A_40 = tpu.memref_slice %arg4[%mul3A_27] : memref<323584xi32, #tpu.memory_space<hbm>> -> memref<128xi32, #tpu.memory_space<hbm>>
        %dma_wait3A_41 = tpu.memref_slice %arg4[%mul3A_27] : memref<323584xi32, #tpu.memory_space<hbm>> -> memref<128xi32, #tpu.memory_space<hbm>>
        tpu.wait_dma2 semaphore(%run_scoped3A : memref<!tpu.dma_semaphore, #tpu.memory_space<semaphore_mem>>) src(%dma_wait3A_41 : memref<128xi32, #tpu.memory_space<hbm>>) dst(%arg9 : memref<128xi32, #tpu.memory_space<vmem>>)
        tpu.yield
      }) : () -> ()
      "tpu.region"() ({
        %run_scoped3A = tpu.sem_alloc : memref<!tpu.dma_semaphore, #tpu.memory_space<semaphore_mem>>
        %dma_start3A_38 = arith.constant 0 : i32
        %dma_start3A_39 = tpu.memref_slice %arg5[%mul3A_27, %dma_start3A_38] : memref<323584x16xf32, #tpu.memory_space<hbm>> -> memref<128x16xf32, #tpu.memory_space<hbm>>
        %dma_start3A_40 = arith.constant 0 : i32
        %dma_start3A_41 = tpu.memref_slice %arg5[%mul3A_27, %dma_start3A_40] : memref<323584x16xf32, #tpu.memory_space<hbm>> -> memref<128x16xf32, #tpu.memory_space<hbm>>
        tpu.enqueue_dma source(%dma_start3A_41 : memref<128x16xf32, #tpu.memory_space<hbm>>) target(%arg10 : memref<128x16xf32, #tpu.memory_space<vmem>>) target_semaphore(%run_scoped3A : memref<!tpu.dma_semaphore, #tpu.memory_space<semaphore_mem>>)
        %dma_wait3A_42 = arith.constant 0 : i32
        %dma_wait3A_43 = tpu.memref_slice %arg5[%mul3A_27, %dma_wait3A_42] : memref<323584x16xf32, #tpu.memory_space<hbm>> -> memref<128x16xf32, #tpu.memory_space<hbm>>
        %dma_wait3A_44 = arith.constant 0 : i32
        %dma_wait3A_45 = tpu.memref_slice %arg5[%mul3A_27, %dma_wait3A_44] : memref<323584x16xf32, #tpu.memory_space<hbm>> -> memref<128x16xf32, #tpu.memory_space<hbm>>
        tpu.wait_dma2 semaphore(%run_scoped3A : memref<!tpu.dma_semaphore, #tpu.memory_space<semaphore_mem>>) src(%dma_wait3A_45 : memref<128x16xf32, #tpu.memory_space<hbm>>) dst(%arg10 : memref<128x16xf32, #tpu.memory_space<vmem>>)
        tpu.yield
      }) : () -> ()
      %dma_start3A = arith.constant 0 : i32
      %dma_start3A_28 = arith.constant 0 : i32
      %dma_start3A_29 = tpu.memref_slice %arg2[%dma_start3A, %dma_start3A_28] : memref<10000x128xf32, #tpu.memory_space<hbm>> -> memref<10000x128xf32, #tpu.memory_space<hbm>>
      tpu.enqueue_indirect_dma source(%dma_start3A_29 : memref<10000x128xf32, #tpu.memory_space<hbm>>) target(%arg11 : memref<128x128xf32, #tpu.memory_space<vmem>>) offsets(%arg8 : memref<128xi32, #tpu.memory_space<vmem>>) semaphore(%arg13 : memref<!tpu.dma_semaphore, #tpu.memory_space<semaphore_mem>>)
      %dma_wait3A = arith.constant 0 : i32
      %dma_wait3A_30 = arith.constant 0 : i32
      %dma_wait3A_31 = tpu.memref_slice %arg2[%dma_wait3A, %dma_wait3A_30] : memref<10000x128xf32, #tpu.memory_space<hbm>> -> memref<10000x128xf32, #tpu.memory_space<hbm>>
      tpu.wait_indirect_dma semaphore(%arg13 : memref<!tpu.dma_semaphore, #tpu.memory_space<semaphore_mem>>) src(%dma_wait3A_31 : memref<10000x128xf32, #tpu.memory_space<hbm>>) dst(%arg11 : memref<128x128xf32, #tpu.memory_space<vmem>>)
      %scan3A_32 = arith.constant 0 : i32
      %scan3A_33 = arith.constant 0 : i32
      %scan3A_34 = arith.constant 128 : i32
      %scan3A_35 = arith.addi %scan3A_33, %scan3A_34 : i32
      %scan3A_36 = arith.constant 1 : i32
      scf.for %scan3A_38 = %scan3A_33 to %scan3A_35 step %scan3A_36  : i32 {
        %get3A = arith.index_cast %scan3A_38 : i32 to index
        %get3A_39 = arith.constant 0 : index
        %get3A_40 = tpu.vector_load %arg10[%get3A, %get3A_39] {strides = array<i32>} : memref<128x16xf32, #tpu.memory_space<vmem>>, vector<1x16xf32>,
        %get3A_41 = vector.shape_cast %get3A_40 : vector<1x16xf32> to vector<16xf32>
        %get3A_42 = arith.index_cast %scan3A_38 : i32 to index
        %get3A_43 = arith.constant 0 : index
        %get3A_44 = tpu.vector_load %arg11[%get3A_42, %get3A_43] {strides = array<i32>} : memref<128x128xf32, #tpu.memory_space<vmem>>, vector<1x16xf32>,
        %get3A_45 = vector.shape_cast %get3A_44 : vector<1x16xf32> to vector<16xf32>
        %mul3A_46 = arith.mulf %get3A_45, %get3A_41 : vector<16xf32>
        %swap3A = arith.index_cast %scan3A_38 : i32 to index
        %swap3A_47 = arith.constant 0 : index
        %swap3A_48 = tpu.vector_load %arg11[%swap3A, %swap3A_47] {strides = array<i32>} : memref<128x128xf32, #tpu.memory_space<vmem>>, vector<1x16xf32>,
        %swap3A_49 = vector.shape_cast %swap3A_48 : vector<1x16xf32> to vector<16xf32>
        %swap3A_50 = vector.shape_cast %mul3A_46 : vector<16xf32> to vector<1x16xf32>
        tpu.vector_store %arg11[%swap3A, %swap3A_47], %swap3A_50 {strides = array<i32>} : memref<128x128xf32, #tpu.memory_space<vmem>>, vector<1x16xf32>,
        %get3A_51 = arith.index_cast %scan3A_38 : i32 to index
        %get3A_52 = arith.constant 16 : index
        %get3A_53 = tpu.vector_load %arg11[%get3A_51, %get3A_52] {strides = array<i32>} : memref<128x128xf32, #tpu.memory_space<vmem>>, vector<1x16xf32>,
        %get3A_54 = vector.shape_cast %get3A_53 : vector<1x16xf32> to vector<16xf32>
        %mul3A_55 = arith.mulf %get3A_54, %get3A_41 : vector<16xf32>
        %swap3A_56 = arith.index_cast %scan3A_38 : i32 to index
        %swap3A_57 = arith.constant 16 : index
        %swap3A_58 = tpu.vector_load %arg11[%swap3A_56, %swap3A_57] {strides = array<i32>} : memref<128x128xf32, #tpu.memory_space<vmem>>, vector<1x16xf32>,
        %swap3A_59 = vector.shape_cast %swap3A_58 : vector<1x16xf32> to vector<16xf32>
        %swap3A_60 = vector.shape_cast %mul3A_55 : vector<16xf32> to vector<1x16xf32>
        tpu.vector_store %arg11[%swap3A_56, %swap3A_57], %swap3A_60 {strides = array<i32>} : memref<128x128xf32, #tpu.memory_space<vmem>>, vector<1x16xf32>,
        %get3A_61 = arith.index_cast %scan3A_38 : i32 to index
        %get3A_62 = arith.constant 32 : index
        %get3A_63 = tpu.vector_load %arg11[%get3A_61, %get3A_62] {strides = array<i32>} : memref<128x128xf32, #tpu.memory_space<vmem>>, vector<1x16xf32>,
        %get3A_64 = vector.shape_cast %get3A_63 : vector<1x16xf32> to vector<16xf32>
        %mul3A_65 = arith.mulf %get3A_64, %get3A_41 : vector<16xf32>
        %swap3A_66 = arith.index_cast %scan3A_38 : i32 to index
        %swap3A_67 = arith.constant 32 : index
        %swap3A_68 = tpu.vector_load %arg11[%swap3A_66, %swap3A_67] {strides = array<i32>} : memref<128x128xf32, #tpu.memory_space<vmem>>, vector<1x16xf32>,
        %swap3A_69 = vector.shape_cast %swap3A_68 : vector<1x16xf32> to vector<16xf32>
        %swap3A_70 = vector.shape_cast %mul3A_65 : vector<16xf32> to vector<1x16xf32>
        tpu.vector_store %arg11[%swap3A_66, %swap3A_67], %swap3A_70 {strides = array<i32>} : memref<128x128xf32, #tpu.memory_space<vmem>>, vector<1x16xf32>,
        %get3A_71 = arith.index_cast %scan3A_38 : i32 to index
        %get3A_72 = arith.constant 48 : index
        %get3A_73 = tpu.vector_load %arg11[%get3A_71, %get3A_72] {strides = array<i32>} : memref<128x128xf32, #tpu.memory_space<vmem>>, vector<1x16xf32>,
        %get3A_74 = vector.shape_cast %get3A_73 : vector<1x16xf32> to vector<16xf32>
        %mul3A_75 = arith.mulf %get3A_74, %get3A_41 : vector<16xf32>
        %swap3A_76 = arith.index_cast %scan3A_38 : i32 to index
        %swap3A_77 = arith.constant 48 : index
        %swap3A_78 = tpu.vector_load %arg11[%swap3A_76, %swap3A_77] {strides = array<i32>} : memref<128x128xf32, #tpu.memory_space<vmem>>, vector<1x16xf32>,
        %swap3A_79 = vector.shape_cast %swap3A_78 : vector<1x16xf32> to vector<16xf32>
        %swap3A_80 = vector.shape_cast %mul3A_75 : vector<16xf32> to vector<1x16xf32>
        tpu.vector_store %arg11[%swap3A_76, %swap3A_77], %swap3A_80 {strides = array<i32>} : memref<128x128xf32, #tpu.memory_space<vmem>>, vector<1x16xf32>,
        %get3A_81 = arith.index_cast %scan3A_38 : i32 to index
        %get3A_82 = arith.constant 64 : index
        %get3A_83 = tpu.vector_load %arg11[%get3A_81, %get3A_82] {strides = array<i32>} : memref<128x128xf32, #tpu.memory_space<vmem>>, vector<1x16xf32>,
        %get3A_84 = vector.shape_cast %get3A_83 : vector<1x16xf32> to vector<16xf32>
        %mul3A_85 = arith.mulf %get3A_84, %get3A_41 : vector<16xf32>
        %swap3A_86 = arith.index_cast %scan3A_38 : i32 to index
        %swap3A_87 = arith.constant 64 : index
        %swap3A_88 = tpu.vector_load %arg11[%swap3A_86, %swap3A_87] {strides = array<i32>} : memref<128x128xf32, #tpu.memory_space<vmem>>, vector<1x16xf32>,
        %swap3A_89 = vector.shape_cast %swap3A_88 : vector<1x16xf32> to vector<16xf32>
        %swap3A_90 = vector.shape_cast %mul3A_85 : vector<16xf32> to vector<1x16xf32>
        tpu.vector_store %arg11[%swap3A_86, %swap3A_87], %swap3A_90 {strides = array<i32>} : memref<128x128xf32, #tpu.memory_space<vmem>>, vector<1x16xf32>,
        %get3A_91 = arith.index_cast %scan3A_38 : i32 to index
        %get3A_92 = arith.constant 80 : index
        %get3A_93 = tpu.vector_load %arg11[%get3A_91, %get3A_92] {strides = array<i32>} : memref<128x128xf32, #tpu.memory_space<vmem>>, vector<1x16xf32>,
        %get3A_94 = vector.shape_cast %get3A_93 : vector<1x16xf32> to vector<16xf32>
        %mul3A_95 = arith.mulf %get3A_94, %get3A_41 : vector<16xf32>
        %swap3A_96 = arith.index_cast %scan3A_38 : i32 to index
        %swap3A_97 = arith.constant 80 : index
        %swap3A_98 = tpu.vector_load %arg11[%swap3A_96, %swap3A_97] {strides = array<i32>} : memref<128x128xf32, #tpu.memory_space<vmem>>, vector<1x16xf32>,
        %swap3A_99 = vector.shape_cast %swap3A_98 : vector<1x16xf32> to vector<16xf32>
        %swap3A_100 = vector.shape_cast %mul3A_95 : vector<16xf32> to vector<1x16xf32>
        tpu.vector_store %arg11[%swap3A_96, %swap3A_97], %swap3A_100 {strides = array<i32>} : memref<128x128xf32, #tpu.memory_space<vmem>>, vector<1x16xf32>,
        %get3A_101 = arith.index_cast %scan3A_38 : i32 to index
        %get3A_102 = arith.constant 96 : index
        %get3A_103 = tpu.vector_load %arg11[%get3A_101, %get3A_102] {strides = array<i32>} : memref<128x128xf32, #tpu.memory_space<vmem>>, vector<1x16xf32>,
        %get3A_104 = vector.shape_cast %get3A_103 : vector<1x16xf32> to vector<16xf32>
        %mul3A_105 = arith.mulf %get3A_104, %get3A_41 : vector<16xf32>
        %swap3A_106 = arith.index_cast %scan3A_38 : i32 to index
        %swap3A_107 = arith.constant 96 : index
        %swap3A_108 = tpu.vector_load %arg11[%swap3A_106, %swap3A_107] {strides = array<i32>} : memref<128x128xf32, #tpu.memory_space<vmem>>, vector<1x16xf32>,
        %swap3A_109 = vector.shape_cast %swap3A_108 : vector<1x16xf32> to vector<16xf32>
        %swap3A_110 = vector.shape_cast %mul3A_105 : vector<16xf32> to vector<1x16xf32>
        tpu.vector_store %arg11[%swap3A_106, %swap3A_107], %swap3A_110 {strides = array<i32>} : memref<128x128xf32, #tpu.memory_space<vmem>>, vector<1x16xf32>,
        %get3A_111 = arith.index_cast %scan3A_38 : i32 to index
        %get3A_112 = arith.constant 112 : index
        %get3A_113 = tpu.vector_load %arg11[%get3A_111, %get3A_112] {strides = array<i32>} : memref<128x128xf32, #tpu.memory_space<vmem>>, vector<1x16xf32>,
        %get3A_114 = vector.shape_cast %get3A_113 : vector<1x16xf32> to vector<16xf32>
        %mul3A_115 = arith.mulf %get3A_114, %get3A_41 : vector<16xf32>
        %swap3A_116 = arith.index_cast %scan3A_38 : i32 to index
        %swap3A_117 = arith.constant 112 : index
        %swap3A_118 = tpu.vector_load %arg11[%swap3A_116, %swap3A_117] {strides = array<i32>} : memref<128x128xf32, #tpu.memory_space<vmem>>, vector<1x16xf32>,
        %swap3A_119 = vector.shape_cast %swap3A_118 : vector<1x16xf32> to vector<16xf32>
        %swap3A_120 = vector.shape_cast %mul3A_115 : vector<16xf32> to vector<1x16xf32>
        tpu.vector_store %arg11[%swap3A_116, %swap3A_117], %swap3A_120 {strides = array<i32>} : memref<128x128xf32, #tpu.memory_space<vmem>>, vector<1x16xf32>,
      }
      %scan3A_37 = arith.constant 128 : i32
      "tpu.region"() ({
        %run_scoped3A = tpu.sem_alloc : memref<!tpu.dma_semaphore, #tpu.memory_space<semaphore_mem>>
        %dma_start3A_38 = arith.constant 0 : i32
        %dma_start3A_39 = arith.constant 0 : i32
        %dma_start3A_40 = tpu.memref_slice %arg12[%dma_start3A_38, %dma_start3A_39] : memref<10000x128xf32, #tpu.memory_space<vmem_shared>> -> memref<10000x128xf32, #tpu.memory_space<vmem_shared>>
        tpu.enqueue_indirect_dma source(%arg11 : memref<128x128xf32, #tpu.memory_space<vmem>>) target(%dma_start3A_40 : memref<10000x128xf32, #tpu.memory_space<vmem_shared>>) offsets(%arg9 : memref<128xi32, #tpu.memory_space<vmem>>) semaphore(%run_scoped3A : memref<!tpu.dma_semaphore, #tpu.memory_space<semaphore_mem>>) {add = true}
        %dma_wait3A_41 = arith.constant 0 : i32
        %dma_wait3A_42 = arith.constant 0 : i32
        %dma_wait3A_43 = tpu.memref_slice %arg12[%dma_wait3A_41, %dma_wait3A_42] : memref<10000x128xf32, #tpu.memory_space<vmem_shared>> -> memref<10000x128xf32, #tpu.memory_space<vmem_shared>>
        tpu.wait_indirect_dma semaphore(%run_scoped3A : memref<!tpu.dma_semaphore, #tpu.memory_space<semaphore_mem>>) src(%arg11 : memref<128x128xf32, #tpu.memory_space<vmem>>) dst(%dma_wait3A_43 : memref<10000x128xf32, #tpu.memory_space<vmem_shared>>)
        tpu.yield
      }) : () -> ()
    }
    %scan3A_11 = arith.constant 79 : i32
    %barrier3A_12 = arith.constant 0 : index
    tpu.barrier barrier_id(%barrier3A_12)
    %mul3A_13 = arith.constant 624 : i32
    %mul3A_14 = arith.muli %arg1, %mul3A_13 : i32
    %mul3A_15 = arith.constant 624 : i32
    %mul3A_16 = arith.muli %arg1, %mul3A_15 : i32
    "tpu.region"() ({
      %run_scoped3A = tpu.sem_alloc : memref<!tpu.dma_semaphore, #tpu.memory_space<semaphore_mem>>
      %dma_start3A = arith.constant 0 : i32
      %dma_start3A_22 = tpu.memref_slice %arg7[%arg0, %mul3A_16, %dma_start3A] : memref<2x10000x128xf32, #tpu.memory_space<hbm>> -> memref<1x624x128xf32, #tpu.memory_space<hbm>>
      %dma_start3A_23 = tpu.memref_squeeze %dma_start3A_22 : memref<1x624x128xf32, #tpu.memory_space<hbm>> -> memref<624x128xf32, #tpu.memory_space<hbm>>
      %dma_start3A_24 = arith.constant 0 : i32
      %dma_start3A_25 = tpu.memref_slice %arg12[%mul3A_14, %dma_start3A_24] : memref<10000x128xf32, #tpu.memory_space<vmem_shared>> -> memref<624x128xf32, #tpu.memory_space<vmem_shared>>
      tpu.enqueue_dma source(%dma_start3A_25 : memref<624x128xf32, #tpu.memory_space<vmem_shared>>) target(%dma_start3A_23 : memref<624x128xf32, #tpu.memory_space<hbm>>) target_semaphore(%run_scoped3A : memref<!tpu.dma_semaphore, #tpu.memory_space<semaphore_mem>>)
      %dma_wait3A = arith.constant 0 : i32
      %dma_wait3A_26 = tpu.memref_slice %arg7[%arg0, %mul3A_16, %dma_wait3A] : memref<2x10000x128xf32, #tpu.memory_space<hbm>> -> memref<1x624x128xf32, #tpu.memory_space<hbm>>
      %dma_wait3A_27 = tpu.memref_squeeze %dma_wait3A_26 : memref<1x624x128xf32, #tpu.memory_space<hbm>> -> memref<624x128xf32, #tpu.memory_space<hbm>>
      %dma_wait3A_28 = arith.constant 0 : i32
      %dma_wait3A_29 = tpu.memref_slice %arg12[%mul3A_14, %dma_wait3A_28] : memref<10000x128xf32, #tpu.memory_space<vmem_shared>> -> memref<624x128xf32, #tpu.memory_space<vmem_shared>>
      tpu.wait_dma2 semaphore(%run_scoped3A : memref<!tpu.dma_semaphore, #tpu.memory_space<semaphore_mem>>) src(%dma_wait3A_29 : memref<624x128xf32, #tpu.memory_space<vmem_shared>>) dst(%dma_wait3A_27 : memref<624x128xf32, #tpu.memory_space<hbm>>)
      tpu.yield
    }) : () -> ()
    %eq3A_17 = arith.constant 15 : i32
    %eq3A_18 = arith.cmpi eq, %arg1, %eq3A_17 : i32
    %convert_element_type3A_19 = arith.extui %eq3A_18 : i1 to i32
    %cond3A_20 = arith.constant 0 : i32
    %cond3A_21 = arith.cmpi ne, %convert_element_type3A_19, %cond3A_20 : i32
    scf.if %cond3A_21 {
      "tpu.region"() ({
        %run_scoped3A = tpu.sem_alloc : memref<!tpu.dma_semaphore, #tpu.memory_space<semaphore_mem>>
        %dma_start3A = arith.constant 9984 : i32
        %dma_start3A_22 = arith.constant 0 : i32
        %dma_start3A_23 = tpu.memref_slice %arg7[%arg0, %dma_start3A, %dma_start3A_22] : memref<2x10000x128xf32, #tpu.memory_space<hbm>> -> memref<1x16x128xf32, #tpu.memory_space<hbm>>
        %dma_start3A_24 = tpu.memref_squeeze %dma_start3A_23 : memref<1x16x128xf32, #tpu.memory_space<hbm>> -> memref<16x128xf32, #tpu.memory_space<hbm>>
        %dma_start3A_25 = arith.constant 9984 : i32
        %dma_start3A_26 = arith.constant 0 : i32
        %dma_start3A_27 = tpu.memref_slice %arg12[%dma_start3A_25, %dma_start3A_26] : memref<10000x128xf32, #tpu.memory_space<vmem_shared>> -> memref<16x128xf32, #tpu.memory_space<vmem_shared>>
        tpu.enqueue_dma source(%dma_start3A_27 : memref<16x128xf32, #tpu.memory_space<vmem_shared>>) target(%dma_start3A_24 : memref<16x128xf32, #tpu.memory_space<hbm>>) target_semaphore(%run_scoped3A : memref<!tpu.dma_semaphore, #tpu.memory_space<semaphore_mem>>)
        %dma_wait3A = arith.constant 9984 : i32
        %dma_wait3A_28 = arith.constant 0 : i32
        %dma_wait3A_29 = tpu.memref_slice %arg7[%arg0, %dma_wait3A, %dma_wait3A_28] : memref<2x10000x128xf32, #tpu.memory_space<hbm>> -> memref<1x16x128xf32, #tpu.memory_space<hbm>>
        %dma_wait3A_30 = tpu.memref_squeeze %dma_wait3A_29 : memref<1x16x128xf32, #tpu.memory_space<hbm>> -> memref<16x128xf32, #tpu.memory_space<hbm>>
        %dma_wait3A_31 = arith.constant 9984 : i32
        %dma_wait3A_32 = arith.constant 0 : i32
        %dma_wait3A_33 = tpu.memref_slice %arg12[%dma_wait3A_31, %dma_wait3A_32] : memref<10000x128xf32, #tpu.memory_space<vmem_shared>> -> memref<16x128xf32, #tpu.memory_space<vmem_shared>>
        tpu.wait_dma2 semaphore(%run_scoped3A : memref<!tpu.dma_semaphore, #tpu.memory_space<semaphore_mem>>) src(%dma_wait3A_33 : memref<16x128xf32, #tpu.memory_space<vmem_shared>>) dst(%dma_wait3A_30 : memref<16x128xf32, #tpu.memory_space<hbm>>)
        tpu.yield
      }) : () -> ()
    } else {
    }
    return
  }
}

#map = affine_map<(d0, d1) -> (0, 0)>
#map1 = affine_map<(d0, d1) -> (0)>
#map2 = affine_map<(d0, d1) -> (0, 0, 0)>
module attributes {stable_mosaic.version = 14 : i64} {
  func.func @body(%arg0: i32, %arg1: i32, %arg2: memref<10000x128xf32, #tpu.memory_space<hbm>>, %arg3: memref<323584xi32, #tpu.memory_space<hbm>>, %arg4: memref<323584xi32, #tpu.memory_space<hbm>>, %arg5: memref<323584x16xf32, #tpu.memory_space<hbm>>, %arg6: memref<10000x128xf32, #tpu.memory_space<hbm>>, %arg7: memref<2x10000x128xf32, #tpu.memory_space<hbm>>, %arg8: memref<128xi32, #tpu.memory_space<vmem>>, %arg9: memref<128xi32, #tpu.memory_space<vmem>>, %arg10: memref<128x16xf32, #tpu.memory_space<vmem>>, %arg11: memref<128x128xf32, #tpu.memory_space<vmem>>, %arg12: memref<10000x128xf32, #tpu.memory_space<vmem_shared>>, %arg13: memref<!tpu.dma_semaphore, #tpu.memory_space<semaphore_mem>>) attributes {dimension_semantics = [#tpu.dimension_semantics<core_parallel>, #tpu.dimension_semantics<subcore_parallel>], iteration_bounds = array<i64: 2, 16>, scalar_prefetch = 0 : i64, scratch_operands = 6 : i64, tpu.core_type = #tpu.core_type<sc_vector_subcore>, window_params = [{transform_indices = #map}, {transform_indices = #map1}, {transform_indices = #map1}, {transform_indices = #map}, {transform_indices = #map}, {transform_indices = #map2}]} {
    %mul3A = arith.constant 16 : i32
    %mul3A_0 = arith.muli %arg0, %mul3A : i32
    %add3A = arith.addi %mul3A_0, %arg1 : i32
    %mul3A_1 = arith.constant 624 : i32
    %mul3A_2 = arith.muli %arg1, %mul3A_1 : i32
    %mul3A_3 = arith.constant 624 : i32
    %mul3A_4 = arith.muli %arg1, %mul3A_3 : i32
    "tpu.region"() ({
      %run_scoped3A = tpu.sem_alloc : memref<!tpu.dma_semaphore, #tpu.memory_space<semaphore_mem>>
      %dma_start3A = arith.constant 0 : i32
      %dma_start3A_22 = tpu.memref_slice %arg12[%mul3A_4, %dma_start3A] : memref<10000x128xf32, #tpu.memory_space<vmem_shared>> -> memref<624x128xf32, #tpu.memory_space<vmem_shared>>
      %dma_start3A_23 = arith.constant 0 : i32
      %dma_start3A_24 = tpu.memref_slice %arg6[%mul3A_2, %dma_start3A_23] : memref<10000x128xf32, #tpu.memory_space<hbm>> -> memref<624x128xf32, #tpu.memory_space<hbm>>
      tpu.enqueue_dma source(%dma_start3A_24 : memref<624x128xf32, #tpu.memory_space<hbm>>) target(%dma_start3A_22 : memref<624x128xf32, #tpu.memory_space<vmem_shared>>) target_semaphore(%run_scoped3A : memref<!tpu.dma_semaphore, #tpu.memory_space<semaphore_mem>>)
      %dma_wait3A = arith.constant 0 : i32
      %dma_wait3A_25 = tpu.memref_slice %arg12[%mul3A_4, %dma_wait3A] : memref<10000x128xf32, #tpu.memory_space<vmem_shared>> -> memref<624x128xf32, #tpu.memory_space<vmem_shared>>
      %dma_wait3A_26 = arith.constant 0 : i32
      %dma_wait3A_27 = tpu.memref_slice %arg6[%mul3A_2, %dma_wait3A_26] : memref<10000x128xf32, #tpu.memory_space<hbm>> -> memref<624x128xf32, #tpu.memory_space<hbm>>
      tpu.wait_dma2 semaphore(%run_scoped3A : memref<!tpu.dma_semaphore, #tpu.memory_space<semaphore_mem>>) src(%dma_wait3A_27 : memref<624x128xf32, #tpu.memory_space<hbm>>) dst(%dma_wait3A_25 : memref<624x128xf32, #tpu.memory_space<vmem_shared>>)
      tpu.yield
    }) : () -> ()
    %eq3A = arith.constant 15 : i32
    %eq3A_5 = arith.cmpi eq, %arg1, %eq3A : i32
    %convert_element_type3A = arith.extui %eq3A_5 : i1 to i32
    %cond3A = arith.constant 0 : i32
    %cond3A_6 = arith.cmpi ne, %convert_element_type3A, %cond3A : i32
    scf.if %cond3A_6 {
      "tpu.region"() ({
        %run_scoped3A = tpu.sem_alloc : memref<!tpu.dma_semaphore, #tpu.memory_space<semaphore_mem>>
        %dma_start3A = arith.constant 9984 : i32
        %dma_start3A_22 = arith.constant 0 : i32
        %dma_start3A_23 = tpu.memref_slice %arg12[%dma_start3A, %dma_start3A_22] : memref<10000x128xf32, #tpu.memory_space<vmem_shared>> -> memref<16x128xf32, #tpu.memory_space<vmem_shared>>
        %dma_start3A_24 = arith.constant 9984 : i32
        %dma_start3A_25 = arith.constant 0 : i32
        %dma_start3A_26 = tpu.memref_slice %arg6[%dma_start3A_24, %dma_start3A_25] : memref<10000x128xf32, #tpu.memory_space<hbm>> -> memref<16x128xf32, #tpu.memory_space<hbm>>
        tpu.enqueue_dma source(%dma_start3A_26 : memref<16x128xf32, #tpu.memory_space<hbm>>) target(%dma_start3A_23 : memref<16x128xf32, #tpu.memory_space<vmem_shared>>) target_semaphore(%run_scoped3A : memref<!tpu.dma_semaphore, #tpu.memory_space<semaphore_mem>>)
        %dma_wait3A = arith.constant 9984 : i32
        %dma_wait3A_27 = arith.constant 0 : i32
        %dma_wait3A_28 = tpu.memref_slice %arg12[%dma_wait3A, %dma_wait3A_27] : memref<10000x128xf32, #tpu.memory_space<vmem_shared>> -> memref<16x128xf32, #tpu.memory_space<vmem_shared>>
        %dma_wait3A_29 = arith.constant 9984 : i32
        %dma_wait3A_30 = arith.constant 0 : i32
        %dma_wait3A_31 = tpu.memref_slice %arg6[%dma_wait3A_29, %dma_wait3A_30] : memref<10000x128xf32, #tpu.memory_space<hbm>> -> memref<16x128xf32, #tpu.memory_space<hbm>>
        tpu.wait_dma2 semaphore(%run_scoped3A : memref<!tpu.dma_semaphore, #tpu.memory_space<semaphore_mem>>) src(%dma_wait3A_31 : memref<16x128xf32, #tpu.memory_space<hbm>>) dst(%dma_wait3A_28 : memref<16x128xf32, #tpu.memory_space<vmem_shared>>)
        tpu.yield
      }) : () -> ()
    } else {
    }
    %barrier3A = arith.constant 0 : index
    tpu.barrier barrier_id(%barrier3A)
    %scan3A = arith.constant 0 : i32
    %scan3A_7 = arith.constant 0 : i32
    %scan3A_8 = arith.constant 79 : i32
    %scan3A_9 = arith.addi %scan3A_7, %scan3A_8 : i32
    %scan3A_10 = arith.constant 1 : i32
    scf.for %scan3A_22 = %scan3A_7 to %scan3A_9 step %scan3A_10  : i32 {
      %mul3A_23 = arith.constant 79 : i32
      %mul3A_24 = arith.muli %add3A, %mul3A_23 : i32
      %add3A_25 = arith.addi %mul3A_24, %scan3A_22 : i32
      %mul3A_26 = arith.constant 128 : i32
      %mul3A_27 = arith.muli %add3A_25, %mul3A_26 : i32
      "tpu.region"() ({
        %run_scoped3A = tpu.sem_alloc : memref<!tpu.dma_semaphore, #tpu.memory_space<semaphore_mem>>
        %dma_start3A_38 = tpu.memref_slice %arg3[%mul3A_27] : memref<323584xi32, #tpu.memory_space<hbm>> -> memref<128xi32, #tpu.memory_space<hbm>>
        %dma_start3A_39 = tpu.memref_slice %arg3[%mul3A_27] : memref<323584xi32, #tpu.memory_space<hbm>> -> memref<128xi32, #tpu.memory_space<hbm>>
        tpu.enqueue_dma source(%dma_start3A_39 : memref<128xi32, #tpu.memory_space<hbm>>) target(%arg8 : memref<128xi32, #tpu.memory_space<vmem>>) target_semaphore(%run_scoped3A : memref<!tpu.dma_semaphore, #tpu.memory_space<semaphore_mem>>)
        %dma_wait3A_40 = tpu.memref_slice %arg3[%mul3A_27] : memref<323584xi32, #tpu.memory_space<hbm>> -> memref<128xi32, #tpu.memory_space<hbm>>
        %dma_wait3A_41 = tpu.memref_slice %arg3[%mul3A_27] : memref<323584xi32, #tpu.memory_space<hbm>> -> memref<128xi32, #tpu.memory_space<hbm>>
        tpu.wait_dma2 semaphore(%run_scoped3A : memref<!tpu.dma_semaphore, #tpu.memory_space<semaphore_mem>>) src(%dma_wait3A_41 : memref<128xi32, #tpu.memory_space<hbm>>) dst(%arg8 : memref<128xi32, #tpu.memory_space<vmem>>)
        tpu.yield
      }) : () -> ()
      "tpu.region"() ({
        %run_scoped3A = tpu.sem_alloc : memref<!tpu.dma_semaphore, #tpu.memory_space<semaphore_mem>>
        %dma_start3A_38 = tpu.memref_slice %arg4[%mul3A_27] : memref<323584xi32, #tpu.memory_space<hbm>> -> memref<128xi32, #tpu.memory_space<hbm>>
        %dma_start3A_39 = tpu.memref_slice %arg4[%mul3A_27] : memref<323584xi32, #tpu.memory_space<hbm>> -> memref<128xi32, #tpu.memory_space<hbm>>
        tpu.enqueue_dma source(%dma_start3A_39 : memref<128xi32, #tpu.memory_space<hbm>>) target(%arg9 : memref<128xi32, #tpu.memory_space<vmem>>) target_semaphore(%run_scoped3A : memref<!tpu.dma_semaphore, #tpu.memory_space<semaphore_mem>>)
        %dma_wait3A_40 = tpu.memref_slice %arg4[%mul3A_27] : memref<323584xi32, #tpu.memory_space<hbm>> -> memref<128xi32, #tpu.memory_space<hbm>>
        %dma_wait3A_41 = tpu.memref_slice %arg4[%mul3A_27] : memref<323584xi32, #tpu.memory_space<hbm>> -> memref<128xi32, #tpu.memory_space<hbm>>
        tpu.wait_dma2 semaphore(%run_scoped3A : memref<!tpu.dma_semaphore, #tpu.memory_space<semaphore_mem>>) src(%dma_wait3A_41 : memref<128xi32, #tpu.memory_space<hbm>>) dst(%arg9 : memref<128xi32, #tpu.memory_space<vmem>>)
        tpu.yield
      }) : () -> ()
      "tpu.region"() ({
        %run_scoped3A = tpu.sem_alloc : memref<!tpu.dma_semaphore, #tpu.memory_space<semaphore_mem>>
        %dma_start3A_38 = arith.constant 0 : i32
        %dma_start3A_39 = tpu.memref_slice %arg5[%mul3A_27, %dma_start3A_38] : memref<323584x16xf32, #tpu.memory_space<hbm>> -> memref<128x16xf32, #tpu.memory_space<hbm>>
        %dma_start3A_40 = arith.constant 0 : i32
        %dma_start3A_41 = tpu.memref_slice %arg5[%mul3A_27, %dma_start3A_40] : memref<323584x16xf32, #tpu.memory_space<hbm>> -> memref<128x16xf32, #tpu.memory_space<hbm>>
        tpu.enqueue_dma source(%dma_start3A_41 : memref<128x16xf32, #tpu.memory_space<hbm>>) target(%arg10 : memref<128x16xf32, #tpu.memory_space<vmem>>) target_semaphore(%run_scoped3A : memref<!tpu.dma_semaphore, #tpu.memory_space<semaphore_mem>>)
        %dma_wait3A_42 = arith.constant 0 : i32
        %dma_wait3A_43 = tpu.memref_slice %arg5[%mul3A_27, %dma_wait3A_42] : memref<323584x16xf32, #tpu.memory_space<hbm>> -> memref<128x16xf32, #tpu.memory_space<hbm>>
        %dma_wait3A_44 = arith.constant 0 : i32
        %dma_wait3A_45 = tpu.memref_slice %arg5[%mul3A_27, %dma_wait3A_44] : memref<323584x16xf32, #tpu.memory_space<hbm>> -> memref<128x16xf32, #tpu.memory_space<hbm>>
        tpu.wait_dma2 semaphore(%run_scoped3A : memref<!tpu.dma_semaphore, #tpu.memory_space<semaphore_mem>>) src(%dma_wait3A_45 : memref<128x16xf32, #tpu.memory_space<hbm>>) dst(%arg10 : memref<128x16xf32, #tpu.memory_space<vmem>>)
        tpu.yield
      }) : () -> ()
      %dma_start3A = arith.constant 0 : i32
      %dma_start3A_28 = arith.constant 0 : i32
      %dma_start3A_29 = tpu.memref_slice %arg2[%dma_start3A, %dma_start3A_28] : memref<10000x128xf32, #tpu.memory_space<hbm>> -> memref<10000x128xf32, #tpu.memory_space<hbm>>
      tpu.enqueue_indirect_dma source(%dma_start3A_29 : memref<10000x128xf32, #tpu.memory_space<hbm>>) target(%arg11 : memref<128x128xf32, #tpu.memory_space<vmem>>) offsets(%arg8 : memref<128xi32, #tpu.memory_space<vmem>>) semaphore(%arg13 : memref<!tpu.dma_semaphore, #tpu.memory_space<semaphore_mem>>)
      %dma_wait3A = arith.constant 0 : i32
      %dma_wait3A_30 = arith.constant 0 : i32
      %dma_wait3A_31 = tpu.memref_slice %arg2[%dma_wait3A, %dma_wait3A_30] : memref<10000x128xf32, #tpu.memory_space<hbm>> -> memref<10000x128xf32, #tpu.memory_space<hbm>>
      tpu.wait_indirect_dma semaphore(%arg13 : memref<!tpu.dma_semaphore, #tpu.memory_space<semaphore_mem>>) src(%dma_wait3A_31 : memref<10000x128xf32, #tpu.memory_space<hbm>>) dst(%arg11 : memref<128x128xf32, #tpu.memory_space<vmem>>)
      %scan3A_32 = arith.constant 0 : i32
      %scan3A_33 = arith.constant 0 : i32
      %scan3A_34 = arith.constant 128 : i32
      %scan3A_35 = arith.addi %scan3A_33, %scan3A_34 : i32
      %scan3A_36 = arith.constant 1 : i32
      scf.for %scan3A_38 = %scan3A_33 to %scan3A_35 step %scan3A_36  : i32 {
        %get3A = arith.index_cast %scan3A_38 : i32 to index
        %get3A_39 = arith.constant 0 : index
        %get3A_40 = tpu.vector_load %arg10[%get3A, %get3A_39] {strides = array<i32>} : memref<128x16xf32, #tpu.memory_space<vmem>>, vector<1x16xf32>,
        %get3A_41 = vector.shape_cast %get3A_40 : vector<1x16xf32> to vector<16xf32>
        %get3A_42 = arith.index_cast %scan3A_38 : i32 to index
        %get3A_43 = arith.constant 0 : index
        %get3A_44 = tpu.vector_load %arg11[%get3A_42, %get3A_43] {strides = array<i32>} : memref<128x128xf32, #tpu.memory_space<vmem>>, vector<1x16xf32>,
        %get3A_45 = vector.shape_cast %get3A_44 : vector<1x16xf32> to vector<16xf32>
        %mul3A_46 = arith.mulf %get3A_45, %get3A_41 : vector<16xf32>
        %swap3A = arith.index_cast %scan3A_38 : i32 to index
        %swap3A_47 = arith.constant 0 : index
        %swap3A_48 = tpu.vector_load %arg11[%swap3A, %swap3A_47] {strides = array<i32>} : memref<128x128xf32, #tpu.memory_space<vmem>>, vector<1x16xf32>,
        %swap3A_49 = vector.shape_cast %swap3A_48 : vector<1x16xf32> to vector<16xf32>
        %swap3A_50 = vector.shape_cast %mul3A_46 : vector<16xf32> to vector<1x16xf32>
        tpu.vector_store %arg11[%swap3A, %swap3A_47], %swap3A_50 {strides = array<i32>} : memref<128x128xf32, #tpu.memory_space<vmem>>, vector<1x16xf32>,
        %get3A_51 = arith.index_cast %scan3A_38 : i32 to index
        %get3A_52 = arith.constant 16 : index
        %get3A_53 = tpu.vector_load %arg11[%get3A_51, %get3A_52] {strides = array<i32>} : memref<128x128xf32, #tpu.memory_space<vmem>>, vector<1x16xf32>,
        %get3A_54 = vector.shape_cast %get3A_53 : vector<1x16xf32> to vector<16xf32>
        %mul3A_55 = arith.mulf %get3A_54, %get3A_41 : vector<16xf32>
        %swap3A_56 = arith.index_cast %scan3A_38 : i32 to index
        %swap3A_57 = arith.constant 16 : index
        %swap3A_58 = tpu.vector_load %arg11[%swap3A_56, %swap3A_57] {strides = array<i32>} : memref<128x128xf32, #tpu.memory_space<vmem>>, vector<1x16xf32>,
        %swap3A_59 = vector.shape_cast %swap3A_58 : vector<1x16xf32> to vector<16xf32>
        %swap3A_60 = vector.shape_cast %mul3A_55 : vector<16xf32> to vector<1x16xf32>
        tpu.vector_store %arg11[%swap3A_56, %swap3A_57], %swap3A_60 {strides = array<i32>} : memref<128x128xf32, #tpu.memory_space<vmem>>, vector<1x16xf32>,
        %get3A_61 = arith.index_cast %scan3A_38 : i32 to index
        %get3A_62 = arith.constant 32 : index
        %get3A_63 = tpu.vector_load %arg11[%get3A_61, %get3A_62] {strides = array<i32>} : memref<128x128xf32, #tpu.memory_space<vmem>>, vector<1x16xf32>,
        %get3A_64 = vector.shape_cast %get3A_63 : vector<1x16xf32> to vector<16xf32>
        %mul3A_65 = arith.mulf %get3A_64, %get3A_41 : vector<16xf32>
        %swap3A_66 = arith.index_cast %scan3A_38 : i32 to index
        %swap3A_67 = arith.constant 32 : index
        %swap3A_68 = tpu.vector_load %arg11[%swap3A_66, %swap3A_67] {strides = array<i32>} : memref<128x128xf32, #tpu.memory_space<vmem>>, vector<1x16xf32>,
        %swap3A_69 = vector.shape_cast %swap3A_68 : vector<1x16xf32> to vector<16xf32>
        %swap3A_70 = vector.shape_cast %mul3A_65 : vector<16xf32> to vector<1x16xf32>
        tpu.vector_store %arg11[%swap3A_66, %swap3A_67], %swap3A_70 {strides = array<i32>} : memref<128x128xf32, #tpu.memory_space<vmem>>, vector<1x16xf32>,
        %get3A_71 = arith.index_cast %scan3A_38 : i32 to index
        %get3A_72 = arith.constant 48 : index
        %get3A_73 = tpu.vector_load %arg11[%get3A_71, %get3A_72] {strides = array<i32>} : memref<128x128xf32, #tpu.memory_space<vmem>>, vector<1x16xf32>,
        %get3A_74 = vector.shape_cast %get3A_73 : vector<1x16xf32> to vector<16xf32>
        %mul3A_75 = arith.mulf %get3A_74, %get3A_41 : vector<16xf32>
        %swap3A_76 = arith.index_cast %scan3A_38 : i32 to index
        %swap3A_77 = arith.constant 48 : index
        %swap3A_78 = tpu.vector_load %arg11[%swap3A_76, %swap3A_77] {strides = array<i32>} : memref<128x128xf32, #tpu.memory_space<vmem>>, vector<1x16xf32>,
        %swap3A_79 = vector.shape_cast %swap3A_78 : vector<1x16xf32> to vector<16xf32>
        %swap3A_80 = vector.shape_cast %mul3A_75 : vector<16xf32> to vector<1x16xf32>
        tpu.vector_store %arg11[%swap3A_76, %swap3A_77], %swap3A_80 {strides = array<i32>} : memref<128x128xf32, #tpu.memory_space<vmem>>, vector<1x16xf32>,
        %get3A_81 = arith.index_cast %scan3A_38 : i32 to index
        %get3A_82 = arith.constant 64 : index
        %get3A_83 = tpu.vector_load %arg11[%get3A_81, %get3A_82] {strides = array<i32>} : memref<128x128xf32, #tpu.memory_space<vmem>>, vector<1x16xf32>,
        %get3A_84 = vector.shape_cast %get3A_83 : vector<1x16xf32> to vector<16xf32>
        %mul3A_85 = arith.mulf %get3A_84, %get3A_41 : vector<16xf32>
        %swap3A_86 = arith.index_cast %scan3A_38 : i32 to index
        %swap3A_87 = arith.constant 64 : index
        %swap3A_88 = tpu.vector_load %arg11[%swap3A_86, %swap3A_87] {strides = array<i32>} : memref<128x128xf32, #tpu.memory_space<vmem>>, vector<1x16xf32>,
        %swap3A_89 = vector.shape_cast %swap3A_88 : vector<1x16xf32> to vector<16xf32>
        %swap3A_90 = vector.shape_cast %mul3A_85 : vector<16xf32> to vector<1x16xf32>
        tpu.vector_store %arg11[%swap3A_86, %swap3A_87], %swap3A_90 {strides = array<i32>} : memref<128x128xf32, #tpu.memory_space<vmem>>, vector<1x16xf32>,
        %get3A_91 = arith.index_cast %scan3A_38 : i32 to index
        %get3A_92 = arith.constant 80 : index
        %get3A_93 = tpu.vector_load %arg11[%get3A_91, %get3A_92] {strides = array<i32>} : memref<128x128xf32, #tpu.memory_space<vmem>>, vector<1x16xf32>,
        %get3A_94 = vector.shape_cast %get3A_93 : vector<1x16xf32> to vector<16xf32>
        %mul3A_95 = arith.mulf %get3A_94, %get3A_41 : vector<16xf32>
        %swap3A_96 = arith.index_cast %scan3A_38 : i32 to index
        %swap3A_97 = arith.constant 80 : index
        %swap3A_98 = tpu.vector_load %arg11[%swap3A_96, %swap3A_97] {strides = array<i32>} : memref<128x128xf32, #tpu.memory_space<vmem>>, vector<1x16xf32>,
        %swap3A_99 = vector.shape_cast %swap3A_98 : vector<1x16xf32> to vector<16xf32>
        %swap3A_100 = vector.shape_cast %mul3A_95 : vector<16xf32> to vector<1x16xf32>
        tpu.vector_store %arg11[%swap3A_96, %swap3A_97], %swap3A_100 {strides = array<i32>} : memref<128x128xf32, #tpu.memory_space<vmem>>, vector<1x16xf32>,
        %get3A_101 = arith.index_cast %scan3A_38 : i32 to index
        %get3A_102 = arith.constant 96 : index
        %get3A_103 = tpu.vector_load %arg11[%get3A_101, %get3A_102] {strides = array<i32>} : memref<128x128xf32, #tpu.memory_space<vmem>>, vector<1x16xf32>,
        %get3A_104 = vector.shape_cast %get3A_103 : vector<1x16xf32> to vector<16xf32>
        %mul3A_105 = arith.mulf %get3A_104, %get3A_41 : vector<16xf32>
        %swap3A_106 = arith.index_cast %scan3A_38 : i32 to index
        %swap3A_107 = arith.constant 96 : index
        %swap3A_108 = tpu.vector_load %arg11[%swap3A_106, %swap3A_107] {strides = array<i32>} : memref<128x128xf32, #tpu.memory_space<vmem>>, vector<1x16xf32>,
        %swap3A_109 = vector.shape_cast %swap3A_108 : vector<1x16xf32> to vector<16xf32>
        %swap3A_110 = vector.shape_cast %mul3A_105 : vector<16xf32> to vector<1x16xf32>
        tpu.vector_store %arg11[%swap3A_106, %swap3A_107], %swap3A_110 {strides = array<i32>} : memref<128x128xf32, #tpu.memory_space<vmem>>, vector<1x16xf32>,
        %get3A_111 = arith.index_cast %scan3A_38 : i32 to index
        %get3A_112 = arith.constant 112 : index
        %get3A_113 = tpu.vector_load %arg11[%get3A_111, %get3A_112] {strides = array<i32>} : memref<128x128xf32, #tpu.memory_space<vmem>>, vector<1x16xf32>,
        %get3A_114 = vector.shape_cast %get3A_113 : vector<1x16xf32> to vector<16xf32>
        %mul3A_115 = arith.mulf %get3A_114, %get3A_41 : vector<16xf32>
        %swap3A_116 = arith.index_cast %scan3A_38 : i32 to index
        %swap3A_117 = arith.constant 112 : index
        %swap3A_118 = tpu.vector_load %arg11[%swap3A_116, %swap3A_117] {strides = array<i32>} : memref<128x128xf32, #tpu.memory_space<vmem>>, vector<1x16xf32>,
        %swap3A_119 = vector.shape_cast %swap3A_118 : vector<1x16xf32> to vector<16xf32>
        %swap3A_120 = vector.shape_cast %mul3A_115 : vector<16xf32> to vector<1x16xf32>
        tpu.vector_store %arg11[%swap3A_116, %swap3A_117], %swap3A_120 {strides = array<i32>} : memref<128x128xf32, #tpu.memory_space<vmem>>, vector<1x16xf32>,
      }
      %scan3A_37 = arith.constant 128 : i32
      "tpu.region"() ({
        %run_scoped3A = tpu.sem_alloc : memref<!tpu.dma_semaphore, #tpu.memory_space<semaphore_mem>>
        %dma_start3A_38 = arith.constant 0 : i32
        %dma_start3A_39 = arith.constant 0 : i32
        %dma_start3A_40 = tpu.memref_slice %arg12[%dma_start3A_38, %dma_start3A_39] : memref<10000x128xf32, #tpu.memory_space<vmem_shared>> -> memref<10000x128xf32, #tpu.memory_space<vmem_shared>>
        tpu.enqueue_indirect_dma source(%arg11 : memref<128x128xf32, #tpu.memory_space<vmem>>) target(%dma_start3A_40 : memref<10000x128xf32, #tpu.memory_space<vmem_shared>>) offsets(%arg9 : memref<128xi32, #tpu.memory_space<vmem>>) semaphore(%run_scoped3A : memref<!tpu.dma_semaphore, #tpu.memory_space<semaphore_mem>>) {add = true}
        %dma_wait3A_41 = arith.constant 0 : i32
        %dma_wait3A_42 = arith.constant 0 : i32
        %dma_wait3A_43 = tpu.memref_slice %arg12[%dma_wait3A_41, %dma_wait3A_42] : memref<10000x128xf32, #tpu.memory_space<vmem_shared>> -> memref<10000x128xf32, #tpu.memory_space<vmem_shared>>
        tpu.wait_indirect_dma semaphore(%run_scoped3A : memref<!tpu.dma_semaphore, #tpu.memory_space<semaphore_mem>>) src(%arg11 : memref<128x128xf32, #tpu.memory_space<vmem>>) dst(%dma_wait3A_43 : memref<10000x128xf32, #tpu.memory_space<vmem_shared>>)
        tpu.yield
      }) : () -> ()
    }
    %scan3A_11 = arith.constant 79 : i32
    %barrier3A_12 = arith.constant 0 : index
    tpu.barrier barrier_id(%barrier3A_12)
    %mul3A_13 = arith.constant 624 : i32
    %mul3A_14 = arith.muli %arg1, %mul3A_13 : i32
    %mul3A_15 = arith.constant 624 : i32
    %mul3A_16 = arith.muli %arg1, %mul3A_15 : i32
    "tpu.region"() ({
      %run_scoped3A = tpu.sem_alloc : memref<!tpu.dma_semaphore, #tpu.memory_space<semaphore_mem>>
      %dma_start3A = arith.constant 0 : i32
      %dma_start3A_22 = tpu.memref_slice %arg7[%arg0, %mul3A_16, %dma_start3A] : memref<2x10000x128xf32, #tpu.memory_space<hbm>> -> memref<1x624x128xf32, #tpu.memory_space<hbm>>
      %dma_start3A_23 = tpu.memref_squeeze %dma_start3A_22 : memref<1x624x128xf32, #tpu.memory_space<hbm>> -> memref<624x128xf32, #tpu.memory_space<hbm>>
      %dma_start3A_24 = arith.constant 0 : i32
      %dma_start3A_25 = tpu.memref_slice %arg12[%mul3A_14, %dma_start3A_24] : memref<10000x128xf32, #tpu.memory_space<vmem_shared>> -> memref<624x128xf32, #tpu.memory_space<vmem_shared>>
      tpu.enqueue_dma source(%dma_start3A_25 : memref<624x128xf32, #tpu.memory_space<vmem_shared>>) target(%dma_start3A_23 : memref<624x128xf32, #tpu.memory_space<hbm>>) target_semaphore(%run_scoped3A : memref<!tpu.dma_semaphore, #tpu.memory_space<semaphore_mem>>)
      %dma_wait3A = arith.constant 0 : i32
      %dma_wait3A_26 = tpu.memref_slice %arg7[%arg0, %mul3A_16, %dma_wait3A] : memref<2x10000x128xf32, #tpu.memory_space<hbm>> -> memref<1x624x128xf32, #tpu.memory_space<hbm>>
      %dma_wait3A_27 = tpu.memref_squeeze %dma_wait3A_26 : memref<1x624x128xf32, #tpu.memory_space<hbm>> -> memref<624x128xf32, #tpu.memory_space<hbm>>
      %dma_wait3A_28 = arith.constant 0 : i32
      %dma_wait3A_29 = tpu.memref_slice %arg12[%mul3A_14, %dma_wait3A_28] : memref<10000x128xf32, #tpu.memory_space<vmem_shared>> -> memref<624x128xf32, #tpu.memory_space<vmem_shared>>
      tpu.wait_dma2 semaphore(%run_scoped3A : memref<!tpu.dma_semaphore, #tpu.memory_space<semaphore_mem>>) src(%dma_wait3A_29 : memref<624x128xf32, #tpu.memory_space<vmem_shared>>) dst(%dma_wait3A_27 : memref<624x128xf32, #tpu.memory_space<hbm>>)
      tpu.yield
    }) : () -> ()
    %eq3A_17 = arith.constant 15 : i32
    %eq3A_18 = arith.cmpi eq, %arg1, %eq3A_17 : i32
    %convert_element_type3A_19 = arith.extui %eq3A_18 : i1 to i32
    %cond3A_20 = arith.constant 0 : i32
    %cond3A_21 = arith.cmpi ne, %convert_element_type3A_19, %cond3A_20 : i32
    scf.if %cond3A_21 {
      "tpu.region"() ({
        %run_scoped3A = tpu.sem_alloc : memref<!tpu.dma_semaphore, #tpu.memory_space<semaphore_mem>>
        %dma_start3A = arith.constant 9984 : i32
        %dma_start3A_22 = arith.constant 0 : i32
        %dma_start3A_23 = tpu.memref_slice %arg7[%arg0, %dma_start3A, %dma_start3A_22] : memref<2x10000x128xf32, #tpu.memory_space<hbm>> -> memref<1x16x128xf32, #tpu.memory_space<hbm>>
        %dma_start3A_24 = tpu.memref_squeeze %dma_start3A_23 : memref<1x16x128xf32, #tpu.memory_space<hbm>> -> memref<16x128xf32, #tpu.memory_space<hbm>>
        %dma_start3A_25 = arith.constant 9984 : i32
        %dma_start3A_26 = arith.constant 0 : i32
        %dma_start3A_27 = tpu.memref_slice %arg12[%dma_start3A_25, %dma_start3A_26] : memref<10000x128xf32, #tpu.memory_space<vmem_shared>> -> memref<16x128xf32, #tpu.memory_space<vmem_shared>>
        tpu.enqueue_dma source(%dma_start3A_27 : memref<16x128xf32, #tpu.memory_space<vmem_shared>>) target(%dma_start3A_24 : memref<16x128xf32, #tpu.memory_space<hbm>>) target_semaphore(%run_scoped3A : memref<!tpu.dma_semaphore, #tpu.memory_space<semaphore_mem>>)
        %dma_wait3A = arith.constant 9984 : i32
        %dma_wait3A_28 = arith.constant 0 : i32
        %dma_wait3A_29 = tpu.memref_slice %arg7[%arg0, %dma_wait3A, %dma_wait3A_28] : memref<2x10000x128xf32, #tpu.memory_space<hbm>> -> memref<1x16x128xf32, #tpu.memory_space<hbm>>
        %dma_wait3A_30 = tpu.memref_squeeze %dma_wait3A_29 : memref<1x16x128xf32, #tpu.memory_space<hbm>> -> memref<16x128xf32, #tpu.memory_space<hbm>>
        %dma_wait3A_31 = arith.constant 9984 : i32
        %dma_wait3A_32 = arith.constant 0 : i32
        %dma_wait3A_33 = tpu.memref_slice %arg12[%dma_wait3A_31, %dma_wait3A_32] : memref<10000x128xf32, #tpu.memory_space<vmem_shared>> -> memref<16x128xf32, #tpu.memory_space<vmem_shared>>
        tpu.wait_dma2 semaphore(%run_scoped3A : memref<!tpu.dma_semaphore, #tpu.memory_space<semaphore_mem>>) src(%dma_wait3A_33 : memref<16x128xf32, #tpu.memory_space<vmem_shared>>) dst(%dma_wait3A_30 : memref<16x128xf32, #tpu.memory_space<hbm>>)
        tpu.yield
      }) : () -> ()
    } else {
    }
    return
  }
}

#map = affine_map<(d0, d1) -> (0, 0)>
#map1 = affine_map<(d0, d1) -> (0)>
#map2 = affine_map<(d0, d1) -> (0, 0, 0)>
module attributes {stable_mosaic.version = 14 : i64} {
  func.func @body(%arg0: i32, %arg1: i32, %arg2: memref<10000x128xf32, #tpu.memory_space<hbm>>, %arg3: memref<323584xi32, #tpu.memory_space<hbm>>, %arg4: memref<323584xi32, #tpu.memory_space<hbm>>, %arg5: memref<323584x16xf32, #tpu.memory_space<hbm>>, %arg6: memref<10000x128xf32, #tpu.memory_space<hbm>>, %arg7: memref<2x10000x128xf32, #tpu.memory_space<hbm>>, %arg8: memref<128xi32, #tpu.memory_space<vmem>>, %arg9: memref<128xi32, #tpu.memory_space<vmem>>, %arg10: memref<128x16xf32, #tpu.memory_space<vmem>>, %arg11: memref<128x128xf32, #tpu.memory_space<vmem>>, %arg12: memref<10000x128xf32, #tpu.memory_space<vmem_shared>>, %arg13: memref<!tpu.dma_semaphore, #tpu.memory_space<semaphore_mem>>) attributes {dimension_semantics = [#tpu.dimension_semantics<core_parallel>, #tpu.dimension_semantics<subcore_parallel>], iteration_bounds = array<i64: 2, 16>, scalar_prefetch = 0 : i64, scratch_operands = 6 : i64, tpu.core_type = #tpu.core_type<sc_vector_subcore>, window_params = [{transform_indices = #map}, {transform_indices = #map1}, {transform_indices = #map1}, {transform_indices = #map}, {transform_indices = #map}, {transform_indices = #map2}]} {
    %mul3A = arith.constant 16 : i32
    %mul3A_0 = arith.muli %arg0, %mul3A : i32
    %add3A = arith.addi %mul3A_0, %arg1 : i32
    %mul3A_1 = arith.constant 624 : i32
    %mul3A_2 = arith.muli %arg1, %mul3A_1 : i32
    %mul3A_3 = arith.constant 624 : i32
    %mul3A_4 = arith.muli %arg1, %mul3A_3 : i32
    "tpu.region"() ({
      %run_scoped3A = tpu.sem_alloc : memref<!tpu.dma_semaphore, #tpu.memory_space<semaphore_mem>>
      %dma_start3A = arith.constant 0 : i32
      %dma_start3A_22 = tpu.memref_slice %arg12[%mul3A_4, %dma_start3A] : memref<10000x128xf32, #tpu.memory_space<vmem_shared>> -> memref<624x128xf32, #tpu.memory_space<vmem_shared>>
      %dma_start3A_23 = arith.constant 0 : i32
      %dma_start3A_24 = tpu.memref_slice %arg6[%mul3A_2, %dma_start3A_23] : memref<10000x128xf32, #tpu.memory_space<hbm>> -> memref<624x128xf32, #tpu.memory_space<hbm>>
      tpu.enqueue_dma source(%dma_start3A_24 : memref<624x128xf32, #tpu.memory_space<hbm>>) target(%dma_start3A_22 : memref<624x128xf32, #tpu.memory_space<vmem_shared>>) target_semaphore(%run_scoped3A : memref<!tpu.dma_semaphore, #tpu.memory_space<semaphore_mem>>)
      %dma_wait3A = arith.constant 0 : i32
      %dma_wait3A_25 = tpu.memref_slice %arg12[%mul3A_4, %dma_wait3A] : memref<10000x128xf32, #tpu.memory_space<vmem_shared>> -> memref<624x128xf32, #tpu.memory_space<vmem_shared>>
      %dma_wait3A_26 = arith.constant 0 : i32
      %dma_wait3A_27 = tpu.memref_slice %arg6[%mul3A_2, %dma_wait3A_26] : memref<10000x128xf32, #tpu.memory_space<hbm>> -> memref<624x128xf32, #tpu.memory_space<hbm>>
      tpu.wait_dma2 semaphore(%run_scoped3A : memref<!tpu.dma_semaphore, #tpu.memory_space<semaphore_mem>>) src(%dma_wait3A_27 : memref<624x128xf32, #tpu.memory_space<hbm>>) dst(%dma_wait3A_25 : memref<624x128xf32, #tpu.memory_space<vmem_shared>>)
      tpu.yield
    }) : () -> ()
    %eq3A = arith.constant 15 : i32
    %eq3A_5 = arith.cmpi eq, %arg1, %eq3A : i32
    %convert_element_type3A = arith.extui %eq3A_5 : i1 to i32
    %cond3A = arith.constant 0 : i32
    %cond3A_6 = arith.cmpi ne, %convert_element_type3A, %cond3A : i32
    scf.if %cond3A_6 {
      "tpu.region"() ({
        %run_scoped3A = tpu.sem_alloc : memref<!tpu.dma_semaphore, #tpu.memory_space<semaphore_mem>>
        %dma_start3A = arith.constant 9984 : i32
        %dma_start3A_22 = arith.constant 0 : i32
        %dma_start3A_23 = tpu.memref_slice %arg12[%dma_start3A, %dma_start3A_22] : memref<10000x128xf32, #tpu.memory_space<vmem_shared>> -> memref<16x128xf32, #tpu.memory_space<vmem_shared>>
        %dma_start3A_24 = arith.constant 9984 : i32
        %dma_start3A_25 = arith.constant 0 : i32
        %dma_start3A_26 = tpu.memref_slice %arg6[%dma_start3A_24, %dma_start3A_25] : memref<10000x128xf32, #tpu.memory_space<hbm>> -> memref<16x128xf32, #tpu.memory_space<hbm>>
        tpu.enqueue_dma source(%dma_start3A_26 : memref<16x128xf32, #tpu.memory_space<hbm>>) target(%dma_start3A_23 : memref<16x128xf32, #tpu.memory_space<vmem_shared>>) target_semaphore(%run_scoped3A : memref<!tpu.dma_semaphore, #tpu.memory_space<semaphore_mem>>)
        %dma_wait3A = arith.constant 9984 : i32
        %dma_wait3A_27 = arith.constant 0 : i32
        %dma_wait3A_28 = tpu.memref_slice %arg12[%dma_wait3A, %dma_wait3A_27] : memref<10000x128xf32, #tpu.memory_space<vmem_shared>> -> memref<16x128xf32, #tpu.memory_space<vmem_shared>>
        %dma_wait3A_29 = arith.constant 9984 : i32
        %dma_wait3A_30 = arith.constant 0 : i32
        %dma_wait3A_31 = tpu.memref_slice %arg6[%dma_wait3A_29, %dma_wait3A_30] : memref<10000x128xf32, #tpu.memory_space<hbm>> -> memref<16x128xf32, #tpu.memory_space<hbm>>
        tpu.wait_dma2 semaphore(%run_scoped3A : memref<!tpu.dma_semaphore, #tpu.memory_space<semaphore_mem>>) src(%dma_wait3A_31 : memref<16x128xf32, #tpu.memory_space<hbm>>) dst(%dma_wait3A_28 : memref<16x128xf32, #tpu.memory_space<vmem_shared>>)
        tpu.yield
      }) : () -> ()
    } else {
    }
    %barrier3A = arith.constant 0 : index
    tpu.barrier barrier_id(%barrier3A)
    %scan3A = arith.constant 0 : i32
    %scan3A_7 = arith.constant 0 : i32
    %scan3A_8 = arith.constant 79 : i32
    %scan3A_9 = arith.addi %scan3A_7, %scan3A_8 : i32
    %scan3A_10 = arith.constant 1 : i32
    scf.for %scan3A_22 = %scan3A_7 to %scan3A_9 step %scan3A_10  : i32 {
      %mul3A_23 = arith.constant 79 : i32
      %mul3A_24 = arith.muli %add3A, %mul3A_23 : i32
      %add3A_25 = arith.addi %mul3A_24, %scan3A_22 : i32
      %mul3A_26 = arith.constant 128 : i32
      %mul3A_27 = arith.muli %add3A_25, %mul3A_26 : i32
      "tpu.region"() ({
        %run_scoped3A = tpu.sem_alloc : memref<!tpu.dma_semaphore, #tpu.memory_space<semaphore_mem>>
        %dma_start3A_38 = tpu.memref_slice %arg3[%mul3A_27] : memref<323584xi32, #tpu.memory_space<hbm>> -> memref<128xi32, #tpu.memory_space<hbm>>
        %dma_start3A_39 = tpu.memref_slice %arg3[%mul3A_27] : memref<323584xi32, #tpu.memory_space<hbm>> -> memref<128xi32, #tpu.memory_space<hbm>>
        tpu.enqueue_dma source(%dma_start3A_39 : memref<128xi32, #tpu.memory_space<hbm>>) target(%arg8 : memref<128xi32, #tpu.memory_space<vmem>>) target_semaphore(%run_scoped3A : memref<!tpu.dma_semaphore, #tpu.memory_space<semaphore_mem>>)
        %dma_wait3A_40 = tpu.memref_slice %arg3[%mul3A_27] : memref<323584xi32, #tpu.memory_space<hbm>> -> memref<128xi32, #tpu.memory_space<hbm>>
        %dma_wait3A_41 = tpu.memref_slice %arg3[%mul3A_27] : memref<323584xi32, #tpu.memory_space<hbm>> -> memref<128xi32, #tpu.memory_space<hbm>>
        tpu.wait_dma2 semaphore(%run_scoped3A : memref<!tpu.dma_semaphore, #tpu.memory_space<semaphore_mem>>) src(%dma_wait3A_41 : memref<128xi32, #tpu.memory_space<hbm>>) dst(%arg8 : memref<128xi32, #tpu.memory_space<vmem>>)
        tpu.yield
      }) : () -> ()
      "tpu.region"() ({
        %run_scoped3A = tpu.sem_alloc : memref<!tpu.dma_semaphore, #tpu.memory_space<semaphore_mem>>
        %dma_start3A_38 = tpu.memref_slice %arg4[%mul3A_27] : memref<323584xi32, #tpu.memory_space<hbm>> -> memref<128xi32, #tpu.memory_space<hbm>>
        %dma_start3A_39 = tpu.memref_slice %arg4[%mul3A_27] : memref<323584xi32, #tpu.memory_space<hbm>> -> memref<128xi32, #tpu.memory_space<hbm>>
        tpu.enqueue_dma source(%dma_start3A_39 : memref<128xi32, #tpu.memory_space<hbm>>) target(%arg9 : memref<128xi32, #tpu.memory_space<vmem>>) target_semaphore(%run_scoped3A : memref<!tpu.dma_semaphore, #tpu.memory_space<semaphore_mem>>)
        %dma_wait3A_40 = tpu.memref_slice %arg4[%mul3A_27] : memref<323584xi32, #tpu.memory_space<hbm>> -> memref<128xi32, #tpu.memory_space<hbm>>
        %dma_wait3A_41 = tpu.memref_slice %arg4[%mul3A_27] : memref<323584xi32, #tpu.memory_space<hbm>> -> memref<128xi32, #tpu.memory_space<hbm>>
        tpu.wait_dma2 semaphore(%run_scoped3A : memref<!tpu.dma_semaphore, #tpu.memory_space<semaphore_mem>>) src(%dma_wait3A_41 : memref<128xi32, #tpu.memory_space<hbm>>) dst(%arg9 : memref<128xi32, #tpu.memory_space<vmem>>)
        tpu.yield
      }) : () -> ()
      "tpu.region"() ({
        %run_scoped3A = tpu.sem_alloc : memref<!tpu.dma_semaphore, #tpu.memory_space<semaphore_mem>>
        %dma_start3A_38 = arith.constant 0 : i32
        %dma_start3A_39 = tpu.memref_slice %arg5[%mul3A_27, %dma_start3A_38] : memref<323584x16xf32, #tpu.memory_space<hbm>> -> memref<128x16xf32, #tpu.memory_space<hbm>>
        %dma_start3A_40 = arith.constant 0 : i32
        %dma_start3A_41 = tpu.memref_slice %arg5[%mul3A_27, %dma_start3A_40] : memref<323584x16xf32, #tpu.memory_space<hbm>> -> memref<128x16xf32, #tpu.memory_space<hbm>>
        tpu.enqueue_dma source(%dma_start3A_41 : memref<128x16xf32, #tpu.memory_space<hbm>>) target(%arg10 : memref<128x16xf32, #tpu.memory_space<vmem>>) target_semaphore(%run_scoped3A : memref<!tpu.dma_semaphore, #tpu.memory_space<semaphore_mem>>)
        %dma_wait3A_42 = arith.constant 0 : i32
        %dma_wait3A_43 = tpu.memref_slice %arg5[%mul3A_27, %dma_wait3A_42] : memref<323584x16xf32, #tpu.memory_space<hbm>> -> memref<128x16xf32, #tpu.memory_space<hbm>>
        %dma_wait3A_44 = arith.constant 0 : i32
        %dma_wait3A_45 = tpu.memref_slice %arg5[%mul3A_27, %dma_wait3A_44] : memref<323584x16xf32, #tpu.memory_space<hbm>> -> memref<128x16xf32, #tpu.memory_space<hbm>>
        tpu.wait_dma2 semaphore(%run_scoped3A : memref<!tpu.dma_semaphore, #tpu.memory_space<semaphore_mem>>) src(%dma_wait3A_45 : memref<128x16xf32, #tpu.memory_space<hbm>>) dst(%arg10 : memref<128x16xf32, #tpu.memory_space<vmem>>)
        tpu.yield
      }) : () -> ()
      %dma_start3A = arith.constant 0 : i32
      %dma_start3A_28 = arith.constant 0 : i32
      %dma_start3A_29 = tpu.memref_slice %arg2[%dma_start3A, %dma_start3A_28] : memref<10000x128xf32, #tpu.memory_space<hbm>> -> memref<10000x128xf32, #tpu.memory_space<hbm>>
      tpu.enqueue_indirect_dma source(%dma_start3A_29 : memref<10000x128xf32, #tpu.memory_space<hbm>>) target(%arg11 : memref<128x128xf32, #tpu.memory_space<vmem>>) offsets(%arg8 : memref<128xi32, #tpu.memory_space<vmem>>) semaphore(%arg13 : memref<!tpu.dma_semaphore, #tpu.memory_space<semaphore_mem>>)
      %dma_wait3A = arith.constant 0 : i32
      %dma_wait3A_30 = arith.constant 0 : i32
      %dma_wait3A_31 = tpu.memref_slice %arg2[%dma_wait3A, %dma_wait3A_30] : memref<10000x128xf32, #tpu.memory_space<hbm>> -> memref<10000x128xf32, #tpu.memory_space<hbm>>
      tpu.wait_indirect_dma semaphore(%arg13 : memref<!tpu.dma_semaphore, #tpu.memory_space<semaphore_mem>>) src(%dma_wait3A_31 : memref<10000x128xf32, #tpu.memory_space<hbm>>) dst(%arg11 : memref<128x128xf32, #tpu.memory_space<vmem>>)
      %scan3A_32 = arith.constant 0 : i32
      %scan3A_33 = arith.constant 0 : i32
      %scan3A_34 = arith.constant 128 : i32
      %scan3A_35 = arith.addi %scan3A_33, %scan3A_34 : i32
      %scan3A_36 = arith.constant 1 : i32
      scf.for %scan3A_38 = %scan3A_33 to %scan3A_35 step %scan3A_36  : i32 {
        %get3A = arith.index_cast %scan3A_38 : i32 to index
        %get3A_39 = arith.constant 0 : index
        %get3A_40 = tpu.vector_load %arg10[%get3A, %get3A_39] {strides = array<i32>} : memref<128x16xf32, #tpu.memory_space<vmem>>, vector<1x16xf32>,
        %get3A_41 = vector.shape_cast %get3A_40 : vector<1x16xf32> to vector<16xf32>
        %get3A_42 = arith.index_cast %scan3A_38 : i32 to index
        %get3A_43 = arith.constant 0 : index
        %get3A_44 = tpu.vector_load %arg11[%get3A_42, %get3A_43] {strides = array<i32>} : memref<128x128xf32, #tpu.memory_space<vmem>>, vector<1x16xf32>,
        %get3A_45 = vector.shape_cast %get3A_44 : vector<1x16xf32> to vector<16xf32>
        %mul3A_46 = arith.mulf %get3A_45, %get3A_41 : vector<16xf32>
        %swap3A = arith.index_cast %scan3A_38 : i32 to index
        %swap3A_47 = arith.constant 0 : index
        %swap3A_48 = tpu.vector_load %arg11[%swap3A, %swap3A_47] {strides = array<i32>} : memref<128x128xf32, #tpu.memory_space<vmem>>, vector<1x16xf32>,
        %swap3A_49 = vector.shape_cast %swap3A_48 : vector<1x16xf32> to vector<16xf32>
        %swap3A_50 = vector.shape_cast %mul3A_46 : vector<16xf32> to vector<1x16xf32>
        tpu.vector_store %arg11[%swap3A, %swap3A_47], %swap3A_50 {strides = array<i32>} : memref<128x128xf32, #tpu.memory_space<vmem>>, vector<1x16xf32>,
        %get3A_51 = arith.index_cast %scan3A_38 : i32 to index
        %get3A_52 = arith.constant 16 : index
        %get3A_53 = tpu.vector_load %arg11[%get3A_51, %get3A_52] {strides = array<i32>} : memref<128x128xf32, #tpu.memory_space<vmem>>, vector<1x16xf32>,
        %get3A_54 = vector.shape_cast %get3A_53 : vector<1x16xf32> to vector<16xf32>
        %mul3A_55 = arith.mulf %get3A_54, %get3A_41 : vector<16xf32>
        %swap3A_56 = arith.index_cast %scan3A_38 : i32 to index
        %swap3A_57 = arith.constant 16 : index
        %swap3A_58 = tpu.vector_load %arg11[%swap3A_56, %swap3A_57] {strides = array<i32>} : memref<128x128xf32, #tpu.memory_space<vmem>>, vector<1x16xf32>,
        %swap3A_59 = vector.shape_cast %swap3A_58 : vector<1x16xf32> to vector<16xf32>
        %swap3A_60 = vector.shape_cast %mul3A_55 : vector<16xf32> to vector<1x16xf32>
        tpu.vector_store %arg11[%swap3A_56, %swap3A_57], %swap3A_60 {strides = array<i32>} : memref<128x128xf32, #tpu.memory_space<vmem>>, vector<1x16xf32>,
        %get3A_61 = arith.index_cast %scan3A_38 : i32 to index
        %get3A_62 = arith.constant 32 : index
        %get3A_63 = tpu.vector_load %arg11[%get3A_61, %get3A_62] {strides = array<i32>} : memref<128x128xf32, #tpu.memory_space<vmem>>, vector<1x16xf32>,
        %get3A_64 = vector.shape_cast %get3A_63 : vector<1x16xf32> to vector<16xf32>
        %mul3A_65 = arith.mulf %get3A_64, %get3A_41 : vector<16xf32>
        %swap3A_66 = arith.index_cast %scan3A_38 : i32 to index
        %swap3A_67 = arith.constant 32 : index
        %swap3A_68 = tpu.vector_load %arg11[%swap3A_66, %swap3A_67] {strides = array<i32>} : memref<128x128xf32, #tpu.memory_space<vmem>>, vector<1x16xf32>,
        %swap3A_69 = vector.shape_cast %swap3A_68 : vector<1x16xf32> to vector<16xf32>
        %swap3A_70 = vector.shape_cast %mul3A_65 : vector<16xf32> to vector<1x16xf32>
        tpu.vector_store %arg11[%swap3A_66, %swap3A_67], %swap3A_70 {strides = array<i32>} : memref<128x128xf32, #tpu.memory_space<vmem>>, vector<1x16xf32>,
        %get3A_71 = arith.index_cast %scan3A_38 : i32 to index
        %get3A_72 = arith.constant 48 : index
        %get3A_73 = tpu.vector_load %arg11[%get3A_71, %get3A_72] {strides = array<i32>} : memref<128x128xf32, #tpu.memory_space<vmem>>, vector<1x16xf32>,
        %get3A_74 = vector.shape_cast %get3A_73 : vector<1x16xf32> to vector<16xf32>
        %mul3A_75 = arith.mulf %get3A_74, %get3A_41 : vector<16xf32>
        %swap3A_76 = arith.index_cast %scan3A_38 : i32 to index
        %swap3A_77 = arith.constant 48 : index
        %swap3A_78 = tpu.vector_load %arg11[%swap3A_76, %swap3A_77] {strides = array<i32>} : memref<128x128xf32, #tpu.memory_space<vmem>>, vector<1x16xf32>,
        %swap3A_79 = vector.shape_cast %swap3A_78 : vector<1x16xf32> to vector<16xf32>
        %swap3A_80 = vector.shape_cast %mul3A_75 : vector<16xf32> to vector<1x16xf32>
        tpu.vector_store %arg11[%swap3A_76, %swap3A_77], %swap3A_80 {strides = array<i32>} : memref<128x128xf32, #tpu.memory_space<vmem>>, vector<1x16xf32>,
        %get3A_81 = arith.index_cast %scan3A_38 : i32 to index
        %get3A_82 = arith.constant 64 : index
        %get3A_83 = tpu.vector_load %arg11[%get3A_81, %get3A_82] {strides = array<i32>} : memref<128x128xf32, #tpu.memory_space<vmem>>, vector<1x16xf32>,
        %get3A_84 = vector.shape_cast %get3A_83 : vector<1x16xf32> to vector<16xf32>
        %mul3A_85 = arith.mulf %get3A_84, %get3A_41 : vector<16xf32>
        %swap3A_86 = arith.index_cast %scan3A_38 : i32 to index
        %swap3A_87 = arith.constant 64 : index
        %swap3A_88 = tpu.vector_load %arg11[%swap3A_86, %swap3A_87] {strides = array<i32>} : memref<128x128xf32, #tpu.memory_space<vmem>>, vector<1x16xf32>,
        %swap3A_89 = vector.shape_cast %swap3A_88 : vector<1x16xf32> to vector<16xf32>
        %swap3A_90 = vector.shape_cast %mul3A_85 : vector<16xf32> to vector<1x16xf32>
        tpu.vector_store %arg11[%swap3A_86, %swap3A_87], %swap3A_90 {strides = array<i32>} : memref<128x128xf32, #tpu.memory_space<vmem>>, vector<1x16xf32>,
        %get3A_91 = arith.index_cast %scan3A_38 : i32 to index
        %get3A_92 = arith.constant 80 : index
        %get3A_93 = tpu.vector_load %arg11[%get3A_91, %get3A_92] {strides = array<i32>} : memref<128x128xf32, #tpu.memory_space<vmem>>, vector<1x16xf32>,
        %get3A_94 = vector.shape_cast %get3A_93 : vector<1x16xf32> to vector<16xf32>
        %mul3A_95 = arith.mulf %get3A_94, %get3A_41 : vector<16xf32>
        %swap3A_96 = arith.index_cast %scan3A_38 : i32 to index
        %swap3A_97 = arith.constant 80 : index
        %swap3A_98 = tpu.vector_load %arg11[%swap3A_96, %swap3A_97] {strides = array<i32>} : memref<128x128xf32, #tpu.memory_space<vmem>>, vector<1x16xf32>,
        %swap3A_99 = vector.shape_cast %swap3A_98 : vector<1x16xf32> to vector<16xf32>
        %swap3A_100 = vector.shape_cast %mul3A_95 : vector<16xf32> to vector<1x16xf32>
        tpu.vector_store %arg11[%swap3A_96, %swap3A_97], %swap3A_100 {strides = array<i32>} : memref<128x128xf32, #tpu.memory_space<vmem>>, vector<1x16xf32>,
        %get3A_101 = arith.index_cast %scan3A_38 : i32 to index
        %get3A_102 = arith.constant 96 : index
        %get3A_103 = tpu.vector_load %arg11[%get3A_101, %get3A_102] {strides = array<i32>} : memref<128x128xf32, #tpu.memory_space<vmem>>, vector<1x16xf32>,
        %get3A_104 = vector.shape_cast %get3A_103 : vector<1x16xf32> to vector<16xf32>
        %mul3A_105 = arith.mulf %get3A_104, %get3A_41 : vector<16xf32>
        %swap3A_106 = arith.index_cast %scan3A_38 : i32 to index
        %swap3A_107 = arith.constant 96 : index
        %swap3A_108 = tpu.vector_load %arg11[%swap3A_106, %swap3A_107] {strides = array<i32>} : memref<128x128xf32, #tpu.memory_space<vmem>>, vector<1x16xf32>,
        %swap3A_109 = vector.shape_cast %swap3A_108 : vector<1x16xf32> to vector<16xf32>
        %swap3A_110 = vector.shape_cast %mul3A_105 : vector<16xf32> to vector<1x16xf32>
        tpu.vector_store %arg11[%swap3A_106, %swap3A_107], %swap3A_110 {strides = array<i32>} : memref<128x128xf32, #tpu.memory_space<vmem>>, vector<1x16xf32>,
        %get3A_111 = arith.index_cast %scan3A_38 : i32 to index
        %get3A_112 = arith.constant 112 : index
        %get3A_113 = tpu.vector_load %arg11[%get3A_111, %get3A_112] {strides = array<i32>} : memref<128x128xf32, #tpu.memory_space<vmem>>, vector<1x16xf32>,
        %get3A_114 = vector.shape_cast %get3A_113 : vector<1x16xf32> to vector<16xf32>
        %mul3A_115 = arith.mulf %get3A_114, %get3A_41 : vector<16xf32>
        %swap3A_116 = arith.index_cast %scan3A_38 : i32 to index
        %swap3A_117 = arith.constant 112 : index
        %swap3A_118 = tpu.vector_load %arg11[%swap3A_116, %swap3A_117] {strides = array<i32>} : memref<128x128xf32, #tpu.memory_space<vmem>>, vector<1x16xf32>,
        %swap3A_119 = vector.shape_cast %swap3A_118 : vector<1x16xf32> to vector<16xf32>
        %swap3A_120 = vector.shape_cast %mul3A_115 : vector<16xf32> to vector<1x16xf32>
        tpu.vector_store %arg11[%swap3A_116, %swap3A_117], %swap3A_120 {strides = array<i32>} : memref<128x128xf32, #tpu.memory_space<vmem>>, vector<1x16xf32>,
      }
      %scan3A_37 = arith.constant 128 : i32
      "tpu.region"() ({
        %run_scoped3A = tpu.sem_alloc : memref<!tpu.dma_semaphore, #tpu.memory_space<semaphore_mem>>
        %dma_start3A_38 = arith.constant 0 : i32
        %dma_start3A_39 = arith.constant 0 : i32
        %dma_start3A_40 = tpu.memref_slice %arg12[%dma_start3A_38, %dma_start3A_39] : memref<10000x128xf32, #tpu.memory_space<vmem_shared>> -> memref<10000x128xf32, #tpu.memory_space<vmem_shared>>
        tpu.enqueue_indirect_dma source(%arg11 : memref<128x128xf32, #tpu.memory_space<vmem>>) target(%dma_start3A_40 : memref<10000x128xf32, #tpu.memory_space<vmem_shared>>) offsets(%arg9 : memref<128xi32, #tpu.memory_space<vmem>>) semaphore(%run_scoped3A : memref<!tpu.dma_semaphore, #tpu.memory_space<semaphore_mem>>) {add = true}
        %dma_wait3A_41 = arith.constant 0 : i32
        %dma_wait3A_42 = arith.constant 0 : i32
        %dma_wait3A_43 = tpu.memref_slice %arg12[%dma_wait3A_41, %dma_wait3A_42] : memref<10000x128xf32, #tpu.memory_space<vmem_shared>> -> memref<10000x128xf32, #tpu.memory_space<vmem_shared>>
        tpu.wait_indirect_dma semaphore(%run_scoped3A : memref<!tpu.dma_semaphore, #tpu.memory_space<semaphore_mem>>) src(%arg11 : memref<128x128xf32, #tpu.memory_space<vmem>>) dst(%dma_wait3A_43 : memref<10000x128xf32, #tpu.memory_space<vmem_shared>>)
        tpu.yield
      }) : () -> ()
    }
    %scan3A_11 = arith.constant 79 : i32
    %barrier3A_12 = arith.constant 0 : index
    tpu.barrier barrier_id(%barrier3A_12)
    %mul3A_13 = arith.constant 624 : i32
    %mul3A_14 = arith.muli %arg1, %mul3A_13 : i32
    %mul3A_15 = arith.constant 624 : i32
    %mul3A_16 = arith.muli %arg1, %mul3A_15 : i32
    "tpu.region"() ({
      %run_scoped3A = tpu.sem_alloc : memref<!tpu.dma_semaphore, #tpu.memory_space<semaphore_mem>>
      %dma_start3A = arith.constant 0 : i32
      %dma_start3A_22 = tpu.memref_slice %arg7[%arg0, %mul3A_16, %dma_start3A] : memref<2x10000x128xf32, #tpu.memory_space<hbm>> -> memref<1x624x128xf32, #tpu.memory_space<hbm>>
      %dma_start3A_23 = tpu.memref_squeeze %dma_start3A_22 : memref<1x624x128xf32, #tpu.memory_space<hbm>> -> memref<624x128xf32, #tpu.memory_space<hbm>>
      %dma_start3A_24 = arith.constant 0 : i32
      %dma_start3A_25 = tpu.memref_slice %arg12[%mul3A_14, %dma_start3A_24] : memref<10000x128xf32, #tpu.memory_space<vmem_shared>> -> memref<624x128xf32, #tpu.memory_space<vmem_shared>>
      tpu.enqueue_dma source(%dma_start3A_25 : memref<624x128xf32, #tpu.memory_space<vmem_shared>>) target(%dma_start3A_23 : memref<624x128xf32, #tpu.memory_space<hbm>>) target_semaphore(%run_scoped3A : memref<!tpu.dma_semaphore, #tpu.memory_space<semaphore_mem>>)
      %dma_wait3A = arith.constant 0 : i32
      %dma_wait3A_26 = tpu.memref_slice %arg7[%arg0, %mul3A_16, %dma_wait3A] : memref<2x10000x128xf32, #tpu.memory_space<hbm>> -> memref<1x624x128xf32, #tpu.memory_space<hbm>>
      %dma_wait3A_27 = tpu.memref_squeeze %dma_wait3A_26 : memref<1x624x128xf32, #tpu.memory_space<hbm>> -> memref<624x128xf32, #tpu.memory_space<hbm>>
      %dma_wait3A_28 = arith.constant 0 : i32
      %dma_wait3A_29 = tpu.memref_slice %arg12[%mul3A_14, %dma_wait3A_28] : memref<10000x128xf32, #tpu.memory_space<vmem_shared>> -> memref<624x128xf32, #tpu.memory_space<vmem_shared>>
      tpu.wait_dma2 semaphore(%run_scoped3A : memref<!tpu.dma_semaphore, #tpu.memory_space<semaphore_mem>>) src(%dma_wait3A_29 : memref<624x128xf32, #tpu.memory_space<vmem_shared>>) dst(%dma_wait3A_27 : memref<624x128xf32, #tpu.memory_space<hbm>>)
      tpu.yield
    }) : () -> ()
    %eq3A_17 = arith.constant 15 : i32
    %eq3A_18 = arith.cmpi eq, %arg1, %eq3A_17 : i32
    %convert_element_type3A_19 = arith.extui %eq3A_18 : i1 to i32
    %cond3A_20 = arith.constant 0 : i32
    %cond3A_21 = arith.cmpi ne, %convert_element_type3A_19, %cond3A_20 : i32
    scf.if %cond3A_21 {
      "tpu.region"() ({
        %run_scoped3A = tpu.sem_alloc : memref<!tpu.dma_semaphore, #tpu.memory_space<semaphore_mem>>
        %dma_start3A = arith.constant 9984 : i32
        %dma_start3A_22 = arith.constant 0 : i32
        %dma_start3A_23 = tpu.memref_slice %arg7[%arg0, %dma_start3A, %dma_start3A_22] : memref<2x10000x128xf32, #tpu.memory_space<hbm>> -> memref<1x16x128xf32, #tpu.memory_space<hbm>>
        %dma_start3A_24 = tpu.memref_squeeze %dma_start3A_23 : memref<1x16x128xf32, #tpu.memory_space<hbm>> -> memref<16x128xf32, #tpu.memory_space<hbm>>
        %dma_start3A_25 = arith.constant 9984 : i32
        %dma_start3A_26 = arith.constant 0 : i32
        %dma_start3A_27 = tpu.memref_slice %arg12[%dma_start3A_25, %dma_start3A_26] : memref<10000x128xf32, #tpu.memory_space<vmem_shared>> -> memref<16x128xf32, #tpu.memory_space<vmem_shared>>
        tpu.enqueue_dma source(%dma_start3A_27 : memref<16x128xf32, #tpu.memory_space<vmem_shared>>) target(%dma_start3A_24 : memref<16x128xf32, #tpu.memory_space<hbm>>) target_semaphore(%run_scoped3A : memref<!tpu.dma_semaphore, #tpu.memory_space<semaphore_mem>>)
        %dma_wait3A = arith.constant 9984 : i32
        %dma_wait3A_28 = arith.constant 0 : i32
        %dma_wait3A_29 = tpu.memref_slice %arg7[%arg0, %dma_wait3A, %dma_wait3A_28] : memref<2x10000x128xf32, #tpu.memory_space<hbm>> -> memref<1x16x128xf32, #tpu.memory_space<hbm>>
        %dma_wait3A_30 = tpu.memref_squeeze %dma_wait3A_29 : memref<1x16x128xf32, #tpu.memory_space<hbm>> -> memref<16x128xf32, #tpu.memory_space<hbm>>
        %dma_wait3A_31 = arith.constant 9984 : i32
        %dma_wait3A_32 = arith.constant 0 : i32
        %dma_wait3A_33 = tpu.memref_slice %arg12[%dma_wait3A_31, %dma_wait3A_32] : memref<10000x128xf32, #tpu.memory_space<vmem_shared>> -> memref<16x128xf32, #tpu.memory_space<vmem_shared>>
        tpu.wait_dma2 semaphore(%run_scoped3A : memref<!tpu.dma_semaphore, #tpu.memory_space<semaphore_mem>>) src(%dma_wait3A_33 : memref<16x128xf32, #tpu.memory_space<vmem_shared>>) dst(%dma_wait3A_30 : memref<16x128xf32, #tpu.memory_space<hbm>>)
        tpu.yield
      }) : () -> ()
    } else {
    }
    return
  }
}

#map = affine_map<(d0, d1) -> (0, 0)>
#map1 = affine_map<(d0, d1) -> (0)>
#map2 = affine_map<(d0, d1) -> (0, 0, 0)>
module attributes {stable_mosaic.version = 14 : i64} {
  func.func @body(%arg0: i32, %arg1: i32, %arg2: memref<10000x128xf32, #tpu.memory_space<hbm>>, %arg3: memref<323584xi32, #tpu.memory_space<hbm>>, %arg4: memref<323584xi32, #tpu.memory_space<hbm>>, %arg5: memref<323584x16xf32, #tpu.memory_space<hbm>>, %arg6: memref<10000x128xf32, #tpu.memory_space<hbm>>, %arg7: memref<2x10000x128xf32, #tpu.memory_space<hbm>>, %arg8: memref<128xi32, #tpu.memory_space<vmem>>, %arg9: memref<128xi32, #tpu.memory_space<vmem>>, %arg10: memref<128x16xf32, #tpu.memory_space<vmem>>, %arg11: memref<128x128xf32, #tpu.memory_space<vmem>>, %arg12: memref<10000x128xf32, #tpu.memory_space<vmem_shared>>, %arg13: memref<!tpu.dma_semaphore, #tpu.memory_space<semaphore_mem>>) attributes {dimension_semantics = [#tpu.dimension_semantics<core_parallel>, #tpu.dimension_semantics<subcore_parallel>], iteration_bounds = array<i64: 2, 16>, scalar_prefetch = 0 : i64, scratch_operands = 6 : i64, tpu.core_type = #tpu.core_type<sc_vector_subcore>, window_params = [{transform_indices = #map}, {transform_indices = #map1}, {transform_indices = #map1}, {transform_indices = #map}, {transform_indices = #map}, {transform_indices = #map2}]} {
    %mul3A = arith.constant 16 : i32
    %mul3A_0 = arith.muli %arg0, %mul3A : i32
    %add3A = arith.addi %mul3A_0, %arg1 : i32
    %mul3A_1 = arith.constant 624 : i32
    %mul3A_2 = arith.muli %arg1, %mul3A_1 : i32
    %mul3A_3 = arith.constant 624 : i32
    %mul3A_4 = arith.muli %arg1, %mul3A_3 : i32
    "tpu.region"() ({
      %run_scoped3A = tpu.sem_alloc : memref<!tpu.dma_semaphore, #tpu.memory_space<semaphore_mem>>
      %dma_start3A = arith.constant 0 : i32
      %dma_start3A_22 = tpu.memref_slice %arg12[%mul3A_4, %dma_start3A] : memref<10000x128xf32, #tpu.memory_space<vmem_shared>> -> memref<624x128xf32, #tpu.memory_space<vmem_shared>>
      %dma_start3A_23 = arith.constant 0 : i32
      %dma_start3A_24 = tpu.memref_slice %arg6[%mul3A_2, %dma_start3A_23] : memref<10000x128xf32, #tpu.memory_space<hbm>> -> memref<624x128xf32, #tpu.memory_space<hbm>>
      tpu.enqueue_dma source(%dma_start3A_24 : memref<624x128xf32, #tpu.memory_space<hbm>>) target(%dma_start3A_22 : memref<624x128xf32, #tpu.memory_space<vmem_shared>>) target_semaphore(%run_scoped3A : memref<!tpu.dma_semaphore, #tpu.memory_space<semaphore_mem>>)
      %dma_wait3A = arith.constant 0 : i32
      %dma_wait3A_25 = tpu.memref_slice %arg12[%mul3A_4, %dma_wait3A] : memref<10000x128xf32, #tpu.memory_space<vmem_shared>> -> memref<624x128xf32, #tpu.memory_space<vmem_shared>>
      %dma_wait3A_26 = arith.constant 0 : i32
      %dma_wait3A_27 = tpu.memref_slice %arg6[%mul3A_2, %dma_wait3A_26] : memref<10000x128xf32, #tpu.memory_space<hbm>> -> memref<624x128xf32, #tpu.memory_space<hbm>>
      tpu.wait_dma2 semaphore(%run_scoped3A : memref<!tpu.dma_semaphore, #tpu.memory_space<semaphore_mem>>) src(%dma_wait3A_27 : memref<624x128xf32, #tpu.memory_space<hbm>>) dst(%dma_wait3A_25 : memref<624x128xf32, #tpu.memory_space<vmem_shared>>)
      tpu.yield
    }) : () -> ()
    %eq3A = arith.constant 15 : i32
    %eq3A_5 = arith.cmpi eq, %arg1, %eq3A : i32
    %convert_element_type3A = arith.extui %eq3A_5 : i1 to i32
    %cond3A = arith.constant 0 : i32
    %cond3A_6 = arith.cmpi ne, %convert_element_type3A, %cond3A : i32
    scf.if %cond3A_6 {
      "tpu.region"() ({
        %run_scoped3A = tpu.sem_alloc : memref<!tpu.dma_semaphore, #tpu.memory_space<semaphore_mem>>
        %dma_start3A = arith.constant 9984 : i32
        %dma_start3A_22 = arith.constant 0 : i32
        %dma_start3A_23 = tpu.memref_slice %arg12[%dma_start3A, %dma_start3A_22] : memref<10000x128xf32, #tpu.memory_space<vmem_shared>> -> memref<16x128xf32, #tpu.memory_space<vmem_shared>>
        %dma_start3A_24 = arith.constant 9984 : i32
        %dma_start3A_25 = arith.constant 0 : i32
        %dma_start3A_26 = tpu.memref_slice %arg6[%dma_start3A_24, %dma_start3A_25] : memref<10000x128xf32, #tpu.memory_space<hbm>> -> memref<16x128xf32, #tpu.memory_space<hbm>>
        tpu.enqueue_dma source(%dma_start3A_26 : memref<16x128xf32, #tpu.memory_space<hbm>>) target(%dma_start3A_23 : memref<16x128xf32, #tpu.memory_space<vmem_shared>>) target_semaphore(%run_scoped3A : memref<!tpu.dma_semaphore, #tpu.memory_space<semaphore_mem>>)
        %dma_wait3A = arith.constant 9984 : i32
        %dma_wait3A_27 = arith.constant 0 : i32
        %dma_wait3A_28 = tpu.memref_slice %arg12[%dma_wait3A, %dma_wait3A_27] : memref<10000x128xf32, #tpu.memory_space<vmem_shared>> -> memref<16x128xf32, #tpu.memory_space<vmem_shared>>
        %dma_wait3A_29 = arith.constant 9984 : i32
        %dma_wait3A_30 = arith.constant 0 : i32
        %dma_wait3A_31 = tpu.memref_slice %arg6[%dma_wait3A_29, %dma_wait3A_30] : memref<10000x128xf32, #tpu.memory_space<hbm>> -> memref<16x128xf32, #tpu.memory_space<hbm>>
        tpu.wait_dma2 semaphore(%run_scoped3A : memref<!tpu.dma_semaphore, #tpu.memory_space<semaphore_mem>>) src(%dma_wait3A_31 : memref<16x128xf32, #tpu.memory_space<hbm>>) dst(%dma_wait3A_28 : memref<16x128xf32, #tpu.memory_space<vmem_shared>>)
        tpu.yield
      }) : () -> ()
    } else {
    }
    %barrier3A = arith.constant 0 : index
    tpu.barrier barrier_id(%barrier3A)
    %scan3A = arith.constant 0 : i32
    %scan3A_7 = arith.constant 0 : i32
    %scan3A_8 = arith.constant 79 : i32
    %scan3A_9 = arith.addi %scan3A_7, %scan3A_8 : i32
    %scan3A_10 = arith.constant 1 : i32
    scf.for %scan3A_22 = %scan3A_7 to %scan3A_9 step %scan3A_10  : i32 {
      %mul3A_23 = arith.constant 79 : i32
      %mul3A_24 = arith.muli %add3A, %mul3A_23 : i32
      %add3A_25 = arith.addi %mul3A_24, %scan3A_22 : i32
      %mul3A_26 = arith.constant 128 : i32
      %mul3A_27 = arith.muli %add3A_25, %mul3A_26 : i32
      "tpu.region"() ({
        %run_scoped3A = tpu.sem_alloc : memref<!tpu.dma_semaphore, #tpu.memory_space<semaphore_mem>>
        %dma_start3A_38 = tpu.memref_slice %arg3[%mul3A_27] : memref<323584xi32, #tpu.memory_space<hbm>> -> memref<128xi32, #tpu.memory_space<hbm>>
        %dma_start3A_39 = tpu.memref_slice %arg3[%mul3A_27] : memref<323584xi32, #tpu.memory_space<hbm>> -> memref<128xi32, #tpu.memory_space<hbm>>
        tpu.enqueue_dma source(%dma_start3A_39 : memref<128xi32, #tpu.memory_space<hbm>>) target(%arg8 : memref<128xi32, #tpu.memory_space<vmem>>) target_semaphore(%run_scoped3A : memref<!tpu.dma_semaphore, #tpu.memory_space<semaphore_mem>>)
        %dma_wait3A_40 = tpu.memref_slice %arg3[%mul3A_27] : memref<323584xi32, #tpu.memory_space<hbm>> -> memref<128xi32, #tpu.memory_space<hbm>>
        %dma_wait3A_41 = tpu.memref_slice %arg3[%mul3A_27] : memref<323584xi32, #tpu.memory_space<hbm>> -> memref<128xi32, #tpu.memory_space<hbm>>
        tpu.wait_dma2 semaphore(%run_scoped3A : memref<!tpu.dma_semaphore, #tpu.memory_space<semaphore_mem>>) src(%dma_wait3A_41 : memref<128xi32, #tpu.memory_space<hbm>>) dst(%arg8 : memref<128xi32, #tpu.memory_space<vmem>>)
        tpu.yield
      }) : () -> ()
      "tpu.region"() ({
        %run_scoped3A = tpu.sem_alloc : memref<!tpu.dma_semaphore, #tpu.memory_space<semaphore_mem>>
        %dma_start3A_38 = tpu.memref_slice %arg4[%mul3A_27] : memref<323584xi32, #tpu.memory_space<hbm>> -> memref<128xi32, #tpu.memory_space<hbm>>
        %dma_start3A_39 = tpu.memref_slice %arg4[%mul3A_27] : memref<323584xi32, #tpu.memory_space<hbm>> -> memref<128xi32, #tpu.memory_space<hbm>>
        tpu.enqueue_dma source(%dma_start3A_39 : memref<128xi32, #tpu.memory_space<hbm>>) target(%arg9 : memref<128xi32, #tpu.memory_space<vmem>>) target_semaphore(%run_scoped3A : memref<!tpu.dma_semaphore, #tpu.memory_space<semaphore_mem>>)
        %dma_wait3A_40 = tpu.memref_slice %arg4[%mul3A_27] : memref<323584xi32, #tpu.memory_space<hbm>> -> memref<128xi32, #tpu.memory_space<hbm>>
        %dma_wait3A_41 = tpu.memref_slice %arg4[%mul3A_27] : memref<323584xi32, #tpu.memory_space<hbm>> -> memref<128xi32, #tpu.memory_space<hbm>>
        tpu.wait_dma2 semaphore(%run_scoped3A : memref<!tpu.dma_semaphore, #tpu.memory_space<semaphore_mem>>) src(%dma_wait3A_41 : memref<128xi32, #tpu.memory_space<hbm>>) dst(%arg9 : memref<128xi32, #tpu.memory_space<vmem>>)
        tpu.yield
      }) : () -> ()
      "tpu.region"() ({
        %run_scoped3A = tpu.sem_alloc : memref<!tpu.dma_semaphore, #tpu.memory_space<semaphore_mem>>
        %dma_start3A_38 = arith.constant 0 : i32
        %dma_start3A_39 = tpu.memref_slice %arg5[%mul3A_27, %dma_start3A_38] : memref<323584x16xf32, #tpu.memory_space<hbm>> -> memref<128x16xf32, #tpu.memory_space<hbm>>
        %dma_start3A_40 = arith.constant 0 : i32
        %dma_start3A_41 = tpu.memref_slice %arg5[%mul3A_27, %dma_start3A_40] : memref<323584x16xf32, #tpu.memory_space<hbm>> -> memref<128x16xf32, #tpu.memory_space<hbm>>
        tpu.enqueue_dma source(%dma_start3A_41 : memref<128x16xf32, #tpu.memory_space<hbm>>) target(%arg10 : memref<128x16xf32, #tpu.memory_space<vmem>>) target_semaphore(%run_scoped3A : memref<!tpu.dma_semaphore, #tpu.memory_space<semaphore_mem>>)
        %dma_wait3A_42 = arith.constant 0 : i32
        %dma_wait3A_43 = tpu.memref_slice %arg5[%mul3A_27, %dma_wait3A_42] : memref<323584x16xf32, #tpu.memory_space<hbm>> -> memref<128x16xf32, #tpu.memory_space<hbm>>
        %dma_wait3A_44 = arith.constant 0 : i32
        %dma_wait3A_45 = tpu.memref_slice %arg5[%mul3A_27, %dma_wait3A_44] : memref<323584x16xf32, #tpu.memory_space<hbm>> -> memref<128x16xf32, #tpu.memory_space<hbm>>
        tpu.wait_dma2 semaphore(%run_scoped3A : memref<!tpu.dma_semaphore, #tpu.memory_space<semaphore_mem>>) src(%dma_wait3A_45 : memref<128x16xf32, #tpu.memory_space<hbm>>) dst(%arg10 : memref<128x16xf32, #tpu.memory_space<vmem>>)
        tpu.yield
      }) : () -> ()
      %dma_start3A = arith.constant 0 : i32
      %dma_start3A_28 = arith.constant 0 : i32
      %dma_start3A_29 = tpu.memref_slice %arg2[%dma_start3A, %dma_start3A_28] : memref<10000x128xf32, #tpu.memory_space<hbm>> -> memref<10000x128xf32, #tpu.memory_space<hbm>>
      tpu.enqueue_indirect_dma source(%dma_start3A_29 : memref<10000x128xf32, #tpu.memory_space<hbm>>) target(%arg11 : memref<128x128xf32, #tpu.memory_space<vmem>>) offsets(%arg8 : memref<128xi32, #tpu.memory_space<vmem>>) semaphore(%arg13 : memref<!tpu.dma_semaphore, #tpu.memory_space<semaphore_mem>>)
      %dma_wait3A = arith.constant 0 : i32
      %dma_wait3A_30 = arith.constant 0 : i32
      %dma_wait3A_31 = tpu.memref_slice %arg2[%dma_wait3A, %dma_wait3A_30] : memref<10000x128xf32, #tpu.memory_space<hbm>> -> memref<10000x128xf32, #tpu.memory_space<hbm>>
      tpu.wait_indirect_dma semaphore(%arg13 : memref<!tpu.dma_semaphore, #tpu.memory_space<semaphore_mem>>) src(%dma_wait3A_31 : memref<10000x128xf32, #tpu.memory_space<hbm>>) dst(%arg11 : memref<128x128xf32, #tpu.memory_space<vmem>>)
      %scan3A_32 = arith.constant 0 : i32
      %scan3A_33 = arith.constant 0 : i32
      %scan3A_34 = arith.constant 128 : i32
      %scan3A_35 = arith.addi %scan3A_33, %scan3A_34 : i32
      %scan3A_36 = arith.constant 1 : i32
      scf.for %scan3A_38 = %scan3A_33 to %scan3A_35 step %scan3A_36  : i32 {
        %get3A = arith.index_cast %scan3A_38 : i32 to index
        %get3A_39 = arith.constant 0 : index
        %get3A_40 = tpu.vector_load %arg10[%get3A, %get3A_39] {strides = array<i32>} : memref<128x16xf32, #tpu.memory_space<vmem>>, vector<1x16xf32>,
        %get3A_41 = vector.shape_cast %get3A_40 : vector<1x16xf32> to vector<16xf32>
        %get3A_42 = arith.index_cast %scan3A_38 : i32 to index
        %get3A_43 = arith.constant 0 : index
        %get3A_44 = tpu.vector_load %arg11[%get3A_42, %get3A_43] {strides = array<i32>} : memref<128x128xf32, #tpu.memory_space<vmem>>, vector<1x16xf32>,
        %get3A_45 = vector.shape_cast %get3A_44 : vector<1x16xf32> to vector<16xf32>
        %mul3A_46 = arith.mulf %get3A_45, %get3A_41 : vector<16xf32>
        %swap3A = arith.index_cast %scan3A_38 : i32 to index
        %swap3A_47 = arith.constant 0 : index
        %swap3A_48 = tpu.vector_load %arg11[%swap3A, %swap3A_47] {strides = array<i32>} : memref<128x128xf32, #tpu.memory_space<vmem>>, vector<1x16xf32>,
        %swap3A_49 = vector.shape_cast %swap3A_48 : vector<1x16xf32> to vector<16xf32>
        %swap3A_50 = vector.shape_cast %mul3A_46 : vector<16xf32> to vector<1x16xf32>
        tpu.vector_store %arg11[%swap3A, %swap3A_47], %swap3A_50 {strides = array<i32>} : memref<128x128xf32, #tpu.memory_space<vmem>>, vector<1x16xf32>,
        %get3A_51 = arith.index_cast %scan3A_38 : i32 to index
        %get3A_52 = arith.constant 16 : index
        %get3A_53 = tpu.vector_load %arg11[%get3A_51, %get3A_52] {strides = array<i32>} : memref<128x128xf32, #tpu.memory_space<vmem>>, vector<1x16xf32>,
        %get3A_54 = vector.shape_cast %get3A_53 : vector<1x16xf32> to vector<16xf32>
        %mul3A_55 = arith.mulf %get3A_54, %get3A_41 : vector<16xf32>
        %swap3A_56 = arith.index_cast %scan3A_38 : i32 to index
        %swap3A_57 = arith.constant 16 : index
        %swap3A_58 = tpu.vector_load %arg11[%swap3A_56, %swap3A_57] {strides = array<i32>} : memref<128x128xf32, #tpu.memory_space<vmem>>, vector<1x16xf32>,
        %swap3A_59 = vector.shape_cast %swap3A_58 : vector<1x16xf32> to vector<16xf32>
        %swap3A_60 = vector.shape_cast %mul3A_55 : vector<16xf32> to vector<1x16xf32>
        tpu.vector_store %arg11[%swap3A_56, %swap3A_57], %swap3A_60 {strides = array<i32>} : memref<128x128xf32, #tpu.memory_space<vmem>>, vector<1x16xf32>,
        %get3A_61 = arith.index_cast %scan3A_38 : i32 to index
        %get3A_62 = arith.constant 32 : index
        %get3A_63 = tpu.vector_load %arg11[%get3A_61, %get3A_62] {strides = array<i32>} : memref<128x128xf32, #tpu.memory_space<vmem>>, vector<1x16xf32>,
        %get3A_64 = vector.shape_cast %get3A_63 : vector<1x16xf32> to vector<16xf32>
        %mul3A_65 = arith.mulf %get3A_64, %get3A_41 : vector<16xf32>
        %swap3A_66 = arith.index_cast %scan3A_38 : i32 to index
        %swap3A_67 = arith.constant 32 : index
        %swap3A_68 = tpu.vector_load %arg11[%swap3A_66, %swap3A_67] {strides = array<i32>} : memref<128x128xf32, #tpu.memory_space<vmem>>, vector<1x16xf32>,
        %swap3A_69 = vector.shape_cast %swap3A_68 : vector<1x16xf32> to vector<16xf32>
        %swap3A_70 = vector.shape_cast %mul3A_65 : vector<16xf32> to vector<1x16xf32>
        tpu.vector_store %arg11[%swap3A_66, %swap3A_67], %swap3A_70 {strides = array<i32>} : memref<128x128xf32, #tpu.memory_space<vmem>>, vector<1x16xf32>,
        %get3A_71 = arith.index_cast %scan3A_38 : i32 to index
        %get3A_72 = arith.constant 48 : index
        %get3A_73 = tpu.vector_load %arg11[%get3A_71, %get3A_72] {strides = array<i32>} : memref<128x128xf32, #tpu.memory_space<vmem>>, vector<1x16xf32>,
        %get3A_74 = vector.shape_cast %get3A_73 : vector<1x16xf32> to vector<16xf32>
        %mul3A_75 = arith.mulf %get3A_74, %get3A_41 : vector<16xf32>
        %swap3A_76 = arith.index_cast %scan3A_38 : i32 to index
        %swap3A_77 = arith.constant 48 : index
        %swap3A_78 = tpu.vector_load %arg11[%swap3A_76, %swap3A_77] {strides = array<i32>} : memref<128x128xf32, #tpu.memory_space<vmem>>, vector<1x16xf32>,
        %swap3A_79 = vector.shape_cast %swap3A_78 : vector<1x16xf32> to vector<16xf32>
        %swap3A_80 = vector.shape_cast %mul3A_75 : vector<16xf32> to vector<1x16xf32>
        tpu.vector_store %arg11[%swap3A_76, %swap3A_77], %swap3A_80 {strides = array<i32>} : memref<128x128xf32, #tpu.memory_space<vmem>>, vector<1x16xf32>,
        %get3A_81 = arith.index_cast %scan3A_38 : i32 to index
        %get3A_82 = arith.constant 64 : index
        %get3A_83 = tpu.vector_load %arg11[%get3A_81, %get3A_82] {strides = array<i32>} : memref<128x128xf32, #tpu.memory_space<vmem>>, vector<1x16xf32>,
        %get3A_84 = vector.shape_cast %get3A_83 : vector<1x16xf32> to vector<16xf32>
        %mul3A_85 = arith.mulf %get3A_84, %get3A_41 : vector<16xf32>
        %swap3A_86 = arith.index_cast %scan3A_38 : i32 to index
        %swap3A_87 = arith.constant 64 : index
        %swap3A_88 = tpu.vector_load %arg11[%swap3A_86, %swap3A_87] {strides = array<i32>} : memref<128x128xf32, #tpu.memory_space<vmem>>, vector<1x16xf32>,
        %swap3A_89 = vector.shape_cast %swap3A_88 : vector<1x16xf32> to vector<16xf32>
        %swap3A_90 = vector.shape_cast %mul3A_85 : vector<16xf32> to vector<1x16xf32>
        tpu.vector_store %arg11[%swap3A_86, %swap3A_87], %swap3A_90 {strides = array<i32>} : memref<128x128xf32, #tpu.memory_space<vmem>>, vector<1x16xf32>,
        %get3A_91 = arith.index_cast %scan3A_38 : i32 to index
        %get3A_92 = arith.constant 80 : index
        %get3A_93 = tpu.vector_load %arg11[%get3A_91, %get3A_92] {strides = array<i32>} : memref<128x128xf32, #tpu.memory_space<vmem>>, vector<1x16xf32>,
        %get3A_94 = vector.shape_cast %get3A_93 : vector<1x16xf32> to vector<16xf32>
        %mul3A_95 = arith.mulf %get3A_94, %get3A_41 : vector<16xf32>
        %swap3A_96 = arith.index_cast %scan3A_38 : i32 to index
        %swap3A_97 = arith.constant 80 : index
        %swap3A_98 = tpu.vector_load %arg11[%swap3A_96, %swap3A_97] {strides = array<i32>} : memref<128x128xf32, #tpu.memory_space<vmem>>, vector<1x16xf32>,
        %swap3A_99 = vector.shape_cast %swap3A_98 : vector<1x16xf32> to vector<16xf32>
        %swap3A_100 = vector.shape_cast %mul3A_95 : vector<16xf32> to vector<1x16xf32>
        tpu.vector_store %arg11[%swap3A_96, %swap3A_97], %swap3A_100 {strides = array<i32>} : memref<128x128xf32, #tpu.memory_space<vmem>>, vector<1x16xf32>,
        %get3A_101 = arith.index_cast %scan3A_38 : i32 to index
        %get3A_102 = arith.constant 96 : index
        %get3A_103 = tpu.vector_load %arg11[%get3A_101, %get3A_102] {strides = array<i32>} : memref<128x128xf32, #tpu.memory_space<vmem>>, vector<1x16xf32>,
        %get3A_104 = vector.shape_cast %get3A_103 : vector<1x16xf32> to vector<16xf32>
        %mul3A_105 = arith.mulf %get3A_104, %get3A_41 : vector<16xf32>
        %swap3A_106 = arith.index_cast %scan3A_38 : i32 to index
        %swap3A_107 = arith.constant 96 : index
        %swap3A_108 = tpu.vector_load %arg11[%swap3A_106, %swap3A_107] {strides = array<i32>} : memref<128x128xf32, #tpu.memory_space<vmem>>, vector<1x16xf32>,
        %swap3A_109 = vector.shape_cast %swap3A_108 : vector<1x16xf32> to vector<16xf32>
        %swap3A_110 = vector.shape_cast %mul3A_105 : vector<16xf32> to vector<1x16xf32>
        tpu.vector_store %arg11[%swap3A_106, %swap3A_107], %swap3A_110 {strides = array<i32>} : memref<128x128xf32, #tpu.memory_space<vmem>>, vector<1x16xf32>,
        %get3A_111 = arith.index_cast %scan3A_38 : i32 to index
        %get3A_112 = arith.constant 112 : index
        %get3A_113 = tpu.vector_load %arg11[%get3A_111, %get3A_112] {strides = array<i32>} : memref<128x128xf32, #tpu.memory_space<vmem>>, vector<1x16xf32>,
        %get3A_114 = vector.shape_cast %get3A_113 : vector<1x16xf32> to vector<16xf32>
        %mul3A_115 = arith.mulf %get3A_114, %get3A_41 : vector<16xf32>
        %swap3A_116 = arith.index_cast %scan3A_38 : i32 to index
        %swap3A_117 = arith.constant 112 : index
        %swap3A_118 = tpu.vector_load %arg11[%swap3A_116, %swap3A_117] {strides = array<i32>} : memref<128x128xf32, #tpu.memory_space<vmem>>, vector<1x16xf32>,
        %swap3A_119 = vector.shape_cast %swap3A_118 : vector<1x16xf32> to vector<16xf32>
        %swap3A_120 = vector.shape_cast %mul3A_115 : vector<16xf32> to vector<1x16xf32>
        tpu.vector_store %arg11[%swap3A_116, %swap3A_117], %swap3A_120 {strides = array<i32>} : memref<128x128xf32, #tpu.memory_space<vmem>>, vector<1x16xf32>,
      }
      %scan3A_37 = arith.constant 128 : i32
      "tpu.region"() ({
        %run_scoped3A = tpu.sem_alloc : memref<!tpu.dma_semaphore, #tpu.memory_space<semaphore_mem>>
        %dma_start3A_38 = arith.constant 0 : i32
        %dma_start3A_39 = arith.constant 0 : i32
        %dma_start3A_40 = tpu.memref_slice %arg12[%dma_start3A_38, %dma_start3A_39] : memref<10000x128xf32, #tpu.memory_space<vmem_shared>> -> memref<10000x128xf32, #tpu.memory_space<vmem_shared>>
        tpu.enqueue_indirect_dma source(%arg11 : memref<128x128xf32, #tpu.memory_space<vmem>>) target(%dma_start3A_40 : memref<10000x128xf32, #tpu.memory_space<vmem_shared>>) offsets(%arg9 : memref<128xi32, #tpu.memory_space<vmem>>) semaphore(%run_scoped3A : memref<!tpu.dma_semaphore, #tpu.memory_space<semaphore_mem>>) {add = true}
        %dma_wait3A_41 = arith.constant 0 : i32
        %dma_wait3A_42 = arith.constant 0 : i32
        %dma_wait3A_43 = tpu.memref_slice %arg12[%dma_wait3A_41, %dma_wait3A_42] : memref<10000x128xf32, #tpu.memory_space<vmem_shared>> -> memref<10000x128xf32, #tpu.memory_space<vmem_shared>>
        tpu.wait_indirect_dma semaphore(%run_scoped3A : memref<!tpu.dma_semaphore, #tpu.memory_space<semaphore_mem>>) src(%arg11 : memref<128x128xf32, #tpu.memory_space<vmem>>) dst(%dma_wait3A_43 : memref<10000x128xf32, #tpu.memory_space<vmem_shared>>)
        tpu.yield
      }) : () -> ()
    }
    %scan3A_11 = arith.constant 79 : i32
    %barrier3A_12 = arith.constant 0 : index
    tpu.barrier barrier_id(%barrier3A_12)
    %mul3A_13 = arith.constant 624 : i32
    %mul3A_14 = arith.muli %arg1, %mul3A_13 : i32
    %mul3A_15 = arith.constant 624 : i32
    %mul3A_16 = arith.muli %arg1, %mul3A_15 : i32
    "tpu.region"() ({
      %run_scoped3A = tpu.sem_alloc : memref<!tpu.dma_semaphore, #tpu.memory_space<semaphore_mem>>
      %dma_start3A = arith.constant 0 : i32
      %dma_start3A_22 = tpu.memref_slice %arg7[%arg0, %mul3A_16, %dma_start3A] : memref<2x10000x128xf32, #tpu.memory_space<hbm>> -> memref<1x624x128xf32, #tpu.memory_space<hbm>>
      %dma_start3A_23 = tpu.memref_squeeze %dma_start3A_22 : memref<1x624x128xf32, #tpu.memory_space<hbm>> -> memref<624x128xf32, #tpu.memory_space<hbm>>
      %dma_start3A_24 = arith.constant 0 : i32
      %dma_start3A_25 = tpu.memref_slice %arg12[%mul3A_14, %dma_start3A_24] : memref<10000x128xf32, #tpu.memory_space<vmem_shared>> -> memref<624x128xf32, #tpu.memory_space<vmem_shared>>
      tpu.enqueue_dma source(%dma_start3A_25 : memref<624x128xf32, #tpu.memory_space<vmem_shared>>) target(%dma_start3A_23 : memref<624x128xf32, #tpu.memory_space<hbm>>) target_semaphore(%run_scoped3A : memref<!tpu.dma_semaphore, #tpu.memory_space<semaphore_mem>>)
      %dma_wait3A = arith.constant 0 : i32
      %dma_wait3A_26 = tpu.memref_slice %arg7[%arg0, %mul3A_16, %dma_wait3A] : memref<2x10000x128xf32, #tpu.memory_space<hbm>> -> memref<1x624x128xf32, #tpu.memory_space<hbm>>
      %dma_wait3A_27 = tpu.memref_squeeze %dma_wait3A_26 : memref<1x624x128xf32, #tpu.memory_space<hbm>> -> memref<624x128xf32, #tpu.memory_space<hbm>>
      %dma_wait3A_28 = arith.constant 0 : i32
      %dma_wait3A_29 = tpu.memref_slice %arg12[%mul3A_14, %dma_wait3A_28] : memref<10000x128xf32, #tpu.memory_space<vmem_shared>> -> memref<624x128xf32, #tpu.memory_space<vmem_shared>>
      tpu.wait_dma2 semaphore(%run_scoped3A : memref<!tpu.dma_semaphore, #tpu.memory_space<semaphore_mem>>) src(%dma_wait3A_29 : memref<624x128xf32, #tpu.memory_space<vmem_shared>>) dst(%dma_wait3A_27 : memref<624x128xf32, #tpu.memory_space<hbm>>)
      tpu.yield
    }) : () -> ()
    %eq3A_17 = arith.constant 15 : i32
    %eq3A_18 = arith.cmpi eq, %arg1, %eq3A_17 : i32
    %convert_element_type3A_19 = arith.extui %eq3A_18 : i1 to i32
    %cond3A_20 = arith.constant 0 : i32
    %cond3A_21 = arith.cmpi ne, %convert_element_type3A_19, %cond3A_20 : i32
    scf.if %cond3A_21 {
      "tpu.region"() ({
        %run_scoped3A = tpu.sem_alloc : memref<!tpu.dma_semaphore, #tpu.memory_space<semaphore_mem>>
        %dma_start3A = arith.constant 9984 : i32
        %dma_start3A_22 = arith.constant 0 : i32
        %dma_start3A_23 = tpu.memref_slice %arg7[%arg0, %dma_start3A, %dma_start3A_22] : memref<2x10000x128xf32, #tpu.memory_space<hbm>> -> memref<1x16x128xf32, #tpu.memory_space<hbm>>
        %dma_start3A_24 = tpu.memref_squeeze %dma_start3A_23 : memref<1x16x128xf32, #tpu.memory_space<hbm>> -> memref<16x128xf32, #tpu.memory_space<hbm>>
        %dma_start3A_25 = arith.constant 9984 : i32
        %dma_start3A_26 = arith.constant 0 : i32
        %dma_start3A_27 = tpu.memref_slice %arg12[%dma_start3A_25, %dma_start3A_26] : memref<10000x128xf32, #tpu.memory_space<vmem_shared>> -> memref<16x128xf32, #tpu.memory_space<vmem_shared>>
        tpu.enqueue_dma source(%dma_start3A_27 : memref<16x128xf32, #tpu.memory_space<vmem_shared>>) target(%dma_start3A_24 : memref<16x128xf32, #tpu.memory_space<hbm>>) target_semaphore(%run_scoped3A : memref<!tpu.dma_semaphore, #tpu.memory_space<semaphore_mem>>)
        %dma_wait3A = arith.constant 9984 : i32
        %dma_wait3A_28 = arith.constant 0 : i32
        %dma_wait3A_29 = tpu.memref_slice %arg7[%arg0, %dma_wait3A, %dma_wait3A_28] : memref<2x10000x128xf32, #tpu.memory_space<hbm>> -> memref<1x16x128xf32, #tpu.memory_space<hbm>>
        %dma_wait3A_30 = tpu.memref_squeeze %dma_wait3A_29 : memref<1x16x128xf32, #tpu.memory_space<hbm>> -> memref<16x128xf32, #tpu.memory_space<hbm>>
        %dma_wait3A_31 = arith.constant 9984 : i32
        %dma_wait3A_32 = arith.constant 0 : i32
        %dma_wait3A_33 = tpu.memref_slice %arg12[%dma_wait3A_31, %dma_wait3A_32] : memref<10000x128xf32, #tpu.memory_space<vmem_shared>> -> memref<16x128xf32, #tpu.memory_space<vmem_shared>>
        tpu.wait_dma2 semaphore(%run_scoped3A : memref<!tpu.dma_semaphore, #tpu.memory_space<semaphore_mem>>) src(%dma_wait3A_33 : memref<16x128xf32, #tpu.memory_space<vmem_shared>>) dst(%dma_wait3A_30 : memref<16x128xf32, #tpu.memory_space<hbm>>)
        tpu.yield
      }) : () -> ()
    } else {
    }
    return
  }
}

module attributes {stable_mosaic.version = 14 : i64} {
  func.func @_k_expand(%arg0: i32, %arg1: memref<2528x8xf32, #tpu.memory_space<vmem>>, %arg2: memref<2528x128xf32, #tpu.memory_space<vmem>>) attributes {dimension_semantics = [#tpu.dimension_semantics<arbitrary>], iteration_bounds = array<i64: 16>, scalar_prefetch = 0 : i64, scratch_operands = 0 : i64, tpu.core_type = #tpu.core_type<tc>, window_params = [{transform_indices = @transform_0, window_bounds = array<i64: 2528, 8>}, {transform_indices = @transform_1, window_bounds = array<i64: 2528, 128>}]} {
    %iota3A = tpu.iota {dimensions = array<i32: 0>} : vector<128x8xi32>
    %iota3A_0 = tpu.iota {dimensions = array<i32: 1>} : vector<128x8xi32>
    %jit3A = arith.constant 16 : i32
    %div3A = vector.broadcast %jit3A : i32 to vector<128x8xi32>
    %div3A_1 = arith.divsi %iota3A, %div3A : vector<128x8xi32>
    %sign3A = arith.constant 0 : i32
    %sign3A_2 = vector.broadcast %sign3A : i32 to vector<128x8xi32>
    %sign3A_3 = arith.cmpi sgt, %iota3A, %sign3A_2 : vector<128x8xi32>
    %sign3A_4 = arith.extui %sign3A_3 : vector<128x8xi1> to vector<128x8xi32>
    %sign3A_5 = arith.constant 0 : i32
    %sign3A_6 = vector.broadcast %sign3A_5 : i32 to vector<128x8xi32>
    %sign3A_7 = arith.cmpi slt, %iota3A, %sign3A_6 : vector<128x8xi32>
    %sign3A_8 = arith.extui %sign3A_7 : vector<128x8xi1> to vector<128x8xi32>
    %sign3A_9 = arith.subi %sign3A_4, %sign3A_8 : vector<128x8xi32>
    %sign3A_10 = arith.constant 0 : i32
    %sign3A_11 = arith.cmpi sgt, %jit3A, %sign3A_10 : i32
    %sign3A_12 = arith.extui %sign3A_11 : i1 to i32
    %sign3A_13 = arith.constant 0 : i32
    %sign3A_14 = arith.cmpi slt, %jit3A, %sign3A_13 : i32
    %sign3A_15 = arith.extui %sign3A_14 : i1 to i32
    %sign3A_16 = arith.subi %sign3A_12, %sign3A_15 : i32
    %ne3A = vector.broadcast %sign3A_16 : i32 to vector<128x8xi32>
    %ne3A_17 = arith.cmpi ne, %sign3A_9, %ne3A : vector<128x8xi32>
    %rem3A = vector.broadcast %jit3A : i32 to vector<128x8xi32>
    %rem3A_18 = arith.remsi %iota3A, %rem3A : vector<128x8xi32>
    %ne3A_19 = arith.constant 0 : i32
    %ne3A_20 = vector.broadcast %ne3A_19 : i32 to vector<128x8xi32>
    %ne3A_21 = arith.cmpi ne, %rem3A_18, %ne3A_20 : vector<128x8xi32>
    %and3A = arith.andi %ne3A_17, %ne3A_21 : vector<128x8xi1>
    %sub3A = arith.constant 1 : i32
    %sub3A_22 = vector.broadcast %sub3A : i32 to vector<128x8xi32>
    %sub3A_23 = arith.subi %div3A_1, %sub3A_22 : vector<128x8xi32>
    %select_n3A = arith.select %and3A, %sub3A_23, %div3A_1 : vector<128x8xi1>, vector<128x8xi32>
    %eq3A = arith.cmpi eq, %select_n3A, %iota3A_0 : vector<128x8xi32>
    %jit3A_24 = arith.constant 1.000000e+00 : f32
    %jit3A_25 = arith.constant 0.000000e+00 : f32
    %broadcast_in_dim3A = vector.broadcast %jit3A_24 : f32 to vector<128x8xf32>
    %broadcast_in_dim3A_26 = vector.broadcast %jit3A_25 : f32 to vector<128x8xf32>
    %select_n3A_27 = arith.select %eq3A, %broadcast_in_dim3A, %broadcast_in_dim3A_26 : vector<128x8xi1>, vector<128x8xf32>
    %transpose3A = tpu.transpose %select_n3A_27, [1, 0] : vector<128x8xf32> -> vector<8x128xf32>
    %get3A = arith.constant 0 : index
    %get3A_28 = arith.constant 0 : index
    %get3A_29 = vector.load %arg1[%get3A, %get3A_28] : memref<2528x8xf32, #tpu.memory_space<vmem>>, vector<2528x8xf32>
    %dot_general3A = arith.constant dense<0.000000e+00> : vector<2528x128xf32>
    %dot_general3A_30 = tpu.matmul %get3A_29, %transpose3A, %dot_general3A {dimension_numbers = #tpu.dot_dimension_numbers<[1], [0], [0], [1], [0, 0, 1, 1], [], []>, transpose_lhs_hint = false} : vector<2528x8xf32>, vector<8x128xf32>, vector<2528x128xf32> -> vector<2528x128xf32>
    %swap3A = arith.constant 0 : index
    %swap3A_31 = arith.constant 0 : index
    %swap3A_32 = vector.load %arg2[%swap3A, %swap3A_31] : memref<2528x128xf32, #tpu.memory_space<vmem>>, vector<2528x128xf32>
    tpu.vector_store %arg2[%swap3A, %swap3A_31], %dot_general3A_30 {strides = array<i32>} : memref<2528x128xf32, #tpu.memory_space<vmem>>, vector<2528x128xf32>,
    return
  }
  func.func @transform_0(%arg0: i32) -> (i32, i32) {
    %c0_i32 = arith.constant 0 : i32
    %c0_i32_0 = arith.constant 0 : i32
    return %arg0, %c0_i32 : i32, i32
  }
  func.func @transform_1(%arg0: i32) -> (i32, i32) {
    %c0_i32 = arith.constant 0 : i32
    %c0_i32_0 = arith.constant 0 : i32
    return %arg0, %c0_i32 : i32, i32
  }
}

module attributes {stable_mosaic.version = 14 : i64} {
  func.func @_k_proj(%arg0: i32, %arg1: memref<1000x128xf32, #tpu.memory_space<vmem>>, %arg2: memref<128x128xf32, #tpu.memory_space<vmem>>, %arg3: memref<1x128xf32, #tpu.memory_space<vmem>>, %arg4: memref<1000x128xf32, #tpu.memory_space<vmem>>) attributes {dimension_semantics = [#tpu.dimension_semantics<arbitrary>], iteration_bounds = array<i64: 10>, scalar_prefetch = 0 : i64, scratch_operands = 0 : i64, tpu.core_type = #tpu.core_type<tc>, window_params = [{transform_indices = @transform_0, window_bounds = array<i64: 1000, 128>}, {pipeline_mode = #tpu.pipeline_mode<synchronous>, transform_indices = @transform_1, window_bounds = array<i64: 128, 128>}, {pipeline_mode = #tpu.pipeline_mode<synchronous>, transform_indices = @transform_2, window_bounds = array<i64: 1, 128>}, {transform_indices = @transform_3, window_bounds = array<i64: 1000, 128>}]} {
    %get3A = arith.constant 0 : index
    %get3A_0 = arith.constant 0 : index
    %get3A_1 = vector.load %arg1[%get3A, %get3A_0] : memref<1000x128xf32, #tpu.memory_space<vmem>>, vector<1000x128xf32>
    %get3A_2 = arith.constant 0 : index
    %get3A_3 = arith.constant 0 : index
    %get3A_4 = vector.load %arg2[%get3A_2, %get3A_3] : memref<128x128xf32, #tpu.memory_space<vmem>>, vector<128x128xf32>
    %dot_general3A = arith.constant dense<0.000000e+00> : vector<1000x128xf32>
    %dot_general3A_5 = tpu.matmul %get3A_1, %get3A_4, %dot_general3A {dimension_numbers = #tpu.dot_dimension_numbers<[1], [0], [0], [1], [0, 0, 1, 1], [], []>, transpose_lhs_hint = false} : vector<1000x128xf32>, vector<128x128xf32>, vector<1000x128xf32> -> vector<1000x128xf32>
    %get3A_6 = arith.constant 0 : index
    %get3A_7 = arith.constant 0 : index
    %get3A_8 = vector.load %arg3[%get3A_6, %get3A_7] : memref<1x128xf32, #tpu.memory_space<vmem>>, vector<1x128xf32>
    %add3A = vector.broadcast %get3A_8 : vector<1x128xf32> to vector<1000x128xf32>
    %add3A_9 = arith.addf %dot_general3A_5, %add3A : vector<1000x128xf32>
    %swap3A = arith.constant 0 : index
    %swap3A_10 = arith.constant 0 : index
    %swap3A_11 = vector.load %arg4[%swap3A, %swap3A_10] : memref<1000x128xf32, #tpu.memory_space<vmem>>, vector<1000x128xf32>
    tpu.vector_store %arg4[%swap3A, %swap3A_10], %add3A_9 {strides = array<i32>} : memref<1000x128xf32, #tpu.memory_space<vmem>>, vector<1000x128xf32>,
    return
  }
  func.func @transform_0(%arg0: i32) -> (i32, i32) {
    %c0_i32 = arith.constant 0 : i32
    %c0_i32_0 = arith.constant 0 : i32
    return %arg0, %c0_i32 : i32, i32
  }
  func.func @transform_1(%arg0: i32) -> (i32, i32) {
    %c0_i32 = arith.constant 0 : i32
    %c0_i32_0 = arith.constant 0 : i32
    %c0_i32_1 = arith.constant 0 : i32
    return %c0_i32, %c0_i32_0 : i32, i32
  }
  func.func @transform_2(%arg0: i32) -> (i32, i32) {
    %c0_i32 = arith.constant 0 : i32
    %c0_i32_0 = arith.constant 0 : i32
    %c0_i32_1 = arith.constant 0 : i32
    return %c0_i32, %c0_i32_0 : i32, i32
  }
  func.func @transform_3(%arg0: i32) -> (i32, i32) {
    %c0_i32 = arith.constant 0 : i32
    %c0_i32_0 = arith.constant 0 : i32
    return %arg0, %c0_i32 : i32, i32
  }
}

module attributes {stable_mosaic.version = 14 : i64} {
  func.func @_k_start(%arg0: i32, %arg1: memref<1000x128xf32, #tpu.memory_space<vmem>>, %arg2: memref<128x128xf32, #tpu.memory_space<vmem>>, %arg3: memref<1x128xf32, #tpu.memory_space<vmem>>, %arg4: memref<1x128xf32, #tpu.memory_space<vmem>>, %arg5: memref<1000x128xf32, #tpu.memory_space<vmem>>, %arg6: memref<1000x128xf32, #tpu.memory_space<vmem>>) attributes {dimension_semantics = [#tpu.dimension_semantics<arbitrary>], iteration_bounds = array<i64: 10>, scalar_prefetch = 0 : i64, scratch_operands = 0 : i64, tpu.core_type = #tpu.core_type<tc>, window_params = [{transform_indices = @transform_0, window_bounds = array<i64: 1000, 128>}, {pipeline_mode = #tpu.pipeline_mode<synchronous>, transform_indices = @transform_1, window_bounds = array<i64: 128, 128>}, {pipeline_mode = #tpu.pipeline_mode<synchronous>, transform_indices = @transform_2, window_bounds = array<i64: 1, 128>}, {pipeline_mode = #tpu.pipeline_mode<synchronous>, transform_indices = @transform_3, window_bounds = array<i64: 1, 128>}, {transform_indices = @transform_4, window_bounds = array<i64: 1000, 128>}, {transform_indices = @transform_5, window_bounds = array<i64: 1000, 128>}]} {
    %get3A = arith.constant 0 : index
    %get3A_0 = arith.constant 0 : index
    %get3A_1 = vector.load %arg1[%get3A, %get3A_0] : memref<1000x128xf32, #tpu.memory_space<vmem>>, vector<1000x128xf32>
    %get3A_2 = arith.constant 0 : index
    %get3A_3 = arith.constant 0 : index
    %get3A_4 = vector.load %arg4[%get3A_2, %get3A_3] : memref<1x128xf32, #tpu.memory_space<vmem>>, vector<1x128xf32>
    %mul3A = vector.broadcast %get3A_4 : vector<1x128xf32> to vector<1000x128xf32>
    %mul3A_5 = arith.mulf %get3A_1, %mul3A : vector<1000x128xf32>
    %swap3A = arith.constant 0 : index
    %swap3A_6 = arith.constant 0 : index
    %swap3A_7 = vector.load %arg5[%swap3A, %swap3A_6] : memref<1000x128xf32, #tpu.memory_space<vmem>>, vector<1000x128xf32>
    tpu.vector_store %arg5[%swap3A, %swap3A_6], %mul3A_5 {strides = array<i32>} : memref<1000x128xf32, #tpu.memory_space<vmem>>, vector<1000x128xf32>,
    %get3A_8 = arith.constant 0 : index
    %get3A_9 = arith.constant 0 : index
    %get3A_10 = vector.load %arg2[%get3A_8, %get3A_9] : memref<128x128xf32, #tpu.memory_space<vmem>>, vector<128x128xf32>
    %dot_general3A = arith.constant dense<0.000000e+00> : vector<1000x128xf32>
    %dot_general3A_11 = tpu.matmul %get3A_1, %get3A_10, %dot_general3A {dimension_numbers = #tpu.dot_dimension_numbers<[1], [0], [0], [1], [0, 0, 1, 1], [], []>, transpose_lhs_hint = false} : vector<1000x128xf32>, vector<128x128xf32>, vector<1000x128xf32> -> vector<1000x128xf32>
    %get3A_12 = arith.constant 0 : index
    %get3A_13 = arith.constant 0 : index
    %get3A_14 = vector.load %arg3[%get3A_12, %get3A_13] : memref<1x128xf32, #tpu.memory_space<vmem>>, vector<1x128xf32>
    %add3A = vector.broadcast %get3A_14 : vector<1x128xf32> to vector<1000x128xf32>
    %add3A_15 = arith.addf %dot_general3A_11, %add3A : vector<1000x128xf32>
    %swap3A_16 = arith.constant 0 : index
    %swap3A_17 = arith.constant 0 : index
    %swap3A_18 = vector.load %arg6[%swap3A_16, %swap3A_17] : memref<1000x128xf32, #tpu.memory_space<vmem>>, vector<1000x128xf32>
    tpu.vector_store %arg6[%swap3A_16, %swap3A_17], %add3A_15 {strides = array<i32>} : memref<1000x128xf32, #tpu.memory_space<vmem>>, vector<1000x128xf32>,
    return
  }
  func.func @transform_0(%arg0: i32) -> (i32, i32) {
    %c0_i32 = arith.constant 0 : i32
    %c0_i32_0 = arith.constant 0 : i32
    return %arg0, %c0_i32 : i32, i32
  }
  func.func @transform_1(%arg0: i32) -> (i32, i32) {
    %c0_i32 = arith.constant 0 : i32
    %c0_i32_0 = arith.constant 0 : i32
    %c0_i32_1 = arith.constant 0 : i32
    return %c0_i32, %c0_i32_0 : i32, i32
  }
  func.func @transform_2(%arg0: i32) -> (i32, i32) {
    %c0_i32 = arith.constant 0 : i32
    %c0_i32_0 = arith.constant 0 : i32
    %c0_i32_1 = arith.constant 0 : i32
    return %c0_i32, %c0_i32_0 : i32, i32
  }
  func.func @transform_3(%arg0: i32) -> (i32, i32) {
    %c0_i32 = arith.constant 0 : i32
    %c0_i32_0 = arith.constant 0 : i32
    %c0_i32_1 = arith.constant 0 : i32
    return %c0_i32, %c0_i32_0 : i32, i32
  }
  func.func @transform_4(%arg0: i32) -> (i32, i32) {
    %c0_i32 = arith.constant 0 : i32
    %c0_i32_0 = arith.constant 0 : i32
    return %arg0, %c0_i32 : i32, i32
  }
  func.func @transform_5(%arg0: i32) -> (i32, i32) {
    %c0_i32 = arith.constant 0 : i32
    %c0_i32_0 = arith.constant 0 : i32
    return %arg0, %c0_i32 : i32, i32
  }
}

module attributes {stable_mosaic.version = 14 : i64} {
  func.func @_k_step(%arg0: i32, %arg1: memref<2x1000x128xf32, #tpu.memory_space<vmem>>, %arg2: memref<1000x128xf32, #tpu.memory_space<vmem>>, %arg3: memref<128x128xf32, #tpu.memory_space<vmem>>, %arg4: memref<1x128xf32, #tpu.memory_space<vmem>>, %arg5: memref<1x128xf32, #tpu.memory_space<vmem>>, %arg6: memref<1000x128xf32, #tpu.memory_space<vmem>>, %arg7: memref<1000x128xf32, #tpu.memory_space<vmem>>) attributes {dimension_semantics = [#tpu.dimension_semantics<arbitrary>], iteration_bounds = array<i64: 10>, scalar_prefetch = 0 : i64, scratch_operands = 0 : i64, tpu.core_type = #tpu.core_type<tc>, window_params = [{transform_indices = @transform_0, window_bounds = array<i64: 2, 1000, 128>}, {transform_indices = @transform_1, window_bounds = array<i64: 1000, 128>}, {pipeline_mode = #tpu.pipeline_mode<synchronous>, transform_indices = @transform_2, window_bounds = array<i64: 128, 128>}, {pipeline_mode = #tpu.pipeline_mode<synchronous>, transform_indices = @transform_3, window_bounds = array<i64: 1, 128>}, {pipeline_mode = #tpu.pipeline_mode<synchronous>, transform_indices = @transform_4, window_bounds = array<i64: 1, 128>}, {transform_indices = @transform_5, window_bounds = array<i64: 1000, 128>}, {transform_indices = @transform_6, window_bounds = array<i64: 1000, 128>}]} {
    %get3A = arith.constant 0 : index
    %get3A_0 = arith.constant 0 : index
    %get3A_1 = arith.constant 0 : index
    %get3A_2 = vector.load %arg1[%get3A, %get3A_0, %get3A_1] : memref<2x1000x128xf32, #tpu.memory_space<vmem>>, vector<1x1000x128xf32>
    %get3A_3 = vector.shape_cast %get3A_2 : vector<1x1000x128xf32> to vector<1000x128xf32>
    %get3A_4 = arith.constant 1 : index
    %get3A_5 = arith.constant 0 : index
    %get3A_6 = arith.constant 0 : index
    %get3A_7 = vector.load %arg1[%get3A_4, %get3A_5, %get3A_6] : memref<2x1000x128xf32, #tpu.memory_space<vmem>>, vector<1x1000x128xf32>
    %get3A_8 = vector.shape_cast %get3A_7 : vector<1x1000x128xf32> to vector<1000x128xf32>
    %add3A = arith.addf %get3A_3, %get3A_8 : vector<1000x128xf32>
    %max3A = arith.constant 0.000000e+00 : f32
    %max3A_9 = vector.broadcast %max3A : f32 to vector<1000x128xf32>
    %max3A_10 = arith.maximumf %add3A, %max3A_9 : vector<1000x128xf32>
    %get3A_11 = arith.constant 0 : index
    %get3A_12 = arith.constant 0 : index
    %get3A_13 = vector.load %arg2[%get3A_11, %get3A_12] : memref<1000x128xf32, #tpu.memory_space<vmem>>, vector<1000x128xf32>
    %get3A_14 = arith.constant 0 : index
    %get3A_15 = arith.constant 0 : index
    %get3A_16 = vector.load %arg5[%get3A_14, %get3A_15] : memref<1x128xf32, #tpu.memory_space<vmem>>, vector<1x128xf32>
    %mul3A = vector.broadcast %get3A_16 : vector<1x128xf32> to vector<1000x128xf32>
    %mul3A_17 = arith.mulf %max3A_10, %mul3A : vector<1000x128xf32>
    %add3A_18 = arith.addf %get3A_13, %mul3A_17 : vector<1000x128xf32>
    %swap3A = arith.constant 0 : index
    %swap3A_19 = arith.constant 0 : index
    %swap3A_20 = vector.load %arg6[%swap3A, %swap3A_19] : memref<1000x128xf32, #tpu.memory_space<vmem>>, vector<1000x128xf32>
    tpu.vector_store %arg6[%swap3A, %swap3A_19], %add3A_18 {strides = array<i32>} : memref<1000x128xf32, #tpu.memory_space<vmem>>, vector<1000x128xf32>,
    %get3A_21 = arith.constant 0 : index
    %get3A_22 = arith.constant 0 : index
    %get3A_23 = vector.load %arg3[%get3A_21, %get3A_22] : memref<128x128xf32, #tpu.memory_space<vmem>>, vector<128x128xf32>
    %dot_general3A = arith.constant dense<0.000000e+00> : vector<1000x128xf32>
    %dot_general3A_24 = tpu.matmul %max3A_10, %get3A_23, %dot_general3A {dimension_numbers = #tpu.dot_dimension_numbers<[1], [0], [0], [1], [0, 0, 1, 1], [], []>, transpose_lhs_hint = false} : vector<1000x128xf32>, vector<128x128xf32>, vector<1000x128xf32> -> vector<1000x128xf32>
    %get3A_25 = arith.constant 0 : index
    %get3A_26 = arith.constant 0 : index
    %get3A_27 = vector.load %arg4[%get3A_25, %get3A_26] : memref<1x128xf32, #tpu.memory_space<vmem>>, vector<1x128xf32>
    %add3A_28 = vector.broadcast %get3A_27 : vector<1x128xf32> to vector<1000x128xf32>
    %add3A_29 = arith.addf %dot_general3A_24, %add3A_28 : vector<1000x128xf32>
    %swap3A_30 = arith.constant 0 : index
    %swap3A_31 = arith.constant 0 : index
    %swap3A_32 = vector.load %arg7[%swap3A_30, %swap3A_31] : memref<1000x128xf32, #tpu.memory_space<vmem>>, vector<1000x128xf32>
    tpu.vector_store %arg7[%swap3A_30, %swap3A_31], %add3A_29 {strides = array<i32>} : memref<1000x128xf32, #tpu.memory_space<vmem>>, vector<1000x128xf32>,
    return
  }
  func.func @transform_0(%arg0: i32) -> (i32, i32, i32) {
    %c0_i32 = arith.constant 0 : i32
    %c0_i32_0 = arith.constant 0 : i32
    %c0_i32_1 = arith.constant 0 : i32
    return %c0_i32, %arg0, %c0_i32_0 : i32, i32, i32
  }
  func.func @transform_1(%arg0: i32) -> (i32, i32) {
    %c0_i32 = arith.constant 0 : i32
    %c0_i32_0 = arith.constant 0 : i32
    return %arg0, %c0_i32 : i32, i32
  }
  func.func @transform_2(%arg0: i32) -> (i32, i32) {
    %c0_i32 = arith.constant 0 : i32
    %c0_i32_0 = arith.constant 0 : i32
    %c0_i32_1 = arith.constant 0 : i32
    return %c0_i32, %c0_i32_0 : i32, i32
  }
  func.func @transform_3(%arg0: i32) -> (i32, i32) {
    %c0_i32 = arith.constant 0 : i32
    %c0_i32_0 = arith.constant 0 : i32
    %c0_i32_1 = arith.constant 0 : i32
    return %c0_i32, %c0_i32_0 : i32, i32
  }
  func.func @transform_4(%arg0: i32) -> (i32, i32) {
    %c0_i32 = arith.constant 0 : i32
    %c0_i32_0 = arith.constant 0 : i32
    %c0_i32_1 = arith.constant 0 : i32
    return %c0_i32, %c0_i32_0 : i32, i32
  }
  func.func @transform_5(%arg0: i32) -> (i32, i32) {
    %c0_i32 = arith.constant 0 : i32
    %c0_i32_0 = arith.constant 0 : i32
    return %arg0, %c0_i32 : i32, i32
  }
  func.func @transform_6(%arg0: i32) -> (i32, i32) {
    %c0_i32 = arith.constant 0 : i32
    %c0_i32_0 = arith.constant 0 : i32
    return %arg0, %c0_i32 : i32, i32
  }
}

module attributes {stable_mosaic.version = 14 : i64} {
  func.func @_k_fin(%arg0: i32, %arg1: memref<2x1000x128xf32, #tpu.memory_space<vmem>>, %arg2: memref<1000x128xf32, #tpu.memory_space<vmem>>, %arg3: memref<1x128xf32, #tpu.memory_space<vmem>>, %arg4: memref<1000x128xf32, #tpu.memory_space<vmem>>) attributes {dimension_semantics = [#tpu.dimension_semantics<arbitrary>], iteration_bounds = array<i64: 10>, scalar_prefetch = 0 : i64, scratch_operands = 0 : i64, tpu.core_type = #tpu.core_type<tc>, window_params = [{transform_indices = @transform_0, window_bounds = array<i64: 2, 1000, 128>}, {transform_indices = @transform_1, window_bounds = array<i64: 1000, 128>}, {pipeline_mode = #tpu.pipeline_mode<synchronous>, transform_indices = @transform_2, window_bounds = array<i64: 1, 128>}, {transform_indices = @transform_3, window_bounds = array<i64: 1000, 128>}]} {
    %get3A = arith.constant 0 : index
    %get3A_0 = arith.constant 0 : index
    %get3A_1 = arith.constant 0 : index
    %get3A_2 = vector.load %arg1[%get3A, %get3A_0, %get3A_1] : memref<2x1000x128xf32, #tpu.memory_space<vmem>>, vector<1x1000x128xf32>
    %get3A_3 = vector.shape_cast %get3A_2 : vector<1x1000x128xf32> to vector<1000x128xf32>
    %get3A_4 = arith.constant 1 : index
    %get3A_5 = arith.constant 0 : index
    %get3A_6 = arith.constant 0 : index
    %get3A_7 = vector.load %arg1[%get3A_4, %get3A_5, %get3A_6] : memref<2x1000x128xf32, #tpu.memory_space<vmem>>, vector<1x1000x128xf32>
    %get3A_8 = vector.shape_cast %get3A_7 : vector<1x1000x128xf32> to vector<1000x128xf32>
    %add3A = arith.addf %get3A_3, %get3A_8 : vector<1000x128xf32>
    %max3A = arith.constant 0.000000e+00 : f32
    %max3A_9 = vector.broadcast %max3A : f32 to vector<1000x128xf32>
    %max3A_10 = arith.maximumf %add3A, %max3A_9 : vector<1000x128xf32>
    %get3A_11 = arith.constant 0 : index
    %get3A_12 = arith.constant 0 : index
    %get3A_13 = vector.load %arg2[%get3A_11, %get3A_12] : memref<1000x128xf32, #tpu.memory_space<vmem>>, vector<1000x128xf32>
    %get3A_14 = arith.constant 0 : index
    %get3A_15 = arith.constant 0 : index
    %get3A_16 = vector.load %arg3[%get3A_14, %get3A_15] : memref<1x128xf32, #tpu.memory_space<vmem>>, vector<1x128xf32>
    %mul3A = vector.broadcast %get3A_16 : vector<1x128xf32> to vector<1000x128xf32>
    %mul3A_17 = arith.mulf %max3A_10, %mul3A : vector<1000x128xf32>
    %add3A_18 = arith.addf %get3A_13, %mul3A_17 : vector<1000x128xf32>
    %swap3A = arith.constant 0 : index
    %swap3A_19 = arith.constant 0 : index
    %swap3A_20 = vector.load %arg4[%swap3A, %swap3A_19] : memref<1000x128xf32, #tpu.memory_space<vmem>>, vector<1000x128xf32>
    tpu.vector_store %arg4[%swap3A, %swap3A_19], %add3A_18 {strides = array<i32>} : memref<1000x128xf32, #tpu.memory_space<vmem>>, vector<1000x128xf32>,
    return
  }
  func.func @transform_0(%arg0: i32) -> (i32, i32, i32) {
    %c0_i32 = arith.constant 0 : i32
    %c0_i32_0 = arith.constant 0 : i32
    %c0_i32_1 = arith.constant 0 : i32
    return %c0_i32, %arg0, %c0_i32_0 : i32, i32, i32
  }
  func.func @transform_1(%arg0: i32) -> (i32, i32) {
    %c0_i32 = arith.constant 0 : i32
    %c0_i32_0 = arith.constant 0 : i32
    return %arg0, %c0_i32 : i32, i32
  }
  func.func @transform_2(%arg0: i32) -> (i32, i32) {
    %c0_i32 = arith.constant 0 : i32
    %c0_i32_0 = arith.constant 0 : i32
    %c0_i32_1 = arith.constant 0 : i32
    return %c0_i32, %c0_i32_0 : i32, i32
  }
  func.func @transform_3(%arg0: i32) -> (i32, i32) {
    %c0_i32 = arith.constant 0 : i32
    %c0_i32_0 = arith.constant 0 : i32
    return %arg0, %c0_i32 : i32, i32
  }
}

module attributes {stable_mosaic.version = 14 : i64} {
  func.func @_k_fe(%arg0: i32, %arg1: memref<1000x128xf32, #tpu.memory_space<vmem>>, %arg2: memref<128x128xf32, #tpu.memory_space<vmem>>, %arg3: memref<1x128xf32, #tpu.memory_space<vmem>>, %arg4: memref<128x128xf32, #tpu.memory_space<vmem>>, %arg5: memref<1x128xf32, #tpu.memory_space<vmem>>, %arg6: memref<1000x128xf32, #tpu.memory_space<vmem>>, %arg7: memref<1000x1xf32, #tpu.memory_space<vmem>>) attributes {dimension_semantics = [#tpu.dimension_semantics<arbitrary>], iteration_bounds = array<i64: 10>, scalar_prefetch = 0 : i64, scratch_operands = 0 : i64, tpu.core_type = #tpu.core_type<tc>, window_params = [{transform_indices = @transform_0, window_bounds = array<i64: 1000, 128>}, {pipeline_mode = #tpu.pipeline_mode<synchronous>, transform_indices = @transform_1, window_bounds = array<i64: 128, 128>}, {pipeline_mode = #tpu.pipeline_mode<synchronous>, transform_indices = @transform_2, window_bounds = array<i64: 1, 128>}, {pipeline_mode = #tpu.pipeline_mode<synchronous>, transform_indices = @transform_3, window_bounds = array<i64: 128, 128>}, {pipeline_mode = #tpu.pipeline_mode<synchronous>, transform_indices = @transform_4, window_bounds = array<i64: 1, 128>}, {transform_indices = @transform_5, window_bounds = array<i64: 1000, 128>}, {transform_indices = @transform_6, window_bounds = array<i64: 1000, 1>}]} {
    %get3A = arith.constant 0 : index
    %get3A_0 = arith.constant 0 : index
    %get3A_1 = vector.load %arg1[%get3A, %get3A_0] : memref<1000x128xf32, #tpu.memory_space<vmem>>, vector<1000x128xf32>
    %get3A_2 = arith.constant 0 : index
    %get3A_3 = arith.constant 0 : index
    %get3A_4 = vector.load %arg2[%get3A_2, %get3A_3] : memref<128x128xf32, #tpu.memory_space<vmem>>, vector<128x128xf32>
    %dot_general3A = arith.constant dense<0.000000e+00> : vector<1000x128xf32>
    %dot_general3A_5 = tpu.matmul %get3A_1, %get3A_4, %dot_general3A {dimension_numbers = #tpu.dot_dimension_numbers<[1], [0], [0], [1], [0, 0, 1, 1], [], []>, transpose_lhs_hint = false} : vector<1000x128xf32>, vector<128x128xf32>, vector<1000x128xf32> -> vector<1000x128xf32>
    %get3A_6 = arith.constant 0 : index
    %get3A_7 = arith.constant 0 : index
    %get3A_8 = vector.load %arg3[%get3A_6, %get3A_7] : memref<1x128xf32, #tpu.memory_space<vmem>>, vector<1x128xf32>
    %add3A = vector.broadcast %get3A_8 : vector<1x128xf32> to vector<1000x128xf32>
    %add3A_9 = arith.addf %dot_general3A_5, %add3A : vector<1000x128xf32>
    %gt3A = arith.constant 0.000000e+00 : f32
    %gt3A_10 = vector.broadcast %gt3A : f32 to vector<1000x128xf32>
    %gt3A_11 = arith.cmpf ogt, %add3A_9, %gt3A_10 : vector<1000x128xf32>
    %exp3A = math.exp %add3A_9 : vector<1000x128xf32>
    %sub3A = arith.constant 1.000000e+00 : f32
    %sub3A_12 = vector.broadcast %sub3A : f32 to vector<1000x128xf32>
    %sub3A_13 = arith.subf %exp3A, %sub3A_12 : vector<1000x128xf32>
    %select_n3A = arith.select %gt3A_11, %add3A_9, %sub3A_13 : vector<1000x128xi1>, vector<1000x128xf32>
    %get3A_14 = arith.constant 0 : index
    %get3A_15 = arith.constant 0 : index
    %get3A_16 = vector.load %arg4[%get3A_14, %get3A_15] : memref<128x128xf32, #tpu.memory_space<vmem>>, vector<128x128xf32>
    %dot_general3A_17 = arith.constant dense<0.000000e+00> : vector<1000x128xf32>
    %dot_general3A_18 = tpu.matmul %select_n3A, %get3A_16, %dot_general3A_17 {dimension_numbers = #tpu.dot_dimension_numbers<[1], [0], [0], [1], [0, 0, 1, 1], [], []>, transpose_lhs_hint = false} : vector<1000x128xf32>, vector<128x128xf32>, vector<1000x128xf32> -> vector<1000x128xf32>
    %get3A_19 = arith.constant 0 : index
    %get3A_20 = arith.constant 0 : index
    %get3A_21 = vector.load %arg5[%get3A_19, %get3A_20] : memref<1x128xf32, #tpu.memory_space<vmem>>, vector<1x128xf32>
    %add3A_22 = vector.broadcast %get3A_21 : vector<1x128xf32> to vector<1000x128xf32>
    %add3A_23 = arith.addf %dot_general3A_18, %add3A_22 : vector<1000x128xf32>
    %swap3A = arith.constant 0 : index
    %swap3A_24 = arith.constant 0 : index
    %swap3A_25 = vector.load %arg6[%swap3A, %swap3A_24] : memref<1000x128xf32, #tpu.memory_space<vmem>>, vector<1000x128xf32>
    tpu.vector_store %arg6[%swap3A, %swap3A_24], %add3A_23 {strides = array<i32>} : memref<1000x128xf32, #tpu.memory_space<vmem>>, vector<1000x128xf32>,
    %mul3A = arith.mulf %add3A_23, %add3A_23 : vector<1000x128xf32>
    %reduce_sum3A = arith.constant dense<0.000000e+00> : vector<1000xf32>
    %reduce_sum3A_26 = vector.multi_reduction <add>, %mul3A, %reduce_sum3A [1] : vector<1000x128xf32> to vector<1000xf32>
    %broadcast_in_dim3A = vector.shape_cast %reduce_sum3A_26 : vector<1000xf32> to vector<1000x1xf32>
    %sqrt3A = math.sqrt %broadcast_in_dim3A : vector<1000x1xf32>
    %swap3A_27 = arith.constant 0 : index
    %swap3A_28 = arith.constant 0 : index
    %swap3A_29 = vector.load %arg7[%swap3A_27, %swap3A_28] : memref<1000x1xf32, #tpu.memory_space<vmem>>, vector<1000x1xf32>
    tpu.vector_store %arg7[%swap3A_27, %swap3A_28], %sqrt3A {strides = array<i32>} : memref<1000x1xf32, #tpu.memory_space<vmem>>, vector<1000x1xf32>,
    return
  }
  func.func @transform_0(%arg0: i32) -> (i32, i32) {
    %c0_i32 = arith.constant 0 : i32
    %c0_i32_0 = arith.constant 0 : i32
    return %arg0, %c0_i32 : i32, i32
  }
  func.func @transform_1(%arg0: i32) -> (i32, i32) {
    %c0_i32 = arith.constant 0 : i32
    %c0_i32_0 = arith.constant 0 : i32
    %c0_i32_1 = arith.constant 0 : i32
    return %c0_i32, %c0_i32_0 : i32, i32
  }
  func.func @transform_2(%arg0: i32) -> (i32, i32) {
    %c0_i32 = arith.constant 0 : i32
    %c0_i32_0 = arith.constant 0 : i32
    %c0_i32_1 = arith.constant 0 : i32
    return %c0_i32, %c0_i32_0 : i32, i32
  }
  func.func @transform_3(%arg0: i32) -> (i32, i32) {
    %c0_i32 = arith.constant 0 : i32
    %c0_i32_0 = arith.constant 0 : i32
    %c0_i32_1 = arith.constant 0 : i32
    return %c0_i32, %c0_i32_0 : i32, i32
  }
  func.func @transform_4(%arg0: i32) -> (i32, i32) {
    %c0_i32 = arith.constant 0 : i32
    %c0_i32_0 = arith.constant 0 : i32
    %c0_i32_1 = arith.constant 0 : i32
    return %c0_i32, %c0_i32_0 : i32, i32
  }
  func.func @transform_5(%arg0: i32) -> (i32, i32) {
    %c0_i32 = arith.constant 0 : i32
    %c0_i32_0 = arith.constant 0 : i32
    return %arg0, %c0_i32 : i32, i32
  }
  func.func @transform_6(%arg0: i32) -> (i32, i32) {
    %c0_i32 = arith.constant 0 : i32
    %c0_i32_0 = arith.constant 0 : i32
    return %arg0, %c0_i32 : i32, i32
  }
}

module attributes {stable_mosaic.version = 14 : i64} {
  func.func @_k_attn_fin(%arg0: i32, %arg1: memref<2528x128xf32, #tpu.memory_space<vmem>>, %arg2: memref<2528x8xf32, #tpu.memory_space<vmem>>, %arg3: memref<2528x8xf32, #tpu.memory_space<vmem>>, %arg4: memref<2528x128xf32, #tpu.memory_space<vmem>>) attributes {dimension_semantics = [#tpu.dimension_semantics<arbitrary>], iteration_bounds = array<i64: 16>, scalar_prefetch = 0 : i64, scratch_operands = 0 : i64, tpu.core_type = #tpu.core_type<tc>, window_params = [{transform_indices = @transform_0, window_bounds = array<i64: 2528, 128>}, {transform_indices = @transform_1, window_bounds = array<i64: 2528, 8>}, {transform_indices = @transform_2, window_bounds = array<i64: 2528, 8>}, {transform_indices = @transform_3, window_bounds = array<i64: 2528, 128>}]} {
    %iota3A = tpu.iota {dimensions = array<i32: 0>} : vector<128x8xi32>
    %iota3A_0 = tpu.iota {dimensions = array<i32: 1>} : vector<128x8xi32>
    %jit3A = arith.constant 16 : i32
    %div3A = vector.broadcast %jit3A : i32 to vector<128x8xi32>
    %div3A_1 = arith.divsi %iota3A, %div3A : vector<128x8xi32>
    %sign3A = arith.constant 0 : i32
    %sign3A_2 = vector.broadcast %sign3A : i32 to vector<128x8xi32>
    %sign3A_3 = arith.cmpi sgt, %iota3A, %sign3A_2 : vector<128x8xi32>
    %sign3A_4 = arith.extui %sign3A_3 : vector<128x8xi1> to vector<128x8xi32>
    %sign3A_5 = arith.constant 0 : i32
    %sign3A_6 = vector.broadcast %sign3A_5 : i32 to vector<128x8xi32>
    %sign3A_7 = arith.cmpi slt, %iota3A, %sign3A_6 : vector<128x8xi32>
    %sign3A_8 = arith.extui %sign3A_7 : vector<128x8xi1> to vector<128x8xi32>
    %sign3A_9 = arith.subi %sign3A_4, %sign3A_8 : vector<128x8xi32>
    %sign3A_10 = arith.constant 0 : i32
    %sign3A_11 = arith.cmpi sgt, %jit3A, %sign3A_10 : i32
    %sign3A_12 = arith.extui %sign3A_11 : i1 to i32
    %sign3A_13 = arith.constant 0 : i32
    %sign3A_14 = arith.cmpi slt, %jit3A, %sign3A_13 : i32
    %sign3A_15 = arith.extui %sign3A_14 : i1 to i32
    %sign3A_16 = arith.subi %sign3A_12, %sign3A_15 : i32
    %ne3A = vector.broadcast %sign3A_16 : i32 to vector<128x8xi32>
    %ne3A_17 = arith.cmpi ne, %sign3A_9, %ne3A : vector<128x8xi32>
    %rem3A = vector.broadcast %jit3A : i32 to vector<128x8xi32>
    %rem3A_18 = arith.remsi %iota3A, %rem3A : vector<128x8xi32>
    %ne3A_19 = arith.constant 0 : i32
    %ne3A_20 = vector.broadcast %ne3A_19 : i32 to vector<128x8xi32>
    %ne3A_21 = arith.cmpi ne, %rem3A_18, %ne3A_20 : vector<128x8xi32>
    %and3A = arith.andi %ne3A_17, %ne3A_21 : vector<128x8xi1>
    %sub3A = arith.constant 1 : i32
    %sub3A_22 = vector.broadcast %sub3A : i32 to vector<128x8xi32>
    %sub3A_23 = arith.subi %div3A_1, %sub3A_22 : vector<128x8xi32>
    %select_n3A = arith.select %and3A, %sub3A_23, %div3A_1 : vector<128x8xi1>, vector<128x8xi32>
    %eq3A = arith.cmpi eq, %select_n3A, %iota3A_0 : vector<128x8xi32>
    %jit3A_24 = arith.constant 1.000000e+00 : f32
    %jit3A_25 = arith.constant 0.000000e+00 : f32
    %broadcast_in_dim3A = vector.broadcast %jit3A_24 : f32 to vector<128x8xf32>
    %broadcast_in_dim3A_26 = vector.broadcast %jit3A_25 : f32 to vector<128x8xf32>
    %select_n3A_27 = arith.select %eq3A, %broadcast_in_dim3A, %broadcast_in_dim3A_26 : vector<128x8xi1>, vector<128x8xf32>
    %transpose3A = tpu.transpose %select_n3A_27, [1, 0] : vector<128x8xf32> -> vector<8x128xf32>
    %get3A = arith.constant 0 : index
    %get3A_28 = arith.constant 0 : index
    %get3A_29 = vector.load %arg1[%get3A, %get3A_28] : memref<2528x128xf32, #tpu.memory_space<vmem>>, vector<2528x128xf32>
    %dot_general3A = arith.constant dense<0.000000e+00> : vector<2528x8xf32>
    %dot_general3A_30 = tpu.matmul %get3A_29, %select_n3A_27, %dot_general3A {dimension_numbers = #tpu.dot_dimension_numbers<[1], [0], [0], [1], [0, 0, 1, 1], [], []>, transpose_lhs_hint = false} : vector<2528x128xf32>, vector<128x8xf32>, vector<2528x8xf32> -> vector<2528x8xf32>
    %get3A_31 = arith.constant 0 : index
    %get3A_32 = arith.constant 0 : index
    %get3A_33 = vector.load %arg3[%get3A_31, %get3A_32] : memref<2528x8xf32, #tpu.memory_space<vmem>>, vector<2528x8xf32>
    %mul3A = arith.mulf %get3A_33, %dot_general3A_30 : vector<2528x8xf32>
    %get3A_34 = arith.constant 0 : index
    %get3A_35 = arith.constant 0 : index
    %get3A_36 = vector.load %arg2[%get3A_34, %get3A_35] : memref<2528x8xf32, #tpu.memory_space<vmem>>, vector<2528x8xf32>
    %div3A_37 = arith.divf %mul3A, %get3A_36 : vector<2528x8xf32>
    %dot_general3A_38 = arith.constant dense<0.000000e+00> : vector<2528x128xf32>
    %dot_general3A_39 = tpu.matmul %div3A_37, %transpose3A, %dot_general3A_38 {dimension_numbers = #tpu.dot_dimension_numbers<[1], [0], [0], [1], [0, 0, 1, 1], [], []>, transpose_lhs_hint = false} : vector<2528x8xf32>, vector<8x128xf32>, vector<2528x128xf32> -> vector<2528x128xf32>
    %swap3A = arith.constant 0 : index
    %swap3A_40 = arith.constant 0 : index
    %swap3A_41 = vector.load %arg4[%swap3A, %swap3A_40] : memref<2528x128xf32, #tpu.memory_space<vmem>>, vector<2528x128xf32>
    tpu.vector_store %arg4[%swap3A, %swap3A_40], %dot_general3A_39 {strides = array<i32>} : memref<2528x128xf32, #tpu.memory_space<vmem>>, vector<2528x128xf32>,
    return
  }
  func.func @transform_0(%arg0: i32) -> (i32, i32) {
    %c0_i32 = arith.constant 0 : i32
    %c0_i32_0 = arith.constant 0 : i32
    return %arg0, %c0_i32 : i32, i32
  }
  func.func @transform_1(%arg0: i32) -> (i32, i32) {
    %c0_i32 = arith.constant 0 : i32
    %c0_i32_0 = arith.constant 0 : i32
    return %arg0, %c0_i32 : i32, i32
  }
  func.func @transform_2(%arg0: i32) -> (i32, i32) {
    %c0_i32 = arith.constant 0 : i32
    %c0_i32_0 = arith.constant 0 : i32
    return %arg0, %c0_i32 : i32, i32
  }
  func.func @transform_3(%arg0: i32) -> (i32, i32) {
    %c0_i32 = arith.constant 0 : i32
    %c0_i32_0 = arith.constant 0 : i32
    return %arg0, %c0_i32 : i32, i32
  }
}

module attributes {stable_mosaic.version = 14 : i64} {
  func.func @_k_proj(%arg0: i32, %arg1: memref<1000x128xf32, #tpu.memory_space<vmem>>, %arg2: memref<128x128xf32, #tpu.memory_space<vmem>>, %arg3: memref<1x128xf32, #tpu.memory_space<vmem>>, %arg4: memref<1000x128xf32, #tpu.memory_space<vmem>>) attributes {dimension_semantics = [#tpu.dimension_semantics<arbitrary>], iteration_bounds = array<i64: 10>, scalar_prefetch = 0 : i64, scratch_operands = 0 : i64, tpu.core_type = #tpu.core_type<tc>, window_params = [{transform_indices = @transform_0, window_bounds = array<i64: 1000, 128>}, {pipeline_mode = #tpu.pipeline_mode<synchronous>, transform_indices = @transform_1, window_bounds = array<i64: 128, 128>}, {pipeline_mode = #tpu.pipeline_mode<synchronous>, transform_indices = @transform_2, window_bounds = array<i64: 1, 128>}, {transform_indices = @transform_3, window_bounds = array<i64: 1000, 128>}]} {
    %get3A = arith.constant 0 : index
    %get3A_0 = arith.constant 0 : index
    %get3A_1 = vector.load %arg1[%get3A, %get3A_0] : memref<1000x128xf32, #tpu.memory_space<vmem>>, vector<1000x128xf32>
    %get3A_2 = arith.constant 0 : index
    %get3A_3 = arith.constant 0 : index
    %get3A_4 = vector.load %arg2[%get3A_2, %get3A_3] : memref<128x128xf32, #tpu.memory_space<vmem>>, vector<128x128xf32>
    %dot_general3A = arith.constant dense<0.000000e+00> : vector<1000x128xf32>
    %dot_general3A_5 = tpu.matmul %get3A_1, %get3A_4, %dot_general3A {dimension_numbers = #tpu.dot_dimension_numbers<[1], [0], [0], [1], [0, 0, 1, 1], [], []>, transpose_lhs_hint = false} : vector<1000x128xf32>, vector<128x128xf32>, vector<1000x128xf32> -> vector<1000x128xf32>
    %get3A_6 = arith.constant 0 : index
    %get3A_7 = arith.constant 0 : index
    %get3A_8 = vector.load %arg3[%get3A_6, %get3A_7] : memref<1x128xf32, #tpu.memory_space<vmem>>, vector<1x128xf32>
    %add3A = vector.broadcast %get3A_8 : vector<1x128xf32> to vector<1000x128xf32>
    %add3A_9 = arith.addf %dot_general3A_5, %add3A : vector<1000x128xf32>
    %swap3A = arith.constant 0 : index
    %swap3A_10 = arith.constant 0 : index
    %swap3A_11 = vector.load %arg4[%swap3A, %swap3A_10] : memref<1000x128xf32, #tpu.memory_space<vmem>>, vector<1000x128xf32>
    tpu.vector_store %arg4[%swap3A, %swap3A_10], %add3A_9 {strides = array<i32>} : memref<1000x128xf32, #tpu.memory_space<vmem>>, vector<1000x128xf32>,
    return
  }
  func.func @transform_0(%arg0: i32) -> (i32, i32) {
    %c0_i32 = arith.constant 0 : i32
    %c0_i32_0 = arith.constant 0 : i32
    return %arg0, %c0_i32 : i32, i32
  }
  func.func @transform_1(%arg0: i32) -> (i32, i32) {
    %c0_i32 = arith.constant 0 : i32
    %c0_i32_0 = arith.constant 0 : i32
    %c0_i32_1 = arith.constant 0 : i32
    return %c0_i32, %c0_i32_0 : i32, i32
  }
  func.func @transform_2(%arg0: i32) -> (i32, i32) {
    %c0_i32 = arith.constant 0 : i32
    %c0_i32_0 = arith.constant 0 : i32
    %c0_i32_1 = arith.constant 0 : i32
    return %c0_i32, %c0_i32_0 : i32, i32
  }
  func.func @transform_3(%arg0: i32) -> (i32, i32) {
    %c0_i32 = arith.constant 0 : i32
    %c0_i32_0 = arith.constant 0 : i32
    return %arg0, %c0_i32 : i32, i32
  }
}

</mosaic_0001>

<sc_bundles>
// kernel: kernel.26.cloned.1.call-start
scs
__scs_entry_jumppad:
0x0: {  	(pc) =	sbr.rel $0x88, $3  }
0x1: {  	(tag) =	ssettag $0x0;
	lr =	simm.s32 $0x1  }
0x2: {  	[smem:$0x3F93] =	sst lr;
	_ =	strace $0xD0000000  }
0x3: {  	_ = 	snop  }
0x4: {  	_ = 	snop  }
0x5: {  	_ = 	snop  }
0x6: {  	_ = 	snop  }
0x7: {  	_ = 	snop  }
__scs_overlays_trampoline_lowered:
0x8: {  	[smem:$0x3FA2] =	sst s0  }
0x9: {  	[smem:$0x3FA3] =	sst s1  }
0xa: {  	[smem:$0x3FA4] =	sst s2  }
0xb: {  	[smem:$0x3FA5] =	sst s3  }
0xc: {  	[smem:$0x3FA6] =	sst s4  }
0xd: {  	[smem:$0x3FA7] =	sst s5  }
0xe: {  	[smem:$0x3FA8] =	sst s6  }
0xf: {  	[smem:$0x3FA9] =	sst s7  }
0x10: {  	[smem:$0x3FAA] =	sst s8  }
0x11: {  	[smem:$0x3FAB] =	sst s9;
	s0 =	simm.s32 @!p0 $0x0  }
0x12: {  	s1 =	sld [smem:$0x3F91];
	s0 =	simm.s32 @p0 $0x1  }
0x13: {  	[smem:$0x3FAC] =	sst s0;
	s0 =	simm.s32 @!p1 $0x0  }
0x14: {  	s2 =	sld [smem:$0x3F90];
	s0 =	simm.s32 @p1 $0x1  }
0x15: {  	[smem:$0x3FAD] =	sst s0;
	s0 =	simm.s32 @!p2 $0x0  }
0x16: {  	s3 =	sld [smem:$0x3FDB];
	s0 =	simm.s32 @p2 $0x1  }
0x17: {  	s4 =	simm.s32 $0x1BF5;
	[smem:$0x3FAF] =	sst s0  }
0x18: {  	s0 =	sld [smem:$0x3F92];
	_ =	swait.ge [sflag:s4], $0x0  }
0x19: {  	s7 =	sld [smem:$0x3F93]  }
0x1a: {  	s8 =	sadd.s32 $0xFFFFE003, lr  }
0x1b: {  	s9 =	sadd.s32 $0xFFFFFEF7, lr;
	s5 =	simm.s32 $0xFFFFFFFF;
	p2 =	slt.u32 s8, $0xFFFFF086  }
0x1c: {  	p1 =	slt.u32 s9, $0xF7A;
	s5 =	simm.s32 @!p2 $0x0  }
0x1d: {  	s5 =	simm.s32 @p1 $0x1;
	p0 =	seq.s32 s7, s2  }
0x1e: {  	s7 =	smul.u32 @!p0 $0xF7A, s2;
	p2 =	seq.s32 @!p0 s5, $0x0  }
0x1f: {  	s9 =	smul.u32 $0xF7A, s1;
	s8 =	simm.s32 @!p0 $0x1BF5;
	p2 =	por !p2, p0  }
0x20: {  	[sflag:s8] =	ssyncset.s32 @!p0 $0xFFFFF086;
	s6 =	sadd.s32 @!p0 s3, s7;
	s7 =	simm.s32 @!p0 $0x108  }
0x21: {  	s3 =	sadd.s32 s3, s9;
	s6 =	sadd.s32 @!p0 $0x88, s6;
	s7 =	simm.s32 @p2 $0x1082  }
0x22: {  	[simem:s7], [sflag:s8] =	dma.local @!p0 [hbm:s6], $0xF7A  }
0x23: {  	s9 =	sor.u32 $0xD0000000, s2;
	s6 =	simm.s32 $0x108;
	_ =	swait.ge @!p0 [sflag:s8], $0x0  }
0x24: {  	s3 =	sadd.s32 $0x88, s3;
	s6 =	simm.s32 @!p1 $0x1082;
	[sflag:s4] =	ssyncset.s32 $0xFFFFF086  }
0x25: {  	[simem:s6], [sflag:s4] =	dma.local [hbm:s3], $0xF7A  }
0x26: {  	[smem:$0x3F93] =	sst s1;
	(tag) =	ssettag s2;
	_ =	strace s9  }
0x27: {  	s1 =	sld [smem:$0x3FA3]  }
0x28: {  	s2 =	sld [smem:$0x3FA4]  }
0x29: {  	s4 =	sld [smem:$0x3FA6]  }
0x2a: {  	p0 =	seq.s32 s5, $0x0;
	s5 =	sld [smem:$0x3FA7]  }
0x2b: {  	s6 =	sld [smem:$0x3FA8]  }
0x2c: {  	s7 =	sld [smem:$0x3FA9]  }
0x2d: {  	s3 =	simm.s32 $0x108;
	s8 =	sld [smem:$0x3FAA]  }
0x2e: {  	s3 =	simm.s32 @!p0 $0x1082;
	s9 =	sld [smem:$0x3FAB]  }
0x2f: {  	lr =	sadd.s32 s0, s3;
	s0 =	sld [smem:$0x3FA2]  }
0x30: {  	s3 =	sld [smem:$0x3FA5]  }
0x31: {  	[smem:$0x3FAE] =	sst s10  }
0x32: {  	s10 =	sld [smem:$0x3FAC];
	_ =	sdelay $0x3  }
0x33: {  	p0 =	seq.s32 s10, $0x1;
	s10 =	sld [smem:$0x3FAE];
	_ =	sdelay $0x3  }
0x34: {  	[smem:$0x3FAE] =	sst s10  }
0x35: {  	s10 =	sld [smem:$0x3FAD];
	_ =	sdelay $0x3  }
0x36: {  	p1 =	seq.s32 s10, $0x1;
	s10 =	sld [smem:$0x3FAE];
	_ =	sdelay $0x3  }
0x37: {  	[smem:$0x3FAE] =	sst s10  }
0x38: {  	s10 =	sld [smem:$0x3FAF]  }
0x39: {  	_ = 	snop;
	(pc) =	sbr.ind lr, $3  }
0x3a: {  	_ = 	snop  }
0x3b: {  	_ = 	snop  }
0x3c: {  	p2 =	seq.s32 s10, $0x1;
	s10 =	sld [smem:$0x3FAE]  }
0x3d: {  	_ =	shalt  }
0x3e: {  	_ =	shalt  }
0x3f: {  	_ =	shalt  }
0x40: {  	_ =	shalt  }
0x41: {  	_ =	shalt  }
0x42: {  	_ =	shalt  }
0x43: {  	_ =	shalt  }
0x44: {  	_ =	shalt  }
0x45: {  	_ =	shalt  }
0x46: {  	_ =	shalt  }
0x47: {  	_ =	shalt  }
0x48: {  	_ =	shalt  }
0x49: {  	_ =	shalt  }
0x4a: {  	_ =	shalt  }
0x4b: {  	_ =	shalt  }
0x4c: {  	_ =	shalt  }
0x4d: {  	_ =	shalt  }
0x4e: {  	_ =	shalt  }
0x4f: {  	_ =	shalt  }
0x50: {  	_ =	shalt  }
0x51: {  	_ =	shalt  }
0x52: {  	_ =	shalt  }
0x53: {  	_ =	shalt  }
0x54: {  	_ =	shalt  }
0x55: {  	_ =	shalt  }
0x56: {  	_ =	shalt  }
0x57: {  	_ =	shalt  }
0x58: {  	_ =	shalt  }
0x59: {  	_ =	shalt  }
0x5a: {  	_ =	shalt  }
0x5b: {  	_ =	shalt  }
0x5c: {  	_ =	shalt  }
0x5d: {  	_ =	shalt  }
0x5e: {  	_ =	shalt  }
0x5f: {  	_ =	shalt  }
0x60: {  	_ =	shalt  }
0x61: {  	_ =	shalt  }
0x62: {  	_ =	shalt  }
0x63: {  	_ =	shalt  }
0x64: {  	_ =	shalt  }
0x65: {  	_ =	shalt  }
0x66: {  	_ =	shalt  }
0x67: {  	_ =	shalt  }
0x68: {  	_ =	shalt  }
0x69: {  	_ =	shalt  }
0x6a: {  	_ =	shalt  }
0x6b: {  	_ =	shalt  }
0x6c: {  	_ =	shalt  }
0x6d: {  	_ =	shalt  }
0x6e: {  	_ =	shalt  }
0x6f: {  	_ =	shalt  }
0x70: {  	_ =	shalt  }
0x71: {  	_ =	shalt  }
0x72: {  	_ =	shalt  }
0x73: {  	_ =	shalt  }
0x74: {  	_ =	shalt  }
0x75: {  	_ =	shalt  }
0x76: {  	_ =	shalt  }
0x77: {  	_ =	shalt  }
0x78: {  	_ =	shalt  }
0x79: {  	_ =	shalt  }
0x7a: {  	_ =	shalt  }
0x7b: {  	_ =	shalt  }
0x7c: {  	_ =	shalt  }
0x7d: {  	_ =	shalt  }
0x7e: {  	_ =	shalt  }
0x7f: {  	_ =	shalt  }
0x80: {  	_ =	shalt  }
0x81: {  	_ =	shalt  }
0x82: {  	_ =	shalt  }
0x83: {  	_ =	shalt  }
0x84: {  	_ =	shalt  }
0x85: {  	_ =	shalt  }
0x86: {  	_ =	shalt  }
0x87: {  	_ =	shalt  }
.Lfunc_end0:
.L_simem_size_0:
called_computation_lowered:
.L_overlay_start_0:
0x88: {  	s2 =	sld [smem:$0x3FD9]  }
0x89: {  	s3 =	sld [smem:$0x3FFE];
	_ =	sdelay $0x1  }
0x8a: {  	s1 =	srdreg.scid  }
0x8b: {  	s0 =	sand.u32 $0x1, s1  }
0x8c: {  	s17 =	sshll.u32 s0, $0xA;
	s2 =	sadd.s32 s3, s2  }
0x8d: {  	s2 =	sadd.s32 s2, s17  }
0x8e: {  	[smem:$0x3FBA] =	sst s2  }
0x8f: {  	_ = 	snop  }
0x90: {  	s2 =	sld [smem:$0x3FD0];
	(tm) =	ssettm $0x1  }
0x91: {  	s18 =	sld [smem:$0x3FFB];
	_ =	sdelay $0x3  }
0x92: {  	_ =	strace s18  }
0x93: {  	s3 =	sld [smem:$0x3FFC];
	_ =	sdelay $0x3  }
0x94: {  	_ =	strace s3  }
0x95: {  	s3 =	sld [smem:$0x3FFD];
	_ =	sdelay $0x3  }
0x96: {  	_ =	strace s3  }
0x97: {  	_ =	strace $0x8FFFFFFF  }
0x98: {  	s19 =	sld [smem:$0x3FDB];
	_ =	sdelay $0x1  }
0x99: {  	s4 =	simm.s32 $_scs_section_size  }
0x9a: {  	s5 =	simm.s32 $_size__tile_overlayer_lowered;
	s6 =	simm.s32 $_tile_overlayer_lowered  }
0x9b: {  	s22 =	simm.s32 $0x1BFF;
	s21 =	sshll.u32 s6, $0x1;
	s3 =	sadd.s32 s4, s19  }
0x9c: {  	s7 =	simm.s32 $0x0;
	s20 =	sshll.u32 s5, $0x1;
	s5 =	sadd.s32 s21, s3  }
0x9d: {  	[timem:s7], [sflag:s22] =	dma.local [hbm:s5], s20  }
0x9e: {  	_ =	swait.ge [sflag:s22], s20  }
0x9f: {  	s4 =	ssub.s32 $0x0, s20;
	[sflag:s22] =	ssyncset.done $0x0  }
0xa0: {  	[sflag:s22] =	ssyncadd.s32 s4;
	_ =	sdelay $0x1  }
0xa1: {  	s23 =	simm.s32 $0x1B8B  }
0xa2: {  	_ =	swait.ge [sflag:s23], $0x1  }
0xa3: {  	[sflag:s23] =	ssyncset.done $0x0  }
0xa4: {  	s25 =	simm.s32 $0x1B8E;
	s24 =	sld [smem:$0x3FFE];
	[sflag:s23] =	ssyncadd.s32 $0xFFFFFFFF  }
0xa5: {  	s26 =	simm.s32 $execute0_lowered;
	[smem:$0x3FD2] =	sst s25  }
0xa6: {  	s5 =	sshll.u32 s26, $0x1;
	_ =	strace $0x80000046;
	[dreg:$0x1] =	wrdreg $0xFFFFFFFF  }
0xa7: {  	s28 =	simm.s32 $_size_execute0_lowered;
	s3 =	sadd.s32 s3, s5;
	[dreg:$0x0] =	wrdreg $0x0  }
0xa8: {  	s5 =	sshll.u32 s28, $0x1;
	[dreg:$0x2] =	wrdreg s3  }
0xa9: {  	[dreg:$0x3] =	wrdreg s5  }
0xaa: {  	[dreg:$0x4] =	wrdreg $0xC0  }
0xab: {  	_ =	task [dreg:s7], $0x5FFFF  }
0xac: {  	[dreg:$0x1] =	wrdreg $0xFFFFFFFF  }
0xad: {  	[dreg:$0x0] =	wrdreg $0x60  }
0xae: {  	[dreg:$0x2] =	wrdreg s2  }
0xaf: {  	[dreg:$0x3] =	wrdreg s24  }
0xb0: {  	[dreg:$0x4] =	wrdreg $0x81000  }
0xb1: {  	[dreg:$0x5] =	wrdreg $0x9  }
0xb2: {  	_ =	task.clear_ibuf [dreg:s7], $0x6FFFF;
	_ =	strace $0x90000046  }
0xb3: {  	s29 =	simm.s32 $0x9;
	_ =	strace $0x80000048  }
0xb4: {  	_ =	swait.ge [sflag:s29], $0x1  }
0xb5: {  	[sflag:s29] =	ssyncadd.s32 $0xFFFFFFFF  }
0xb6: {  	_ =	strace $0x90000048  }
0xb7: {  	_ =	sfence  }
0xb8: {  	s30 =	sld [smem:$0x0];
	_ =	sdelay $0x2  }
0xb9: {  	s31 =	sshll.u32 s1, $0xD;
	s1 =	sshrl.u32 s1, $0x2  }
0xba: {  	s3 =	sand.u32 $0x4000, s31;
	s1 =	sadd.s32 s1, s30  }
0xbb: {  	s0 =	sor.u32 s3, s0;
	s1 =	sshll.u32 s1, $0x11  }
0xbc: {  	s0 =	sor.u32 s1, s0  }
0xbd: {  	s0 =	sadd.s32 $0x8F2B, s0  }
0xbe: {  	[sflag:s0] =	ssyncadd.remote.s32 $0x1  }
0xbf: {  	_ =	sfence.sel $0xFFFF  }
0xc0: {  	[dreg:$0x0] =	wrdreg $0xFFFFFFFF;
	(pc) =	sbr.abs _section_cstart, $3  }
0xc1: {  	[dreg:$0x1] =	wrdreg $0xFFFFFFFF  }
0xc2: {  	_ =	task.clear_ibuf [dreg:s7], $0x2FFFF;
	_ =	strace $0x9FFFFFFF  }
0xc3: {  	(tm) =	ssettm $0x7FFFFFFF  }
tec
execute0_lowered:
.L_overlay_start_1:
0x0: {  	(tag) =	ssettag $0x1  }
0x1: {  	s1 =	rddreg [dreg:$0x0]  }
0x2: {  	s10 =	rddreg [dreg:$0x1]  }
0x3: {  	s3 =	rddreg [dreg:$0x2]  }
0x4: {  	s0 =	rddreg [dreg:$0x3];
	s4 =	simm.s32 $0x0;
	s2 =	stileid.u32  }
0x5: {  	s7 =	srdreg.scid;
	s20 =	simm.s32 $0x4100;
	s21 =	simm.s32 $0x1  }
0x6: {  	[smem:$0x7FF] =	sst s4;
	s11 =	smul.u32 $0x13800, s2;
	s5 =	sadd.s32 $0xD000, s10  }
0x7: {  	s6 =	sadd.s32 $0x16E00, s10;
	s9 =	sand.u32 $0x1, s7;
	s7 =	sadd.s32 $0xBEC00, s10  }
0x8: {  	s15 =	smul.u32 $0x4E000, s2;
	s16 =	sadd.s32 $0x5FD000, s10;
	s28 =	sshll.u32 s2, $0x6  }
0x9: {  	s19 =	sadd.s32 $0x138000, s3;
	p0 =	sne.s32 s2, $0xF;
	_ =	strace $0x80000047  }
0xa: {  	s12 =	ssub.s32 $0x2, s9;
	s14 =	sshll.u32 s9, $0x4;
	s29 =	smul.u32 $0x138800, s9  }
0xb: {  	s9 =	sor.u32 $0x1C02, s28;
	s8 =	sshrl.u32 s11, $0x3;
	s13 =	sshrl.u32 s12, $0x1  }
0xc: {  	s25 =	sor.u32 s2, s14;
	s26 =	sshrl.u32 s15, $0x2;
	s8 =	sadd.s32 s8, s10  }
0xd: {  	s17 =	ssub.s32 s12, s13;
	s18 =	sadd.s32 s26, s3;
	s11 =	sadd.s32 s11, s29  }
0xe: {  	s30 =	sshrl.u32 s29, $0x3;
	s10 =	sadd.s32 $0x5FCE00, s10;
	s26 =	simm.s32 $0x0  }
0xf: {  	s8 =	sadd.s32 $0x5D5E00, s8;
	s31 =	sshrl.u32 s11, $0x3;
	s13 =	sadd.s32 s16, s30  }
0x10: {  	s11 =	smul.u32 $0x4F, s25;
	s14 =	smax.u32 s17, $0x1;
	s15 =	sshrl.u32 s18, $0x3  }
0x11: {  	s17 =	sshrl.u32 @!p0 s19, $0x3;
	s18 =	simm.s32 $0x80;
	s19 =	simm.s32 $0x100  }
0x12: {  	s12 =	sadd.s32 s16, s31;
	s13 =	sadd.s32 $0x27000, s13;
	s16 =	simm.s32 $0x2  }
.LBB2_1:
0x13: {  	[spmem:s15], [sflag:s9] =	dma.local [hbm:s8], $0x2700  }
0x14: {  	_ =	swait.ge [sflag:s16], $0x2700  }
0x15: {  	[sflag:s16] =	ssyncset.done $0x0  }
0x16: {  	s22 =	simm.s32 @!p0 $0x2;
	[sflag:s16] =	ssyncadd.s32 $0xFFFFD900  }
0x17: {  	[spmem:s17], [sflag:s9] =	dma.local @!p0 [hbm:s10], $0x100  }
0x18: {  	_ =	swait.ge @!p0 [sflag:s22], $0x100  }
0x19: {  	[sflag:s22] =	ssyncset.done @!p0 $0x0  }
0x1a: {  	[sflag:s22] =	ssyncadd.s32 @!p0 $0xFFFFFF00  }
0x1b: {  	s22 =	simm.s32 $0x0;
	[bflag:$0x0] =	sbarrier.arrive $0xFFFF  }
.LBB2_2:
0x1c: {  	s23 =	sadd.s32 s11, s22  }
0x1d: {  	s24 =	sshll.u32 s23, $0x4  }
0x1e: {  	s25 =	sadd.s32 s5, s24  }
0x1f: {  	[tilespmem:s26], [sflag:$0x2] =	stream.linear.gather [hbm4b:s25+s26], $0x80, $0x38;
	[tilespmem:$0x1B980] =	vst v63  }
0x20: {  	_ =	swait.ge [sflag:s16], $0x80  }
0x21: {  	[sflag:s16] =	ssyncset.done $0x0  }
0x22: {  	s24 =	sadd.s32 s6, s24;
	[sflag:s16] =	ssyncadd.s32 $0xFFFFFF80  }
0x23: {  	[tilespmem:s18], [sflag:$0x2] =	stream.linear.gather [hbm4b:s24+s26], $0x80, $0x38;
	[tilespmem:$0x1B980] =	vst v63  }
0x24: {  	_ =	swait.ge [sflag:s16], $0x80  }
0x25: {  	s23 =	sshll.u32 s23, $0xB;
	[sflag:s16] =	ssyncset.done $0x0  }
0x26: {  	s23 =	sadd.s32 s7, s23;
	[sflag:s16] =	ssyncadd.s32 $0xFFFFFF80  }
0x27: {  	[tilespmem:s19], [sflag:$0x2] =	stream.linear.gather [hbm4b:s23+s26], $0x4000, $0x38;
	[tilespmem:$0x1B980] =	vst v63  }
0x28: {  	_ =	swait.ge [sflag:s16], $0x4000  }
0x29: {  	[sflag:s16] =	ssyncset.done $0x0  }
0x2a: {  	[sflag:s16] =	ssyncadd.s32 $0xFFFFC000  }
0x2b: {  	[tilespmem:s20], [sflag:$0x1] =	stream.indirect.gather [hbm4b:s1+s18], $0x80, s26, s18, $0xb8;
	[tilespmem:$0x1B980] =	vst v63  }
0x2c: {  	_ =	swait.ge [sflag:s21], $0x4000  }
0x2d: {  	[sflag:s21] =	ssyncset.done $0x0  }
0x2e: {  	s23 =	simm.s32 $0x0;
	[sflag:s21] =	ssyncadd.s32 $0xFFFFC000  }
0x2f: {  	v0 =	vld [tilespmem:s23+$0x100]  }
0x30: {  	v4 =	vld [tilespmem:s23+$0x4100]  }
0x31: {  	v6 =	vld [tilespmem:s23+$0x4110]  }
0x32: {  	v5 =	vld [tilespmem:s23+$0x4120]  }
0x33: {  	v3 =	vld [tilespmem:s23+$0x4130]  }
0x34: {  	v1 =	vld [tilespmem:s23+$0x4140]  }
0x35: {  	v2 =	vld [tilespmem:s23+$0x4150];
	v7 =	vmul.f32 v4, v0  }
0x36: {  	s24 =	simm.s32 $0x200;
	v6 =	vmul.f32 v6, v0;
	v4 =	vld [tilespmem:s23+$0x4160]  }
.LBB2_3:
0x37: {  	s25 =	sshra.s32 s24, $0x2;
	p1 =	sne.s32 s24, $0xFE00;
	[tilespmem:s23+$0x4100] =	vst v7;
	v5 =	vmul.f32 v5, v0;
	v7 =	vld [tilespmem:s23+$0x4170]  }
0x38: {  	v8 =	vld [tilespmem:s25+$0x100];
	[tilespmem:s23+$0x4110] =	vst v6;
	v3 =	vmul.f32 v3, v0  }
0x39: {  	v6 =	vld [tilespmem:s25+$0x4100];
	[tilespmem:s23+$0x4120] =	vst v5;
	v1 =	vmul.f32 v1, v0  }
0x3a: {  	v9 =	vld [tilespmem:s25+$0x4110];
	[tilespmem:s23+$0x4130] =	vst v3;
	v2 =	vmul.f32 v2, v0  }
.Ltmp0:
0x3b: {  	v5 =	vld [tilespmem:s25+$0x4120];
	[tilespmem:s23+$0x4140] =	vst v1;
	v4 =	vmul.f32 v4, v0;
	(pc) =	sbr.rel @p1 .LBB2_3-.Ltmp0, $4  }
0x3c: {  	v3 =	vld [tilespmem:s25+$0x4130];
	[tilespmem:s23+$0x4150] =	vst v2;
	v10 =	vmul.f32 v7, v0  }
0x3d: {  	v1 =	vld [tilespmem:s25+$0x4140];
	[tilespmem:s23+$0x4160] =	vst v4;
	v0 =	vmov v8  }
0x3e: {  	v7 =	vmul.f32 v6, v0;
	v2 =	vld [tilespmem:s25+$0x4150];
	[tilespmem:s23+$0x4170] =	vst v10;
	s23 =	smov.u32 s25  }
0x3f: {  	s24 =	sadd.s32 $0x200, s24;
	v6 =	vmul.f32 v9, v0;
	v4 =	vld [tilespmem:s23+$0x4160]  }
0x40: {  	[tilespmem:s23+$0x4100] =	vst v7;
	v5 =	vmul.f32 v5, v0;
	v61 =	vld [tilespmem:s23+$0x4170]  }
0x41: {  	[tilespmem:s23+$0x4110] =	vst v6;
	v3 =	vmul.f32 v3, v0  }
0x42: {  	[tilespmem:s23+$0x4120] =	vst v5;
	v1 =	vmul.f32 v1, v0  }
0x43: {  	[tilespmem:s23+$0x4130] =	vst v3;
	v2 =	vmul.f32 v2, v0  }
0x44: {  	[tilespmem:s23+$0x4140] =	vst v1;
	v62 =	vmul.f32 v4, v0  }
0x45: {  	s22 =	sadd.s32 $0x1, s22;
	[tilespmem:s23+$0x4150] =	vst v2;
	v63 =	vmul.f32 v61, v0  }
0x46: {  	p1 =	sne.s32 s22, $0x4F;
	[tilespmem:s23+$0x4160] =	vst v62  }
.Ltmp1:
0x47: {  	[tilespmem:s23+$0x4170] =	vst v63;
	(pc) =	sbr.rel @p1 .LBB2_2-.Ltmp1, $4  }
0x48: {  	[spmem:s3] =	stream.indirect.scatter.add.f32 [tilespmem:s20], [sflag:$0x2], $0x80, s18, s18, $0xb8;
	[tilespmem:$0x1B980] =	vst v63  }
0x49: {  	_ =	swait.ge [sflag:s16], $0x4000  }
0x4a: {  	[sflag:s16] =	ssyncset.done $0x0  }
0x4b: {  	[sflag:s16] =	ssyncadd.s32 $0xFFFFC000  }
0x4c: {  	[bflag:$0x0] =	sbarrier.arrive $0xFFFF  }
0x4d: {  	[hbm:s12], [sflag:s9] =	dma.local [spmem:s15], $0x2700  }
0x4e: {  	s4 =	sadd.s32 $0x1, s4;
	_ =	swait.ge [sflag:s16], $0x2700  }
0x4f: {  	p1 =	sne.s32 s4, s14;
	[sflag:s16] =	ssyncset.done $0x0  }
.Ltmp2:
0x50: {  	s22 =	simm.s32 @!p0 $0x2;
	[sflag:s16] =	ssyncadd.s32 $0xFFFFD900;
	(pc) =	sbr.rel @p1 .LBB2_1-.Ltmp2, $4  }
0x51: {  	[hbm:s13], [sflag:s9] =	dma.local @!p0 [spmem:s17], $0x100  }
0x52: {  	_ =	swait.ge @!p0 [sflag:s22], $0x100  }
0x53: {  	[sflag:s22] =	ssyncset.done @!p0 $0x0  }
0x54: {  	[sflag:s22] =	ssyncadd.s32 @!p0 $0xFFFFFF00  }
0x55: {  	_ =	sfence.sel $0x180000  }
0x56: {  	[bflag:$0x0] =	sbarrier.arrive $0xFFFF  }
0x57: {  	p0 =	sne.s32 s2, $0x0;
	_ =	strace $0x90000047  }
0x58: {  	s0 =	sadd.s32 @!p0 $0x100000, s0;
	[bflag:$0x2] =	sbarrier.arrive $0xFFFF  }
0x59: {  	[sflag:s0] =	ssyncadd.tile.s32 @!p0 $0x1;
	_ =	shalt  }
.Lfunc_end2:
_tile_overlayer_lowered:
.L_overlay_start_2:
0x5a: {  	(tag) =	ssettag $0x2  }
0x5b: {  	s0 =	rddreg [dreg:$0x0];
	s2 =	stileid.u32  }
0x5c: {  	s1 =	rddreg [dreg:$0x1];
	p0 =	sne.s32 s2, $0x0  }
0x5d: {  	s3 =	rddreg [dreg:$0x2];
	[bflag:$0x3] =	sbarrier.arrive $0xFFFF;
	s2 =	simm.s32 @!p0 $0x1C02  }
0x5e: {  	[timem:s3], [sflag:s2] =	dma.local @!p0 [hbm:s0], s1  }
0x5f: {  	s0 =	simm.s32 @!p0 $0x2  }
0x60: {  	_ =	swait.ge @!p0 [sflag:s0], s1  }
0x61: {  	s1 =	ssub.s32 @!p0 $0x0, s1;
	[sflag:s0] =	ssyncset.done @!p0 $0x0  }
0x62: {  	[sflag:s0] =	ssyncadd.s32 @!p0 s1  }
0x63: {  	[bflag:$0x3] =	sbarrier.arrive $0xFFFF  }
0x64: {  	_ =	shalt  }

// kernel: kernel.29.cloned.1.call-start
scs
__scs_entry_jumppad:
0x0: {  	(pc) =	sbr.rel $0x88, $3  }
0x1: {  	(tag) =	ssettag $0x0;
	lr =	simm.s32 $0x1  }
0x2: {  	[smem:$0x3F93] =	sst lr;
	_ =	strace $0xD0000000  }
0x3: {  	_ = 	snop  }
0x4: {  	_ = 	snop  }
0x5: {  	_ = 	snop  }
0x6: {  	_ = 	snop  }
0x7: {  	_ = 	snop  }
__scs_overlays_trampoline_lowered:
0x8: {  	[smem:$0x3FA2] =	sst s0  }
0x9: {  	[smem:$0x3FA3] =	sst s1  }
0xa: {  	[smem:$0x3FA4] =	sst s2  }
0xb: {  	[smem:$0x3FA5] =	sst s3  }
0xc: {  	[smem:$0x3FA6] =	sst s4  }
0xd: {  	[smem:$0x3FA7] =	sst s5  }
0xe: {  	[smem:$0x3FA8] =	sst s6  }
0xf: {  	[smem:$0x3FA9] =	sst s7  }
0x10: {  	[smem:$0x3FAA] =	sst s8  }
0x11: {  	[smem:$0x3FAB] =	sst s9;
	s0 =	simm.s32 @!p0 $0x0  }
0x12: {  	s1 =	sld [smem:$0x3F91];
	s0 =	simm.s32 @p0 $0x1  }
0x13: {  	[smem:$0x3FAC] =	sst s0;
	s0 =	simm.s32 @!p1 $0x0  }
0x14: {  	s2 =	sld [smem:$0x3F90];
	s0 =	simm.s32 @p1 $0x1  }
0x15: {  	[smem:$0x3FAD] =	sst s0;
	s0 =	simm.s32 @!p2 $0x0  }
0x16: {  	s3 =	sld [smem:$0x3FDB];
	s0 =	simm.s32 @p2 $0x1  }
0x17: {  	s4 =	simm.s32 $0x1BF5;
	[smem:$0x3FAF] =	sst s0  }
0x18: {  	s0 =	sld [smem:$0x3F92];
	_ =	swait.ge [sflag:s4], $0x0  }
0x19: {  	s7 =	sld [smem:$0x3F93]  }
0x1a: {  	s8 =	sadd.s32 $0xFFFFE003, lr  }
0x1b: {  	s9 =	sadd.s32 $0xFFFFFEF7, lr;
	s5 =	simm.s32 $0xFFFFFFFF;
	p2 =	slt.u32 s8, $0xFFFFF086  }
0x1c: {  	p1 =	slt.u32 s9, $0xF7A;
	s5 =	simm.s32 @!p2 $0x0  }
0x1d: {  	s5 =	simm.s32 @p1 $0x1;
	p0 =	seq.s32 s7, s2  }
0x1e: {  	s7 =	smul.u32 @!p0 $0xF7A, s2;
	p2 =	seq.s32 @!p0 s5, $0x0  }
0x1f: {  	s9 =	smul.u32 $0xF7A, s1;
	s8 =	simm.s32 @!p0 $0x1BF5;
	p2 =	por !p2, p0  }
0x20: {  	[sflag:s8] =	ssyncset.s32 @!p0 $0xFFFFF086;
	s6 =	sadd.s32 @!p0 s3, s7;
	s7 =	simm.s32 @!p0 $0x108  }
0x21: {  	s3 =	sadd.s32 s3, s9;
	s6 =	sadd.s32 @!p0 $0x88, s6;
	s7 =	simm.s32 @p2 $0x1082  }
0x22: {  	[simem:s7], [sflag:s8] =	dma.local @!p0 [hbm:s6], $0xF7A  }
0x23: {  	s9 =	sor.u32 $0xD0000000, s2;
	s6 =	simm.s32 $0x108;
	_ =	swait.ge @!p0 [sflag:s8], $0x0  }
0x24: {  	s3 =	sadd.s32 $0x88, s3;
	s6 =	simm.s32 @!p1 $0x1082;
	[sflag:s4] =	ssyncset.s32 $0xFFFFF086  }
0x25: {  	[simem:s6], [sflag:s4] =	dma.local [hbm:s3], $0xF7A  }
0x26: {  	[smem:$0x3F93] =	sst s1;
	(tag) =	ssettag s2;
	_ =	strace s9  }
0x27: {  	s1 =	sld [smem:$0x3FA3]  }
0x28: {  	s2 =	sld [smem:$0x3FA4]  }
0x29: {  	s4 =	sld [smem:$0x3FA6]  }
0x2a: {  	p0 =	seq.s32 s5, $0x0;
	s5 =	sld [smem:$0x3FA7]  }
0x2b: {  	s6 =	sld [smem:$0x3FA8]  }
0x2c: {  	s7 =	sld [smem:$0x3FA9]  }
0x2d: {  	s3 =	simm.s32 $0x108;
	s8 =	sld [smem:$0x3FAA]  }
0x2e: {  	s3 =	simm.s32 @!p0 $0x1082;
	s9 =	sld [smem:$0x3FAB]  }
0x2f: {  	lr =	sadd.s32 s0, s3;
	s0 =	sld [smem:$0x3FA2]  }
0x30: {  	s3 =	sld [smem:$0x3FA5]  }
0x31: {  	[smem:$0x3FAE] =	sst s10  }
0x32: {  	s10 =	sld [smem:$0x3FAC];
	_ =	sdelay $0x3  }
0x33: {  	p0 =	seq.s32 s10, $0x1;
	s10 =	sld [smem:$0x3FAE];
	_ =	sdelay $0x3  }
0x34: {  	[smem:$0x3FAE] =	sst s10  }
0x35: {  	s10 =	sld [smem:$0x3FAD];
	_ =	sdelay $0x3  }
0x36: {  	p1 =	seq.s32 s10, $0x1;
	s10 =	sld [smem:$0x3FAE];
	_ =	sdelay $0x3  }
0x37: {  	[smem:$0x3FAE] =	sst s10  }
0x38: {  	s10 =	sld [smem:$0x3FAF]  }
0x39: {  	_ = 	snop;
	(pc) =	sbr.ind lr, $3  }
0x3a: {  	_ = 	snop  }
0x3b: {  	_ = 	snop  }
0x3c: {  	p2 =	seq.s32 s10, $0x1;
	s10 =	sld [smem:$0x3FAE]  }
0x3d: {  	_ =	shalt  }
0x3e: {  	_ =	shalt  }
0x3f: {  	_ =	shalt  }
0x40: {  	_ =	shalt  }
0x41: {  	_ =	shalt  }
0x42: {  	_ =	shalt  }
0x43: {  	_ =	shalt  }
0x44: {  	_ =	shalt  }
0x45: {  	_ =	shalt  }
0x46: {  	_ =	shalt  }
0x47: {  	_ =	shalt  }
0x48: {  	_ =	shalt  }
0x49: {  	_ =	shalt  }
0x4a: {  	_ =	shalt  }
0x4b: {  	_ =	shalt  }
0x4c: {  	_ =	shalt  }
0x4d: {  	_ =	shalt  }
0x4e: {  	_ =	shalt  }
0x4f: {  	_ =	shalt  }
0x50: {  	_ =	shalt  }
0x51: {  	_ =	shalt  }
0x52: {  	_ =	shalt  }
0x53: {  	_ =	shalt  }
0x54: {  	_ =	shalt  }
0x55: {  	_ =	shalt  }
0x56: {  	_ =	shalt  }
0x57: {  	_ =	shalt  }
0x58: {  	_ =	shalt  }
0x59: {  	_ =	shalt  }
0x5a: {  	_ =	shalt  }
0x5b: {  	_ =	shalt  }
0x5c: {  	_ =	shalt  }
0x5d: {  	_ =	shalt  }
0x5e: {  	_ =	shalt  }
0x5f: {  	_ =	shalt  }
0x60: {  	_ =	shalt  }
0x61: {  	_ =	shalt  }
0x62: {  	_ =	shalt  }
0x63: {  	_ =	shalt  }
0x64: {  	_ =	shalt  }
0x65: {  	_ =	shalt  }
0x66: {  	_ =	shalt  }
0x67: {  	_ =	shalt  }
0x68: {  	_ =	shalt  }
0x69: {  	_ =	shalt  }
0x6a: {  	_ =	shalt  }
0x6b: {  	_ =	shalt  }
0x6c: {  	_ =	shalt  }
0x6d: {  	_ =	shalt  }
0x6e: {  	_ =	shalt  }
0x6f: {  	_ =	shalt  }
0x70: {  	_ =	shalt  }
0x71: {  	_ =	shalt  }
0x72: {  	_ =	shalt  }
0x73: {  	_ =	shalt  }
0x74: {  	_ =	shalt  }
0x75: {  	_ =	shalt  }
0x76: {  	_ =	shalt  }
0x77: {  	_ =	shalt  }
0x78: {  	_ =	shalt  }
0x79: {  	_ =	shalt  }
0x7a: {  	_ =	shalt  }
0x7b: {  	_ =	shalt  }
0x7c: {  	_ =	shalt  }
0x7d: {  	_ =	shalt  }
0x7e: {  	_ =	shalt  }
0x7f: {  	_ =	shalt  }
0x80: {  	_ =	shalt  }
0x81: {  	_ =	shalt  }
0x82: {  	_ =	shalt  }
0x83: {  	_ =	shalt  }
0x84: {  	_ =	shalt  }
0x85: {  	_ =	shalt  }
0x86: {  	_ =	shalt  }
0x87: {  	_ =	shalt  }
.Lfunc_end0:
.L_simem_size_0:
called_computation.1_lowered:
.L_overlay_start_0:
0x88: {  	s2 =	sld [smem:$0x3FD9]  }
0x89: {  	s3 =	sld [smem:$0x3FFE];
	_ =	sdelay $0x1  }
0x8a: {  	s1 =	srdreg.scid  }
0x8b: {  	s0 =	sand.u32 $0x1, s1  }
0x8c: {  	s16 =	sshll.u32 s0, $0xA;
	s2 =	sadd.s32 s3, s2  }
0x8d: {  	s2 =	sadd.s32 s2, s16  }
0x8e: {  	[smem:$0x3FBA] =	sst s2  }
0x8f: {  	_ = 	snop  }
0x90: {  	(tm) =	ssettm $0x1  }
0x91: {  	s17 =	sld [smem:$0x3FFB];
	_ =	sdelay $0x3  }
0x92: {  	_ =	strace s17  }
0x93: {  	s2 =	sld [smem:$0x3FFC];
	_ =	sdelay $0x3  }
0x94: {  	_ =	strace s2  }
0x95: {  	s2 =	sld [smem:$0x3FFD];
	_ =	sdelay $0x3  }
0x96: {  	_ =	strace s2  }
0x97: {  	_ =	strace $0x8FFFFFFF  }
0x98: {  	s18 =	sld [smem:$0x3FDB];
	_ =	sdelay $0x1  }
0x99: {  	s19 =	simm.s32 $_scs_section_size  }
0x9a: {  	s4 =	simm.s32 $_size__tile_overlayer_lowered;
	s5 =	simm.s32 $_tile_overlayer_lowered  }
0x9b: {  	s22 =	simm.s32 $0x1BFF;
	s21 =	sshll.u32 s5, $0x1;
	s2 =	sadd.s32 s19, s18  }
0x9c: {  	s6 =	simm.s32 $0x0;
	s20 =	sshll.u32 s4, $0x1;
	s4 =	sadd.s32 s21, s2  }
0x9d: {  	[timem:s6], [sflag:s22] =	dma.local [hbm:s4], s20  }
0x9e: {  	_ =	swait.ge [sflag:s22], s20  }
0x9f: {  	s3 =	ssub.s32 $0x0, s20;
	[sflag:s22] =	ssyncset.done $0x0  }
0xa0: {  	[sflag:s22] =	ssyncadd.s32 s3;
	_ =	sdelay $0x1  }
0xa1: {  	s23 =	simm.s32 $0x1B8B  }
0xa2: {  	_ =	swait.ge [sflag:s23], $0x1  }
0xa3: {  	[sflag:s23] =	ssyncset.done $0x0  }
0xa4: {  	s25 =	simm.s32 $0x1B8E;
	s24 =	sld [smem:$0x3FFE];
	[sflag:s23] =	ssyncadd.s32 $0xFFFFFFFF  }
0xa5: {  	s26 =	simm.s32 $execute0_lowered;
	[smem:$0x3FD2] =	sst s25  }
0xa6: {  	s4 =	sshll.u32 s26, $0x1;
	_ =	strace $0x80000049;
	[dreg:$0x1] =	wrdreg $0xFFFFFFFF  }
0xa7: {  	s28 =	simm.s32 $_size_execute0_lowered;
	s2 =	sadd.s32 s2, s4;
	[dreg:$0x0] =	wrdreg $0x0  }
0xa8: {  	s4 =	sshll.u32 s28, $0x1;
	[dreg:$0x2] =	wrdreg s2  }
0xa9: {  	[dreg:$0x3] =	wrdreg s4  }
0xaa: {  	[dreg:$0x4] =	wrdreg $0xC0  }
0xab: {  	_ =	task [dreg:s6], $0x5FFFF  }
0xac: {  	[dreg:$0x1] =	wrdreg $0xFFFFFFFF  }
0xad: {  	[dreg:$0x0] =	wrdreg $0x60  }
0xae: {  	[dreg:$0x2] =	wrdreg s24  }
0xaf: {  	[dreg:$0x3] =	wrdreg $0x81000  }
0xb0: {  	[dreg:$0x4] =	wrdreg $0x9  }
0xb1: {  	_ =	task.clear_ibuf [dreg:s6], $0x5FFFF;
	_ =	strace $0x90000049  }
0xb2: {  	s29 =	simm.s32 $0x9;
	_ =	strace $0x8000004B  }
0xb3: {  	_ =	swait.ge [sflag:s29], $0x1  }
0xb4: {  	[sflag:s29] =	ssyncadd.s32 $0xFFFFFFFF  }
0xb5: {  	_ =	strace $0x9000004B  }
0xb6: {  	_ =	sfence  }
0xb7: {  	s30 =	sld [smem:$0x0];
	_ =	sdelay $0x2  }
0xb8: {  	s31 =	sshll.u32 s1, $0xD;
	s1 =	sshrl.u32 s1, $0x2  }
0xb9: {  	s3 =	sand.u32 $0x4000, s31;
	s1 =	sadd.s32 s1, s30  }
0xba: {  	s0 =	sor.u32 s3, s0;
	s1 =	sshll.u32 s1, $0x11  }
0xbb: {  	s0 =	sor.u32 s1, s0  }
0xbc: {  	s0 =	sadd.s32 $0x8F2B, s0  }
0xbd: {  	[sflag:s0] =	ssyncadd.remote.s32 $0x1  }
0xbe: {  	_ =	sfence.sel $0xFFFF  }
0xbf: {  	[dreg:$0x0] =	wrdreg $0xFFFFFFFF;
	(pc) =	sbr.abs _section_cstart, $3  }
0xc0: {  	[dreg:$0x1] =	wrdreg $0xFFFFFFFF  }
0xc1: {  	_ =	task.clear_ibuf [dreg:s6], $0x2FFFF;
	_ =	strace $0x9FFFFFFF  }
0xc2: {  	(tm) =	ssettm $0x7FFFFFFF  }
0xc3: {  	_ =	shalt  }
tec
execute0_lowered:
.L_overlay_start_1:
0x0: {  	(tag) =	ssettag $0x1  }
0x1: {  	s10 =	rddreg [dreg:$0x0]  }
0x2: {  	s2 =	rddreg [dreg:$0x1]  }
0x3: {  	s0 =	rddreg [dreg:$0x2]  }
0x4: {  	s3 =	simm.s32 $0x0;
	s1 =	stileid.u32;
	s7 =	srdreg.scid  }
0x5: {  	s20 =	simm.s32 $0x4100;
	s21 =	simm.s32 $0x1;
	[smem:$0x7FF] =	sst s3  }
0x6: {  	s11 =	smul.u32 $0x13800, s1;
	s4 =	sadd.s32 $0x5FD000, s10;
	s5 =	sadd.s32 $0xD000, s10  }
0x7: {  	s6 =	sadd.s32 $0x16E00, s10;
	s9 =	sand.u32 $0x1, s7;
	s7 =	sadd.s32 $0xBEC00, s10  }
0x8: {  	s15 =	smul.u32 $0x4E000, s1;
	s16 =	sadd.s32 $0x64B400, s10;
	s28 =	sshll.u32 s1, $0x6  }
0x9: {  	s19 =	sadd.s32 $0x138000, s2;
	p0 =	sne.s32 s1, $0xF;
	_ =	strace $0x8000004A  }
0xa: {  	s12 =	ssub.s32 $0x2, s9;
	s14 =	sshll.u32 s9, $0x4;
	s29 =	smul.u32 $0x138800, s9  }
0xb: {  	s9 =	sor.u32 $0x1C02, s28;
	s8 =	sshrl.u32 s11, $0x3;
	s13 =	sshrl.u32 s12, $0x1  }
0xc: {  	s25 =	sor.u32 s1, s14;
	s26 =	sshrl.u32 s15, $0x2;
	s8 =	sadd.s32 s8, s10  }
0xd: {  	s17 =	ssub.s32 s12, s13;
	s18 =	sadd.s32 s26, s2;
	s11 =	sadd.s32 s11, s29  }
0xe: {  	s30 =	sshrl.u32 s29, $0x3;
	s10 =	sadd.s32 $0x5FCE00, s10;
	s26 =	simm.s32 $0x0  }
0xf: {  	s8 =	sadd.s32 $0x5D5E00, s8;
	s31 =	sshrl.u32 s11, $0x3;
	s13 =	sadd.s32 s16, s30  }
0x10: {  	s11 =	smul.u32 $0x4F, s25;
	s14 =	smax.u32 s17, $0x1;
	s15 =	sshrl.u32 s18, $0x3  }
0x11: {  	s17 =	sshrl.u32 @!p0 s19, $0x3;
	s18 =	simm.s32 $0x80;
	s19 =	simm.s32 $0x100  }
0x12: {  	s12 =	sadd.s32 s16, s31;
	s13 =	sadd.s32 $0x27000, s13;
	s16 =	simm.s32 $0x2  }
.LBB2_1:
0x13: {  	[spmem:s15], [sflag:s9] =	dma.local [hbm:s8], $0x2700  }
0x14: {  	_ =	swait.ge [sflag:s16], $0x2700  }
0x15: {  	[sflag:s16] =	ssyncset.done $0x0  }
0x16: {  	s22 =	simm.s32 @!p0 $0x2;
	[sflag:s16] =	ssyncadd.s32 $0xFFFFD900  }
0x17: {  	[spmem:s17], [sflag:s9] =	dma.local @!p0 [hbm:s10], $0x100  }
0x18: {  	_ =	swait.ge @!p0 [sflag:s22], $0x100  }
0x19: {  	[sflag:s22] =	ssyncset.done @!p0 $0x0  }
0x1a: {  	[sflag:s22] =	ssyncadd.s32 @!p0 $0xFFFFFF00  }
0x1b: {  	s22 =	simm.s32 $0x0;
	[bflag:$0x0] =	sbarrier.arrive $0xFFFF  }
.LBB2_2:
0x1c: {  	s23 =	sadd.s32 s11, s22  }
0x1d: {  	s24 =	sshll.u32 s23, $0x4  }
0x1e: {  	s25 =	sadd.s32 s5, s24  }
0x1f: {  	[tilespmem:s26], [sflag:$0x2] =	stream.linear.gather [hbm4b:s25+s26], $0x80, $0x38;
	[tilespmem:$0x1B980] =	vst v63  }
0x20: {  	_ =	swait.ge [sflag:s16], $0x80  }
0x21: {  	[sflag:s16] =	ssyncset.done $0x0  }
0x22: {  	s24 =	sadd.s32 s6, s24;
	[sflag:s16] =	ssyncadd.s32 $0xFFFFFF80  }
0x23: {  	[tilespmem:s18], [sflag:$0x2] =	stream.linear.gather [hbm4b:s24+s26], $0x80, $0x38;
	[tilespmem:$0x1B980] =	vst v63  }
0x24: {  	_ =	swait.ge [sflag:s16], $0x80  }
0x25: {  	s23 =	sshll.u32 s23, $0xB;
	[sflag:s16] =	ssyncset.done $0x0  }
0x26: {  	s23 =	sadd.s32 s7, s23;
	[sflag:s16] =	ssyncadd.s32 $0xFFFFFF80  }
0x27: {  	[tilespmem:s19], [sflag:$0x2] =	stream.linear.gather [hbm4b:s23+s26], $0x4000, $0x38;
	[tilespmem:$0x1B980] =	vst v63  }
0x28: {  	_ =	swait.ge [sflag:s16], $0x4000  }
0x29: {  	[sflag:s16] =	ssyncset.done $0x0  }
0x2a: {  	[sflag:s16] =	ssyncadd.s32 $0xFFFFC000  }
0x2b: {  	[tilespmem:s20], [sflag:$0x1] =	stream.indirect.gather [hbm4b:s4+s18], $0x80, s26, s18, $0xb8;
	[tilespmem:$0x1B980] =	vst v63  }
0x2c: {  	_ =	swait.ge [sflag:s21], $0x4000  }
0x2d: {  	[sflag:s21] =	ssyncset.done $0x0  }
0x2e: {  	s23 =	simm.s32 $0x0;
	[sflag:s21] =	ssyncadd.s32 $0xFFFFC000  }
0x2f: {  	v0 =	vld [tilespmem:s23+$0x100]  }
0x30: {  	v4 =	vld [tilespmem:s23+$0x4100]  }
0x31: {  	v6 =	vld [tilespmem:s23+$0x4110]  }
0x32: {  	v5 =	vld [tilespmem:s23+$0x4120]  }
0x33: {  	v3 =	vld [tilespmem:s23+$0x4130]  }
0x34: {  	v1 =	vld [tilespmem:s23+$0x4140]  }
0x35: {  	v2 =	vld [tilespmem:s23+$0x4150];
	v7 =	vmul.f32 v4, v0  }
0x36: {  	s24 =	simm.s32 $0x200;
	v6 =	vmul.f32 v6, v0;
	v4 =	vld [tilespmem:s23+$0x4160]  }
.LBB2_3:
0x37: {  	s25 =	sshra.s32 s24, $0x2;
	p1 =	sne.s32 s24, $0xFE00;
	[tilespmem:s23+$0x4100] =	vst v7;
	v5 =	vmul.f32 v5, v0;
	v7 =	vld [tilespmem:s23+$0x4170]  }
0x38: {  	v8 =	vld [tilespmem:s25+$0x100];
	[tilespmem:s23+$0x4110] =	vst v6;
	v3 =	vmul.f32 v3, v0  }
0x39: {  	v6 =	vld [tilespmem:s25+$0x4100];
	[tilespmem:s23+$0x4120] =	vst v5;
	v1 =	vmul.f32 v1, v0  }
0x3a: {  	v9 =	vld [tilespmem:s25+$0x4110];
	[tilespmem:s23+$0x4130] =	vst v3;
	v2 =	vmul.f32 v2, v0  }
.Ltmp0:
0x3b: {  	v5 =	vld [tilespmem:s25+$0x4120];
	[tilespmem:s23+$0x4140] =	vst v1;
	v4 =	vmul.f32 v4, v0;
	(pc) =	sbr.rel @p1 .LBB2_3-.Ltmp0, $4  }
0x3c: {  	v3 =	vld [tilespmem:s25+$0x4130];
	[tilespmem:s23+$0x4150] =	vst v2;
	v10 =	vmul.f32 v7, v0  }
0x3d: {  	v1 =	vld [tilespmem:s25+$0x4140];
	[tilespmem:s23+$0x4160] =	vst v4;
	v0 =	vmov v8  }
0x3e: {  	v7 =	vmul.f32 v6, v0;
	v2 =	vld [tilespmem:s25+$0x4150];
	[tilespmem:s23+$0x4170] =	vst v10;
	s23 =	smov.u32 s25  }
0x3f: {  	s24 =	sadd.s32 $0x200, s24;
	v6 =	vmul.f32 v9, v0;
	v4 =	vld [tilespmem:s23+$0x4160]  }
0x40: {  	[tilespmem:s23+$0x4100] =	vst v7;
	v5 =	vmul.f32 v5, v0;
	v61 =	vld [tilespmem:s23+$0x4170]  }
0x41: {  	[tilespmem:s23+$0x4110] =	vst v6;
	v3 =	vmul.f32 v3, v0  }
0x42: {  	[tilespmem:s23+$0x4120] =	vst v5;
	v1 =	vmul.f32 v1, v0  }
0x43: {  	[tilespmem:s23+$0x4130] =	vst v3;
	v2 =	vmul.f32 v2, v0  }
0x44: {  	[tilespmem:s23+$0x4140] =	vst v1;
	v62 =	vmul.f32 v4, v0  }
0x45: {  	s22 =	sadd.s32 $0x1, s22;
	[tilespmem:s23+$0x4150] =	vst v2;
	v63 =	vmul.f32 v61, v0  }
0x46: {  	p1 =	sne.s32 s22, $0x4F;
	[tilespmem:s23+$0x4160] =	vst v62  }
.Ltmp1:
0x47: {  	[tilespmem:s23+$0x4170] =	vst v63;
	(pc) =	sbr.rel @p1 .LBB2_2-.Ltmp1, $4  }
0x48: {  	[spmem:s2] =	stream.indirect.scatter.add.f32 [tilespmem:s20], [sflag:$0x2], $0x80, s18, s18, $0xb8;
	[tilespmem:$0x1B980] =	vst v63  }
0x49: {  	_ =	swait.ge [sflag:s16], $0x4000  }
0x4a: {  	[sflag:s16] =	ssyncset.done $0x0  }
0x4b: {  	[sflag:s16] =	ssyncadd.s32 $0xFFFFC000  }
0x4c: {  	[bflag:$0x0] =	sbarrier.arrive $0xFFFF  }
0x4d: {  	[hbm:s12], [sflag:s9] =	dma.local [spmem:s15], $0x2700  }
0x4e: {  	s3 =	sadd.s32 $0x1, s3;
	_ =	swait.ge [sflag:s16], $0x2700  }
0x4f: {  	p1 =	sne.s32 s3, s14;
	[sflag:s16] =	ssyncset.done $0x0  }
.Ltmp2:
0x50: {  	s22 =	simm.s32 @!p0 $0x2;
	[sflag:s16] =	ssyncadd.s32 $0xFFFFD900;
	(pc) =	sbr.rel @p1 .LBB2_1-.Ltmp2, $4  }
0x51: {  	[hbm:s13], [sflag:s9] =	dma.local @!p0 [spmem:s17], $0x100  }
0x52: {  	_ =	swait.ge @!p0 [sflag:s22], $0x100  }
0x53: {  	[sflag:s22] =	ssyncset.done @!p0 $0x0  }
0x54: {  	[sflag:s22] =	ssyncadd.s32 @!p0 $0xFFFFFF00  }
0x55: {  	_ =	sfence.sel $0x180000  }
0x56: {  	[bflag:$0x0] =	sbarrier.arrive $0xFFFF  }
0x57: {  	p0 =	sne.s32 s1, $0x0;
	_ =	strace $0x9000004A  }
0x58: {  	s0 =	sadd.s32 @!p0 $0x100000, s0;
	[bflag:$0x2] =	sbarrier.arrive $0xFFFF  }
0x59: {  	[sflag:s0] =	ssyncadd.tile.s32 @!p0 $0x1;
	_ =	shalt  }
.Lfunc_end2:
_tile_overlayer_lowered:
.L_overlay_start_2:
0x5a: {  	(tag) =	ssettag $0x2  }
0x5b: {  	s0 =	rddreg [dreg:$0x0];
	s2 =	stileid.u32  }
0x5c: {  	s1 =	rddreg [dreg:$0x1];
	p0 =	sne.s32 s2, $0x0  }
0x5d: {  	s3 =	rddreg [dreg:$0x2];
	[bflag:$0x3] =	sbarrier.arrive $0xFFFF;
	s2 =	simm.s32 @!p0 $0x1C02  }
0x5e: {  	[timem:s3], [sflag:s2] =	dma.local @!p0 [hbm:s0], s1  }
0x5f: {  	s0 =	simm.s32 @!p0 $0x2  }
0x60: {  	_ =	swait.ge @!p0 [sflag:s0], s1  }
0x61: {  	s1 =	ssub.s32 @!p0 $0x0, s1;
	[sflag:s0] =	ssyncset.done @!p0 $0x0  }
0x62: {  	[sflag:s0] =	ssyncadd.s32 @!p0 s1  }
0x63: {  	[bflag:$0x3] =	sbarrier.arrive $0xFFFF  }
0x64: {  	_ =	shalt  }

// kernel: kernel.32.cloned.1.call-start
scs
__scs_entry_jumppad:
0x0: {  	(pc) =	sbr.rel $0x88, $3  }
0x1: {  	(tag) =	ssettag $0x0;
	lr =	simm.s32 $0x1  }
0x2: {  	[smem:$0x3F93] =	sst lr;
	_ =	strace $0xD0000000  }
0x3: {  	_ = 	snop  }
0x4: {  	_ = 	snop  }
0x5: {  	_ = 	snop  }
0x6: {  	_ = 	snop  }
0x7: {  	_ = 	snop  }
__scs_overlays_trampoline_lowered:
0x8: {  	[smem:$0x3FA2] =	sst s0  }
0x9: {  	[smem:$0x3FA3] =	sst s1  }
0xa: {  	[smem:$0x3FA4] =	sst s2  }
0xb: {  	[smem:$0x3FA5] =	sst s3  }
0xc: {  	[smem:$0x3FA6] =	sst s4  }
0xd: {  	[smem:$0x3FA7] =	sst s5  }
0xe: {  	[smem:$0x3FA8] =	sst s6  }
0xf: {  	[smem:$0x3FA9] =	sst s7  }
0x10: {  	[smem:$0x3FAA] =	sst s8  }
0x11: {  	[smem:$0x3FAB] =	sst s9;
	s0 =	simm.s32 @!p0 $0x0  }
0x12: {  	s1 =	sld [smem:$0x3F91];
	s0 =	simm.s32 @p0 $0x1  }
0x13: {  	[smem:$0x3FAC] =	sst s0;
	s0 =	simm.s32 @!p1 $0x0  }
0x14: {  	s2 =	sld [smem:$0x3F90];
	s0 =	simm.s32 @p1 $0x1  }
0x15: {  	[smem:$0x3FAD] =	sst s0;
	s0 =	simm.s32 @!p2 $0x0  }
0x16: {  	s3 =	sld [smem:$0x3FDB];
	s0 =	simm.s32 @p2 $0x1  }
0x17: {  	s4 =	simm.s32 $0x1BF5;
	[smem:$0x3FAF] =	sst s0  }
0x18: {  	s0 =	sld [smem:$0x3F92];
	_ =	swait.ge [sflag:s4], $0x0  }
0x19: {  	s7 =	sld [smem:$0x3F93]  }
0x1a: {  	s8 =	sadd.s32 $0xFFFFE003, lr  }
0x1b: {  	s9 =	sadd.s32 $0xFFFFFEF7, lr;
	s5 =	simm.s32 $0xFFFFFFFF;
	p2 =	slt.u32 s8, $0xFFFFF086  }
0x1c: {  	p1 =	slt.u32 s9, $0xF7A;
	s5 =	simm.s32 @!p2 $0x0  }
0x1d: {  	s5 =	simm.s32 @p1 $0x1;
	p0 =	seq.s32 s7, s2  }
0x1e: {  	s7 =	smul.u32 @!p0 $0xF7A, s2;
	p2 =	seq.s32 @!p0 s5, $0x0  }
0x1f: {  	s9 =	smul.u32 $0xF7A, s1;
	s8 =	simm.s32 @!p0 $0x1BF5;
	p2 =	por !p2, p0  }
0x20: {  	[sflag:s8] =	ssyncset.s32 @!p0 $0xFFFFF086;
	s6 =	sadd.s32 @!p0 s3, s7;
	s7 =	simm.s32 @!p0 $0x108  }
0x21: {  	s3 =	sadd.s32 s3, s9;
	s6 =	sadd.s32 @!p0 $0x88, s6;
	s7 =	simm.s32 @p2 $0x1082  }
0x22: {  	[simem:s7], [sflag:s8] =	dma.local @!p0 [hbm:s6], $0xF7A  }
0x23: {  	s9 =	sor.u32 $0xD0000000, s2;
	s6 =	simm.s32 $0x108;
	_ =	swait.ge @!p0 [sflag:s8], $0x0  }
0x24: {  	s3 =	sadd.s32 $0x88, s3;
	s6 =	simm.s32 @!p1 $0x1082;
	[sflag:s4] =	ssyncset.s32 $0xFFFFF086  }
0x25: {  	[simem:s6], [sflag:s4] =	dma.local [hbm:s3], $0xF7A  }
0x26: {  	[smem:$0x3F93] =	sst s1;
	(tag) =	ssettag s2;
	_ =	strace s9  }
0x27: {  	s1 =	sld [smem:$0x3FA3]  }
0x28: {  	s2 =	sld [smem:$0x3FA4]  }
0x29: {  	s4 =	sld [smem:$0x3FA6]  }
0x2a: {  	p0 =	seq.s32 s5, $0x0;
	s5 =	sld [smem:$0x3FA7]  }
0x2b: {  	s6 =	sld [smem:$0x3FA8]  }
0x2c: {  	s7 =	sld [smem:$0x3FA9]  }
0x2d: {  	s3 =	simm.s32 $0x108;
	s8 =	sld [smem:$0x3FAA]  }
0x2e: {  	s3 =	simm.s32 @!p0 $0x1082;
	s9 =	sld [smem:$0x3FAB]  }
0x2f: {  	lr =	sadd.s32 s0, s3;
	s0 =	sld [smem:$0x3FA2]  }
0x30: {  	s3 =	sld [smem:$0x3FA5]  }
0x31: {  	[smem:$0x3FAE] =	sst s10  }
0x32: {  	s10 =	sld [smem:$0x3FAC];
	_ =	sdelay $0x3  }
0x33: {  	p0 =	seq.s32 s10, $0x1;
	s10 =	sld [smem:$0x3FAE];
	_ =	sdelay $0x3  }
0x34: {  	[smem:$0x3FAE] =	sst s10  }
0x35: {  	s10 =	sld [smem:$0x3FAD];
	_ =	sdelay $0x3  }
0x36: {  	p1 =	seq.s32 s10, $0x1;
	s10 =	sld [smem:$0x3FAE];
	_ =	sdelay $0x3  }
0x37: {  	[smem:$0x3FAE] =	sst s10  }
0x38: {  	s10 =	sld [smem:$0x3FAF]  }
0x39: {  	_ = 	snop;
	(pc) =	sbr.ind lr, $3  }
0x3a: {  	_ = 	snop  }
0x3b: {  	_ = 	snop  }
0x3c: {  	p2 =	seq.s32 s10, $0x1;
	s10 =	sld [smem:$0x3FAE]  }
0x3d: {  	_ =	shalt  }
0x3e: {  	_ =	shalt  }
0x3f: {  	_ =	shalt  }
0x40: {  	_ =	shalt  }
0x41: {  	_ =	shalt  }
0x42: {  	_ =	shalt  }
0x43: {  	_ =	shalt  }
0x44: {  	_ =	shalt  }
0x45: {  	_ =	shalt  }
0x46: {  	_ =	shalt  }
0x47: {  	_ =	shalt  }
0x48: {  	_ =	shalt  }
0x49: {  	_ =	shalt  }
0x4a: {  	_ =	shalt  }
0x4b: {  	_ =	shalt  }
0x4c: {  	_ =	shalt  }
0x4d: {  	_ =	shalt  }
0x4e: {  	_ =	shalt  }
0x4f: {  	_ =	shalt  }
0x50: {  	_ =	shalt  }
0x51: {  	_ =	shalt  }
0x52: {  	_ =	shalt  }
0x53: {  	_ =	shalt  }
0x54: {  	_ =	shalt  }
0x55: {  	_ =	shalt  }
0x56: {  	_ =	shalt  }
0x57: {  	_ =	shalt  }
0x58: {  	_ =	shalt  }
0x59: {  	_ =	shalt  }
0x5a: {  	_ =	shalt  }
0x5b: {  	_ =	shalt  }
0x5c: {  	_ =	shalt  }
0x5d: {  	_ =	shalt  }
0x5e: {  	_ =	shalt  }
0x5f: {  	_ =	shalt  }
0x60: {  	_ =	shalt  }
0x61: {  	_ =	shalt  }
0x62: {  	_ =	shalt  }
0x63: {  	_ =	shalt  }
0x64: {  	_ =	shalt  }
0x65: {  	_ =	shalt  }
0x66: {  	_ =	shalt  }
0x67: {  	_ =	shalt  }
0x68: {  	_ =	shalt  }
0x69: {  	_ =	shalt  }
0x6a: {  	_ =	shalt  }
0x6b: {  	_ =	shalt  }
0x6c: {  	_ =	shalt  }
0x6d: {  	_ =	shalt  }
0x6e: {  	_ =	shalt  }
0x6f: {  	_ =	shalt  }
0x70: {  	_ =	shalt  }
0x71: {  	_ =	shalt  }
0x72: {  	_ =	shalt  }
0x73: {  	_ =	shalt  }
0x74: {  	_ =	shalt  }
0x75: {  	_ =	shalt  }
0x76: {  	_ =	shalt  }
0x77: {  	_ =	shalt  }
0x78: {  	_ =	shalt  }
0x79: {  	_ =	shalt  }
0x7a: {  	_ =	shalt  }
0x7b: {  	_ =	shalt  }
0x7c: {  	_ =	shalt  }
0x7d: {  	_ =	shalt  }
0x7e: {  	_ =	shalt  }
0x7f: {  	_ =	shalt  }
0x80: {  	_ =	shalt  }
0x81: {  	_ =	shalt  }
0x82: {  	_ =	shalt  }
0x83: {  	_ =	shalt  }
0x84: {  	_ =	shalt  }
0x85: {  	_ =	shalt  }
0x86: {  	_ =	shalt  }
0x87: {  	_ =	shalt  }
.Lfunc_end0:
.L_simem_size_0:
called_computation.2_lowered:
.L_overlay_start_0:
0x88: {  	s2 =	sld [smem:$0x3FD9]  }
0x89: {  	s3 =	sld [smem:$0x3FFE];
	_ =	sdelay $0x1  }
0x8a: {  	s1 =	srdreg.scid  }
0x8b: {  	s0 =	sand.u32 $0x1, s1  }
0x8c: {  	s16 =	sshll.u32 s0, $0xA;
	s2 =	sadd.s32 s3, s2  }
0x8d: {  	s2 =	sadd.s32 s2, s16  }
0x8e: {  	[smem:$0x3FBA] =	sst s2  }
0x8f: {  	_ = 	snop  }
0x90: {  	(tm) =	ssettm $0x1  }
0x91: {  	s17 =	sld [smem:$0x3FFB];
	_ =	sdelay $0x3  }
0x92: {  	_ =	strace s17  }
0x93: {  	s2 =	sld [smem:$0x3FFC];
	_ =	sdelay $0x3  }
0x94: {  	_ =	strace s2  }
0x95: {  	s2 =	sld [smem:$0x3FFD];
	_ =	sdelay $0x3  }
0x96: {  	_ =	strace s2  }
0x97: {  	_ =	strace $0x8FFFFFFF  }
0x98: {  	s18 =	sld [smem:$0x3FDB];
	_ =	sdelay $0x1  }
0x99: {  	s19 =	simm.s32 $_scs_section_size  }
0x9a: {  	s4 =	simm.s32 $_size__tile_overlayer_lowered;
	s5 =	simm.s32 $_tile_overlayer_lowered  }
0x9b: {  	s22 =	simm.s32 $0x1BFF;
	s21 =	sshll.u32 s5, $0x1;
	s2 =	sadd.s32 s19, s18  }
0x9c: {  	s6 =	simm.s32 $0x0;
	s20 =	sshll.u32 s4, $0x1;
	s4 =	sadd.s32 s21, s2  }
0x9d: {  	[timem:s6], [sflag:s22] =	dma.local [hbm:s4], s20  }
0x9e: {  	_ =	swait.ge [sflag:s22], s20  }
0x9f: {  	s3 =	ssub.s32 $0x0, s20;
	[sflag:s22] =	ssyncset.done $0x0  }
0xa0: {  	[sflag:s22] =	ssyncadd.s32 s3;
	_ =	sdelay $0x1  }
0xa1: {  	s23 =	simm.s32 $0x1B8B  }
0xa2: {  	_ =	swait.ge [sflag:s23], $0x1  }
0xa3: {  	[sflag:s23] =	ssyncset.done $0x0  }
0xa4: {  	s25 =	simm.s32 $0x1B8E;
	s24 =	sld [smem:$0x3FFE];
	[sflag:s23] =	ssyncadd.s32 $0xFFFFFFFF  }
0xa5: {  	s26 =	simm.s32 $execute0_lowered;
	[smem:$0x3FD2] =	sst s25  }
0xa6: {  	s4 =	sshll.u32 s26, $0x1;
	_ =	strace $0x8000004C;
	[dreg:$0x1] =	wrdreg $0xFFFFFFFF  }
0xa7: {  	s28 =	simm.s32 $_size_execute0_lowered;
	s2 =	sadd.s32 s2, s4;
	[dreg:$0x0] =	wrdreg $0x0  }
0xa8: {  	s4 =	sshll.u32 s28, $0x1;
	[dreg:$0x2] =	wrdreg s2  }
0xa9: {  	[dreg:$0x3] =	wrdreg s4  }
0xaa: {  	[dreg:$0x4] =	wrdreg $0xC0  }
0xab: {  	_ =	task [dreg:s6], $0x5FFFF  }
0xac: {  	[dreg:$0x1] =	wrdreg $0xFFFFFFFF  }
0xad: {  	[dreg:$0x0] =	wrdreg $0x60  }
0xae: {  	[dreg:$0x2] =	wrdreg s24  }
0xaf: {  	[dreg:$0x3] =	wrdreg $0x81000  }
0xb0: {  	[dreg:$0x4] =	wrdreg $0x9  }
0xb1: {  	_ =	task.clear_ibuf [dreg:s6], $0x5FFFF;
	_ =	strace $0x9000004C  }
0xb2: {  	s29 =	simm.s32 $0x9;
	_ =	strace $0x8000004E  }
0xb3: {  	_ =	swait.ge [sflag:s29], $0x1  }
0xb4: {  	[sflag:s29] =	ssyncadd.s32 $0xFFFFFFFF  }
0xb5: {  	_ =	strace $0x9000004E  }
0xb6: {  	_ =	sfence  }
0xb7: {  	s30 =	sld [smem:$0x0];
	_ =	sdelay $0x2  }
0xb8: {  	s31 =	sshll.u32 s1, $0xD;
	s1 =	sshrl.u32 s1, $0x2  }
0xb9: {  	s3 =	sand.u32 $0x4000, s31;
	s1 =	sadd.s32 s1, s30  }
0xba: {  	s0 =	sor.u32 s3, s0;
	s1 =	sshll.u32 s1, $0x11  }
0xbb: {  	s0 =	sor.u32 s1, s0  }
0xbc: {  	s0 =	sadd.s32 $0x8F2B, s0  }
0xbd: {  	[sflag:s0] =	ssyncadd.remote.s32 $0x1  }
0xbe: {  	_ =	sfence.sel $0xFFFF  }
0xbf: {  	[dreg:$0x0] =	wrdreg $0xFFFFFFFF;
	(pc) =	sbr.abs _section_cstart, $3  }
0xc0: {  	[dreg:$0x1] =	wrdreg $0xFFFFFFFF  }
0xc1: {  	_ =	task.clear_ibuf [dreg:s6], $0x2FFFF;
	_ =	strace $0x9FFFFFFF  }
0xc2: {  	(tm) =	ssettm $0x7FFFFFFF  }
0xc3: {  	_ =	shalt  }
tec
execute0_lowered:
.L_overlay_start_1:
0x0: {  	(tag) =	ssettag $0x1  }
0x1: {  	s10 =	rddreg [dreg:$0x0]  }
0x2: {  	s2 =	rddreg [dreg:$0x1]  }
0x3: {  	s0 =	rddreg [dreg:$0x2]  }
0x4: {  	s3 =	simm.s32 $0x0;
	s1 =	stileid.u32;
	s7 =	srdreg.scid  }
0x5: {  	s20 =	simm.s32 $0x4100;
	s21 =	simm.s32 $0x1;
	[smem:$0x7FF] =	sst s3  }
0x6: {  	s11 =	smul.u32 $0x13800, s1;
	s4 =	sadd.s32 $0x5FD000, s10;
	s5 =	sadd.s32 $0xD000, s10  }
0x7: {  	s6 =	sadd.s32 $0x16E00, s10;
	s9 =	sand.u32 $0x1, s7;
	s7 =	sadd.s32 $0xBEC00, s10  }
0x8: {  	s15 =	smul.u32 $0x4E000, s1;
	s16 =	sadd.s32 $0x64B400, s10;
	s28 =	sshll.u32 s1, $0x6  }
0x9: {  	s19 =	sadd.s32 $0x138000, s2;
	p0 =	sne.s32 s1, $0xF;
	_ =	strace $0x8000004D  }
0xa: {  	s12 =	ssub.s32 $0x2, s9;
	s14 =	sshll.u32 s9, $0x4;
	s29 =	smul.u32 $0x138800, s9  }
0xb: {  	s9 =	sor.u32 $0x1C02, s28;
	s8 =	sshrl.u32 s11, $0x3;
	s13 =	sshrl.u32 s12, $0x1  }
0xc: {  	s25 =	sor.u32 s1, s14;
	s26 =	sshrl.u32 s15, $0x2;
	s8 =	sadd.s32 s8, s10  }
0xd: {  	s17 =	ssub.s32 s12, s13;
	s18 =	sadd.s32 s26, s2;
	s11 =	sadd.s32 s11, s29  }
0xe: {  	s30 =	sshrl.u32 s29, $0x3;
	s10 =	sadd.s32 $0x5FCE00, s10;
	s26 =	simm.s32 $0x0  }
0xf: {  	s8 =	sadd.s32 $0x5D5E00, s8;
	s31 =	sshrl.u32 s11, $0x3;
	s13 =	sadd.s32 s16, s30  }
0x10: {  	s11 =	smul.u32 $0x4F, s25;
	s14 =	smax.u32 s17, $0x1;
	s15 =	sshrl.u32 s18, $0x3  }
0x11: {  	s17 =	sshrl.u32 @!p0 s19, $0x3;
	s18 =	simm.s32 $0x80;
	s19 =	simm.s32 $0x100  }
0x12: {  	s12 =	sadd.s32 s16, s31;
	s13 =	sadd.s32 $0x27000, s13;
	s16 =	simm.s32 $0x2  }
.LBB2_1:
0x13: {  	[spmem:s15], [sflag:s9] =	dma.local [hbm:s8], $0x2700  }
0x14: {  	_ =	swait.ge [sflag:s16], $0x2700  }
0x15: {  	[sflag:s16] =	ssyncset.done $0x0  }
0x16: {  	s22 =	simm.s32 @!p0 $0x2;
	[sflag:s16] =	ssyncadd.s32 $0xFFFFD900  }
0x17: {  	[spmem:s17], [sflag:s9] =	dma.local @!p0 [hbm:s10], $0x100  }
0x18: {  	_ =	swait.ge @!p0 [sflag:s22], $0x100  }
0x19: {  	[sflag:s22] =	ssyncset.done @!p0 $0x0  }
0x1a: {  	[sflag:s22] =	ssyncadd.s32 @!p0 $0xFFFFFF00  }
0x1b: {  	s22 =	simm.s32 $0x0;
	[bflag:$0x0] =	sbarrier.arrive $0xFFFF  }
.LBB2_2:
0x1c: {  	s23 =	sadd.s32 s11, s22  }
0x1d: {  	s24 =	sshll.u32 s23, $0x4  }
0x1e: {  	s25 =	sadd.s32 s5, s24  }
0x1f: {  	[tilespmem:s26], [sflag:$0x2] =	stream.linear.gather [hbm4b:s25+s26], $0x80, $0x38;
	[tilespmem:$0x1B980] =	vst v63  }
0x20: {  	_ =	swait.ge [sflag:s16], $0x80  }
0x21: {  	[sflag:s16] =	ssyncset.done $0x0  }
0x22: {  	s24 =	sadd.s32 s6, s24;
	[sflag:s16] =	ssyncadd.s32 $0xFFFFFF80  }
0x23: {  	[tilespmem:s18], [sflag:$0x2] =	stream.linear.gather [hbm4b:s24+s26], $0x80, $0x38;
	[tilespmem:$0x1B980] =	vst v63  }
0x24: {  	_ =	swait.ge [sflag:s16], $0x80  }
0x25: {  	s23 =	sshll.u32 s23, $0xB;
	[sflag:s16] =	ssyncset.done $0x0  }
0x26: {  	s23 =	sadd.s32 s7, s23;
	[sflag:s16] =	ssyncadd.s32 $0xFFFFFF80  }
0x27: {  	[tilespmem:s19], [sflag:$0x2] =	stream.linear.gather [hbm4b:s23+s26], $0x4000, $0x38;
	[tilespmem:$0x1B980] =	vst v63  }
0x28: {  	_ =	swait.ge [sflag:s16], $0x4000  }
0x29: {  	[sflag:s16] =	ssyncset.done $0x0  }
0x2a: {  	[sflag:s16] =	ssyncadd.s32 $0xFFFFC000  }
0x2b: {  	[tilespmem:s20], [sflag:$0x1] =	stream.indirect.gather [hbm4b:s4+s18], $0x80, s26, s18, $0xb8;
	[tilespmem:$0x1B980] =	vst v63  }
0x2c: {  	_ =	swait.ge [sflag:s21], $0x4000  }
0x2d: {  	[sflag:s21] =	ssyncset.done $0x0  }
0x2e: {  	s23 =	simm.s32 $0x0;
	[sflag:s21] =	ssyncadd.s32 $0xFFFFC000  }
0x2f: {  	v0 =	vld [tilespmem:s23+$0x100]  }
0x30: {  	v4 =	vld [tilespmem:s23+$0x4100]  }
0x31: {  	v6 =	vld [tilespmem:s23+$0x4110]  }
0x32: {  	v5 =	vld [tilespmem:s23+$0x4120]  }
0x33: {  	v3 =	vld [tilespmem:s23+$0x4130]  }
0x34: {  	v1 =	vld [tilespmem:s23+$0x4140]  }
0x35: {  	v2 =	vld [tilespmem:s23+$0x4150];
	v7 =	vmul.f32 v4, v0  }
0x36: {  	s24 =	simm.s32 $0x200;
	v6 =	vmul.f32 v6, v0;
	v4 =	vld [tilespmem:s23+$0x4160]  }
.LBB2_3:
0x37: {  	s25 =	sshra.s32 s24, $0x2;
	p1 =	sne.s32 s24, $0xFE00;
	[tilespmem:s23+$0x4100] =	vst v7;
	v5 =	vmul.f32 v5, v0;
	v7 =	vld [tilespmem:s23+$0x4170]  }
0x38: {  	v8 =	vld [tilespmem:s25+$0x100];
	[tilespmem:s23+$0x4110] =	vst v6;
	v3 =	vmul.f32 v3, v0  }
0x39: {  	v6 =	vld [tilespmem:s25+$0x4100];
	[tilespmem:s23+$0x4120] =	vst v5;
	v1 =	vmul.f32 v1, v0  }
0x3a: {  	v9 =	vld [tilespmem:s25+$0x4110];
	[tilespmem:s23+$0x4130] =	vst v3;
	v2 =	vmul.f32 v2, v0  }
.Ltmp0:
0x3b: {  	v5 =	vld [tilespmem:s25+$0x4120];
	[tilespmem:s23+$0x4140] =	vst v1;
	v4 =	vmul.f32 v4, v0;
	(pc) =	sbr.rel @p1 .LBB2_3-.Ltmp0, $4  }
0x3c: {  	v3 =	vld [tilespmem:s25+$0x4130];
	[tilespmem:s23+$0x4150] =	vst v2;
	v10 =	vmul.f32 v7, v0  }
0x3d: {  	v1 =	vld [tilespmem:s25+$0x4140];
	[tilespmem:s23+$0x4160] =	vst v4;
	v0 =	vmov v8  }
0x3e: {  	v7 =	vmul.f32 v6, v0;
	v2 =	vld [tilespmem:s25+$0x4150];
	[tilespmem:s23+$0x4170] =	vst v10;
	s23 =	smov.u32 s25  }
0x3f: {  	s24 =	sadd.s32 $0x200, s24;
	v6 =	vmul.f32 v9, v0;
	v4 =	vld [tilespmem:s23+$0x4160]  }
0x40: {  	[tilespmem:s23+$0x4100] =	vst v7;
	v5 =	vmul.f32 v5, v0;
	v61 =	vld [tilespmem:s23+$0x4170]  }
0x41: {  	[tilespmem:s23+$0x4110] =	vst v6;
	v3 =	vmul.f32 v3, v0  }
0x42: {  	[tilespmem:s23+$0x4120] =	vst v5;
	v1 =	vmul.f32 v1, v0  }
0x43: {  	[tilespmem:s23+$0x4130] =	vst v3;
	v2 =	vmul.f32 v2, v0  }
0x44: {  	[tilespmem:s23+$0x4140] =	vst v1;
	v62 =	vmul.f32 v4, v0  }
0x45: {  	s22 =	sadd.s32 $0x1, s22;
	[tilespmem:s23+$0x4150] =	vst v2;
	v63 =	vmul.f32 v61, v0  }
0x46: {  	p1 =	sne.s32 s22, $0x4F;
	[tilespmem:s23+$0x4160] =	vst v62  }
.Ltmp1:
0x47: {  	[tilespmem:s23+$0x4170] =	vst v63;
	(pc) =	sbr.rel @p1 .LBB2_2-.Ltmp1, $4  }
0x48: {  	[spmem:s2] =	stream.indirect.scatter.add.f32 [tilespmem:s20], [sflag:$0x2], $0x80, s18, s18, $0xb8;
	[tilespmem:$0x1B980] =	vst v63  }
0x49: {  	_ =	swait.ge [sflag:s16], $0x4000  }
0x4a: {  	[sflag:s16] =	ssyncset.done $0x0  }
0x4b: {  	[sflag:s16] =	ssyncadd.s32 $0xFFFFC000  }
0x4c: {  	[bflag:$0x0] =	sbarrier.arrive $0xFFFF  }
0x4d: {  	[hbm:s12], [sflag:s9] =	dma.local [spmem:s15], $0x2700  }
0x4e: {  	s3 =	sadd.s32 $0x1, s3;
	_ =	swait.ge [sflag:s16], $0x2700  }
0x4f: {  	p1 =	sne.s32 s3, s14;
	[sflag:s16] =	ssyncset.done $0x0  }
.Ltmp2:
0x50: {  	s22 =	simm.s32 @!p0 $0x2;
	[sflag:s16] =	ssyncadd.s32 $0xFFFFD900;
	(pc) =	sbr.rel @p1 .LBB2_1-.Ltmp2, $4  }
0x51: {  	[hbm:s13], [sflag:s9] =	dma.local @!p0 [spmem:s17], $0x100  }
0x52: {  	_ =	swait.ge @!p0 [sflag:s22], $0x100  }
0x53: {  	[sflag:s22] =	ssyncset.done @!p0 $0x0  }
0x54: {  	[sflag:s22] =	ssyncadd.s32 @!p0 $0xFFFFFF00  }
0x55: {  	_ =	sfence.sel $0x180000  }
0x56: {  	[bflag:$0x0] =	sbarrier.arrive $0xFFFF  }
0x57: {  	p0 =	sne.s32 s1, $0x0;
	_ =	strace $0x9000004D  }
0x58: {  	s0 =	sadd.s32 @!p0 $0x100000, s0;
	[bflag:$0x2] =	sbarrier.arrive $0xFFFF  }
0x59: {  	[sflag:s0] =	ssyncadd.tile.s32 @!p0 $0x1;
	_ =	shalt  }
.Lfunc_end2:
_tile_overlayer_lowered:
.L_overlay_start_2:
0x5a: {  	(tag) =	ssettag $0x2  }
0x5b: {  	s0 =	rddreg [dreg:$0x0];
	s2 =	stileid.u32  }
0x5c: {  	s1 =	rddreg [dreg:$0x1];
	p0 =	sne.s32 s2, $0x0  }
0x5d: {  	s3 =	rddreg [dreg:$0x2];
	[bflag:$0x3] =	sbarrier.arrive $0xFFFF;
	s2 =	simm.s32 @!p0 $0x1C02  }
0x5e: {  	[timem:s3], [sflag:s2] =	dma.local @!p0 [hbm:s0], s1  }
0x5f: {  	s0 =	simm.s32 @!p0 $0x2  }
0x60: {  	_ =	swait.ge @!p0 [sflag:s0], s1  }
0x61: {  	s1 =	ssub.s32 @!p0 $0x0, s1;
	[sflag:s0] =	ssyncset.done @!p0 $0x0  }
0x62: {  	[sflag:s0] =	ssyncadd.s32 @!p0 s1  }
0x63: {  	[bflag:$0x3] =	sbarrier.arrive $0xFFFF  }
0x64: {  	_ =	shalt  }

// kernel: kernel.35.cloned.1.call-start
scs
__scs_entry_jumppad:
0x0: {  	(pc) =	sbr.rel $0x88, $3  }
0x1: {  	(tag) =	ssettag $0x0;
	lr =	simm.s32 $0x1  }
0x2: {  	[smem:$0x3F93] =	sst lr;
	_ =	strace $0xD0000000  }
0x3: {  	_ = 	snop  }
0x4: {  	_ = 	snop  }
0x5: {  	_ = 	snop  }
0x6: {  	_ = 	snop  }
0x7: {  	_ = 	snop  }
__scs_overlays_trampoline_lowered:
0x8: {  	[smem:$0x3FA2] =	sst s0  }
0x9: {  	[smem:$0x3FA3] =	sst s1  }
0xa: {  	[smem:$0x3FA4] =	sst s2  }
0xb: {  	[smem:$0x3FA5] =	sst s3  }
0xc: {  	[smem:$0x3FA6] =	sst s4  }
0xd: {  	[smem:$0x3FA7] =	sst s5  }
0xe: {  	[smem:$0x3FA8] =	sst s6  }
0xf: {  	[smem:$0x3FA9] =	sst s7  }
0x10: {  	[smem:$0x3FAA] =	sst s8  }
0x11: {  	[smem:$0x3FAB] =	sst s9;
	s0 =	simm.s32 @!p0 $0x0  }
0x12: {  	s1 =	sld [smem:$0x3F91];
	s0 =	simm.s32 @p0 $0x1  }
0x13: {  	[smem:$0x3FAC] =	sst s0;
	s0 =	simm.s32 @!p1 $0x0  }
0x14: {  	s2 =	sld [smem:$0x3F90];
	s0 =	simm.s32 @p1 $0x1  }
0x15: {  	[smem:$0x3FAD] =	sst s0;
	s0 =	simm.s32 @!p2 $0x0  }
0x16: {  	s3 =	sld [smem:$0x3FDB];
	s0 =	simm.s32 @p2 $0x1  }
0x17: {  	s4 =	simm.s32 $0x1BF5;
	[smem:$0x3FAF] =	sst s0  }
0x18: {  	s0 =	sld [smem:$0x3F92];
	_ =	swait.ge [sflag:s4], $0x0  }
0x19: {  	s7 =	sld [smem:$0x3F93]  }
0x1a: {  	s8 =	sadd.s32 $0xFFFFE003, lr  }
0x1b: {  	s9 =	sadd.s32 $0xFFFFFEF7, lr;
	s5 =	simm.s32 $0xFFFFFFFF;
	p2 =	slt.u32 s8, $0xFFFFF086  }
0x1c: {  	p1 =	slt.u32 s9, $0xF7A;
	s5 =	simm.s32 @!p2 $0x0  }
0x1d: {  	s5 =	simm.s32 @p1 $0x1;
	p0 =	seq.s32 s7, s2  }
0x1e: {  	s7 =	smul.u32 @!p0 $0xF7A, s2;
	p2 =	seq.s32 @!p0 s5, $0x0  }
0x1f: {  	s9 =	smul.u32 $0xF7A, s1;
	s8 =	simm.s32 @!p0 $0x1BF5;
	p2 =	por !p2, p0  }
0x20: {  	[sflag:s8] =	ssyncset.s32 @!p0 $0xFFFFF086;
	s6 =	sadd.s32 @!p0 s3, s7;
	s7 =	simm.s32 @!p0 $0x108  }
0x21: {  	s3 =	sadd.s32 s3, s9;
	s6 =	sadd.s32 @!p0 $0x88, s6;
	s7 =	simm.s32 @p2 $0x1082  }
0x22: {  	[simem:s7], [sflag:s8] =	dma.local @!p0 [hbm:s6], $0xF7A  }
0x23: {  	s9 =	sor.u32 $0xD0000000, s2;
	s6 =	simm.s32 $0x108;
	_ =	swait.ge @!p0 [sflag:s8], $0x0  }
0x24: {  	s3 =	sadd.s32 $0x88, s3;
	s6 =	simm.s32 @!p1 $0x1082;
	[sflag:s4] =	ssyncset.s32 $0xFFFFF086  }
0x25: {  	[simem:s6], [sflag:s4] =	dma.local [hbm:s3], $0xF7A  }
0x26: {  	[smem:$0x3F93] =	sst s1;
	(tag) =	ssettag s2;
	_ =	strace s9  }
0x27: {  	s1 =	sld [smem:$0x3FA3]  }
0x28: {  	s2 =	sld [smem:$0x3FA4]  }
0x29: {  	s4 =	sld [smem:$0x3FA6]  }
0x2a: {  	p0 =	seq.s32 s5, $0x0;
	s5 =	sld [smem:$0x3FA7]  }
0x2b: {  	s6 =	sld [smem:$0x3FA8]  }
0x2c: {  	s7 =	sld [smem:$0x3FA9]  }
0x2d: {  	s3 =	simm.s32 $0x108;
	s8 =	sld [smem:$0x3FAA]  }
0x2e: {  	s3 =	simm.s32 @!p0 $0x1082;
	s9 =	sld [smem:$0x3FAB]  }
0x2f: {  	lr =	sadd.s32 s0, s3;
	s0 =	sld [smem:$0x3FA2]  }
0x30: {  	s3 =	sld [smem:$0x3FA5]  }
0x31: {  	[smem:$0x3FAE] =	sst s10  }
0x32: {  	s10 =	sld [smem:$0x3FAC];
	_ =	sdelay $0x3  }
0x33: {  	p0 =	seq.s32 s10, $0x1;
	s10 =	sld [smem:$0x3FAE];
	_ =	sdelay $0x3  }
0x34: {  	[smem:$0x3FAE] =	sst s10  }
0x35: {  	s10 =	sld [smem:$0x3FAD];
	_ =	sdelay $0x3  }
0x36: {  	p1 =	seq.s32 s10, $0x1;
	s10 =	sld [smem:$0x3FAE];
	_ =	sdelay $0x3  }
0x37: {  	[smem:$0x3FAE] =	sst s10  }
0x38: {  	s10 =	sld [smem:$0x3FAF]  }
0x39: {  	_ = 	snop;
	(pc) =	sbr.ind lr, $3  }
0x3a: {  	_ = 	snop  }
0x3b: {  	_ = 	snop  }
0x3c: {  	p2 =	seq.s32 s10, $0x1;
	s10 =	sld [smem:$0x3FAE]  }
0x3d: {  	_ =	shalt  }
0x3e: {  	_ =	shalt  }
0x3f: {  	_ =	shalt  }
0x40: {  	_ =	shalt  }
0x41: {  	_ =	shalt  }
0x42: {  	_ =	shalt  }
0x43: {  	_ =	shalt  }
0x44: {  	_ =	shalt  }
0x45: {  	_ =	shalt  }
0x46: {  	_ =	shalt  }
0x47: {  	_ =	shalt  }
0x48: {  	_ =	shalt  }
0x49: {  	_ =	shalt  }
0x4a: {  	_ =	shalt  }
0x4b: {  	_ =	shalt  }
0x4c: {  	_ =	shalt  }
0x4d: {  	_ =	shalt  }
0x4e: {  	_ =	shalt  }
0x4f: {  	_ =	shalt  }
0x50: {  	_ =	shalt  }
0x51: {  	_ =	shalt  }
0x52: {  	_ =	shalt  }
0x53: {  	_ =	shalt  }
0x54: {  	_ =	shalt  }
0x55: {  	_ =	shalt  }
0x56: {  	_ =	shalt  }
0x57: {  	_ =	shalt  }
0x58: {  	_ =	shalt  }
0x59: {  	_ =	shalt  }
0x5a: {  	_ =	shalt  }
0x5b: {  	_ =	shalt  }
0x5c: {  	_ =	shalt  }
0x5d: {  	_ =	shalt  }
0x5e: {  	_ =	shalt  }
0x5f: {  	_ =	shalt  }
0x60: {  	_ =	shalt  }
0x61: {  	_ =	shalt  }
0x62: {  	_ =	shalt  }
0x63: {  	_ =	shalt  }
0x64: {  	_ =	shalt  }
0x65: {  	_ =	shalt  }
0x66: {  	_ =	shalt  }
0x67: {  	_ =	shalt  }
0x68: {  	_ =	shalt  }
0x69: {  	_ =	shalt  }
0x6a: {  	_ =	shalt  }
0x6b: {  	_ =	shalt  }
0x6c: {  	_ =	shalt  }
0x6d: {  	_ =	shalt  }
0x6e: {  	_ =	shalt  }
0x6f: {  	_ =	shalt  }
0x70: {  	_ =	shalt  }
0x71: {  	_ =	shalt  }
0x72: {  	_ =	shalt  }
0x73: {  	_ =	shalt  }
0x74: {  	_ =	shalt  }
0x75: {  	_ =	shalt  }
0x76: {  	_ =	shalt  }
0x77: {  	_ =	shalt  }
0x78: {  	_ =	shalt  }
0x79: {  	_ =	shalt  }
0x7a: {  	_ =	shalt  }
0x7b: {  	_ =	shalt  }
0x7c: {  	_ =	shalt  }
0x7d: {  	_ =	shalt  }
0x7e: {  	_ =	shalt  }
0x7f: {  	_ =	shalt  }
0x80: {  	_ =	shalt  }
0x81: {  	_ =	shalt  }
0x82: {  	_ =	shalt  }
0x83: {  	_ =	shalt  }
0x84: {  	_ =	shalt  }
0x85: {  	_ =	shalt  }
0x86: {  	_ =	shalt  }
0x87: {  	_ =	shalt  }
.Lfunc_end0:
.L_simem_size_0:
called_computation.3_lowered:
.L_overlay_start_0:
0x88: {  	s2 =	sld [smem:$0x3FD9]  }
0x89: {  	s3 =	sld [smem:$0x3FFE];
	_ =	sdelay $0x1  }
0x8a: {  	s1 =	srdreg.scid  }
0x8b: {  	s0 =	sand.u32 $0x1, s1  }
0x8c: {  	s16 =	sshll.u32 s0, $0xA;
	s2 =	sadd.s32 s3, s2  }
0x8d: {  	s2 =	sadd.s32 s2, s16  }
0x8e: {  	[smem:$0x3FBA] =	sst s2  }
0x8f: {  	_ = 	snop  }
0x90: {  	(tm) =	ssettm $0x1  }
0x91: {  	s17 =	sld [smem:$0x3FFB];
	_ =	sdelay $0x3  }
0x92: {  	_ =	strace s17  }
0x93: {  	s2 =	sld [smem:$0x3FFC];
	_ =	sdelay $0x3  }
0x94: {  	_ =	strace s2  }
0x95: {  	s2 =	sld [smem:$0x3FFD];
	_ =	sdelay $0x3  }
0x96: {  	_ =	strace s2  }
0x97: {  	_ =	strace $0x8FFFFFFF  }
0x98: {  	s18 =	sld [smem:$0x3FDB];
	_ =	sdelay $0x1  }
0x99: {  	s19 =	simm.s32 $_scs_section_size  }
0x9a: {  	s4 =	simm.s32 $_size__tile_overlayer_lowered;
	s5 =	simm.s32 $_tile_overlayer_lowered  }
0x9b: {  	s22 =	simm.s32 $0x1BFF;
	s21 =	sshll.u32 s5, $0x1;
	s2 =	sadd.s32 s19, s18  }
0x9c: {  	s6 =	simm.s32 $0x0;
	s20 =	sshll.u32 s4, $0x1;
	s4 =	sadd.s32 s21, s2  }
0x9d: {  	[timem:s6], [sflag:s22] =	dma.local [hbm:s4], s20  }
0x9e: {  	_ =	swait.ge [sflag:s22], s20  }
0x9f: {  	s3 =	ssub.s32 $0x0, s20;
	[sflag:s22] =	ssyncset.done $0x0  }
0xa0: {  	[sflag:s22] =	ssyncadd.s32 s3;
	_ =	sdelay $0x1  }
0xa1: {  	s23 =	simm.s32 $0x1B8B  }
0xa2: {  	_ =	swait.ge [sflag:s23], $0x1  }
0xa3: {  	[sflag:s23] =	ssyncset.done $0x0  }
0xa4: {  	s25 =	simm.s32 $0x1B8E;
	s24 =	sld [smem:$0x3FFE];
	[sflag:s23] =	ssyncadd.s32 $0xFFFFFFFF  }
0xa5: {  	s26 =	simm.s32 $execute0_lowered;
	[smem:$0x3FD2] =	sst s25  }
0xa6: {  	s4 =	sshll.u32 s26, $0x1;
	_ =	strace $0x8000004F;
	[dreg:$0x1] =	wrdreg $0xFFFFFFFF  }
0xa7: {  	s28 =	simm.s32 $_size_execute0_lowered;
	s2 =	sadd.s32 s2, s4;
	[dreg:$0x0] =	wrdreg $0x0  }
0xa8: {  	s4 =	sshll.u32 s28, $0x1;
	[dreg:$0x2] =	wrdreg s2  }
0xa9: {  	[dreg:$0x3] =	wrdreg s4  }
0xaa: {  	[dreg:$0x4] =	wrdreg $0xC0  }
0xab: {  	_ =	task [dreg:s6], $0x5FFFF  }
0xac: {  	[dreg:$0x1] =	wrdreg $0xFFFFFFFF  }
0xad: {  	[dreg:$0x0] =	wrdreg $0x60  }
0xae: {  	[dreg:$0x2] =	wrdreg s24  }
0xaf: {  	[dreg:$0x3] =	wrdreg $0x81000  }
0xb0: {  	[dreg:$0x4] =	wrdreg $0x9  }
0xb1: {  	_ =	task.clear_ibuf [dreg:s6], $0x5FFFF;
	_ =	strace $0x9000004F  }
0xb2: {  	s29 =	simm.s32 $0x9;
	_ =	strace $0x80000051  }
0xb3: {  	_ =	swait.ge [sflag:s29], $0x1  }
0xb4: {  	[sflag:s29] =	ssyncadd.s32 $0xFFFFFFFF  }
0xb5: {  	_ =	strace $0x90000051  }
0xb6: {  	_ =	sfence  }
0xb7: {  	s30 =	sld [smem:$0x0];
	_ =	sdelay $0x2  }
0xb8: {  	s31 =	sshll.u32 s1, $0xD;
	s1 =	sshrl.u32 s1, $0x2  }
0xb9: {  	s3 =	sand.u32 $0x4000, s31;
	s1 =	sadd.s32 s1, s30  }
0xba: {  	s0 =	sor.u32 s3, s0;
	s1 =	sshll.u32 s1, $0x11  }
0xbb: {  	s0 =	sor.u32 s1, s0  }
0xbc: {  	s0 =	sadd.s32 $0x8F2B, s0  }
0xbd: {  	[sflag:s0] =	ssyncadd.remote.s32 $0x1  }
0xbe: {  	_ =	sfence.sel $0xFFFF  }
0xbf: {  	[dreg:$0x0] =	wrdreg $0xFFFFFFFF;
	(pc) =	sbr.abs _section_cstart, $3  }
0xc0: {  	[dreg:$0x1] =	wrdreg $0xFFFFFFFF  }
0xc1: {  	_ =	task.clear_ibuf [dreg:s6], $0x2FFFF;
	_ =	strace $0x9FFFFFFF  }
0xc2: {  	(tm) =	ssettm $0x7FFFFFFF  }
0xc3: {  	_ =	shalt  }
tec
execute0_lowered:
.L_overlay_start_1:
0x0: {  	(tag) =	ssettag $0x1  }
0x1: {  	s10 =	rddreg [dreg:$0x0]  }
0x2: {  	s2 =	rddreg [dreg:$0x1]  }
0x3: {  	s0 =	rddreg [dreg:$0x2]  }
0x4: {  	s3 =	simm.s32 $0x0;
	s1 =	stileid.u32;
	s7 =	srdreg.scid  }
0x5: {  	s20 =	simm.s32 $0x4100;
	s21 =	simm.s32 $0x1;
	[smem:$0x7FF] =	sst s3  }
0x6: {  	s11 =	smul.u32 $0x13800, s1;
	s4 =	sadd.s32 $0x5FD000, s10;
	s5 =	sadd.s32 $0xD000, s10  }
0x7: {  	s6 =	sadd.s32 $0x16E00, s10;
	s9 =	sand.u32 $0x1, s7;
	s7 =	sadd.s32 $0xBEC00, s10  }
0x8: {  	s15 =	smul.u32 $0x4E000, s1;
	s16 =	sadd.s32 $0x64B400, s10;
	s28 =	sshll.u32 s1, $0x6  }
0x9: {  	s19 =	sadd.s32 $0x138000, s2;
	p0 =	sne.s32 s1, $0xF;
	_ =	strace $0x80000050  }
0xa: {  	s12 =	ssub.s32 $0x2, s9;
	s14 =	sshll.u32 s9, $0x4;
	s29 =	smul.u32 $0x138800, s9  }
0xb: {  	s9 =	sor.u32 $0x1C02, s28;
	s8 =	sshrl.u32 s11, $0x3;
	s13 =	sshrl.u32 s12, $0x1  }
0xc: {  	s25 =	sor.u32 s1, s14;
	s26 =	sshrl.u32 s15, $0x2;
	s8 =	sadd.s32 s8, s10  }
0xd: {  	s17 =	ssub.s32 s12, s13;
	s18 =	sadd.s32 s26, s2;
	s11 =	sadd.s32 s11, s29  }
0xe: {  	s30 =	sshrl.u32 s29, $0x3;
	s10 =	sadd.s32 $0x5FCE00, s10;
	s26 =	simm.s32 $0x0  }
0xf: {  	s8 =	sadd.s32 $0x5D5E00, s8;
	s31 =	sshrl.u32 s11, $0x3;
	s13 =	sadd.s32 s16, s30  }
0x10: {  	s11 =	smul.u32 $0x4F, s25;
	s14 =	smax.u32 s17, $0x1;
	s15 =	sshrl.u32 s18, $0x3  }
0x11: {  	s17 =	sshrl.u32 @!p0 s19, $0x3;
	s18 =	simm.s32 $0x80;
	s19 =	simm.s32 $0x100  }
0x12: {  	s12 =	sadd.s32 s16, s31;
	s13 =	sadd.s32 $0x27000, s13;
	s16 =	simm.s32 $0x2  }
.LBB2_1:
0x13: {  	[spmem:s15], [sflag:s9] =	dma.local [hbm:s8], $0x2700  }
0x14: {  	_ =	swait.ge [sflag:s16], $0x2700  }
0x15: {  	[sflag:s16] =	ssyncset.done $0x0  }
0x16: {  	s22 =	simm.s32 @!p0 $0x2;
	[sflag:s16] =	ssyncadd.s32 $0xFFFFD900  }
0x17: {  	[spmem:s17], [sflag:s9] =	dma.local @!p0 [hbm:s10], $0x100  }
0x18: {  	_ =	swait.ge @!p0 [sflag:s22], $0x100  }
0x19: {  	[sflag:s22] =	ssyncset.done @!p0 $0x0  }
0x1a: {  	[sflag:s22] =	ssyncadd.s32 @!p0 $0xFFFFFF00  }
0x1b: {  	s22 =	simm.s32 $0x0;
	[bflag:$0x0] =	sbarrier.arrive $0xFFFF  }
.LBB2_2:
0x1c: {  	s23 =	sadd.s32 s11, s22  }
0x1d: {  	s24 =	sshll.u32 s23, $0x4  }
0x1e: {  	s25 =	sadd.s32 s5, s24  }
0x1f: {  	[tilespmem:s26], [sflag:$0x2] =	stream.linear.gather [hbm4b:s25+s26], $0x80, $0x38;
	[tilespmem:$0x1B980] =	vst v63  }
0x20: {  	_ =	swait.ge [sflag:s16], $0x80  }
0x21: {  	[sflag:s16] =	ssyncset.done $0x0  }
0x22: {  	s24 =	sadd.s32 s6, s24;
	[sflag:s16] =	ssyncadd.s32 $0xFFFFFF80  }
0x23: {  	[tilespmem:s18], [sflag:$0x2] =	stream.linear.gather [hbm4b:s24+s26], $0x80, $0x38;
	[tilespmem:$0x1B980] =	vst v63  }
0x24: {  	_ =	swait.ge [sflag:s16], $0x80  }
0x25: {  	s23 =	sshll.u32 s23, $0xB;
	[sflag:s16] =	ssyncset.done $0x0  }
0x26: {  	s23 =	sadd.s32 s7, s23;
	[sflag:s16] =	ssyncadd.s32 $0xFFFFFF80  }
0x27: {  	[tilespmem:s19], [sflag:$0x2] =	stream.linear.gather [hbm4b:s23+s26], $0x4000, $0x38;
	[tilespmem:$0x1B980] =	vst v63  }
0x28: {  	_ =	swait.ge [sflag:s16], $0x4000  }
0x29: {  	[sflag:s16] =	ssyncset.done $0x0  }
0x2a: {  	[sflag:s16] =	ssyncadd.s32 $0xFFFFC000  }
0x2b: {  	[tilespmem:s20], [sflag:$0x1] =	stream.indirect.gather [hbm4b:s4+s18], $0x80, s26, s18, $0xb8;
	[tilespmem:$0x1B980] =	vst v63  }
0x2c: {  	_ =	swait.ge [sflag:s21], $0x4000  }
0x2d: {  	[sflag:s21] =	ssyncset.done $0x0  }
0x2e: {  	s23 =	simm.s32 $0x0;
	[sflag:s21] =	ssyncadd.s32 $0xFFFFC000  }
0x2f: {  	v0 =	vld [tilespmem:s23+$0x100]  }
0x30: {  	v4 =	vld [tilespmem:s23+$0x4100]  }
0x31: {  	v6 =	vld [tilespmem:s23+$0x4110]  }
0x32: {  	v5 =	vld [tilespmem:s23+$0x4120]  }
0x33: {  	v3 =	vld [tilespmem:s23+$0x4130]  }
0x34: {  	v1 =	vld [tilespmem:s23+$0x4140]  }
0x35: {  	v2 =	vld [tilespmem:s23+$0x4150];
	v7 =	vmul.f32 v4, v0  }
0x36: {  	s24 =	simm.s32 $0x200;
	v6 =	vmul.f32 v6, v0;
	v4 =	vld [tilespmem:s23+$0x4160]  }
.LBB2_3:
0x37: {  	s25 =	sshra.s32 s24, $0x2;
	p1 =	sne.s32 s24, $0xFE00;
	[tilespmem:s23+$0x4100] =	vst v7;
	v5 =	vmul.f32 v5, v0;
	v7 =	vld [tilespmem:s23+$0x4170]  }
0x38: {  	v8 =	vld [tilespmem:s25+$0x100];
	[tilespmem:s23+$0x4110] =	vst v6;
	v3 =	vmul.f32 v3, v0  }
0x39: {  	v6 =	vld [tilespmem:s25+$0x4100];
	[tilespmem:s23+$0x4120] =	vst v5;
	v1 =	vmul.f32 v1, v0  }
0x3a: {  	v9 =	vld [tilespmem:s25+$0x4110];
	[tilespmem:s23+$0x4130] =	vst v3;
	v2 =	vmul.f32 v2, v0  }
.Ltmp0:
0x3b: {  	v5 =	vld [tilespmem:s25+$0x4120];
	[tilespmem:s23+$0x4140] =	vst v1;
	v4 =	vmul.f32 v4, v0;
	(pc) =	sbr.rel @p1 .LBB2_3-.Ltmp0, $4  }
0x3c: {  	v3 =	vld [tilespmem:s25+$0x4130];
	[tilespmem:s23+$0x4150] =	vst v2;
	v10 =	vmul.f32 v7, v0  }
0x3d: {  	v1 =	vld [tilespmem:s25+$0x4140];
	[tilespmem:s23+$0x4160] =	vst v4;
	v0 =	vmov v8  }
0x3e: {  	v7 =	vmul.f32 v6, v0;
	v2 =	vld [tilespmem:s25+$0x4150];
	[tilespmem:s23+$0x4170] =	vst v10;
	s23 =	smov.u32 s25  }
0x3f: {  	s24 =	sadd.s32 $0x200, s24;
	v6 =	vmul.f32 v9, v0;
	v4 =	vld [tilespmem:s23+$0x4160]  }
0x40: {  	[tilespmem:s23+$0x4100] =	vst v7;
	v5 =	vmul.f32 v5, v0;
	v61 =	vld [tilespmem:s23+$0x4170]  }
0x41: {  	[tilespmem:s23+$0x4110] =	vst v6;
	v3 =	vmul.f32 v3, v0  }
0x42: {  	[tilespmem:s23+$0x4120] =	vst v5;
	v1 =	vmul.f32 v1, v0  }
0x43: {  	[tilespmem:s23+$0x4130] =	vst v3;
	v2 =	vmul.f32 v2, v0  }
0x44: {  	[tilespmem:s23+$0x4140] =	vst v1;
	v62 =	vmul.f32 v4, v0  }
0x45: {  	s22 =	sadd.s32 $0x1, s22;
	[tilespmem:s23+$0x4150] =	vst v2;
	v63 =	vmul.f32 v61, v0  }
0x46: {  	p1 =	sne.s32 s22, $0x4F;
	[tilespmem:s23+$0x4160] =	vst v62  }
.Ltmp1:
0x47: {  	[tilespmem:s23+$0x4170] =	vst v63;
	(pc) =	sbr.rel @p1 .LBB2_2-.Ltmp1, $4  }
0x48: {  	[spmem:s2] =	stream.indirect.scatter.add.f32 [tilespmem:s20], [sflag:$0x2], $0x80, s18, s18, $0xb8;
	[tilespmem:$0x1B980] =	vst v63  }
0x49: {  	_ =	swait.ge [sflag:s16], $0x4000  }
0x4a: {  	[sflag:s16] =	ssyncset.done $0x0  }
0x4b: {  	[sflag:s16] =	ssyncadd.s32 $0xFFFFC000  }
0x4c: {  	[bflag:$0x0] =	sbarrier.arrive $0xFFFF  }
0x4d: {  	[hbm:s12], [sflag:s9] =	dma.local [spmem:s15], $0x2700  }
0x4e: {  	s3 =	sadd.s32 $0x1, s3;
	_ =	swait.ge [sflag:s16], $0x2700  }
0x4f: {  	p1 =	sne.s32 s3, s14;
	[sflag:s16] =	ssyncset.done $0x0  }
.Ltmp2:
0x50: {  	s22 =	simm.s32 @!p0 $0x2;
	[sflag:s16] =	ssyncadd.s32 $0xFFFFD900;
	(pc) =	sbr.rel @p1 .LBB2_1-.Ltmp2, $4  }
0x51: {  	[hbm:s13], [sflag:s9] =	dma.local @!p0 [spmem:s17], $0x100  }
0x52: {  	_ =	swait.ge @!p0 [sflag:s22], $0x100  }
0x53: {  	[sflag:s22] =	ssyncset.done @!p0 $0x0  }
0x54: {  	[sflag:s22] =	ssyncadd.s32 @!p0 $0xFFFFFF00  }
0x55: {  	_ =	sfence.sel $0x180000  }
0x56: {  	[bflag:$0x0] =	sbarrier.arrive $0xFFFF  }
0x57: {  	p0 =	sne.s32 s1, $0x0;
	_ =	strace $0x90000050  }
0x58: {  	s0 =	sadd.s32 @!p0 $0x100000, s0;
	[bflag:$0x2] =	sbarrier.arrive $0xFFFF  }
0x59: {  	[sflag:s0] =	ssyncadd.tile.s32 @!p0 $0x1;
	_ =	shalt  }
.Lfunc_end2:
_tile_overlayer_lowered:
.L_overlay_start_2:
0x5a: {  	(tag) =	ssettag $0x2  }
0x5b: {  	s0 =	rddreg [dreg:$0x0];
	s2 =	stileid.u32  }
0x5c: {  	s1 =	rddreg [dreg:$0x1];
	p0 =	sne.s32 s2, $0x0  }
0x5d: {  	s3 =	rddreg [dreg:$0x2];
	[bflag:$0x3] =	sbarrier.arrive $0xFFFF;
	s2 =	simm.s32 @!p0 $0x1C02  }
0x5e: {  	[timem:s3], [sflag:s2] =	dma.local @!p0 [hbm:s0], s1  }
0x5f: {  	s0 =	simm.s32 @!p0 $0x2  }
0x60: {  	_ =	swait.ge @!p0 [sflag:s0], s1  }
0x61: {  	s1 =	ssub.s32 @!p0 $0x0, s1;
	[sflag:s0] =	ssyncset.done @!p0 $0x0  }
0x62: {  	[sflag:s0] =	ssyncadd.s32 @!p0 s1  }
0x63: {  	[bflag:$0x3] =	sbarrier.arrive $0xFFFF  }
0x64: {  	_ =	shalt  }

// kernel: kernel.38.cloned.1.call-start
scs
__scs_entry_jumppad:
0x0: {  	(pc) =	sbr.rel $0x88, $3  }
0x1: {  	(tag) =	ssettag $0x0;
	lr =	simm.s32 $0x1  }
0x2: {  	[smem:$0x3F93] =	sst lr;
	_ =	strace $0xD0000000  }
0x3: {  	_ = 	snop  }
0x4: {  	_ = 	snop  }
0x5: {  	_ = 	snop  }
0x6: {  	_ = 	snop  }
0x7: {  	_ = 	snop  }
__scs_overlays_trampoline_lowered:
0x8: {  	[smem:$0x3FA2] =	sst s0  }
0x9: {  	[smem:$0x3FA3] =	sst s1  }
0xa: {  	[smem:$0x3FA4] =	sst s2  }
0xb: {  	[smem:$0x3FA5] =	sst s3  }
0xc: {  	[smem:$0x3FA6] =	sst s4  }
0xd: {  	[smem:$0x3FA7] =	sst s5  }
0xe: {  	[smem:$0x3FA8] =	sst s6  }
0xf: {  	[smem:$0x3FA9] =	sst s7  }
0x10: {  	[smem:$0x3FAA] =	sst s8  }
0x11: {  	[smem:$0x3FAB] =	sst s9;
	s0 =	simm.s32 @!p0 $0x0  }
0x12: {  	s1 =	sld [smem:$0x3F91];
	s0 =	simm.s32 @p0 $0x1  }
0x13: {  	[smem:$0x3FAC] =	sst s0;
	s0 =	simm.s32 @!p1 $0x0  }
0x14: {  	s2 =	sld [smem:$0x3F90];
	s0 =	simm.s32 @p1 $0x1  }
0x15: {  	[smem:$0x3FAD] =	sst s0;
	s0 =	simm.s32 @!p2 $0x0  }
0x16: {  	s3 =	sld [smem:$0x3FDB];
	s0 =	simm.s32 @p2 $0x1  }
0x17: {  	s4 =	simm.s32 $0x1BF5;
	[smem:$0x3FAF] =	sst s0  }
0x18: {  	s0 =	sld [smem:$0x3F92];
	_ =	swait.ge [sflag:s4], $0x0  }
0x19: {  	s7 =	sld [smem:$0x3F93]  }
0x1a: {  	s8 =	sadd.s32 $0xFFFFE003, lr  }
0x1b: {  	s9 =	sadd.s32 $0xFFFFFEF7, lr;
	s5 =	simm.s32 $0xFFFFFFFF;
	p2 =	slt.u32 s8, $0xFFFFF086  }
0x1c: {  	p1 =	slt.u32 s9, $0xF7A;
	s5 =	simm.s32 @!p2 $0x0  }
0x1d: {  	s5 =	simm.s32 @p1 $0x1;
	p0 =	seq.s32 s7, s2  }
0x1e: {  	s7 =	smul.u32 @!p0 $0xF7A, s2;
	p2 =	seq.s32 @!p0 s5, $0x0  }
0x1f: {  	s9 =	smul.u32 $0xF7A, s1;
	s8 =	simm.s32 @!p0 $0x1BF5;
	p2 =	por !p2, p0  }
0x20: {  	[sflag:s8] =	ssyncset.s32 @!p0 $0xFFFFF086;
	s6 =	sadd.s32 @!p0 s3, s7;
	s7 =	simm.s32 @!p0 $0x108  }
0x21: {  	s3 =	sadd.s32 s3, s9;
	s6 =	sadd.s32 @!p0 $0x88, s6;
	s7 =	simm.s32 @p2 $0x1082  }
0x22: {  	[simem:s7], [sflag:s8] =	dma.local @!p0 [hbm:s6], $0xF7A  }
0x23: {  	s9 =	sor.u32 $0xD0000000, s2;
	s6 =	simm.s32 $0x108;
	_ =	swait.ge @!p0 [sflag:s8], $0x0  }
0x24: {  	s3 =	sadd.s32 $0x88, s3;
	s6 =	simm.s32 @!p1 $0x1082;
	[sflag:s4] =	ssyncset.s32 $0xFFFFF086  }
0x25: {  	[simem:s6], [sflag:s4] =	dma.local [hbm:s3], $0xF7A  }
0x26: {  	[smem:$0x3F93] =	sst s1;
	(tag) =	ssettag s2;
	_ =	strace s9  }
0x27: {  	s1 =	sld [smem:$0x3FA3]  }
0x28: {  	s2 =	sld [smem:$0x3FA4]  }
0x29: {  	s4 =	sld [smem:$0x3FA6]  }
0x2a: {  	p0 =	seq.s32 s5, $0x0;
	s5 =	sld [smem:$0x3FA7]  }
0x2b: {  	s6 =	sld [smem:$0x3FA8]  }
0x2c: {  	s7 =	sld [smem:$0x3FA9]  }
0x2d: {  	s3 =	simm.s32 $0x108;
	s8 =	sld [smem:$0x3FAA]  }
0x2e: {  	s3 =	simm.s32 @!p0 $0x1082;
	s9 =	sld [smem:$0x3FAB]  }
0x2f: {  	lr =	sadd.s32 s0, s3;
	s0 =	sld [smem:$0x3FA2]  }
0x30: {  	s3 =	sld [smem:$0x3FA5]  }
0x31: {  	[smem:$0x3FAE] =	sst s10  }
0x32: {  	s10 =	sld [smem:$0x3FAC];
	_ =	sdelay $0x3  }
0x33: {  	p0 =	seq.s32 s10, $0x1;
	s10 =	sld [smem:$0x3FAE];
	_ =	sdelay $0x3  }
0x34: {  	[smem:$0x3FAE] =	sst s10  }
0x35: {  	s10 =	sld [smem:$0x3FAD];
	_ =	sdelay $0x3  }
0x36: {  	p1 =	seq.s32 s10, $0x1;
	s10 =	sld [smem:$0x3FAE];
	_ =	sdelay $0x3  }
0x37: {  	[smem:$0x3FAE] =	sst s10  }
0x38: {  	s10 =	sld [smem:$0x3FAF]  }
0x39: {  	_ = 	snop;
	(pc) =	sbr.ind lr, $3  }
0x3a: {  	_ = 	snop  }
0x3b: {  	_ = 	snop  }
0x3c: {  	p2 =	seq.s32 s10, $0x1;
	s10 =	sld [smem:$0x3FAE]  }
0x3d: {  	_ =	shalt  }
0x3e: {  	_ =	shalt  }
0x3f: {  	_ =	shalt  }
0x40: {  	_ =	shalt  }
0x41: {  	_ =	shalt  }
0x42: {  	_ =	shalt  }
0x43: {  	_ =	shalt  }
0x44: {  	_ =	shalt  }
0x45: {  	_ =	shalt  }
0x46: {  	_ =	shalt  }
0x47: {  	_ =	shalt  }
0x48: {  	_ =	shalt  }
0x49: {  	_ =	shalt  }
0x4a: {  	_ =	shalt  }
0x4b: {  	_ =	shalt  }
0x4c: {  	_ =	shalt  }
0x4d: {  	_ =	shalt  }
0x4e: {  	_ =	shalt  }
0x4f: {  	_ =	shalt  }
0x50: {  	_ =	shalt  }
0x51: {  	_ =	shalt  }
0x52: {  	_ =	shalt  }
0x53: {  	_ =	shalt  }
0x54: {  	_ =	shalt  }
0x55: {  	_ =	shalt  }
0x56: {  	_ =	shalt  }
0x57: {  	_ =	shalt  }
0x58: {  	_ =	shalt  }
0x59: {  	_ =	shalt  }
0x5a: {  	_ =	shalt  }
0x5b: {  	_ =	shalt  }
0x5c: {  	_ =	shalt  }
0x5d: {  	_ =	shalt  }
0x5e: {  	_ =	shalt  }
0x5f: {  	_ =	shalt  }
0x60: {  	_ =	shalt  }
0x61: {  	_ =	shalt  }
0x62: {  	_ =	shalt  }
0x63: {  	_ =	shalt  }
0x64: {  	_ =	shalt  }
0x65: {  	_ =	shalt  }
0x66: {  	_ =	shalt  }
0x67: {  	_ =	shalt  }
0x68: {  	_ =	shalt  }
0x69: {  	_ =	shalt  }
0x6a: {  	_ =	shalt  }
0x6b: {  	_ =	shalt  }
0x6c: {  	_ =	shalt  }
0x6d: {  	_ =	shalt  }
0x6e: {  	_ =	shalt  }
0x6f: {  	_ =	shalt  }
0x70: {  	_ =	shalt  }
0x71: {  	_ =	shalt  }
0x72: {  	_ =	shalt  }
0x73: {  	_ =	shalt  }
0x74: {  	_ =	shalt  }
0x75: {  	_ =	shalt  }
0x76: {  	_ =	shalt  }
0x77: {  	_ =	shalt  }
0x78: {  	_ =	shalt  }
0x79: {  	_ =	shalt  }
0x7a: {  	_ =	shalt  }
0x7b: {  	_ =	shalt  }
0x7c: {  	_ =	shalt  }
0x7d: {  	_ =	shalt  }
0x7e: {  	_ =	shalt  }
0x7f: {  	_ =	shalt  }
0x80: {  	_ =	shalt  }
0x81: {  	_ =	shalt  }
0x82: {  	_ =	shalt  }
0x83: {  	_ =	shalt  }
0x84: {  	_ =	shalt  }
0x85: {  	_ =	shalt  }
0x86: {  	_ =	shalt  }
0x87: {  	_ =	shalt  }
.Lfunc_end0:
.L_simem_size_0:
called_computation.4_lowered:
.L_overlay_start_0:
0x88: {  	s2 =	sld [smem:$0x3FD9]  }
0x89: {  	s3 =	sld [smem:$0x3FFE];
	_ =	sdelay $0x1  }
0x8a: {  	s1 =	srdreg.scid  }
0x8b: {  	s0 =	sand.u32 $0x1, s1  }
0x8c: {  	s16 =	sshll.u32 s0, $0xA;
	s2 =	sadd.s32 s3, s2  }
0x8d: {  	s2 =	sadd.s32 s2, s16  }
0x8e: {  	[smem:$0x3FBA] =	sst s2  }
0x8f: {  	_ = 	snop  }
0x90: {  	(tm) =	ssettm $0x1  }
0x91: {  	s17 =	sld [smem:$0x3FFB];
	_ =	sdelay $0x3  }
0x92: {  	_ =	strace s17  }
0x93: {  	s2 =	sld [smem:$0x3FFC];
	_ =	sdelay $0x3  }
0x94: {  	_ =	strace s2  }
0x95: {  	s2 =	sld [smem:$0x3FFD];
	_ =	sdelay $0x3  }
0x96: {  	_ =	strace s2  }
0x97: {  	_ =	strace $0x8FFFFFFF  }
0x98: {  	s18 =	sld [smem:$0x3FDB];
	_ =	sdelay $0x1  }
0x99: {  	s19 =	simm.s32 $_scs_section_size  }
0x9a: {  	s4 =	simm.s32 $_size__tile_overlayer_lowered;
	s5 =	simm.s32 $_tile_overlayer_lowered  }
0x9b: {  	s22 =	simm.s32 $0x1BFF;
	s21 =	sshll.u32 s5, $0x1;
	s2 =	sadd.s32 s19, s18  }
0x9c: {  	s6 =	simm.s32 $0x0;
	s20 =	sshll.u32 s4, $0x1;
	s4 =	sadd.s32 s21, s2  }
0x9d: {  	[timem:s6], [sflag:s22] =	dma.local [hbm:s4], s20  }
0x9e: {  	_ =	swait.ge [sflag:s22], s20  }
0x9f: {  	s3 =	ssub.s32 $0x0, s20;
	[sflag:s22] =	ssyncset.done $0x0  }
0xa0: {  	[sflag:s22] =	ssyncadd.s32 s3;
	_ =	sdelay $0x1  }
0xa1: {  	s23 =	simm.s32 $0x1B8B  }
0xa2: {  	_ =	swait.ge [sflag:s23], $0x1  }
0xa3: {  	[sflag:s23] =	ssyncset.done $0x0  }
0xa4: {  	s25 =	simm.s32 $0x1B8E;
	s24 =	sld [smem:$0x3FFE];
	[sflag:s23] =	ssyncadd.s32 $0xFFFFFFFF  }
0xa5: {  	s26 =	simm.s32 $execute0_lowered;
	[smem:$0x3FD2] =	sst s25  }
0xa6: {  	s4 =	sshll.u32 s26, $0x1;
	_ =	strace $0x80000052;
	[dreg:$0x1] =	wrdreg $0xFFFFFFFF  }
0xa7: {  	s28 =	simm.s32 $_size_execute0_lowered;
	s2 =	sadd.s32 s2, s4;
	[dreg:$0x0] =	wrdreg $0x0  }
0xa8: {  	s4 =	sshll.u32 s28, $0x1;
	[dreg:$0x2] =	wrdreg s2  }
0xa9: {  	[dreg:$0x3] =	wrdreg s4  }
0xaa: {  	[dreg:$0x4] =	wrdreg $0xC0  }
0xab: {  	_ =	task [dreg:s6], $0x5FFFF  }
0xac: {  	[dreg:$0x1] =	wrdreg $0xFFFFFFFF  }
0xad: {  	[dreg:$0x0] =	wrdreg $0x60  }
0xae: {  	[dreg:$0x2] =	wrdreg s24  }
0xaf: {  	[dreg:$0x3] =	wrdreg $0x9  }
0xb0: {  	_ =	task.clear_ibuf [dreg:s6], $0x4FFFF;
	_ =	strace $0x90000052  }
0xb1: {  	s29 =	simm.s32 $0x9;
	_ =	strace $0x80000054  }
0xb2: {  	_ =	swait.ge [sflag:s29], $0x1  }
0xb3: {  	[sflag:s29] =	ssyncadd.s32 $0xFFFFFFFF  }
0xb4: {  	_ =	strace $0x90000054  }
0xb5: {  	_ =	sfence  }
0xb6: {  	s30 =	sld [smem:$0x0];
	_ =	sdelay $0x2  }
0xb7: {  	s31 =	sshll.u32 s1, $0xD;
	s1 =	sshrl.u32 s1, $0x2  }
0xb8: {  	s3 =	sand.u32 $0x4000, s31;
	s1 =	sadd.s32 s1, s30  }
0xb9: {  	s0 =	sor.u32 s3, s0;
	s1 =	sshll.u32 s1, $0x11  }
0xba: {  	s0 =	sor.u32 s1, s0  }
0xbb: {  	s0 =	sadd.s32 $0x8F2B, s0  }
0xbc: {  	[sflag:s0] =	ssyncadd.remote.s32 $0x1  }
0xbd: {  	_ =	sfence.sel $0xFFFF  }
0xbe: {  	[dreg:$0x0] =	wrdreg $0xFFFFFFFF;
	(pc) =	sbr.abs _section_cstart, $3  }
0xbf: {  	[dreg:$0x1] =	wrdreg $0xFFFFFFFF  }
0xc0: {  	_ =	task.clear_ibuf [dreg:s6], $0x2FFFF;
	_ =	strace $0x9FFFFFFF  }
0xc1: {  	(tm) =	ssettm $0x7FFFFFFF  }
tec
execute0_lowered:
.L_overlay_start_1:
0x0: {  	(tag) =	ssettag $0x1  }
0x1: {  	s8 =	rddreg [dreg:$0x0]  }
0x2: {  	s0 =	rddreg [dreg:$0x1];
	s1 =	simm.s32 $0x0;
	s5 =	srdreg.scid  }
0x3: {  	s12 =	simm.s32 $0x80;
	s13 =	simm.s32 $0x100;
	s14 =	simm.s32 $0x4100  }
0x4: {  	s15 =	simm.s32 $0x8100;
	s16 =	simm.s32 $0x8180;
	s17 =	simm.s32 $0x1  }
0x5: {  	s18 =	simm.s32 $0x2;
	s19 =	simm.s32 $0x3;
	s20 =	simm.s32 $0x4  }
0x6: {  	s21 =	simm.s32 $0x8200;
	s22 =	simm.s32 $0xC200;
	s23 =	simm.s32 $0x0  }
0x7: {  	[smem:$0x7FF] =	sst s1;
	s2 =	sadd.s32 $0xBEC00, s8;
	s3 =	sadd.s32 $0xE5E00, s8  }
0x8: {  	s4 =	sadd.s32 $0xD000, s8;
	s9 =	sand.u32 $0x1, s5;
	s6 =	sadd.s32 $0x16E00, s8  }
0x9: {  	s7 =	sadd.s32 $0x5FD000, s8;
	s5 =	stileid.u32;
	s10 =	ssub.s32 $0x2, s9  }
0xa: {  	s8 =	sadd.s32 $0xE6400, s8;
	s9 =	sshll.u32 s9, $0x4;
	s11 =	sshrl.u32 s10, $0x1  }
0xb: {  	_ =	strace $0x80000053;
	s9 =	sor.u32 s5, s9;
	s10 =	ssub.s32 s10, s11  }
0xc: {  	s9 =	smul.u32 $0x4F, s9;
	s11 =	simm.s32 $0x5;
	s10 =	smax.u32 s10, $0x1  }
.LBB2_1:
0xd: {  	s24 =	simm.s32 $0x0  }
.LBB2_2:
0xe: {  	s26 =	sadd.s32 s9, s24  }
0xf: {  	s25 =	sshll.u32 s26, $0x4  }
0x10: {  	s29 =	simm.s32 $0x0;
	s28 =	sadd.s32 s4, s25  }
0x11: {  	[tilespmem:s29], [sflag:$0x5] =	stream.linear.gather [hbm4b:s28+s29], $0x80, $0x38;
	[tilespmem:$0xC280] =	vst v63  }
0x12: {  	_ =	swait.ge [sflag:s11], $0x80  }
0x13: {  	[sflag:s11] =	ssyncset.done $0x0  }
0x14: {  	s28 =	sadd.s32 s6, s25;
	[sflag:s11] =	ssyncadd.s32 $0xFFFFFF80  }
0x15: {  	[tilespmem:s12], [sflag:$0x5] =	stream.linear.gather [hbm4b:s28+s29], $0x80, $0x38;
	[tilespmem:$0xC280] =	vst v63  }
0x16: {  	_ =	swait.ge [sflag:s11], $0x80  }
0x17: {  	[sflag:s11] =	ssyncset.done $0x0  }
0x18: {  	[sflag:s11] =	ssyncadd.s32 $0xFFFFFF80  }
0x19: {  	[tilespmem:s13], [sflag:$0x1] =	stream.indirect.gather [hbm4b:s2+s12], $0x80, s29, s12, $0xb8;
	[tilespmem:$0xC280] =	vst v63  }
0x1a: {  	_ = 	snop  }
0x1b: {  	[tilespmem:s14], [sflag:$0x2] =	stream.indirect.gather [hbm4b:s2+s12], $0x80, s12, s12, $0xb8;
	[tilespmem:$0xC280] =	vst v63  }
0x1c: {  	_ = 	snop  }
0x1d: {  	[tilespmem:s15], [sflag:$0x3] =	stream.indirect.gather [hbm4b:s3+s12], $0x1, s29, s12, $0xb8;
	[tilespmem:$0xC280] =	vst v63  }
0x1e: {  	_ = 	snop  }
0x1f: {  	[tilespmem:s16], [sflag:$0x4] =	stream.indirect.gather [hbm4b:s3+s12], $0x1, s12, s12, $0xb8;
	[tilespmem:$0xC280] =	vst v63  }
0x20: {  	_ =	swait.ge [sflag:s17], $0x4000  }
0x21: {  	[sflag:s17] =	ssyncset.done $0x0  }
0x22: {  	[sflag:s17] =	ssyncadd.s32 $0xFFFFC000  }
0x23: {  	_ =	swait.ge [sflag:s18], $0x4000  }
0x24: {  	[sflag:s18] =	ssyncset.done $0x0  }
0x25: {  	[sflag:s18] =	ssyncadd.s32 $0xFFFFC000  }
0x26: {  	_ =	swait.ge [sflag:s19], $0x80  }
0x27: {  	[sflag:s19] =	ssyncset.done $0x0  }
0x28: {  	[sflag:s19] =	ssyncadd.s32 $0xFFFFFF80  }
0x29: {  	_ =	swait.ge [sflag:s20], $0x80  }
0x2a: {  	[sflag:s20] =	ssyncset.done $0x0  }
0x2b: {  	s28 =	simm.s32 $0x0;
	[sflag:s20] =	ssyncadd.s32 $0xFFFFFF80  }
0x2c: {  	v0 =	vld [tilespmem:s28+$0x100]  }
0x2d: {  	v1 =	vld [tilespmem:s28+$0x4100]  }
0x2e: {  	v2 =	vld [tilespmem:s28+$0x110]  }
0x2f: {  	v3 =	vld [tilespmem:s28+$0x4110]  }
0x30: {  	v4 =	vld [tilespmem:s28+$0x120]  }
0x31: {  	v5 =	vld [tilespmem:s28+$0x4120]  }
0x32: {  	v6 =	vld [tilespmem:s28+$0x130]  }
0x33: {  	v7 =	vld [tilespmem:s28+$0x4130]  }
0x34: {  	v0 =	vmul.f32 v1, v0;
	v1 =	vmul.f32 v3, v2;
	v2 =	vld [tilespmem:s28+$0x140]  }
0x35: {  	v3 =	vld [tilespmem:s28+$0x4140]  }
0x36: {  	v8 =	vld [tilespmem:s28+$0x4150];
	v0 =	vadd.f32 v1, v0;
	v1 =	vmul.f32 v5, v4  }
0x37: {  	v5 =	vld [tilespmem:s28+$0x150]  }
0x38: {  	v0 =	vadd.f32 v1, v0;
	v1 =	vmul.f32 v7, v6;
	v6 =	vld [tilespmem:s28+$0x160]  }
0x39: {  	v7 =	vld [tilespmem:s28+$0x4160]  }
0x3a: {  	v4 =	vld [tilespmem:s28+$0x4170];
	v2 =	vmul.f32 v3, v2;
	v9 =	vadd.f32 v1, v0  }
0x3b: {  	s29 =	simm.s32 $0x80;
	v1 =	vld [tilespmem:s28+$0x170]  }
0x3c: {  	v3 =	vld [tilespmem:s29+$0x110];
	v5 =	vmul.f32 v8, v5;
	v9 =	vadd.f32 v2, v9  }
0x3d: {  	v0 =	vld [tilespmem:s29+$0x100]  }
0x3e: {  	s30 =	simm.s32 $0x400;
	v2 =	vld [tilespmem:s29+$0x4100];
	v6 =	vmul.f32 v7, v6;
	v5 =	vadd.f32 v5, v9  }
.LBB2_3:
0x3f: {  	p0 =	sne.s32 s30, $0xFE00;
	v7 =	vld [tilespmem:s29+$0x4110]  }
0x40: {  	v8 =	vld [tilespmem:s29+$0x120];
	v5 =	vadd.f32 v6, v5;
	v1 =	vmul.f32 v4, v1  }
0x41: {  	v4 =	vld [tilespmem:s29+$0x4120]  }
0x42: {  	v6 =	vld [tilespmem:s29+$0x130];
	v1 =	vadd.f32 v1, v5  }
0x43: {  	v5 =	vld [tilespmem:s29+$0x4130]  }
0x44: {  	v0 =	vmul.f32 v2, v0;
	v2 =	vmul.f32 v7, v3;
	v3 =	vld [tilespmem:s29+$0x140];
	[tilespmem:s28+$0x8200] =	vst v1;
	s28 =	smov.u32 s29  }
0x45: {  	v1 =	vld [tilespmem:s28+$0x4140]  }
0x46: {  	v0 =	vadd.f32 v2, v0;
	v2 =	vmul.f32 v4, v8;
	v7 =	vld [tilespmem:s28+$0x150]  }
0x47: {  	v8 =	vld [tilespmem:s28+$0x4150]  }
0x48: {  	v0 =	vadd.f32 v2, v0;
	v2 =	vmul.f32 v5, v6;
	v6 =	vld [tilespmem:s28+$0x160]  }
0x49: {  	v9 =	vld [tilespmem:s28+$0x4160]  }
.Ltmp0:
0x4a: {  	v2 =	vadd.f32 v2, v0;
	v3 =	vmul.f32 v1, v3;
	v1 =	vld [tilespmem:s28+$0x170];
	(pc) =	sbr.rel @p0 .LBB2_3-.Ltmp0, $4  }
0x4b: {  	s29 =	sshra.s32 s30, $0x2;
	v4 =	vld [tilespmem:s28+$0x4170]  }
0x4c: {  	v0 =	vld [tilespmem:s29+$0x100];
	v5 =	vadd.f32 v3, v2;
	v7 =	vmul.f32 v8, v7  }
0x4d: {  	v2 =	vld [tilespmem:s29+$0x4100]  }
0x4e: {  	s30 =	sadd.s32 $0x200, s30;
	v3 =	vld [tilespmem:s29+$0x110];
	v5 =	vadd.f32 v7, v5;
	v6 =	vmul.f32 v9, v6  }
0x4f: {  	v7 =	vld [tilespmem:s29+$0x4110]  }
0x50: {  	v8 =	vld [tilespmem:s29+$0x120];
	v5 =	vadd.f32 v6, v5;
	v1 =	vmul.f32 v4, v1  }
0x51: {  	v29 =	vld [tilespmem:s29+$0x4120]  }
0x52: {  	v30 =	vld [tilespmem:s29+$0x130];
	v1 =	vadd.f32 v1, v5  }
0x53: {  	v31 =	vld [tilespmem:s29+$0x4130]  }
0x54: {  	v9 =	vld [tilespmem:s29+$0x140];
	v0 =	vmul.f32 v2, v0;
	v32 =	vmul.f32 v7, v3;
	[tilespmem:s28+$0x8200] =	vst v1  }
0x55: {  	v1 =	vld [tilespmem:s29+$0x4140]  }
0x56: {  	v33 =	vmul.f32 v29, v8;
	v34 =	vld [tilespmem:s29+$0x150];
	v0 =	vadd.f32 v32, v0  }
0x57: {  	v35 =	vld [tilespmem:s29+$0x4150]  }
0x58: {  	v36 =	vmul.f32 v31, v30;
	v37 =	vld [tilespmem:s29+$0x160];
	v0 =	vadd.f32 v33, v0  }
0x59: {  	v38 =	vld [tilespmem:s29+$0x4160]  }
0x5a: {  	v39 =	vld [tilespmem:s29+$0x170];
	v0 =	vadd.f32 v36, v0;
	v1 =	vmul.f32 v1, v9  }
0x5b: {  	v40 =	vld [tilespmem:s29+$0x4170]  }
0x5c: {  	v41 =	vmul.f32 v35, v34;
	v0 =	vadd.f32 v1, v0;
	_ =	sdelay $0x1  }
0x5d: {  	v42 =	vmul.f32 v38, v37;
	v0 =	vadd.f32 v41, v0;
	_ =	sdelay $0x1  }
0x5e: {  	v43 =	vmul.f32 v40, v39;
	v0 =	vadd.f32 v42, v0;
	_ =	sdelay $0x1  }
0x5f: {  	v0 =	vadd.f32 v43, v0;
	_ =	sdelay $0x1  }
0x60: {  	[tilespmem:s29+$0x8200] =	vst v0  }
0x61: {  	v0 =	vld [tilespmem:$0x8100]  }
0x62: {  	v44 =	vld [tilespmem:$0x8180]  }
0x63: {  	v45 =	vld [tilespmem:$0x8110]  }
0x64: {  	v46 =	vld [tilespmem:$0x8190]  }
0x65: {  	v47 =	vld [tilespmem:$0x8120]  }
0x66: {  	v48 =	vld [tilespmem:$0x81A0]  }
0x67: {  	v49 =	vld [tilespmem:$0x8130]  }
0x68: {  	v51 =	vld [tilespmem:$0x8140]  }
0x69: {  	v52 =	vld [tilespmem:$0x81C0]  }
0x6a: {  	v10 =	vld [tilespmem:$0x8150]  }
0x6b: {  	v11 =	vld [tilespmem:$0x81D0]  }
0x6c: {  	v12 =	vld [tilespmem:$0x8160]  }
0x6d: {  	v53 =	vld [tilespmem:$0x81E0]  }
0x6e: {  	v54 =	vld [tilespmem:$0x8170];
	v0 =	vmul.f32 v44, v0  }
0x6f: {  	v55 =	vld [tilespmem:$0x81F0];
	v2 =	vmul.f32 v46, v45  }
0x70: {  	v50 =	vld [tilespmem:$0x81B0];
	v4 =	vmul.f32 v48, v47;
	v0 =	vmax.f32 v0, $9.999999930e-09  }
0x71: {  	v57 =	vmul.f32 v52, v51;
	v2 =	vmax.f32 v2, $9.999999930e-09;
	[tilespmem:$0xC200] =	vst v0  }
0x72: {  	v58 =	vmul.f32 v11, v10;
	v4 =	vmax.f32 v4, $9.999999930e-09;
	[tilespmem:$0xC210] =	vst v2  }
0x73: {  	v1 =	vmul.f32 v53, v12;
	v59 =	vmax.f32 v57, $9.999999930e-09;
	[tilespmem:$0xC220] =	vst v4  }
0x74: {  	v61 =	vmul.f32 v55, v54;
	v60 =	vmax.f32 v58, $9.999999930e-09;
	[tilespmem:$0xC240] =	vst v59  }
0x75: {  	v56 =	vmul.f32 v50, v49;
	v62 =	vmax.f32 v1, $9.999999930e-09;
	[tilespmem:$0xC250] =	vst v60  }
0x76: {  	v63 =	vmax.f32 v61, $9.999999930e-09;
	[tilespmem:$0xC260] =	vst v62  }
0x77: {  	s26 =	sshll.u32 s26, $0xB;
	v0 =	vmax.f32 v56, $9.999999930e-09;
	[tilespmem:$0xC270] =	vst v63  }
0x78: {  	s26 =	sadd.s32 s7, s26;
	[tilespmem:$0xC230] =	vst v0  }
0x79: {  	[hbm4b:s26+s1] =	stream.linear.scatter [tilespmem:s21], [sflag:$0x5], $0x4000, $0x38;
	[tilespmem:$0xC280] =	vst v63  }
0x7a: {  	s24 =	sadd.s32 $0x1, s24;
	_ =	swait.ge [sflag:s11], $0x4000  }
0x7b: {  	p0 =	sne.s32 s24, $0x4F;
	[sflag:s11] =	ssyncset.done $0x0  }
.Ltmp1:
0x7c: {  	s25 =	sadd.s32 s8, s25;
	[sflag:s11] =	ssyncadd.s32 $0xFFFFC000;
	(pc) =	sbr.rel @p0 .LBB2_2-.Ltmp1, $4  }
0x7d: {  	[hbm4b:s25+s1] =	stream.linear.scatter [tilespmem:s22], [sflag:$0x5], $0x80, $0x38;
	[tilespmem:$0xC280] =	vst v63  }
0x7e: {  	_ =	swait.ge [sflag:s11], $0x80  }
0x7f: {  	[sflag:s11] =	ssyncset.done $0x0  }
0x80: {  	[sflag:s11] =	ssyncadd.s32 $0xFFFFFF80  }
0x81: {  	s23 =	sadd.s32 $0x1, s23  }
0x82: {  	p0 =	sne.s32 s23, s10  }
.Ltmp2:
0x83: {  	_ = 	snop;
	(pc) =	sbr.rel @p0 .LBB2_1-.Ltmp2, $1  }
0x84: {  	_ =	sdelay $0x3  }
0x85: {  	_ =	sfence.sel $0x180000  }
0x86: {  	[bflag:$0x0] =	sbarrier.arrive $0xFFFF  }
0x87: {  	p0 =	sne.s32 s5, $0x0;
	_ =	strace $0x90000053  }
0x88: {  	s0 =	sadd.s32 @!p0 $0x100000, s0;
	[bflag:$0x2] =	sbarrier.arrive $0xFFFF  }
0x89: {  	[sflag:s0] =	ssyncadd.tile.s32 @!p0 $0x1;
	_ =	shalt  }
.Lfunc_end2:
_tile_overlayer_lowered:
.L_overlay_start_2:
0x8a: {  	(tag) =	ssettag $0x2  }
0x8b: {  	s0 =	rddreg [dreg:$0x0];
	s2 =	stileid.u32  }
0x8c: {  	s1 =	rddreg [dreg:$0x1];
	p0 =	sne.s32 s2, $0x0  }
0x8d: {  	s3 =	rddreg [dreg:$0x2];
	[bflag:$0x3] =	sbarrier.arrive $0xFFFF;
	s2 =	simm.s32 @!p0 $0x1C05  }
0x8e: {  	[timem:s3], [sflag:s2] =	dma.local @!p0 [hbm:s0], s1  }
0x8f: {  	s0 =	simm.s32 @!p0 $0x5  }
0x90: {  	_ =	swait.ge @!p0 [sflag:s0], s1  }
0x91: {  	s1 =	ssub.s32 @!p0 $0x0, s1;
	[sflag:s0] =	ssyncset.done @!p0 $0x0  }
0x92: {  	[sflag:s0] =	ssyncadd.s32 @!p0 s1  }
0x93: {  	[bflag:$0x3] =	sbarrier.arrive $0xFFFF  }
0x94: {  	_ =	shalt  }

// kernel: kernel.41.cloned.1.call-start
scs
__scs_entry_jumppad:
0x0: {  	(pc) =	sbr.rel $0x88, $3  }
0x1: {  	(tag) =	ssettag $0x0;
	lr =	simm.s32 $0x1  }
0x2: {  	[smem:$0x3F93] =	sst lr;
	_ =	strace $0xD0000000  }
0x3: {  	_ = 	snop  }
0x4: {  	_ = 	snop  }
0x5: {  	_ = 	snop  }
0x6: {  	_ = 	snop  }
0x7: {  	_ = 	snop  }
__scs_overlays_trampoline_lowered:
0x8: {  	[smem:$0x3FA2] =	sst s0  }
0x9: {  	[smem:$0x3FA3] =	sst s1  }
0xa: {  	[smem:$0x3FA4] =	sst s2  }
0xb: {  	[smem:$0x3FA5] =	sst s3  }
0xc: {  	[smem:$0x3FA6] =	sst s4  }
0xd: {  	[smem:$0x3FA7] =	sst s5  }
0xe: {  	[smem:$0x3FA8] =	sst s6  }
0xf: {  	[smem:$0x3FA9] =	sst s7  }
0x10: {  	[smem:$0x3FAA] =	sst s8  }
0x11: {  	[smem:$0x3FAB] =	sst s9;
	s0 =	simm.s32 @!p0 $0x0  }
0x12: {  	s1 =	sld [smem:$0x3F91];
	s0 =	simm.s32 @p0 $0x1  }
0x13: {  	[smem:$0x3FAC] =	sst s0;
	s0 =	simm.s32 @!p1 $0x0  }
0x14: {  	s2 =	sld [smem:$0x3F90];
	s0 =	simm.s32 @p1 $0x1  }
0x15: {  	[smem:$0x3FAD] =	sst s0;
	s0 =	simm.s32 @!p2 $0x0  }
0x16: {  	s3 =	sld [smem:$0x3FDB];
	s0 =	simm.s32 @p2 $0x1  }
0x17: {  	s4 =	simm.s32 $0x1BF5;
	[smem:$0x3FAF] =	sst s0  }
0x18: {  	s0 =	sld [smem:$0x3F92];
	_ =	swait.ge [sflag:s4], $0x0  }
0x19: {  	s7 =	sld [smem:$0x3F93]  }
0x1a: {  	s8 =	sadd.s32 $0xFFFFE003, lr  }
0x1b: {  	s9 =	sadd.s32 $0xFFFFFEF7, lr;
	s5 =	simm.s32 $0xFFFFFFFF;
	p2 =	slt.u32 s8, $0xFFFFF086  }
0x1c: {  	p1 =	slt.u32 s9, $0xF7A;
	s5 =	simm.s32 @!p2 $0x0  }
0x1d: {  	s5 =	simm.s32 @p1 $0x1;
	p0 =	seq.s32 s7, s2  }
0x1e: {  	s7 =	smul.u32 @!p0 $0xF7A, s2;
	p2 =	seq.s32 @!p0 s5, $0x0  }
0x1f: {  	s9 =	smul.u32 $0xF7A, s1;
	s8 =	simm.s32 @!p0 $0x1BF5;
	p2 =	por !p2, p0  }
0x20: {  	[sflag:s8] =	ssyncset.s32 @!p0 $0xFFFFF086;
	s6 =	sadd.s32 @!p0 s3, s7;
	s7 =	simm.s32 @!p0 $0x108  }
0x21: {  	s3 =	sadd.s32 s3, s9;
	s6 =	sadd.s32 @!p0 $0x88, s6;
	s7 =	simm.s32 @p2 $0x1082  }
0x22: {  	[simem:s7], [sflag:s8] =	dma.local @!p0 [hbm:s6], $0xF7A  }
0x23: {  	s9 =	sor.u32 $0xD0000000, s2;
	s6 =	simm.s32 $0x108;
	_ =	swait.ge @!p0 [sflag:s8], $0x0  }
0x24: {  	s3 =	sadd.s32 $0x88, s3;
	s6 =	simm.s32 @!p1 $0x1082;
	[sflag:s4] =	ssyncset.s32 $0xFFFFF086  }
0x25: {  	[simem:s6], [sflag:s4] =	dma.local [hbm:s3], $0xF7A  }
0x26: {  	[smem:$0x3F93] =	sst s1;
	(tag) =	ssettag s2;
	_ =	strace s9  }
0x27: {  	s1 =	sld [smem:$0x3FA3]  }
0x28: {  	s2 =	sld [smem:$0x3FA4]  }
0x29: {  	s4 =	sld [smem:$0x3FA6]  }
0x2a: {  	p0 =	seq.s32 s5, $0x0;
	s5 =	sld [smem:$0x3FA7]  }
0x2b: {  	s6 =	sld [smem:$0x3FA8]  }
0x2c: {  	s7 =	sld [smem:$0x3FA9]  }
0x2d: {  	s3 =	simm.s32 $0x108;
	s8 =	sld [smem:$0x3FAA]  }
0x2e: {  	s3 =	simm.s32 @!p0 $0x1082;
	s9 =	sld [smem:$0x3FAB]  }
0x2f: {  	lr =	sadd.s32 s0, s3;
	s0 =	sld [smem:$0x3FA2]  }
0x30: {  	s3 =	sld [smem:$0x3FA5]  }
0x31: {  	[smem:$0x3FAE] =	sst s10  }
0x32: {  	s10 =	sld [smem:$0x3FAC];
	_ =	sdelay $0x3  }
0x33: {  	p0 =	seq.s32 s10, $0x1;
	s10 =	sld [smem:$0x3FAE];
	_ =	sdelay $0x3  }
0x34: {  	[smem:$0x3FAE] =	sst s10  }
0x35: {  	s10 =	sld [smem:$0x3FAD];
	_ =	sdelay $0x3  }
0x36: {  	p1 =	seq.s32 s10, $0x1;
	s10 =	sld [smem:$0x3FAE];
	_ =	sdelay $0x3  }
0x37: {  	[smem:$0x3FAE] =	sst s10  }
0x38: {  	s10 =	sld [smem:$0x3FAF]  }
0x39: {  	_ = 	snop;
	(pc) =	sbr.ind lr, $3  }
0x3a: {  	_ = 	snop  }
0x3b: {  	_ = 	snop  }
0x3c: {  	p2 =	seq.s32 s10, $0x1;
	s10 =	sld [smem:$0x3FAE]  }
0x3d: {  	_ =	shalt  }
0x3e: {  	_ =	shalt  }
0x3f: {  	_ =	shalt  }
0x40: {  	_ =	shalt  }
0x41: {  	_ =	shalt  }
0x42: {  	_ =	shalt  }
0x43: {  	_ =	shalt  }
0x44: {  	_ =	shalt  }
0x45: {  	_ =	shalt  }
0x46: {  	_ =	shalt  }
0x47: {  	_ =	shalt  }
0x48: {  	_ =	shalt  }
0x49: {  	_ =	shalt  }
0x4a: {  	_ =	shalt  }
0x4b: {  	_ =	shalt  }
0x4c: {  	_ =	shalt  }
0x4d: {  	_ =	shalt  }
0x4e: {  	_ =	shalt  }
0x4f: {  	_ =	shalt  }
0x50: {  	_ =	shalt  }
0x51: {  	_ =	shalt  }
0x52: {  	_ =	shalt  }
0x53: {  	_ =	shalt  }
0x54: {  	_ =	shalt  }
0x55: {  	_ =	shalt  }
0x56: {  	_ =	shalt  }
0x57: {  	_ =	shalt  }
0x58: {  	_ =	shalt  }
0x59: {  	_ =	shalt  }
0x5a: {  	_ =	shalt  }
0x5b: {  	_ =	shalt  }
0x5c: {  	_ =	shalt  }
0x5d: {  	_ =	shalt  }
0x5e: {  	_ =	shalt  }
0x5f: {  	_ =	shalt  }
0x60: {  	_ =	shalt  }
0x61: {  	_ =	shalt  }
0x62: {  	_ =	shalt  }
0x63: {  	_ =	shalt  }
0x64: {  	_ =	shalt  }
0x65: {  	_ =	shalt  }
0x66: {  	_ =	shalt  }
0x67: {  	_ =	shalt  }
0x68: {  	_ =	shalt  }
0x69: {  	_ =	shalt  }
0x6a: {  	_ =	shalt  }
0x6b: {  	_ =	shalt  }
0x6c: {  	_ =	shalt  }
0x6d: {  	_ =	shalt  }
0x6e: {  	_ =	shalt  }
0x6f: {  	_ =	shalt  }
0x70: {  	_ =	shalt  }
0x71: {  	_ =	shalt  }
0x72: {  	_ =	shalt  }
0x73: {  	_ =	shalt  }
0x74: {  	_ =	shalt  }
0x75: {  	_ =	shalt  }
0x76: {  	_ =	shalt  }
0x77: {  	_ =	shalt  }
0x78: {  	_ =	shalt  }
0x79: {  	_ =	shalt  }
0x7a: {  	_ =	shalt  }
0x7b: {  	_ =	shalt  }
0x7c: {  	_ =	shalt  }
0x7d: {  	_ =	shalt  }
0x7e: {  	_ =	shalt  }
0x7f: {  	_ =	shalt  }
0x80: {  	_ =	shalt  }
0x81: {  	_ =	shalt  }
0x82: {  	_ =	shalt  }
0x83: {  	_ =	shalt  }
0x84: {  	_ =	shalt  }
0x85: {  	_ =	shalt  }
0x86: {  	_ =	shalt  }
0x87: {  	_ =	shalt  }
.Lfunc_end0:
.L_simem_size_0:
called_computation.5_lowered:
.L_overlay_start_0:
0x88: {  	s2 =	sld [smem:$0x3FD9]  }
0x89: {  	s3 =	sld [smem:$0x3FFE];
	_ =	sdelay $0x1  }
0x8a: {  	s1 =	srdreg.scid  }
0x8b: {  	s0 =	sand.u32 $0x1, s1  }
0x8c: {  	s17 =	sshll.u32 s0, $0xA;
	s2 =	sadd.s32 s3, s2  }
0x8d: {  	s2 =	sadd.s32 s2, s17  }
0x8e: {  	[smem:$0x3FBA] =	sst s2  }
0x8f: {  	_ = 	snop  }
0x90: {  	s2 =	sld [smem:$0x3FD0];
	(tm) =	ssettm $0x1  }
0x91: {  	s18 =	sld [smem:$0x3FFB];
	_ =	sdelay $0x3  }
0x92: {  	_ =	strace s18  }
0x93: {  	s3 =	sld [smem:$0x3FFC];
	_ =	sdelay $0x3  }
0x94: {  	_ =	strace s3  }
0x95: {  	s3 =	sld [smem:$0x3FFD];
	_ =	sdelay $0x3  }
0x96: {  	_ =	strace s3  }
0x97: {  	_ =	strace $0x8FFFFFFF  }
0x98: {  	s19 =	sld [smem:$0x3FDB];
	_ =	sdelay $0x1  }
0x99: {  	s4 =	simm.s32 $_scs_section_size  }
0x9a: {  	s5 =	simm.s32 $_size__tile_overlayer_lowered;
	s6 =	simm.s32 $_tile_overlayer_lowered  }
0x9b: {  	s22 =	simm.s32 $0x1BFF;
	s21 =	sshll.u32 s6, $0x1;
	s3 =	sadd.s32 s4, s19  }
0x9c: {  	s7 =	simm.s32 $0x0;
	s20 =	sshll.u32 s5, $0x1;
	s5 =	sadd.s32 s21, s3  }
0x9d: {  	[timem:s7], [sflag:s22] =	dma.local [hbm:s5], s20  }
0x9e: {  	_ =	swait.ge [sflag:s22], s20  }
0x9f: {  	s4 =	ssub.s32 $0x0, s20;
	[sflag:s22] =	ssyncset.done $0x0  }
0xa0: {  	[sflag:s22] =	ssyncadd.s32 s4;
	_ =	sdelay $0x1  }
0xa1: {  	s23 =	simm.s32 $0x1B8B  }
0xa2: {  	_ =	swait.ge [sflag:s23], $0x1  }
0xa3: {  	[sflag:s23] =	ssyncset.done $0x0  }
0xa4: {  	s25 =	simm.s32 $0x1B8E;
	s24 =	sld [smem:$0x3FFE];
	[sflag:s23] =	ssyncadd.s32 $0xFFFFFFFF  }
0xa5: {  	s26 =	simm.s32 $execute0_lowered;
	[smem:$0x3FD2] =	sst s25  }
0xa6: {  	s5 =	sshll.u32 s26, $0x1;
	_ =	strace $0x80000055;
	[dreg:$0x1] =	wrdreg $0xFFFFFFFF  }
0xa7: {  	s28 =	simm.s32 $_size_execute0_lowered;
	s3 =	sadd.s32 s3, s5;
	[dreg:$0x0] =	wrdreg $0x0  }
0xa8: {  	s5 =	sshll.u32 s28, $0x1;
	[dreg:$0x2] =	wrdreg s3  }
0xa9: {  	[dreg:$0x3] =	wrdreg s5  }
0xaa: {  	[dreg:$0x4] =	wrdreg $0xC0  }
0xab: {  	_ =	task [dreg:s7], $0x5FFFF  }
0xac: {  	[dreg:$0x1] =	wrdreg $0xFFFFFFFF  }
0xad: {  	[dreg:$0x0] =	wrdreg $0x60  }
0xae: {  	[dreg:$0x2] =	wrdreg s2  }
0xaf: {  	[dreg:$0x3] =	wrdreg s24  }
0xb0: {  	[dreg:$0x4] =	wrdreg $0x81000  }
0xb1: {  	[dreg:$0x5] =	wrdreg $0x9  }
0xb2: {  	_ =	task.clear_ibuf [dreg:s7], $0x6FFFF;
	_ =	strace $0x90000055  }
0xb3: {  	s29 =	simm.s32 $0x9;
	_ =	strace $0x80000057  }
0xb4: {  	_ =	swait.ge [sflag:s29], $0x1  }
0xb5: {  	[sflag:s29] =	ssyncadd.s32 $0xFFFFFFFF  }
0xb6: {  	_ =	strace $0x90000057  }
0xb7: {  	_ =	sfence  }
0xb8: {  	s30 =	sld [smem:$0x0];
	_ =	sdelay $0x2  }
0xb9: {  	s31 =	sshll.u32 s1, $0xD;
	s1 =	sshrl.u32 s1, $0x2  }
0xba: {  	s3 =	sand.u32 $0x4000, s31;
	s1 =	sadd.s32 s1, s30  }
0xbb: {  	s0 =	sor.u32 s3, s0;
	s1 =	sshll.u32 s1, $0x11  }
0xbc: {  	s0 =	sor.u32 s1, s0  }
0xbd: {  	s0 =	sadd.s32 $0x8F2B, s0  }
0xbe: {  	[sflag:s0] =	ssyncadd.remote.s32 $0x1  }
0xbf: {  	_ =	sfence.sel $0xFFFF  }
0xc0: {  	[dreg:$0x0] =	wrdreg $0xFFFFFFFF;
	(pc) =	sbr.abs _section_cstart, $3  }
0xc1: {  	[dreg:$0x1] =	wrdreg $0xFFFFFFFF  }
0xc2: {  	_ =	task.clear_ibuf [dreg:s7], $0x2FFFF;
	_ =	strace $0x9FFFFFFF  }
0xc3: {  	(tm) =	ssettm $0x7FFFFFFF  }
tec
execute0_lowered:
.L_overlay_start_1:
0x0: {  	(tag) =	ssettag $0x1  }
0x1: {  	s1 =	rddreg [dreg:$0x0]  }
0x2: {  	s10 =	rddreg [dreg:$0x1]  }
0x3: {  	s3 =	rddreg [dreg:$0x2]  }
0x4: {  	s0 =	rddreg [dreg:$0x3];
	s4 =	simm.s32 $0x0;
	s2 =	stileid.u32  }
0x5: {  	s7 =	srdreg.scid;
	s20 =	simm.s32 $0x4100;
	s21 =	simm.s32 $0x1  }
0x6: {  	[smem:$0x7FF] =	sst s4;
	s11 =	smul.u32 $0x13800, s2;
	s5 =	sadd.s32 $0xD000, s10  }
0x7: {  	s6 =	sadd.s32 $0x16E00, s10;
	s9 =	sand.u32 $0x1, s7;
	s7 =	sadd.s32 $0x20C00, s10  }
0x8: {  	s15 =	smul.u32 $0x4E000, s2;
	s16 =	sadd.s32 $0x510C00, s10;
	s28 =	sshll.u32 s2, $0x6  }
0x9: {  	s19 =	sadd.s32 $0x138000, s3;
	p0 =	sne.s32 s2, $0xF;
	_ =	strace $0x80000056  }
0xa: {  	s12 =	ssub.s32 $0x2, s9;
	s14 =	sshll.u32 s9, $0x4;
	s29 =	smul.u32 $0x138800, s9  }
0xb: {  	s9 =	sor.u32 $0x1C02, s28;
	s8 =	sshrl.u32 s11, $0x3;
	s13 =	sshrl.u32 s12, $0x1  }
0xc: {  	s25 =	sor.u32 s2, s14;
	s26 =	sshrl.u32 s15, $0x2;
	s8 =	sadd.s32 s8, s10  }
0xd: {  	s17 =	ssub.s32 s12, s13;
	s18 =	sadd.s32 s26, s3;
	s11 =	sadd.s32 s11, s29  }
0xe: {  	s30 =	sshrl.u32 s29, $0x3;
	s10 =	sadd.s32 $0x5FCE00, s10;
	s26 =	simm.s32 $0x0  }
0xf: {  	s8 =	sadd.s32 $0x5D5E00, s8;
	s31 =	sshrl.u32 s11, $0x3;
	s13 =	sadd.s32 s16, s30  }
0x10: {  	s11 =	smul.u32 $0x4F, s25;
	s14 =	smax.u32 s17, $0x1;
	s15 =	sshrl.u32 s18, $0x3  }
0x11: {  	s17 =	sshrl.u32 @!p0 s19, $0x3;
	s18 =	simm.s32 $0x80;
	s19 =	simm.s32 $0x100  }
0x12: {  	s12 =	sadd.s32 s16, s31;
	s13 =	sadd.s32 $0x27000, s13;
	s16 =	simm.s32 $0x2  }
.LBB2_1:
0x13: {  	[spmem:s15], [sflag:s9] =	dma.local [hbm:s8], $0x2700  }
0x14: {  	_ =	swait.ge [sflag:s16], $0x2700  }
0x15: {  	[sflag:s16] =	ssyncset.done $0x0  }
0x16: {  	s22 =	simm.s32 @!p0 $0x2;
	[sflag:s16] =	ssyncadd.s32 $0xFFFFD900  }
0x17: {  	[spmem:s17], [sflag:s9] =	dma.local @!p0 [hbm:s10], $0x100  }
0x18: {  	_ =	swait.ge @!p0 [sflag:s22], $0x100  }
0x19: {  	[sflag:s22] =	ssyncset.done @!p0 $0x0  }
0x1a: {  	[sflag:s22] =	ssyncadd.s32 @!p0 $0xFFFFFF00  }
0x1b: {  	s22 =	simm.s32 $0x0;
	[bflag:$0x0] =	sbarrier.arrive $0xFFFF  }
.LBB2_2:
0x1c: {  	s23 =	sadd.s32 s11, s22  }
0x1d: {  	s24 =	sshll.u32 s23, $0x4  }
0x1e: {  	s25 =	sadd.s32 s5, s24  }
0x1f: {  	[tilespmem:s26], [sflag:$0x2] =	stream.linear.gather [hbm4b:s25+s26], $0x80, $0x38;
	[tilespmem:$0x1B980] =	vst v63  }
0x20: {  	_ =	swait.ge [sflag:s16], $0x80  }
0x21: {  	[sflag:s16] =	ssyncset.done $0x0  }
0x22: {  	s24 =	sadd.s32 s6, s24;
	[sflag:s16] =	ssyncadd.s32 $0xFFFFFF80  }
0x23: {  	[tilespmem:s18], [sflag:$0x2] =	stream.linear.gather [hbm4b:s24+s26], $0x80, $0x38;
	[tilespmem:$0x1B980] =	vst v63  }
0x24: {  	_ =	swait.ge [sflag:s16], $0x80  }
0x25: {  	s23 =	sshll.u32 s23, $0xB;
	[sflag:s16] =	ssyncset.done $0x0  }
0x26: {  	s23 =	sadd.s32 s7, s23;
	[sflag:s16] =	ssyncadd.s32 $0xFFFFFF80  }
0x27: {  	[tilespmem:s19], [sflag:$0x2] =	stream.linear.gather [hbm4b:s23+s26], $0x4000, $0x38;
	[tilespmem:$0x1B980] =	vst v63  }
0x28: {  	_ =	swait.ge [sflag:s16], $0x4000  }
0x29: {  	[sflag:s16] =	ssyncset.done $0x0  }
0x2a: {  	[sflag:s16] =	ssyncadd.s32 $0xFFFFC000  }
0x2b: {  	[tilespmem:s20], [sflag:$0x1] =	stream.indirect.gather [hbm4b:s1+s18], $0x80, s26, s18, $0xb8;
	[tilespmem:$0x1B980] =	vst v63  }
0x2c: {  	_ =	swait.ge [sflag:s21], $0x4000  }
0x2d: {  	[sflag:s21] =	ssyncset.done $0x0  }
0x2e: {  	s23 =	simm.s32 $0x0;
	[sflag:s21] =	ssyncadd.s32 $0xFFFFC000  }
0x2f: {  	v0 =	vld [tilespmem:s23+$0x100]  }
0x30: {  	v4 =	vld [tilespmem:s23+$0x4100]  }
0x31: {  	v6 =	vld [tilespmem:s23+$0x4110]  }
0x32: {  	v5 =	vld [tilespmem:s23+$0x4120]  }
0x33: {  	v3 =	vld [tilespmem:s23+$0x4130]  }
0x34: {  	v1 =	vld [tilespmem:s23+$0x4140]  }
0x35: {  	v2 =	vld [tilespmem:s23+$0x4150];
	v7 =	vmul.f32 v4, v0  }
0x36: {  	s24 =	simm.s32 $0x200;
	v6 =	vmul.f32 v6, v0;
	v4 =	vld [tilespmem:s23+$0x4160]  }
.LBB2_3:
0x37: {  	s25 =	sshra.s32 s24, $0x2;
	p1 =	sne.s32 s24, $0xFE00;
	[tilespmem:s23+$0x4100] =	vst v7;
	v5 =	vmul.f32 v5, v0;
	v7 =	vld [tilespmem:s23+$0x4170]  }
0x38: {  	v8 =	vld [tilespmem:s25+$0x100];
	[tilespmem:s23+$0x4110] =	vst v6;
	v3 =	vmul.f32 v3, v0  }
0x39: {  	v6 =	vld [tilespmem:s25+$0x4100];
	[tilespmem:s23+$0x4120] =	vst v5;
	v1 =	vmul.f32 v1, v0  }
0x3a: {  	v9 =	vld [tilespmem:s25+$0x4110];
	[tilespmem:s23+$0x4130] =	vst v3;
	v2 =	vmul.f32 v2, v0  }
.Ltmp0:
0x3b: {  	v5 =	vld [tilespmem:s25+$0x4120];
	[tilespmem:s23+$0x4140] =	vst v1;
	v4 =	vmul.f32 v4, v0;
	(pc) =	sbr.rel @p1 .LBB2_3-.Ltmp0, $4  }
0x3c: {  	v3 =	vld [tilespmem:s25+$0x4130];
	[tilespmem:s23+$0x4150] =	vst v2;
	v10 =	vmul.f32 v7, v0  }
0x3d: {  	v1 =	vld [tilespmem:s25+$0x4140];
	[tilespmem:s23+$0x4160] =	vst v4;
	v0 =	vmov v8  }
0x3e: {  	v7 =	vmul.f32 v6, v0;
	v2 =	vld [tilespmem:s25+$0x4150];
	[tilespmem:s23+$0x4170] =	vst v10;
	s23 =	smov.u32 s25  }
0x3f: {  	s24 =	sadd.s32 $0x200, s24;
	v6 =	vmul.f32 v9, v0;
	v4 =	vld [tilespmem:s23+$0x4160]  }
0x40: {  	[tilespmem:s23+$0x4100] =	vst v7;
	v5 =	vmul.f32 v5, v0;
	v61 =	vld [tilespmem:s23+$0x4170]  }
0x41: {  	[tilespmem:s23+$0x4110] =	vst v6;
	v3 =	vmul.f32 v3, v0  }
0x42: {  	[tilespmem:s23+$0x4120] =	vst v5;
	v1 =	vmul.f32 v1, v0  }
0x43: {  	[tilespmem:s23+$0x4130] =	vst v3;
	v2 =	vmul.f32 v2, v0  }
0x44: {  	[tilespmem:s23+$0x4140] =	vst v1;
	v62 =	vmul.f32 v4, v0  }
0x45: {  	s22 =	sadd.s32 $0x1, s22;
	[tilespmem:s23+$0x4150] =	vst v2;
	v63 =	vmul.f32 v61, v0  }
0x46: {  	p1 =	sne.s32 s22, $0x4F;
	[tilespmem:s23+$0x4160] =	vst v62  }
.Ltmp1:
0x47: {  	[tilespmem:s23+$0x4170] =	vst v63;
	(pc) =	sbr.rel @p1 .LBB2_2-.Ltmp1, $4  }
0x48: {  	[spmem:s3] =	stream.indirect.scatter.add.f32 [tilespmem:s20], [sflag:$0x2], $0x80, s18, s18, $0xb8;
	[tilespmem:$0x1B980] =	vst v63  }
0x49: {  	_ =	swait.ge [sflag:s16], $0x4000  }
0x4a: {  	[sflag:s16] =	ssyncset.done $0x0  }
0x4b: {  	[sflag:s16] =	ssyncadd.s32 $0xFFFFC000  }
0x4c: {  	[bflag:$0x0] =	sbarrier.arrive $0xFFFF  }
0x4d: {  	[hbm:s12], [sflag:s9] =	dma.local [spmem:s15], $0x2700  }
0x4e: {  	s4 =	sadd.s32 $0x1, s4;
	_ =	swait.ge [sflag:s16], $0x2700  }
0x4f: {  	p1 =	sne.s32 s4, s14;
	[sflag:s16] =	ssyncset.done $0x0  }
.Ltmp2:
0x50: {  	s22 =	simm.s32 @!p0 $0x2;
	[sflag:s16] =	ssyncadd.s32 $0xFFFFD900;
	(pc) =	sbr.rel @p1 .LBB2_1-.Ltmp2, $4  }
0x51: {  	[hbm:s13], [sflag:s9] =	dma.local @!p0 [spmem:s17], $0x100  }
0x52: {  	_ =	swait.ge @!p0 [sflag:s22], $0x100  }
0x53: {  	[sflag:s22] =	ssyncset.done @!p0 $0x0  }
0x54: {  	[sflag:s22] =	ssyncadd.s32 @!p0 $0xFFFFFF00  }
0x55: {  	_ =	sfence.sel $0x180000  }
0x56: {  	[bflag:$0x0] =	sbarrier.arrive $0xFFFF  }
0x57: {  	p0 =	sne.s32 s2, $0x0;
	_ =	strace $0x90000056  }
0x58: {  	s0 =	sadd.s32 @!p0 $0x100000, s0;
	[bflag:$0x2] =	sbarrier.arrive $0xFFFF  }
0x59: {  	[sflag:s0] =	ssyncadd.tile.s32 @!p0 $0x1;
	_ =	shalt  }
.Lfunc_end2:
_tile_overlayer_lowered:
.L_overlay_start_2:
0x5a: {  	(tag) =	ssettag $0x2  }
0x5b: {  	s0 =	rddreg [dreg:$0x0];
	s2 =	stileid.u32  }
0x5c: {  	s1 =	rddreg [dreg:$0x1];
	p0 =	sne.s32 s2, $0x0  }
0x5d: {  	s3 =	rddreg [dreg:$0x2];
	[bflag:$0x3] =	sbarrier.arrive $0xFFFF;
	s2 =	simm.s32 @!p0 $0x1C02  }
0x5e: {  	[timem:s3], [sflag:s2] =	dma.local @!p0 [hbm:s0], s1  }
0x5f: {  	s0 =	simm.s32 @!p0 $0x2  }
0x60: {  	_ =	swait.ge @!p0 [sflag:s0], s1  }
0x61: {  	s1 =	ssub.s32 @!p0 $0x0, s1;
	[sflag:s0] =	ssyncset.done @!p0 $0x0  }
0x62: {  	[sflag:s0] =	ssyncadd.s32 @!p0 s1  }
0x63: {  	[bflag:$0x3] =	sbarrier.arrive $0xFFFF  }
0x64: {  	_ =	shalt  }

// kernel: kernel.44.cloned.1.call-start
scs
__scs_entry_jumppad:
0x0: {  	(pc) =	sbr.rel $0x88, $3  }
0x1: {  	(tag) =	ssettag $0x0;
	lr =	simm.s32 $0x1  }
0x2: {  	[smem:$0x3F93] =	sst lr;
	_ =	strace $0xD0000000  }
0x3: {  	_ = 	snop  }
0x4: {  	_ = 	snop  }
0x5: {  	_ = 	snop  }
0x6: {  	_ = 	snop  }
0x7: {  	_ = 	snop  }
__scs_overlays_trampoline_lowered:
0x8: {  	[smem:$0x3FA2] =	sst s0  }
0x9: {  	[smem:$0x3FA3] =	sst s1  }
0xa: {  	[smem:$0x3FA4] =	sst s2  }
0xb: {  	[smem:$0x3FA5] =	sst s3  }
0xc: {  	[smem:$0x3FA6] =	sst s4  }
0xd: {  	[smem:$0x3FA7] =	sst s5  }
0xe: {  	[smem:$0x3FA8] =	sst s6  }
0xf: {  	[smem:$0x3FA9] =	sst s7  }
0x10: {  	[smem:$0x3FAA] =	sst s8  }
0x11: {  	[smem:$0x3FAB] =	sst s9;
	s0 =	simm.s32 @!p0 $0x0  }
0x12: {  	s1 =	sld [smem:$0x3F91];
	s0 =	simm.s32 @p0 $0x1  }
0x13: {  	[smem:$0x3FAC] =	sst s0;
	s0 =	simm.s32 @!p1 $0x0  }
0x14: {  	s2 =	sld [smem:$0x3F90];
	s0 =	simm.s32 @p1 $0x1  }
0x15: {  	[smem:$0x3FAD] =	sst s0;
	s0 =	simm.s32 @!p2 $0x0  }
0x16: {  	s3 =	sld [smem:$0x3FDB];
	s0 =	simm.s32 @p2 $0x1  }
0x17: {  	s4 =	simm.s32 $0x1BF5;
	[smem:$0x3FAF] =	sst s0  }
0x18: {  	s0 =	sld [smem:$0x3F92];
	_ =	swait.ge [sflag:s4], $0x0  }
0x19: {  	s7 =	sld [smem:$0x3F93]  }
0x1a: {  	s8 =	sadd.s32 $0xFFFFE003, lr  }
0x1b: {  	s9 =	sadd.s32 $0xFFFFFEF7, lr;
	s5 =	simm.s32 $0xFFFFFFFF;
	p2 =	slt.u32 s8, $0xFFFFF086  }
0x1c: {  	p1 =	slt.u32 s9, $0xF7A;
	s5 =	simm.s32 @!p2 $0x0  }
0x1d: {  	s5 =	simm.s32 @p1 $0x1;
	p0 =	seq.s32 s7, s2  }
0x1e: {  	s7 =	smul.u32 @!p0 $0xF7A, s2;
	p2 =	seq.s32 @!p0 s5, $0x0  }
0x1f: {  	s9 =	smul.u32 $0xF7A, s1;
	s8 =	simm.s32 @!p0 $0x1BF5;
	p2 =	por !p2, p0  }
0x20: {  	[sflag:s8] =	ssyncset.s32 @!p0 $0xFFFFF086;
	s6 =	sadd.s32 @!p0 s3, s7;
	s7 =	simm.s32 @!p0 $0x108  }
0x21: {  	s3 =	sadd.s32 s3, s9;
	s6 =	sadd.s32 @!p0 $0x88, s6;
	s7 =	simm.s32 @p2 $0x1082  }
0x22: {  	[simem:s7], [sflag:s8] =	dma.local @!p0 [hbm:s6], $0xF7A  }
0x23: {  	s9 =	sor.u32 $0xD0000000, s2;
	s6 =	simm.s32 $0x108;
	_ =	swait.ge @!p0 [sflag:s8], $0x0  }
0x24: {  	s3 =	sadd.s32 $0x88, s3;
	s6 =	simm.s32 @!p1 $0x1082;
	[sflag:s4] =	ssyncset.s32 $0xFFFFF086  }
0x25: {  	[simem:s6], [sflag:s4] =	dma.local [hbm:s3], $0xF7A  }
0x26: {  	[smem:$0x3F93] =	sst s1;
	(tag) =	ssettag s2;
	_ =	strace s9  }
0x27: {  	s1 =	sld [smem:$0x3FA3]  }
0x28: {  	s2 =	sld [smem:$0x3FA4]  }
0x29: {  	s4 =	sld [smem:$0x3FA6]  }
0x2a: {  	p0 =	seq.s32 s5, $0x0;
	s5 =	sld [smem:$0x3FA7]  }
0x2b: {  	s6 =	sld [smem:$0x3FA8]  }
0x2c: {  	s7 =	sld [smem:$0x3FA9]  }
0x2d: {  	s3 =	simm.s32 $0x108;
	s8 =	sld [smem:$0x3FAA]  }
0x2e: {  	s3 =	simm.s32 @!p0 $0x1082;
	s9 =	sld [smem:$0x3FAB]  }
0x2f: {  	lr =	sadd.s32 s0, s3;
	s0 =	sld [smem:$0x3FA2]  }
0x30: {  	s3 =	sld [smem:$0x3FA5]  }
0x31: {  	[smem:$0x3FAE] =	sst s10  }
0x32: {  	s10 =	sld [smem:$0x3FAC];
	_ =	sdelay $0x3  }
0x33: {  	p0 =	seq.s32 s10, $0x1;
	s10 =	sld [smem:$0x3FAE];
	_ =	sdelay $0x3  }
0x34: {  	[smem:$0x3FAE] =	sst s10  }
0x35: {  	s10 =	sld [smem:$0x3FAD];
	_ =	sdelay $0x3  }
0x36: {  	p1 =	seq.s32 s10, $0x1;
	s10 =	sld [smem:$0x3FAE];
	_ =	sdelay $0x3  }
0x37: {  	[smem:$0x3FAE] =	sst s10  }
0x38: {  	s10 =	sld [smem:$0x3FAF]  }
0x39: {  	_ = 	snop;
	(pc) =	sbr.ind lr, $3  }
0x3a: {  	_ = 	snop  }
0x3b: {  	_ = 	snop  }
0x3c: {  	p2 =	seq.s32 s10, $0x1;
	s10 =	sld [smem:$0x3FAE]  }
0x3d: {  	_ =	shalt  }
0x3e: {  	_ =	shalt  }
0x3f: {  	_ =	shalt  }
0x40: {  	_ =	shalt  }
0x41: {  	_ =	shalt  }
0x42: {  	_ =	shalt  }
0x43: {  	_ =	shalt  }
0x44: {  	_ =	shalt  }
0x45: {  	_ =	shalt  }
0x46: {  	_ =	shalt  }
0x47: {  	_ =	shalt  }
0x48: {  	_ =	shalt  }
0x49: {  	_ =	shalt  }
0x4a: {  	_ =	shalt  }
0x4b: {  	_ =	shalt  }
0x4c: {  	_ =	shalt  }
0x4d: {  	_ =	shalt  }
0x4e: {  	_ =	shalt  }
0x4f: {  	_ =	shalt  }
0x50: {  	_ =	shalt  }
0x51: {  	_ =	shalt  }
0x52: {  	_ =	shalt  }
0x53: {  	_ =	shalt  }
0x54: {  	_ =	shalt  }
0x55: {  	_ =	shalt  }
0x56: {  	_ =	shalt  }
0x57: {  	_ =	shalt  }
0x58: {  	_ =	shalt  }
0x59: {  	_ =	shalt  }
0x5a: {  	_ =	shalt  }
0x5b: {  	_ =	shalt  }
0x5c: {  	_ =	shalt  }
0x5d: {  	_ =	shalt  }
0x5e: {  	_ =	shalt  }
0x5f: {  	_ =	shalt  }
0x60: {  	_ =	shalt  }
0x61: {  	_ =	shalt  }
0x62: {  	_ =	shalt  }
0x63: {  	_ =	shalt  }
0x64: {  	_ =	shalt  }
0x65: {  	_ =	shalt  }
0x66: {  	_ =	shalt  }
0x67: {  	_ =	shalt  }
0x68: {  	_ =	shalt  }
0x69: {  	_ =	shalt  }
0x6a: {  	_ =	shalt  }
0x6b: {  	_ =	shalt  }
0x6c: {  	_ =	shalt  }
0x6d: {  	_ =	shalt  }
0x6e: {  	_ =	shalt  }
0x6f: {  	_ =	shalt  }
0x70: {  	_ =	shalt  }
0x71: {  	_ =	shalt  }
0x72: {  	_ =	shalt  }
0x73: {  	_ =	shalt  }
0x74: {  	_ =	shalt  }
0x75: {  	_ =	shalt  }
0x76: {  	_ =	shalt  }
0x77: {  	_ =	shalt  }
0x78: {  	_ =	shalt  }
0x79: {  	_ =	shalt  }
0x7a: {  	_ =	shalt  }
0x7b: {  	_ =	shalt  }
0x7c: {  	_ =	shalt  }
0x7d: {  	_ =	shalt  }
0x7e: {  	_ =	shalt  }
0x7f: {  	_ =	shalt  }
0x80: {  	_ =	shalt  }
0x81: {  	_ =	shalt  }
0x82: {  	_ =	shalt  }
0x83: {  	_ =	shalt  }
0x84: {  	_ =	shalt  }
0x85: {  	_ =	shalt  }
0x86: {  	_ =	shalt  }
0x87: {  	_ =	shalt  }
.Lfunc_end0:
.L_simem_size_0:
called_computation.6_lowered:
.L_overlay_start_0:
0x88: {  	s2 =	sld [smem:$0x3FD9]  }
0x89: {  	s3 =	sld [smem:$0x3FFE];
	_ =	sdelay $0x1  }
0x8a: {  	s1 =	srdreg.scid  }
0x8b: {  	s0 =	sand.u32 $0x1, s1  }
0x8c: {  	s17 =	sshll.u32 s0, $0xA;
	s2 =	sadd.s32 s3, s2  }
0x8d: {  	s2 =	sadd.s32 s2, s17  }
0x8e: {  	[smem:$0x3FBA] =	sst s2  }
0x8f: {  	_ = 	snop  }
0x90: {  	s2 =	sld [smem:$0x3FD0];
	(tm) =	ssettm $0x1  }
0x91: {  	s18 =	sld [smem:$0x3FFB];
	_ =	sdelay $0x3  }
0x92: {  	_ =	strace s18  }
0x93: {  	s3 =	sld [smem:$0x3FFC];
	_ =	sdelay $0x3  }
0x94: {  	_ =	strace s3  }
0x95: {  	s3 =	sld [smem:$0x3FFD];
	_ =	sdelay $0x3  }
0x96: {  	_ =	strace s3  }
0x97: {  	_ =	strace $0x8FFFFFFF  }
0x98: {  	s19 =	sld [smem:$0x3FDB];
	_ =	sdelay $0x1  }
0x99: {  	s4 =	simm.s32 $_scs_section_size  }
0x9a: {  	s5 =	simm.s32 $_size__tile_overlayer_lowered;
	s6 =	simm.s32 $_tile_overlayer_lowered  }
0x9b: {  	s22 =	simm.s32 $0x1BFF;
	s21 =	sshll.u32 s6, $0x1;
	s3 =	sadd.s32 s4, s19  }
0x9c: {  	s7 =	simm.s32 $0x0;
	s20 =	sshll.u32 s5, $0x1;
	s5 =	sadd.s32 s21, s3  }
0x9d: {  	[timem:s7], [sflag:s22] =	dma.local [hbm:s5], s20  }
0x9e: {  	_ =	swait.ge [sflag:s22], s20  }
0x9f: {  	s4 =	ssub.s32 $0x0, s20;
	[sflag:s22] =	ssyncset.done $0x0  }
0xa0: {  	[sflag:s22] =	ssyncadd.s32 s4;
	_ =	sdelay $0x1  }
0xa1: {  	s23 =	simm.s32 $0x1B8B  }
0xa2: {  	_ =	swait.ge [sflag:s23], $0x1  }
0xa3: {  	[sflag:s23] =	ssyncset.done $0x0  }
0xa4: {  	s25 =	simm.s32 $0x1B8E;
	s24 =	sld [smem:$0x3FFE];
	[sflag:s23] =	ssyncadd.s32 $0xFFFFFFFF  }
0xa5: {  	s26 =	simm.s32 $execute0_lowered;
	[smem:$0x3FD2] =	sst s25  }
0xa6: {  	s5 =	sshll.u32 s26, $0x1;
	_ =	strace $0x80000058;
	[dreg:$0x1] =	wrdreg $0xFFFFFFFF  }
0xa7: {  	s28 =	simm.s32 $_size_execute0_lowered;
	s3 =	sadd.s32 s3, s5;
	[dreg:$0x0] =	wrdreg $0x0  }
0xa8: {  	s5 =	sshll.u32 s28, $0x1;
	[dreg:$0x2] =	wrdreg s3  }
0xa9: {  	[dreg:$0x3] =	wrdreg s5  }
0xaa: {  	[dreg:$0x4] =	wrdreg $0xC0  }
0xab: {  	_ =	task [dreg:s7], $0x5FFFF  }
0xac: {  	[dreg:$0x1] =	wrdreg $0xFFFFFFFF  }
0xad: {  	[dreg:$0x0] =	wrdreg $0x60  }
0xae: {  	[dreg:$0x2] =	wrdreg s2  }
0xaf: {  	[dreg:$0x3] =	wrdreg s24  }
0xb0: {  	[dreg:$0x4] =	wrdreg $0x81000  }
0xb1: {  	[dreg:$0x5] =	wrdreg $0x9  }
0xb2: {  	_ =	task.clear_ibuf [dreg:s7], $0x6FFFF;
	_ =	strace $0x90000058  }
0xb3: {  	s29 =	simm.s32 $0x9;
	_ =	strace $0x8000005A  }
0xb4: {  	_ =	swait.ge [sflag:s29], $0x1  }
0xb5: {  	[sflag:s29] =	ssyncadd.s32 $0xFFFFFFFF  }
0xb6: {  	_ =	strace $0x9000005A  }
0xb7: {  	_ =	sfence  }
0xb8: {  	s30 =	sld [smem:$0x0];
	_ =	sdelay $0x2  }
0xb9: {  	s31 =	sshll.u32 s1, $0xD;
	s1 =	sshrl.u32 s1, $0x2  }
0xba: {  	s3 =	sand.u32 $0x4000, s31;
	s1 =	sadd.s32 s1, s30  }
0xbb: {  	s0 =	sor.u32 s3, s0;
	s1 =	sshll.u32 s1, $0x11  }
0xbc: {  	s0 =	sor.u32 s1, s0  }
0xbd: {  	s0 =	sadd.s32 $0x8F2B, s0  }
0xbe: {  	[sflag:s0] =	ssyncadd.remote.s32 $0x1  }
0xbf: {  	_ =	sfence.sel $0xFFFF  }
0xc0: {  	[dreg:$0x0] =	wrdreg $0xFFFFFFFF;
	(pc) =	sbr.abs _section_cstart, $3  }
0xc1: {  	[dreg:$0x1] =	wrdreg $0xFFFFFFFF  }
0xc2: {  	_ =	task.clear_ibuf [dreg:s7], $0x2FFFF;
	_ =	strace $0x9FFFFFFF  }
0xc3: {  	(tm) =	ssettm $0x7FFFFFFF  }
tec
execute0_lowered:
.L_overlay_start_1:
0x0: {  	(tag) =	ssettag $0x1  }
0x1: {  	s1 =	rddreg [dreg:$0x0]  }
0x2: {  	s10 =	rddreg [dreg:$0x1]  }
0x3: {  	s3 =	rddreg [dreg:$0x2]  }
0x4: {  	s0 =	rddreg [dreg:$0x3];
	s4 =	simm.s32 $0x0;
	s2 =	stileid.u32  }
0x5: {  	s7 =	srdreg.scid;
	s20 =	simm.s32 $0x4100;
	s21 =	simm.s32 $0x1  }
0x6: {  	[smem:$0x7FF] =	sst s4;
	s11 =	smul.u32 $0x13800, s2;
	s5 =	sadd.s32 $0xD000, s10  }
0x7: {  	s6 =	sadd.s32 $0x16E00, s10;
	s9 =	sand.u32 $0x1, s7;
	s7 =	sadd.s32 $0x20C00, s10  }
0x8: {  	s15 =	smul.u32 $0x4E000, s2;
	s16 =	sadd.s32 $0x537E00, s10;
	s28 =	sshll.u32 s2, $0x6  }
0x9: {  	s19 =	sadd.s32 $0x138000, s3;
	p0 =	sne.s32 s2, $0xF;
	_ =	strace $0x80000059  }
0xa: {  	s12 =	ssub.s32 $0x2, s9;
	s14 =	sshll.u32 s9, $0x4;
	s29 =	smul.u32 $0x138800, s9  }
0xb: {  	s9 =	sor.u32 $0x1C02, s28;
	s8 =	sshrl.u32 s11, $0x3;
	s13 =	sshrl.u32 s12, $0x1  }
0xc: {  	s25 =	sor.u32 s2, s14;
	s26 =	sshrl.u32 s15, $0x2;
	s8 =	sadd.s32 s8, s10  }
0xd: {  	s17 =	ssub.s32 s12, s13;
	s18 =	sadd.s32 s26, s3;
	s11 =	sadd.s32 s11, s29  }
0xe: {  	s30 =	sshrl.u32 s29, $0x3;
	s10 =	sadd.s32 $0x5FCE00, s10;
	s26 =	simm.s32 $0x0  }
0xf: {  	s8 =	sadd.s32 $0x5D5E00, s8;
	s31 =	sshrl.u32 s11, $0x3;
	s13 =	sadd.s32 s16, s30  }
0x10: {  	s11 =	smul.u32 $0x4F, s25;
	s14 =	smax.u32 s17, $0x1;
	s15 =	sshrl.u32 s18, $0x3  }
0x11: {  	s17 =	sshrl.u32 @!p0 s19, $0x3;
	s18 =	simm.s32 $0x80;
	s19 =	simm.s32 $0x100  }
0x12: {  	s12 =	sadd.s32 s16, s31;
	s13 =	sadd.s32 $0x27000, s13;
	s16 =	simm.s32 $0x2  }
.LBB2_1:
0x13: {  	[spmem:s15], [sflag:s9] =	dma.local [hbm:s8], $0x2700  }
0x14: {  	_ =	swait.ge [sflag:s16], $0x2700  }
0x15: {  	[sflag:s16] =	ssyncset.done $0x0  }
0x16: {  	s22 =	simm.s32 @!p0 $0x2;
	[sflag:s16] =	ssyncadd.s32 $0xFFFFD900  }
0x17: {  	[spmem:s17], [sflag:s9] =	dma.local @!p0 [hbm:s10], $0x100  }
0x18: {  	_ =	swait.ge @!p0 [sflag:s22], $0x100  }
0x19: {  	[sflag:s22] =	ssyncset.done @!p0 $0x0  }
0x1a: {  	[sflag:s22] =	ssyncadd.s32 @!p0 $0xFFFFFF00  }
0x1b: {  	s22 =	simm.s32 $0x0;
	[bflag:$0x0] =	sbarrier.arrive $0xFFFF  }
.LBB2_2:
0x1c: {  	s23 =	sadd.s32 s11, s22  }
0x1d: {  	s24 =	sshll.u32 s23, $0x4  }
0x1e: {  	s25 =	sadd.s32 s5, s24  }
0x1f: {  	[tilespmem:s26], [sflag:$0x2] =	stream.linear.gather [hbm4b:s25+s26], $0x80, $0x38;
	[tilespmem:$0x1B980] =	vst v63  }
0x20: {  	_ =	swait.ge [sflag:s16], $0x80  }
0x21: {  	[sflag:s16] =	ssyncset.done $0x0  }
0x22: {  	s24 =	sadd.s32 s6, s24;
	[sflag:s16] =	ssyncadd.s32 $0xFFFFFF80  }
0x23: {  	[tilespmem:s18], [sflag:$0x2] =	stream.linear.gather [hbm4b:s24+s26], $0x80, $0x38;
	[tilespmem:$0x1B980] =	vst v63  }
0x24: {  	_ =	swait.ge [sflag:s16], $0x80  }
0x25: {  	s23 =	sshll.u32 s23, $0xB;
	[sflag:s16] =	ssyncset.done $0x0  }
0x26: {  	s23 =	sadd.s32 s7, s23;
	[sflag:s16] =	ssyncadd.s32 $0xFFFFFF80  }
0x27: {  	[tilespmem:s19], [sflag:$0x2] =	stream.linear.gather [hbm4b:s23+s26], $0x4000, $0x38;
	[tilespmem:$0x1B980] =	vst v63  }
0x28: {  	_ =	swait.ge [sflag:s16], $0x4000  }
0x29: {  	[sflag:s16] =	ssyncset.done $0x0  }
0x2a: {  	[sflag:s16] =	ssyncadd.s32 $0xFFFFC000  }
0x2b: {  	[tilespmem:s20], [sflag:$0x1] =	stream.indirect.gather [hbm4b:s1+s18], $0x80, s26, s18, $0xb8;
	[tilespmem:$0x1B980] =	vst v63  }
0x2c: {  	_ =	swait.ge [sflag:s21], $0x4000  }
0x2d: {  	[sflag:s21] =	ssyncset.done $0x0  }
0x2e: {  	s23 =	simm.s32 $0x0;
	[sflag:s21] =	ssyncadd.s32 $0xFFFFC000  }
0x2f: {  	v0 =	vld [tilespmem:s23+$0x100]  }
0x30: {  	v4 =	vld [tilespmem:s23+$0x4100]  }
0x31: {  	v6 =	vld [tilespmem:s23+$0x4110]  }
0x32: {  	v5 =	vld [tilespmem:s23+$0x4120]  }
0x33: {  	v3 =	vld [tilespmem:s23+$0x4130]  }
0x34: {  	v1 =	vld [tilespmem:s23+$0x4140]  }
0x35: {  	v2 =	vld [tilespmem:s23+$0x4150];
	v7 =	vmul.f32 v4, v0  }
0x36: {  	s24 =	simm.s32 $0x200;
	v6 =	vmul.f32 v6, v0;
	v4 =	vld [tilespmem:s23+$0x4160]  }
.LBB2_3:
0x37: {  	s25 =	sshra.s32 s24, $0x2;
	p1 =	sne.s32 s24, $0xFE00;
	[tilespmem:s23+$0x4100] =	vst v7;
	v5 =	vmul.f32 v5, v0;
	v7 =	vld [tilespmem:s23+$0x4170]  }
0x38: {  	v8 =	vld [tilespmem:s25+$0x100];
	[tilespmem:s23+$0x4110] =	vst v6;
	v3 =	vmul.f32 v3, v0  }
0x39: {  	v6 =	vld [tilespmem:s25+$0x4100];
	[tilespmem:s23+$0x4120] =	vst v5;
	v1 =	vmul.f32 v1, v0  }
0x3a: {  	v9 =	vld [tilespmem:s25+$0x4110];
	[tilespmem:s23+$0x4130] =	vst v3;
	v2 =	vmul.f32 v2, v0  }
.Ltmp0:
0x3b: {  	v5 =	vld [tilespmem:s25+$0x4120];
	[tilespmem:s23+$0x4140] =	vst v1;
	v4 =	vmul.f32 v4, v0;
	(pc) =	sbr.rel @p1 .LBB2_3-.Ltmp0, $4  }
0x3c: {  	v3 =	vld [tilespmem:s25+$0x4130];
	[tilespmem:s23+$0x4150] =	vst v2;
	v10 =	vmul.f32 v7, v0  }
0x3d: {  	v1 =	vld [tilespmem:s25+$0x4140];
	[tilespmem:s23+$0x4160] =	vst v4;
	v0 =	vmov v8  }
0x3e: {  	v7 =	vmul.f32 v6, v0;
	v2 =	vld [tilespmem:s25+$0x4150];
	[tilespmem:s23+$0x4170] =	vst v10;
	s23 =	smov.u32 s25  }
0x3f: {  	s24 =	sadd.s32 $0x200, s24;
	v6 =	vmul.f32 v9, v0;
	v4 =	vld [tilespmem:s23+$0x4160]  }
0x40: {  	[tilespmem:s23+$0x4100] =	vst v7;
	v5 =	vmul.f32 v5, v0;
	v61 =	vld [tilespmem:s23+$0x4170]  }
0x41: {  	[tilespmem:s23+$0x4110] =	vst v6;
	v3 =	vmul.f32 v3, v0  }
0x42: {  	[tilespmem:s23+$0x4120] =	vst v5;
	v1 =	vmul.f32 v1, v0  }
0x43: {  	[tilespmem:s23+$0x4130] =	vst v3;
	v2 =	vmul.f32 v2, v0  }
0x44: {  	[tilespmem:s23+$0x4140] =	vst v1;
	v62 =	vmul.f32 v4, v0  }
0x45: {  	s22 =	sadd.s32 $0x1, s22;
	[tilespmem:s23+$0x4150] =	vst v2;
	v63 =	vmul.f32 v61, v0  }
0x46: {  	p1 =	sne.s32 s22, $0x4F;
	[tilespmem:s23+$0x4160] =	vst v62  }
.Ltmp1:
0x47: {  	[tilespmem:s23+$0x4170] =	vst v63;
	(pc) =	sbr.rel @p1 .LBB2_2-.Ltmp1, $4  }
0x48: {  	[spmem:s3] =	stream.indirect.scatter.add.f32 [tilespmem:s20], [sflag:$0x2], $0x80, s18, s18, $0xb8;
	[tilespmem:$0x1B980] =	vst v63  }
0x49: {  	_ =	swait.ge [sflag:s16], $0x4000  }
0x4a: {  	[sflag:s16] =	ssyncset.done $0x0  }
0x4b: {  	[sflag:s16] =	ssyncadd.s32 $0xFFFFC000  }
0x4c: {  	[bflag:$0x0] =	sbarrier.arrive $0xFFFF  }
0x4d: {  	[hbm:s12], [sflag:s9] =	dma.local [spmem:s15], $0x2700  }
0x4e: {  	s4 =	sadd.s32 $0x1, s4;
	_ =	swait.ge [sflag:s16], $0x2700  }
0x4f: {  	p1 =	sne.s32 s4, s14;
	[sflag:s16] =	ssyncset.done $0x0  }
.Ltmp2:
0x50: {  	s22 =	simm.s32 @!p0 $0x2;
	[sflag:s16] =	ssyncadd.s32 $0xFFFFD900;
	(pc) =	sbr.rel @p1 .LBB2_1-.Ltmp2, $4  }
0x51: {  	[hbm:s13], [sflag:s9] =	dma.local @!p0 [spmem:s17], $0x100  }
0x52: {  	_ =	swait.ge @!p0 [sflag:s22], $0x100  }
0x53: {  	[sflag:s22] =	ssyncset.done @!p0 $0x0  }
0x54: {  	[sflag:s22] =	ssyncadd.s32 @!p0 $0xFFFFFF00  }
0x55: {  	_ =	sfence.sel $0x180000  }
0x56: {  	[bflag:$0x0] =	sbarrier.arrive $0xFFFF  }
0x57: {  	p0 =	sne.s32 s2, $0x0;
	_ =	strace $0x90000059  }
0x58: {  	s0 =	sadd.s32 @!p0 $0x100000, s0;
	[bflag:$0x2] =	sbarrier.arrive $0xFFFF  }
0x59: {  	[sflag:s0] =	ssyncadd.tile.s32 @!p0 $0x1;
	_ =	shalt  }
.Lfunc_end2:
_tile_overlayer_lowered:
.L_overlay_start_2:
0x5a: {  	(tag) =	ssettag $0x2  }
0x5b: {  	s0 =	rddreg [dreg:$0x0];
	s2 =	stileid.u32  }
0x5c: {  	s1 =	rddreg [dreg:$0x1];
	p0 =	sne.s32 s2, $0x0  }
0x5d: {  	s3 =	rddreg [dreg:$0x2];
	[bflag:$0x3] =	sbarrier.arrive $0xFFFF;
	s2 =	simm.s32 @!p0 $0x1C02  }
0x5e: {  	[timem:s3], [sflag:s2] =	dma.local @!p0 [hbm:s0], s1  }
0x5f: {  	s0 =	simm.s32 @!p0 $0x2  }
0x60: {  	_ =	swait.ge @!p0 [sflag:s0], s1  }
0x61: {  	s1 =	ssub.s32 @!p0 $0x0, s1;
	[sflag:s0] =	ssyncset.done @!p0 $0x0  }
0x62: {  	[sflag:s0] =	ssyncadd.s32 @!p0 s1  }
0x63: {  	[bflag:$0x3] =	sbarrier.arrive $0xFFFF  }
0x64: {  	_ =	shalt  }

// kernel: kernel.47.cloned.1.call-start
scs
__scs_entry_jumppad:
0x0: {  	(pc) =	sbr.rel $0x88, $3  }
0x1: {  	(tag) =	ssettag $0x0;
	lr =	simm.s32 $0x1  }
0x2: {  	[smem:$0x3F93] =	sst lr;
	_ =	strace $0xD0000000  }
0x3: {  	_ = 	snop  }
0x4: {  	_ = 	snop  }
0x5: {  	_ = 	snop  }
0x6: {  	_ = 	snop  }
0x7: {  	_ = 	snop  }
__scs_overlays_trampoline_lowered:
0x8: {  	[smem:$0x3FA2] =	sst s0  }
0x9: {  	[smem:$0x3FA3] =	sst s1  }
0xa: {  	[smem:$0x3FA4] =	sst s2  }
0xb: {  	[smem:$0x3FA5] =	sst s3  }
0xc: {  	[smem:$0x3FA6] =	sst s4  }
0xd: {  	[smem:$0x3FA7] =	sst s5  }
0xe: {  	[smem:$0x3FA8] =	sst s6  }
0xf: {  	[smem:$0x3FA9] =	sst s7  }
0x10: {  	[smem:$0x3FAA] =	sst s8  }
0x11: {  	[smem:$0x3FAB] =	sst s9;
	s0 =	simm.s32 @!p0 $0x0  }
0x12: {  	s1 =	sld [smem:$0x3F91];
	s0 =	simm.s32 @p0 $0x1  }
0x13: {  	[smem:$0x3FAC] =	sst s0;
	s0 =	simm.s32 @!p1 $0x0  }
0x14: {  	s2 =	sld [smem:$0x3F90];
	s0 =	simm.s32 @p1 $0x1  }
0x15: {  	[smem:$0x3FAD] =	sst s0;
	s0 =	simm.s32 @!p2 $0x0  }
0x16: {  	s3 =	sld [smem:$0x3FDB];
	s0 =	simm.s32 @p2 $0x1  }
0x17: {  	s4 =	simm.s32 $0x1BF5;
	[smem:$0x3FAF] =	sst s0  }
0x18: {  	s0 =	sld [smem:$0x3F92];
	_ =	swait.ge [sflag:s4], $0x0  }
0x19: {  	s7 =	sld [smem:$0x3F93]  }
0x1a: {  	s8 =	sadd.s32 $0xFFFFE003, lr  }
0x1b: {  	s9 =	sadd.s32 $0xFFFFFEF7, lr;
	s5 =	simm.s32 $0xFFFFFFFF;
	p2 =	slt.u32 s8, $0xFFFFF086  }
0x1c: {  	p1 =	slt.u32 s9, $0xF7A;
	s5 =	simm.s32 @!p2 $0x0  }
0x1d: {  	s5 =	simm.s32 @p1 $0x1;
	p0 =	seq.s32 s7, s2  }
0x1e: {  	s7 =	smul.u32 @!p0 $0xF7A, s2;
	p2 =	seq.s32 @!p0 s5, $0x0  }
0x1f: {  	s9 =	smul.u32 $0xF7A, s1;
	s8 =	simm.s32 @!p0 $0x1BF5;
	p2 =	por !p2, p0  }
0x20: {  	[sflag:s8] =	ssyncset.s32 @!p0 $0xFFFFF086;
	s6 =	sadd.s32 @!p0 s3, s7;
	s7 =	simm.s32 @!p0 $0x108  }
0x21: {  	s3 =	sadd.s32 s3, s9;
	s6 =	sadd.s32 @!p0 $0x88, s6;
	s7 =	simm.s32 @p2 $0x1082  }
0x22: {  	[simem:s7], [sflag:s8] =	dma.local @!p0 [hbm:s6], $0xF7A  }
0x23: {  	s9 =	sor.u32 $0xD0000000, s2;
	s6 =	simm.s32 $0x108;
	_ =	swait.ge @!p0 [sflag:s8], $0x0  }
0x24: {  	s3 =	sadd.s32 $0x88, s3;
	s6 =	simm.s32 @!p1 $0x1082;
	[sflag:s4] =	ssyncset.s32 $0xFFFFF086  }
0x25: {  	[simem:s6], [sflag:s4] =	dma.local [hbm:s3], $0xF7A  }
0x26: {  	[smem:$0x3F93] =	sst s1;
	(tag) =	ssettag s2;
	_ =	strace s9  }
0x27: {  	s1 =	sld [smem:$0x3FA3]  }
0x28: {  	s2 =	sld [smem:$0x3FA4]  }
0x29: {  	s4 =	sld [smem:$0x3FA6]  }
0x2a: {  	p0 =	seq.s32 s5, $0x0;
	s5 =	sld [smem:$0x3FA7]  }
0x2b: {  	s6 =	sld [smem:$0x3FA8]  }
0x2c: {  	s7 =	sld [smem:$0x3FA9]  }
0x2d: {  	s3 =	simm.s32 $0x108;
	s8 =	sld [smem:$0x3FAA]  }
0x2e: {  	s3 =	simm.s32 @!p0 $0x1082;
	s9 =	sld [smem:$0x3FAB]  }
0x2f: {  	lr =	sadd.s32 s0, s3;
	s0 =	sld [smem:$0x3FA2]  }
0x30: {  	s3 =	sld [smem:$0x3FA5]  }
0x31: {  	[smem:$0x3FAE] =	sst s10  }
0x32: {  	s10 =	sld [smem:$0x3FAC];
	_ =	sdelay $0x3  }
0x33: {  	p0 =	seq.s32 s10, $0x1;
	s10 =	sld [smem:$0x3FAE];
	_ =	sdelay $0x3  }
0x34: {  	[smem:$0x3FAE] =	sst s10  }
0x35: {  	s10 =	sld [smem:$0x3FAD];
	_ =	sdelay $0x3  }
0x36: {  	p1 =	seq.s32 s10, $0x1;
	s10 =	sld [smem:$0x3FAE];
	_ =	sdelay $0x3  }
0x37: {  	[smem:$0x3FAE] =	sst s10  }
0x38: {  	s10 =	sld [smem:$0x3FAF]  }
0x39: {  	_ = 	snop;
	(pc) =	sbr.ind lr, $3  }
0x3a: {  	_ = 	snop  }
0x3b: {  	_ = 	snop  }
0x3c: {  	p2 =	seq.s32 s10, $0x1;
	s10 =	sld [smem:$0x3FAE]  }
0x3d: {  	_ =	shalt  }
0x3e: {  	_ =	shalt  }
0x3f: {  	_ =	shalt  }
0x40: {  	_ =	shalt  }
0x41: {  	_ =	shalt  }
0x42: {  	_ =	shalt  }
0x43: {  	_ =	shalt  }
0x44: {  	_ =	shalt  }
0x45: {  	_ =	shalt  }
0x46: {  	_ =	shalt  }
0x47: {  	_ =	shalt  }
0x48: {  	_ =	shalt  }
0x49: {  	_ =	shalt  }
0x4a: {  	_ =	shalt  }
0x4b: {  	_ =	shalt  }
0x4c: {  	_ =	shalt  }
0x4d: {  	_ =	shalt  }
0x4e: {  	_ =	shalt  }
0x4f: {  	_ =	shalt  }
0x50: {  	_ =	shalt  }
0x51: {  	_ =	shalt  }
0x52: {  	_ =	shalt  }
0x53: {  	_ =	shalt  }
0x54: {  	_ =	shalt  }
0x55: {  	_ =	shalt  }
0x56: {  	_ =	shalt  }
0x57: {  	_ =	shalt  }
0x58: {  	_ =	shalt  }
0x59: {  	_ =	shalt  }
0x5a: {  	_ =	shalt  }
0x5b: {  	_ =	shalt  }
0x5c: {  	_ =	shalt  }
0x5d: {  	_ =	shalt  }
0x5e: {  	_ =	shalt  }
0x5f: {  	_ =	shalt  }
0x60: {  	_ =	shalt  }
0x61: {  	_ =	shalt  }
0x62: {  	_ =	shalt  }
0x63: {  	_ =	shalt  }
0x64: {  	_ =	shalt  }
0x65: {  	_ =	shalt  }
0x66: {  	_ =	shalt  }
0x67: {  	_ =	shalt  }
0x68: {  	_ =	shalt  }
0x69: {  	_ =	shalt  }
0x6a: {  	_ =	shalt  }
0x6b: {  	_ =	shalt  }
0x6c: {  	_ =	shalt  }
0x6d: {  	_ =	shalt  }
0x6e: {  	_ =	shalt  }
0x6f: {  	_ =	shalt  }
0x70: {  	_ =	shalt  }
0x71: {  	_ =	shalt  }
0x72: {  	_ =	shalt  }
0x73: {  	_ =	shalt  }
0x74: {  	_ =	shalt  }
0x75: {  	_ =	shalt  }
0x76: {  	_ =	shalt  }
0x77: {  	_ =	shalt  }
0x78: {  	_ =	shalt  }
0x79: {  	_ =	shalt  }
0x7a: {  	_ =	shalt  }
0x7b: {  	_ =	shalt  }
0x7c: {  	_ =	shalt  }
0x7d: {  	_ =	shalt  }
0x7e: {  	_ =	shalt  }
0x7f: {  	_ =	shalt  }
0x80: {  	_ =	shalt  }
0x81: {  	_ =	shalt  }
0x82: {  	_ =	shalt  }
0x83: {  	_ =	shalt  }
0x84: {  	_ =	shalt  }
0x85: {  	_ =	shalt  }
0x86: {  	_ =	shalt  }
0x87: {  	_ =	shalt  }
.Lfunc_end0:
.L_simem_size_0:
called_computation.7_lowered:
.L_overlay_start_0:
0x88: {  	s2 =	sld [smem:$0x3FD9]  }
0x89: {  	s3 =	sld [smem:$0x3FFE];
	_ =	sdelay $0x1  }
0x8a: {  	s1 =	srdreg.scid  }
0x8b: {  	s0 =	sand.u32 $0x1, s1  }
0x8c: {  	s17 =	sshll.u32 s0, $0xA;
	s2 =	sadd.s32 s3, s2  }
0x8d: {  	s2 =	sadd.s32 s2, s17  }
0x8e: {  	[smem:$0x3FBA] =	sst s2  }
0x8f: {  	_ = 	snop  }
0x90: {  	s2 =	sld [smem:$0x3FD0];
	(tm) =	ssettm $0x1  }
0x91: {  	s18 =	sld [smem:$0x3FFB];
	_ =	sdelay $0x3  }
0x92: {  	_ =	strace s18  }
0x93: {  	s3 =	sld [smem:$0x3FFC];
	_ =	sdelay $0x3  }
0x94: {  	_ =	strace s3  }
0x95: {  	s3 =	sld [smem:$0x3FFD];
	_ =	sdelay $0x3  }
0x96: {  	_ =	strace s3  }
0x97: {  	_ =	strace $0x8FFFFFFF  }
0x98: {  	s19 =	sld [smem:$0x3FDB];
	_ =	sdelay $0x1  }
0x99: {  	s4 =	simm.s32 $_scs_section_size  }
0x9a: {  	s5 =	simm.s32 $_size__tile_overlayer_lowered;
	s6 =	simm.s32 $_tile_overlayer_lowered  }
0x9b: {  	s22 =	simm.s32 $0x1BFF;
	s21 =	sshll.u32 s6, $0x1;
	s3 =	sadd.s32 s4, s19  }
0x9c: {  	s7 =	simm.s32 $0x0;
	s20 =	sshll.u32 s5, $0x1;
	s5 =	sadd.s32 s21, s3  }
0x9d: {  	[timem:s7], [sflag:s22] =	dma.local [hbm:s5], s20  }
0x9e: {  	_ =	swait.ge [sflag:s22], s20  }
0x9f: {  	s4 =	ssub.s32 $0x0, s20;
	[sflag:s22] =	ssyncset.done $0x0  }
0xa0: {  	[sflag:s22] =	ssyncadd.s32 s4;
	_ =	sdelay $0x1  }
0xa1: {  	s23 =	simm.s32 $0x1B8B  }
0xa2: {  	_ =	swait.ge [sflag:s23], $0x1  }
0xa3: {  	[sflag:s23] =	ssyncset.done $0x0  }
0xa4: {  	s25 =	simm.s32 $0x1B8E;
	s24 =	sld [smem:$0x3FFE];
	[sflag:s23] =	ssyncadd.s32 $0xFFFFFFFF  }
0xa5: {  	s26 =	simm.s32 $execute0_lowered;
	[smem:$0x3FD2] =	sst s25  }
0xa6: {  	s5 =	sshll.u32 s26, $0x1;
	_ =	strace $0x8000005B;
	[dreg:$0x1] =	wrdreg $0xFFFFFFFF  }
0xa7: {  	s28 =	simm.s32 $_size_execute0_lowered;
	s3 =	sadd.s32 s3, s5;
	[dreg:$0x0] =	wrdreg $0x0  }
0xa8: {  	s5 =	sshll.u32 s28, $0x1;
	[dreg:$0x2] =	wrdreg s3  }
0xa9: {  	[dreg:$0x3] =	wrdreg s5  }
0xaa: {  	[dreg:$0x4] =	wrdreg $0xC0  }
0xab: {  	_ =	task [dreg:s7], $0x5FFFF  }
0xac: {  	[dreg:$0x1] =	wrdreg $0xFFFFFFFF  }
0xad: {  	[dreg:$0x0] =	wrdreg $0x60  }
0xae: {  	[dreg:$0x2] =	wrdreg s2  }
0xaf: {  	[dreg:$0x3] =	wrdreg s24  }
0xb0: {  	[dreg:$0x4] =	wrdreg $0x81000  }
0xb1: {  	[dreg:$0x5] =	wrdreg $0x9  }
0xb2: {  	_ =	task.clear_ibuf [dreg:s7], $0x6FFFF;
	_ =	strace $0x9000005B  }
0xb3: {  	s29 =	simm.s32 $0x9;
	_ =	strace $0x8000005D  }
0xb4: {  	_ =	swait.ge [sflag:s29], $0x1  }
0xb5: {  	[sflag:s29] =	ssyncadd.s32 $0xFFFFFFFF  }
0xb6: {  	_ =	strace $0x9000005D  }
0xb7: {  	_ =	sfence  }
0xb8: {  	s30 =	sld [smem:$0x0];
	_ =	sdelay $0x2  }
0xb9: {  	s31 =	sshll.u32 s1, $0xD;
	s1 =	sshrl.u32 s1, $0x2  }
0xba: {  	s3 =	sand.u32 $0x4000, s31;
	s1 =	sadd.s32 s1, s30  }
0xbb: {  	s0 =	sor.u32 s3, s0;
	s1 =	sshll.u32 s1, $0x11  }
0xbc: {  	s0 =	sor.u32 s1, s0  }
0xbd: {  	s0 =	sadd.s32 $0x8F2B, s0  }
0xbe: {  	[sflag:s0] =	ssyncadd.remote.s32 $0x1  }
0xbf: {  	_ =	sfence.sel $0xFFFF  }
0xc0: {  	[dreg:$0x0] =	wrdreg $0xFFFFFFFF;
	(pc) =	sbr.abs _section_cstart, $3  }
0xc1: {  	[dreg:$0x1] =	wrdreg $0xFFFFFFFF  }
0xc2: {  	_ =	task.clear_ibuf [dreg:s7], $0x2FFFF;
	_ =	strace $0x9FFFFFFF  }
0xc3: {  	(tm) =	ssettm $0x7FFFFFFF  }
tec
execute0_lowered:
.L_overlay_start_1:
0x0: {  	(tag) =	ssettag $0x1  }
0x1: {  	s1 =	rddreg [dreg:$0x0]  }
0x2: {  	s10 =	rddreg [dreg:$0x1]  }
0x3: {  	s3 =	rddreg [dreg:$0x2]  }
0x4: {  	s0 =	rddreg [dreg:$0x3];
	s4 =	simm.s32 $0x0;
	s2 =	stileid.u32  }
0x5: {  	s7 =	srdreg.scid;
	s20 =	simm.s32 $0x4100;
	s21 =	simm.s32 $0x1  }
0x6: {  	[smem:$0x7FF] =	sst s4;
	s11 =	smul.u32 $0x13800, s2;
	s5 =	sadd.s32 $0xD000, s10  }
0x7: {  	s6 =	sadd.s32 $0x16E00, s10;
	s9 =	sand.u32 $0x1, s7;
	s7 =	sadd.s32 $0x20C00, s10  }
0x8: {  	s15 =	smul.u32 $0x4E000, s2;
	s16 =	sadd.s32 $0x537E00, s10;
	s28 =	sshll.u32 s2, $0x6  }
0x9: {  	s19 =	sadd.s32 $0x138000, s3;
	p0 =	sne.s32 s2, $0xF;
	_ =	strace $0x8000005C  }
0xa: {  	s12 =	ssub.s32 $0x2, s9;
	s14 =	sshll.u32 s9, $0x4;
	s29 =	smul.u32 $0x138800, s9  }
0xb: {  	s9 =	sor.u32 $0x1C02, s28;
	s8 =	sshrl.u32 s11, $0x3;
	s13 =	sshrl.u32 s12, $0x1  }
0xc: {  	s25 =	sor.u32 s2, s14;
	s26 =	sshrl.u32 s15, $0x2;
	s8 =	sadd.s32 s8, s10  }
0xd: {  	s17 =	ssub.s32 s12, s13;
	s18 =	sadd.s32 s26, s3;
	s11 =	sadd.s32 s11, s29  }
0xe: {  	s30 =	sshrl.u32 s29, $0x3;
	s10 =	sadd.s32 $0x5FCE00, s10;
	s26 =	simm.s32 $0x0  }
0xf: {  	s8 =	sadd.s32 $0x5D5E00, s8;
	s31 =	sshrl.u32 s11, $0x3;
	s13 =	sadd.s32 s16, s30  }
0x10: {  	s11 =	smul.u32 $0x4F, s25;
	s14 =	smax.u32 s17, $0x1;
	s15 =	sshrl.u32 s18, $0x3  }
0x11: {  	s17 =	sshrl.u32 @!p0 s19, $0x3;
	s18 =	simm.s32 $0x80;
	s19 =	simm.s32 $0x100  }
0x12: {  	s12 =	sadd.s32 s16, s31;
	s13 =	sadd.s32 $0x27000, s13;
	s16 =	simm.s32 $0x2  }
.LBB2_1:
0x13: {  	[spmem:s15], [sflag:s9] =	dma.local [hbm:s8], $0x2700  }
0x14: {  	_ =	swait.ge [sflag:s16], $0x2700  }
0x15: {  	[sflag:s16] =	ssyncset.done $0x0  }
0x16: {  	s22 =	simm.s32 @!p0 $0x2;
	[sflag:s16] =	ssyncadd.s32 $0xFFFFD900  }
0x17: {  	[spmem:s17], [sflag:s9] =	dma.local @!p0 [hbm:s10], $0x100  }
0x18: {  	_ =	swait.ge @!p0 [sflag:s22], $0x100  }
0x19: {  	[sflag:s22] =	ssyncset.done @!p0 $0x0  }
0x1a: {  	[sflag:s22] =	ssyncadd.s32 @!p0 $0xFFFFFF00  }
0x1b: {  	s22 =	simm.s32 $0x0;
	[bflag:$0x0] =	sbarrier.arrive $0xFFFF  }
.LBB2_2:
0x1c: {  	s23 =	sadd.s32 s11, s22  }
0x1d: {  	s24 =	sshll.u32 s23, $0x4  }
0x1e: {  	s25 =	sadd.s32 s5, s24  }
0x1f: {  	[tilespmem:s26], [sflag:$0x2] =	stream.linear.gather [hbm4b:s25+s26], $0x80, $0x38;
	[tilespmem:$0x1B980] =	vst v63  }
0x20: {  	_ =	swait.ge [sflag:s16], $0x80  }
0x21: {  	[sflag:s16] =	ssyncset.done $0x0  }
0x22: {  	s24 =	sadd.s32 s6, s24;
	[sflag:s16] =	ssyncadd.s32 $0xFFFFFF80  }
0x23: {  	[tilespmem:s18], [sflag:$0x2] =	stream.linear.gather [hbm4b:s24+s26], $0x80, $0x38;
	[tilespmem:$0x1B980] =	vst v63  }
0x24: {  	_ =	swait.ge [sflag:s16], $0x80  }
0x25: {  	s23 =	sshll.u32 s23, $0xB;
	[sflag:s16] =	ssyncset.done $0x0  }
0x26: {  	s23 =	sadd.s32 s7, s23;
	[sflag:s16] =	ssyncadd.s32 $0xFFFFFF80  }
0x27: {  	[tilespmem:s19], [sflag:$0x2] =	stream.linear.gather [hbm4b:s23+s26], $0x4000, $0x38;
	[tilespmem:$0x1B980] =	vst v63  }
0x28: {  	_ =	swait.ge [sflag:s16], $0x4000  }
0x29: {  	[sflag:s16] =	ssyncset.done $0x0  }
0x2a: {  	[sflag:s16] =	ssyncadd.s32 $0xFFFFC000  }
0x2b: {  	[tilespmem:s20], [sflag:$0x1] =	stream.indirect.gather [hbm4b:s1+s18], $0x80, s26, s18, $0xb8;
	[tilespmem:$0x1B980] =	vst v63  }
0x2c: {  	_ =	swait.ge [sflag:s21], $0x4000  }
0x2d: {  	[sflag:s21] =	ssyncset.done $0x0  }
0x2e: {  	s23 =	simm.s32 $0x0;
	[sflag:s21] =	ssyncadd.s32 $0xFFFFC000  }
0x2f: {  	v0 =	vld [tilespmem:s23+$0x100]  }
0x30: {  	v4 =	vld [tilespmem:s23+$0x4100]  }
0x31: {  	v6 =	vld [tilespmem:s23+$0x4110]  }
0x32: {  	v5 =	vld [tilespmem:s23+$0x4120]  }
0x33: {  	v3 =	vld [tilespmem:s23+$0x4130]  }
0x34: {  	v1 =	vld [tilespmem:s23+$0x4140]  }
0x35: {  	v2 =	vld [tilespmem:s23+$0x4150];
	v7 =	vmul.f32 v4, v0  }
0x36: {  	s24 =	simm.s32 $0x200;
	v6 =	vmul.f32 v6, v0;
	v4 =	vld [tilespmem:s23+$0x4160]  }
.LBB2_3:
0x37: {  	s25 =	sshra.s32 s24, $0x2;
	p1 =	sne.s32 s24, $0xFE00;
	[tilespmem:s23+$0x4100] =	vst v7;
	v5 =	vmul.f32 v5, v0;
	v7 =	vld [tilespmem:s23+$0x4170]  }
0x38: {  	v8 =	vld [tilespmem:s25+$0x100];
	[tilespmem:s23+$0x4110] =	vst v6;
	v3 =	vmul.f32 v3, v0  }
0x39: {  	v6 =	vld [tilespmem:s25+$0x4100];
	[tilespmem:s23+$0x4120] =	vst v5;
	v1 =	vmul.f32 v1, v0  }
0x3a: {  	v9 =	vld [tilespmem:s25+$0x4110];
	[tilespmem:s23+$0x4130] =	vst v3;
	v2 =	vmul.f32 v2, v0  }
.Ltmp0:
0x3b: {  	v5 =	vld [tilespmem:s25+$0x4120];
	[tilespmem:s23+$0x4140] =	vst v1;
	v4 =	vmul.f32 v4, v0;
	(pc) =	sbr.rel @p1 .LBB2_3-.Ltmp0, $4  }
0x3c: {  	v3 =	vld [tilespmem:s25+$0x4130];
	[tilespmem:s23+$0x4150] =	vst v2;
	v10 =	vmul.f32 v7, v0  }
0x3d: {  	v1 =	vld [tilespmem:s25+$0x4140];
	[tilespmem:s23+$0x4160] =	vst v4;
	v0 =	vmov v8  }
0x3e: {  	v7 =	vmul.f32 v6, v0;
	v2 =	vld [tilespmem:s25+$0x4150];
	[tilespmem:s23+$0x4170] =	vst v10;
	s23 =	smov.u32 s25  }
0x3f: {  	s24 =	sadd.s32 $0x200, s24;
	v6 =	vmul.f32 v9, v0;
	v4 =	vld [tilespmem:s23+$0x4160]  }
0x40: {  	[tilespmem:s23+$0x4100] =	vst v7;
	v5 =	vmul.f32 v5, v0;
	v61 =	vld [tilespmem:s23+$0x4170]  }
0x41: {  	[tilespmem:s23+$0x4110] =	vst v6;
	v3 =	vmul.f32 v3, v0  }
0x42: {  	[tilespmem:s23+$0x4120] =	vst v5;
	v1 =	vmul.f32 v1, v0  }
0x43: {  	[tilespmem:s23+$0x4130] =	vst v3;
	v2 =	vmul.f32 v2, v0  }
0x44: {  	[tilespmem:s23+$0x4140] =	vst v1;
	v62 =	vmul.f32 v4, v0  }
0x45: {  	s22 =	sadd.s32 $0x1, s22;
	[tilespmem:s23+$0x4150] =	vst v2;
	v63 =	vmul.f32 v61, v0  }
0x46: {  	p1 =	sne.s32 s22, $0x4F;
	[tilespmem:s23+$0x4160] =	vst v62  }
.Ltmp1:
0x47: {  	[tilespmem:s23+$0x4170] =	vst v63;
	(pc) =	sbr.rel @p1 .LBB2_2-.Ltmp1, $4  }
0x48: {  	[spmem:s3] =	stream.indirect.scatter.add.f32 [tilespmem:s20], [sflag:$0x2], $0x80, s18, s18, $0xb8;
	[tilespmem:$0x1B980] =	vst v63  }
0x49: {  	_ =	swait.ge [sflag:s16], $0x4000  }
0x4a: {  	[sflag:s16] =	ssyncset.done $0x0  }
0x4b: {  	[sflag:s16] =	ssyncadd.s32 $0xFFFFC000  }
0x4c: {  	[bflag:$0x0] =	sbarrier.arrive $0xFFFF  }
0x4d: {  	[hbm:s12], [sflag:s9] =	dma.local [spmem:s15], $0x2700  }
0x4e: {  	s4 =	sadd.s32 $0x1, s4;
	_ =	swait.ge [sflag:s16], $0x2700  }
0x4f: {  	p1 =	sne.s32 s4, s14;
	[sflag:s16] =	ssyncset.done $0x0  }
.Ltmp2:
0x50: {  	s22 =	simm.s32 @!p0 $0x2;
	[sflag:s16] =	ssyncadd.s32 $0xFFFFD900;
	(pc) =	sbr.rel @p1 .LBB2_1-.Ltmp2, $4  }
0x51: {  	[hbm:s13], [sflag:s9] =	dma.local @!p0 [spmem:s17], $0x100  }
0x52: {  	_ =	swait.ge @!p0 [sflag:s22], $0x100  }
0x53: {  	[sflag:s22] =	ssyncset.done @!p0 $0x0  }
0x54: {  	[sflag:s22] =	ssyncadd.s32 @!p0 $0xFFFFFF00  }
0x55: {  	_ =	sfence.sel $0x180000  }
0x56: {  	[bflag:$0x0] =	sbarrier.arrive $0xFFFF  }
0x57: {  	p0 =	sne.s32 s2, $0x0;
	_ =	strace $0x9000005C  }
0x58: {  	s0 =	sadd.s32 @!p0 $0x100000, s0;
	[bflag:$0x2] =	sbarrier.arrive $0xFFFF  }
0x59: {  	[sflag:s0] =	ssyncadd.tile.s32 @!p0 $0x1;
	_ =	shalt  }
.Lfunc_end2:
_tile_overlayer_lowered:
.L_overlay_start_2:
0x5a: {  	(tag) =	ssettag $0x2  }
0x5b: {  	s0 =	rddreg [dreg:$0x0];
	s2 =	stileid.u32  }
0x5c: {  	s1 =	rddreg [dreg:$0x1];
	p0 =	sne.s32 s2, $0x0  }
0x5d: {  	s3 =	rddreg [dreg:$0x2];
	[bflag:$0x3] =	sbarrier.arrive $0xFFFF;
	s2 =	simm.s32 @!p0 $0x1C02  }
0x5e: {  	[timem:s3], [sflag:s2] =	dma.local @!p0 [hbm:s0], s1  }
0x5f: {  	s0 =	simm.s32 @!p0 $0x2  }
0x60: {  	_ =	swait.ge @!p0 [sflag:s0], s1  }
0x61: {  	s1 =	ssub.s32 @!p0 $0x0, s1;
	[sflag:s0] =	ssyncset.done @!p0 $0x0  }
0x62: {  	[sflag:s0] =	ssyncadd.s32 @!p0 s1  }
0x63: {  	[bflag:$0x3] =	sbarrier.arrive $0xFFFF  }
0x64: {  	_ =	shalt  }

// kernel: kernel.50.cloned.1.call-start
scs
__scs_entry_jumppad:
0x0: {  	(pc) =	sbr.rel $0x88, $3  }
0x1: {  	(tag) =	ssettag $0x0;
	lr =	simm.s32 $0x1  }
0x2: {  	[smem:$0x3F93] =	sst lr;
	_ =	strace $0xD0000000  }
0x3: {  	_ = 	snop  }
0x4: {  	_ = 	snop  }
0x5: {  	_ = 	snop  }
0x6: {  	_ = 	snop  }
0x7: {  	_ = 	snop  }
__scs_overlays_trampoline_lowered:
0x8: {  	[smem:$0x3FA2] =	sst s0  }
0x9: {  	[smem:$0x3FA3] =	sst s1  }
0xa: {  	[smem:$0x3FA4] =	sst s2  }
0xb: {  	[smem:$0x3FA5] =	sst s3  }
0xc: {  	[smem:$0x3FA6] =	sst s4  }
0xd: {  	[smem:$0x3FA7] =	sst s5  }
0xe: {  	[smem:$0x3FA8] =	sst s6  }
0xf: {  	[smem:$0x3FA9] =	sst s7  }
0x10: {  	[smem:$0x3FAA] =	sst s8  }
0x11: {  	[smem:$0x3FAB] =	sst s9;
	s0 =	simm.s32 @!p0 $0x0  }
0x12: {  	s1 =	sld [smem:$0x3F91];
	s0 =	simm.s32 @p0 $0x1  }
0x13: {  	[smem:$0x3FAC] =	sst s0;
	s0 =	simm.s32 @!p1 $0x0  }
0x14: {  	s2 =	sld [smem:$0x3F90];
	s0 =	simm.s32 @p1 $0x1  }
0x15: {  	[smem:$0x3FAD] =	sst s0;
	s0 =	simm.s32 @!p2 $0x0  }
0x16: {  	s3 =	sld [smem:$0x3FDB];
	s0 =	simm.s32 @p2 $0x1  }
0x17: {  	s4 =	simm.s32 $0x1BF5;
	[smem:$0x3FAF] =	sst s0  }
0x18: {  	s0 =	sld [smem:$0x3F92];
	_ =	swait.ge [sflag:s4], $0x0  }
0x19: {  	s7 =	sld [smem:$0x3F93]  }
0x1a: {  	s8 =	sadd.s32 $0xFFFFE003, lr  }
0x1b: {  	s9 =	sadd.s32 $0xFFFFFEF7, lr;
	s5 =	simm.s32 $0xFFFFFFFF;
	p2 =	slt.u32 s8, $0xFFFFF086  }
0x1c: {  	p1 =	slt.u32 s9, $0xF7A;
	s5 =	simm.s32 @!p2 $0x0  }
0x1d: {  	s5 =	simm.s32 @p1 $0x1;
	p0 =	seq.s32 s7, s2  }
0x1e: {  	s7 =	smul.u32 @!p0 $0xF7A, s2;
	p2 =	seq.s32 @!p0 s5, $0x0  }
0x1f: {  	s9 =	smul.u32 $0xF7A, s1;
	s8 =	simm.s32 @!p0 $0x1BF5;
	p2 =	por !p2, p0  }
0x20: {  	[sflag:s8] =	ssyncset.s32 @!p0 $0xFFFFF086;
	s6 =	sadd.s32 @!p0 s3, s7;
	s7 =	simm.s32 @!p0 $0x108  }
0x21: {  	s3 =	sadd.s32 s3, s9;
	s6 =	sadd.s32 @!p0 $0x88, s6;
	s7 =	simm.s32 @p2 $0x1082  }
0x22: {  	[simem:s7], [sflag:s8] =	dma.local @!p0 [hbm:s6], $0xF7A  }
0x23: {  	s9 =	sor.u32 $0xD0000000, s2;
	s6 =	simm.s32 $0x108;
	_ =	swait.ge @!p0 [sflag:s8], $0x0  }
0x24: {  	s3 =	sadd.s32 $0x88, s3;
	s6 =	simm.s32 @!p1 $0x1082;
	[sflag:s4] =	ssyncset.s32 $0xFFFFF086  }
0x25: {  	[simem:s6], [sflag:s4] =	dma.local [hbm:s3], $0xF7A  }
0x26: {  	[smem:$0x3F93] =	sst s1;
	(tag) =	ssettag s2;
	_ =	strace s9  }
0x27: {  	s1 =	sld [smem:$0x3FA3]  }
0x28: {  	s2 =	sld [smem:$0x3FA4]  }
0x29: {  	s4 =	sld [smem:$0x3FA6]  }
0x2a: {  	p0 =	seq.s32 s5, $0x0;
	s5 =	sld [smem:$0x3FA7]  }
0x2b: {  	s6 =	sld [smem:$0x3FA8]  }
0x2c: {  	s7 =	sld [smem:$0x3FA9]  }
0x2d: {  	s3 =	simm.s32 $0x108;
	s8 =	sld [smem:$0x3FAA]  }
0x2e: {  	s3 =	simm.s32 @!p0 $0x1082;
	s9 =	sld [smem:$0x3FAB]  }
0x2f: {  	lr =	sadd.s32 s0, s3;
	s0 =	sld [smem:$0x3FA2]  }
0x30: {  	s3 =	sld [smem:$0x3FA5]  }
0x31: {  	[smem:$0x3FAE] =	sst s10  }
0x32: {  	s10 =	sld [smem:$0x3FAC];
	_ =	sdelay $0x3  }
0x33: {  	p0 =	seq.s32 s10, $0x1;
	s10 =	sld [smem:$0x3FAE];
	_ =	sdelay $0x3  }
0x34: {  	[smem:$0x3FAE] =	sst s10  }
0x35: {  	s10 =	sld [smem:$0x3FAD];
	_ =	sdelay $0x3  }
0x36: {  	p1 =	seq.s32 s10, $0x1;
	s10 =	sld [smem:$0x3FAE];
	_ =	sdelay $0x3  }
0x37: {  	[smem:$0x3FAE] =	sst s10  }
0x38: {  	s10 =	sld [smem:$0x3FAF]  }
0x39: {  	_ = 	snop;
	(pc) =	sbr.ind lr, $3  }
0x3a: {  	_ = 	snop  }
0x3b: {  	_ = 	snop  }
0x3c: {  	p2 =	seq.s32 s10, $0x1;
	s10 =	sld [smem:$0x3FAE]  }
0x3d: {  	_ =	shalt  }
0x3e: {  	_ =	shalt  }
0x3f: {  	_ =	shalt  }
0x40: {  	_ =	shalt  }
0x41: {  	_ =	shalt  }
0x42: {  	_ =	shalt  }
0x43: {  	_ =	shalt  }
0x44: {  	_ =	shalt  }
0x45: {  	_ =	shalt  }
0x46: {  	_ =	shalt  }
0x47: {  	_ =	shalt  }
0x48: {  	_ =	shalt  }
0x49: {  	_ =	shalt  }
0x4a: {  	_ =	shalt  }
0x4b: {  	_ =	shalt  }
0x4c: {  	_ =	shalt  }
0x4d: {  	_ =	shalt  }
0x4e: {  	_ =	shalt  }
0x4f: {  	_ =	shalt  }
0x50: {  	_ =	shalt  }
0x51: {  	_ =	shalt  }
0x52: {  	_ =	shalt  }
0x53: {  	_ =	shalt  }
0x54: {  	_ =	shalt  }
0x55: {  	_ =	shalt  }
0x56: {  	_ =	shalt  }
0x57: {  	_ =	shalt  }
0x58: {  	_ =	shalt  }
0x59: {  	_ =	shalt  }
0x5a: {  	_ =	shalt  }
0x5b: {  	_ =	shalt  }
0x5c: {  	_ =	shalt  }
0x5d: {  	_ =	shalt  }
0x5e: {  	_ =	shalt  }
0x5f: {  	_ =	shalt  }
0x60: {  	_ =	shalt  }
0x61: {  	_ =	shalt  }
0x62: {  	_ =	shalt  }
0x63: {  	_ =	shalt  }
0x64: {  	_ =	shalt  }
0x65: {  	_ =	shalt  }
0x66: {  	_ =	shalt  }
0x67: {  	_ =	shalt  }
0x68: {  	_ =	shalt  }
0x69: {  	_ =	shalt  }
0x6a: {  	_ =	shalt  }
0x6b: {  	_ =	shalt  }
0x6c: {  	_ =	shalt  }
0x6d: {  	_ =	shalt  }
0x6e: {  	_ =	shalt  }
0x6f: {  	_ =	shalt  }
0x70: {  	_ =	shalt  }
0x71: {  	_ =	shalt  }
0x72: {  	_ =	shalt  }
0x73: {  	_ =	shalt  }
0x74: {  	_ =	shalt  }
0x75: {  	_ =	shalt  }
0x76: {  	_ =	shalt  }
0x77: {  	_ =	shalt  }
0x78: {  	_ =	shalt  }
0x79: {  	_ =	shalt  }
0x7a: {  	_ =	shalt  }
0x7b: {  	_ =	shalt  }
0x7c: {  	_ =	shalt  }
0x7d: {  	_ =	shalt  }
0x7e: {  	_ =	shalt  }
0x7f: {  	_ =	shalt  }
0x80: {  	_ =	shalt  }
0x81: {  	_ =	shalt  }
0x82: {  	_ =	shalt  }
0x83: {  	_ =	shalt  }
0x84: {  	_ =	shalt  }
0x85: {  	_ =	shalt  }
0x86: {  	_ =	shalt  }
0x87: {  	_ =	shalt  }
.Lfunc_end0:
.L_simem_size_0:
called_computation.8_lowered:
.L_overlay_start_0:
0x88: {  	s2 =	sld [smem:$0x3FD9]  }
0x89: {  	s3 =	sld [smem:$0x3FFE];
	_ =	sdelay $0x1  }
0x8a: {  	s1 =	srdreg.scid  }
0x8b: {  	s0 =	sand.u32 $0x1, s1  }
0x8c: {  	s17 =	sshll.u32 s0, $0xA;
	s2 =	sadd.s32 s3, s2  }
0x8d: {  	s2 =	sadd.s32 s2, s17  }
0x8e: {  	[smem:$0x3FBA] =	sst s2  }
0x8f: {  	_ = 	snop  }
0x90: {  	s2 =	sld [smem:$0x3FD0];
	(tm) =	ssettm $0x1  }
0x91: {  	s18 =	sld [smem:$0x3FFB];
	_ =	sdelay $0x3  }
0x92: {  	_ =	strace s18  }
0x93: {  	s3 =	sld [smem:$0x3FFC];
	_ =	sdelay $0x3  }
0x94: {  	_ =	strace s3  }
0x95: {  	s3 =	sld [smem:$0x3FFD];
	_ =	sdelay $0x3  }
0x96: {  	_ =	strace s3  }
0x97: {  	_ =	strace $0x8FFFFFFF  }
0x98: {  	s19 =	sld [smem:$0x3FDB];
	_ =	sdelay $0x1  }
0x99: {  	s4 =	simm.s32 $_scs_section_size  }
0x9a: {  	s5 =	simm.s32 $_size__tile_overlayer_lowered;
	s6 =	simm.s32 $_tile_overlayer_lowered  }
0x9b: {  	s22 =	simm.s32 $0x1BFF;
	s21 =	sshll.u32 s6, $0x1;
	s3 =	sadd.s32 s4, s19  }
0x9c: {  	s7 =	simm.s32 $0x0;
	s20 =	sshll.u32 s5, $0x1;
	s5 =	sadd.s32 s21, s3  }
0x9d: {  	[timem:s7], [sflag:s22] =	dma.local [hbm:s5], s20  }
0x9e: {  	_ =	swait.ge [sflag:s22], s20  }
0x9f: {  	s4 =	ssub.s32 $0x0, s20;
	[sflag:s22] =	ssyncset.done $0x0  }
0xa0: {  	[sflag:s22] =	ssyncadd.s32 s4;
	_ =	sdelay $0x1  }
0xa1: {  	s23 =	simm.s32 $0x1B8B  }
0xa2: {  	_ =	swait.ge [sflag:s23], $0x1  }
0xa3: {  	[sflag:s23] =	ssyncset.done $0x0  }
0xa4: {  	s25 =	simm.s32 $0x1B8E;
	s24 =	sld [smem:$0x3FFE];
	[sflag:s23] =	ssyncadd.s32 $0xFFFFFFFF  }
0xa5: {  	s26 =	simm.s32 $execute0_lowered;
	[smem:$0x3FD2] =	sst s25  }
0xa6: {  	s5 =	sshll.u32 s26, $0x1;
	_ =	strace $0x8000005E;
	[dreg:$0x1] =	wrdreg $0xFFFFFFFF  }
0xa7: {  	s28 =	simm.s32 $_size_execute0_lowered;
	s3 =	sadd.s32 s3, s5;
	[dreg:$0x0] =	wrdreg $0x0  }
0xa8: {  	s5 =	sshll.u32 s28, $0x1;
	[dreg:$0x2] =	wrdreg s3  }
0xa9: {  	[dreg:$0x3] =	wrdreg s5  }
0xaa: {  	[dreg:$0x4] =	wrdreg $0xC0  }
0xab: {  	_ =	task [dreg:s7], $0x5FFFF  }
0xac: {  	[dreg:$0x1] =	wrdreg $0xFFFFFFFF  }
0xad: {  	[dreg:$0x0] =	wrdreg $0x60  }
0xae: {  	[dreg:$0x2] =	wrdreg s2  }
0xaf: {  	[dreg:$0x3] =	wrdreg s24  }
0xb0: {  	[dreg:$0x4] =	wrdreg $0x81000  }
0xb1: {  	[dreg:$0x5] =	wrdreg $0x9  }
0xb2: {  	_ =	task.clear_ibuf [dreg:s7], $0x6FFFF;
	_ =	strace $0x9000005E  }
0xb3: {  	s29 =	simm.s32 $0x9;
	_ =	strace $0x80000060  }
0xb4: {  	_ =	swait.ge [sflag:s29], $0x1  }
0xb5: {  	[sflag:s29] =	ssyncadd.s32 $0xFFFFFFFF  }
0xb6: {  	_ =	strace $0x90000060  }
0xb7: {  	_ =	sfence  }
0xb8: {  	s30 =	sld [smem:$0x0];
	_ =	sdelay $0x2  }
0xb9: {  	s31 =	sshll.u32 s1, $0xD;
	s1 =	sshrl.u32 s1, $0x2  }
0xba: {  	s3 =	sand.u32 $0x4000, s31;
	s1 =	sadd.s32 s1, s30  }
0xbb: {  	s0 =	sor.u32 s3, s0;
	s1 =	sshll.u32 s1, $0x11  }
0xbc: {  	s0 =	sor.u32 s1, s0  }
0xbd: {  	s0 =	sadd.s32 $0x8F2B, s0  }
0xbe: {  	[sflag:s0] =	ssyncadd.remote.s32 $0x1  }
0xbf: {  	_ =	sfence.sel $0xFFFF  }
0xc0: {  	[dreg:$0x0] =	wrdreg $0xFFFFFFFF;
	(pc) =	sbr.abs _section_cstart, $3  }
0xc1: {  	[dreg:$0x1] =	wrdreg $0xFFFFFFFF  }
0xc2: {  	_ =	task.clear_ibuf [dreg:s7], $0x2FFFF;
	_ =	strace $0x9FFFFFFF  }
0xc3: {  	(tm) =	ssettm $0x7FFFFFFF  }
tec
execute0_lowered:
.L_overlay_start_1:
0x0: {  	(tag) =	ssettag $0x1  }
0x1: {  	s1 =	rddreg [dreg:$0x0]  }
0x2: {  	s10 =	rddreg [dreg:$0x1]  }
0x3: {  	s3 =	rddreg [dreg:$0x2]  }
0x4: {  	s0 =	rddreg [dreg:$0x3];
	s4 =	simm.s32 $0x0;
	s2 =	stileid.u32  }
0x5: {  	s7 =	srdreg.scid;
	s20 =	simm.s32 $0x4100;
	s21 =	simm.s32 $0x1  }
0x6: {  	[smem:$0x7FF] =	sst s4;
	s11 =	smul.u32 $0x13800, s2;
	s5 =	sadd.s32 $0xD000, s10  }
0x7: {  	s6 =	sadd.s32 $0x16E00, s10;
	s9 =	sand.u32 $0x1, s7;
	s7 =	sadd.s32 $0x20C00, s10  }
0x8: {  	s15 =	smul.u32 $0x4E000, s2;
	s16 =	sadd.s32 $0x537E00, s10;
	s28 =	sshll.u32 s2, $0x6  }
0x9: {  	s19 =	sadd.s32 $0x138000, s3;
	p0 =	sne.s32 s2, $0xF;
	_ =	strace $0x8000005F  }
0xa: {  	s12 =	ssub.s32 $0x2, s9;
	s14 =	sshll.u32 s9, $0x4;
	s29 =	smul.u32 $0x138800, s9  }
0xb: {  	s9 =	sor.u32 $0x1C02, s28;
	s8 =	sshrl.u32 s11, $0x3;
	s13 =	sshrl.u32 s12, $0x1  }
0xc: {  	s25 =	sor.u32 s2, s14;
	s26 =	sshrl.u32 s15, $0x2;
	s8 =	sadd.s32 s8, s10  }
0xd: {  	s17 =	ssub.s32 s12, s13;
	s18 =	sadd.s32 s26, s3;
	s11 =	sadd.s32 s11, s29  }
0xe: {  	s30 =	sshrl.u32 s29, $0x3;
	s10 =	sadd.s32 $0x5FCE00, s10;
	s26 =	simm.s32 $0x0  }
0xf: {  	s8 =	sadd.s32 $0x5D5E00, s8;
	s31 =	sshrl.u32 s11, $0x3;
	s13 =	sadd.s32 s16, s30  }
0x10: {  	s11 =	smul.u32 $0x4F, s25;
	s14 =	smax.u32 s17, $0x1;
	s15 =	sshrl.u32 s18, $0x3  }
0x11: {  	s17 =	sshrl.u32 @!p0 s19, $0x3;
	s18 =	simm.s32 $0x80;
	s19 =	simm.s32 $0x100  }
0x12: {  	s12 =	sadd.s32 s16, s31;
	s13 =	sadd.s32 $0x27000, s13;
	s16 =	simm.s32 $0x2  }
.LBB2_1:
0x13: {  	[spmem:s15], [sflag:s9] =	dma.local [hbm:s8], $0x2700  }
0x14: {  	_ =	swait.ge [sflag:s16], $0x2700  }
0x15: {  	[sflag:s16] =	ssyncset.done $0x0  }
0x16: {  	s22 =	simm.s32 @!p0 $0x2;
	[sflag:s16] =	ssyncadd.s32 $0xFFFFD900  }
0x17: {  	[spmem:s17], [sflag:s9] =	dma.local @!p0 [hbm:s10], $0x100  }
0x18: {  	_ =	swait.ge @!p0 [sflag:s22], $0x100  }
0x19: {  	[sflag:s22] =	ssyncset.done @!p0 $0x0  }
0x1a: {  	[sflag:s22] =	ssyncadd.s32 @!p0 $0xFFFFFF00  }
0x1b: {  	s22 =	simm.s32 $0x0;
	[bflag:$0x0] =	sbarrier.arrive $0xFFFF  }
.LBB2_2:
0x1c: {  	s23 =	sadd.s32 s11, s22  }
0x1d: {  	s24 =	sshll.u32 s23, $0x4  }
0x1e: {  	s25 =	sadd.s32 s5, s24  }
0x1f: {  	[tilespmem:s26], [sflag:$0x2] =	stream.linear.gather [hbm4b:s25+s26], $0x80, $0x38;
	[tilespmem:$0x1B980] =	vst v63  }
0x20: {  	_ =	swait.ge [sflag:s16], $0x80  }
0x21: {  	[sflag:s16] =	ssyncset.done $0x0  }
0x22: {  	s24 =	sadd.s32 s6, s24;
	[sflag:s16] =	ssyncadd.s32 $0xFFFFFF80  }
0x23: {  	[tilespmem:s18], [sflag:$0x2] =	stream.linear.gather [hbm4b:s24+s26], $0x80, $0x38;
	[tilespmem:$0x1B980] =	vst v63  }
0x24: {  	_ =	swait.ge [sflag:s16], $0x80  }
0x25: {  	s23 =	sshll.u32 s23, $0xB;
	[sflag:s16] =	ssyncset.done $0x0  }
0x26: {  	s23 =	sadd.s32 s7, s23;
	[sflag:s16] =	ssyncadd.s32 $0xFFFFFF80  }
0x27: {  	[tilespmem:s19], [sflag:$0x2] =	stream.linear.gather [hbm4b:s23+s26], $0x4000, $0x38;
	[tilespmem:$0x1B980] =	vst v63  }
0x28: {  	_ =	swait.ge [sflag:s16], $0x4000  }
0x29: {  	[sflag:s16] =	ssyncset.done $0x0  }
0x2a: {  	[sflag:s16] =	ssyncadd.s32 $0xFFFFC000  }
0x2b: {  	[tilespmem:s20], [sflag:$0x1] =	stream.indirect.gather [hbm4b:s1+s18], $0x80, s26, s18, $0xb8;
	[tilespmem:$0x1B980] =	vst v63  }
0x2c: {  	_ =	swait.ge [sflag:s21], $0x4000  }
0x2d: {  	[sflag:s21] =	ssyncset.done $0x0  }
0x2e: {  	s23 =	simm.s32 $0x0;
	[sflag:s21] =	ssyncadd.s32 $0xFFFFC000  }
0x2f: {  	v0 =	vld [tilespmem:s23+$0x100]  }
0x30: {  	v4 =	vld [tilespmem:s23+$0x4100]  }
0x31: {  	v6 =	vld [tilespmem:s23+$0x4110]  }
0x32: {  	v5 =	vld [tilespmem:s23+$0x4120]  }
0x33: {  	v3 =	vld [tilespmem:s23+$0x4130]  }
0x34: {  	v1 =	vld [tilespmem:s23+$0x4140]  }
0x35: {  	v2 =	vld [tilespmem:s23+$0x4150];
	v7 =	vmul.f32 v4, v0  }
0x36: {  	s24 =	simm.s32 $0x200;
	v6 =	vmul.f32 v6, v0;
	v4 =	vld [tilespmem:s23+$0x4160]  }
.LBB2_3:
0x37: {  	s25 =	sshra.s32 s24, $0x2;
	p1 =	sne.s32 s24, $0xFE00;
	[tilespmem:s23+$0x4100] =	vst v7;
	v5 =	vmul.f32 v5, v0;
	v7 =	vld [tilespmem:s23+$0x4170]  }
0x38: {  	v8 =	vld [tilespmem:s25+$0x100];
	[tilespmem:s23+$0x4110] =	vst v6;
	v3 =	vmul.f32 v3, v0  }
0x39: {  	v6 =	vld [tilespmem:s25+$0x4100];
	[tilespmem:s23+$0x4120] =	vst v5;
	v1 =	vmul.f32 v1, v0  }
0x3a: {  	v9 =	vld [tilespmem:s25+$0x4110];
	[tilespmem:s23+$0x4130] =	vst v3;
	v2 =	vmul.f32 v2, v0  }
.Ltmp0:
0x3b: {  	v5 =	vld [tilespmem:s25+$0x4120];
	[tilespmem:s23+$0x4140] =	vst v1;
	v4 =	vmul.f32 v4, v0;
	(pc) =	sbr.rel @p1 .LBB2_3-.Ltmp0, $4  }
0x3c: {  	v3 =	vld [tilespmem:s25+$0x4130];
	[tilespmem:s23+$0x4150] =	vst v2;
	v10 =	vmul.f32 v7, v0  }
0x3d: {  	v1 =	vld [tilespmem:s25+$0x4140];
	[tilespmem:s23+$0x4160] =	vst v4;
	v0 =	vmov v8  }
0x3e: {  	v7 =	vmul.f32 v6, v0;
	v2 =	vld [tilespmem:s25+$0x4150];
	[tilespmem:s23+$0x4170] =	vst v10;
	s23 =	smov.u32 s25  }
0x3f: {  	s24 =	sadd.s32 $0x200, s24;
	v6 =	vmul.f32 v9, v0;
	v4 =	vld [tilespmem:s23+$0x4160]  }
0x40: {  	[tilespmem:s23+$0x4100] =	vst v7;
	v5 =	vmul.f32 v5, v0;
	v61 =	vld [tilespmem:s23+$0x4170]  }
0x41: {  	[tilespmem:s23+$0x4110] =	vst v6;
	v3 =	vmul.f32 v3, v0  }
0x42: {  	[tilespmem:s23+$0x4120] =	vst v5;
	v1 =	vmul.f32 v1, v0  }
0x43: {  	[tilespmem:s23+$0x4130] =	vst v3;
	v2 =	vmul.f32 v2, v0  }
0x44: {  	[tilespmem:s23+$0x4140] =	vst v1;
	v62 =	vmul.f32 v4, v0  }
0x45: {  	s22 =	sadd.s32 $0x1, s22;
	[tilespmem:s23+$0x4150] =	vst v2;
	v63 =	vmul.f32 v61, v0  }
0x46: {  	p1 =	sne.s32 s22, $0x4F;
	[tilespmem:s23+$0x4160] =	vst v62  }
.Ltmp1:
0x47: {  	[tilespmem:s23+$0x4170] =	vst v63;
	(pc) =	sbr.rel @p1 .LBB2_2-.Ltmp1, $4  }
0x48: {  	[spmem:s3] =	stream.indirect.scatter.add.f32 [tilespmem:s20], [sflag:$0x2], $0x80, s18, s18, $0xb8;
	[tilespmem:$0x1B980] =	vst v63  }
0x49: {  	_ =	swait.ge [sflag:s16], $0x4000  }
0x4a: {  	[sflag:s16] =	ssyncset.done $0x0  }
0x4b: {  	[sflag:s16] =	ssyncadd.s32 $0xFFFFC000  }
0x4c: {  	[bflag:$0x0] =	sbarrier.arrive $0xFFFF  }
0x4d: {  	[hbm:s12], [sflag:s9] =	dma.local [spmem:s15], $0x2700  }
0x4e: {  	s4 =	sadd.s32 $0x1, s4;
	_ =	swait.ge [sflag:s16], $0x2700  }
0x4f: {  	p1 =	sne.s32 s4, s14;
	[sflag:s16] =	ssyncset.done $0x0  }
.Ltmp2:
0x50: {  	s22 =	simm.s32 @!p0 $0x2;
	[sflag:s16] =	ssyncadd.s32 $0xFFFFD900;
	(pc) =	sbr.rel @p1 .LBB2_1-.Ltmp2, $4  }
0x51: {  	[hbm:s13], [sflag:s9] =	dma.local @!p0 [spmem:s17], $0x100  }
0x52: {  	_ =	swait.ge @!p0 [sflag:s22], $0x100  }
0x53: {  	[sflag:s22] =	ssyncset.done @!p0 $0x0  }
0x54: {  	[sflag:s22] =	ssyncadd.s32 @!p0 $0xFFFFFF00  }
0x55: {  	_ =	sfence.sel $0x180000  }
0x56: {  	[bflag:$0x0] =	sbarrier.arrive $0xFFFF  }
0x57: {  	p0 =	sne.s32 s2, $0x0;
	_ =	strace $0x9000005F  }
0x58: {  	s0 =	sadd.s32 @!p0 $0x100000, s0;
	[bflag:$0x2] =	sbarrier.arrive $0xFFFF  }
0x59: {  	[sflag:s0] =	ssyncadd.tile.s32 @!p0 $0x1;
	_ =	shalt  }
.Lfunc_end2:
_tile_overlayer_lowered:
.L_overlay_start_2:
0x5a: {  	(tag) =	ssettag $0x2  }
0x5b: {  	s0 =	rddreg [dreg:$0x0];
	s2 =	stileid.u32  }
0x5c: {  	s1 =	rddreg [dreg:$0x1];
	p0 =	sne.s32 s2, $0x0  }
0x5d: {  	s3 =	rddreg [dreg:$0x2];
	[bflag:$0x3] =	sbarrier.arrive $0xFFFF;
	s2 =	simm.s32 @!p0 $0x1C02  }
0x5e: {  	[timem:s3], [sflag:s2] =	dma.local @!p0 [hbm:s0], s1  }
0x5f: {  	s0 =	simm.s32 @!p0 $0x2  }
0x60: {  	_ =	swait.ge @!p0 [sflag:s0], s1  }
0x61: {  	s1 =	ssub.s32 @!p0 $0x0, s1;
	[sflag:s0] =	ssyncset.done @!p0 $0x0  }
0x62: {  	[sflag:s0] =	ssyncadd.s32 @!p0 s1  }
0x63: {  	[bflag:$0x3] =	sbarrier.arrive $0xFFFF  }
0x64: {  	_ =	shalt  }

</sc_bundles>
